<compile_context>
chip_gen: v7x
topology: tpu7x:2x2x1
jax: 0.10.2.dev20260603
libtpu: 0.0.44.dev20260713+nightly
codegen_flags: <defaults>
</compile_context>

<pallas_src>
import functools

import jax
import jax.numpy as jnp
from jax import lax
from jax.experimental import pallas as pl
from jax.experimental.pallas import tpu as pltpu
from jax.experimental.pallas import tpu_sc as plsc

N = 10000
E = 320000
D = 128
D_EDGE = 16
D_HID = 256

NC = 2
NS = 16
EPW = E // (NC * NS)
CHUNK = 80
NCHUNK = EPW // CHUNK
NPAIR = (NCHUNK - 1) // 2
NP = 10240
RPS = NP // NS


def _enc_body(attr_ref, we_ref, be_ref, out_ref):
    acc = (
        jnp.dot(attr_ref[...], we_ref[...], preferred_element_type=jnp.float32)
        + be_ref[...]
    )
    out_ref[...] = pltpu.bitcast(acc.astype(jnp.bfloat16), jnp.int32)


def _edge_encoder(edge_attr, W_e, b_e):
    BLK = 3200
    return pl.pallas_call(
        _enc_body,
        grid=(E // BLK,),
        in_specs=[
            pl.BlockSpec((BLK, D_EDGE), lambda i: (i, 0)),
            pl.BlockSpec((D_EDGE, D), lambda i: (0, 0)),
            pl.BlockSpec((1, D), lambda i: (0, 0)),
        ],
        out_specs=pl.BlockSpec((BLK // 2, D), lambda i: (i, 0)),
        out_shape=jax.ShapeDtypeStruct((E // 2, D), jnp.int32),
    )(edge_attr, W_e, b_e.reshape(1, D))


def _sc_body(x_hbm, src_hbm, dst_hbm, emb_hbm, out_hbm,
             src_v, dst_v, rows_v, emb_v, lsem0, lsem1, ssem0, ssem1,
             aggr_sh):
    lsem = (lsem0, lsem1)
    ssem = (ssem0, ssem1)
    c = lax.axis_index("c")
    s = lax.axis_index("s")

    def zfill(i, carry):
        for j in range(D // 16):
            rows_v[0, i, pl.ds(j * 16, 16)] = jnp.zeros((16,), jnp.float32)
        return carry

    lax.fori_loop(0, CHUNK, zfill, 0)
    for k in range(RPS // CHUNK):
        pltpu.sync_copy(rows_v.at[0],
                        aggr_sh.at[pl.ds(s * RPS + k * CHUNK, CHUNK)])
    plsc.subcore_barrier()

    ebase = (c * NS + s) * EPW
    ebase2 = (c * NS + s) * (EPW // 2)

    def fill(i, b):
        base = ebase + i * CHUNK
        base2 = ebase2 + i * (CHUNK // 2)
        pltpu.sync_copy(src_hbm.at[pl.ds(base, CHUNK)], src_v.at[b])
        pltpu.sync_copy(dst_hbm.at[pl.ds(base, CHUNK)], dst_v.at[b])
        pltpu.async_copy(emb_hbm.at[pl.ds(base2, CHUNK // 2)], emb_v.at[b],
                         lsem[b])
        pltpu.async_copy(x_hbm.at[src_v.at[b]], rows_v.at[b], lsem[b])

    def drain_loads(b):
        pltpu.make_async_copy(emb_hbm.at[pl.ds(0, CHUNK // 2)], emb_v.at[b],
                              lsem[b]).wait()
        pltpu.make_async_copy(x_hbm.at[pl.ds(0, CHUNK)], rows_v.at[b],
                              lsem[b]).wait()

    HI_MASK = jnp.int32(-65536)

    def compute(b):
        @plsc.parallel_loop(0, CHUNK // 2, unroll=4)
        def msg_pair(p):
            r0 = 2 * p
            for j in range(D // 16):
                sl = pl.ds(j * 16, 16)
                w = emb_v[b, p, sl]
                elo = lax.bitcast_convert_type(jnp.left_shift(w, 16),
                                               jnp.float32)
                ehi = lax.bitcast_convert_type(jnp.bitwise_and(w, HI_MASK),
                                               jnp.float32)
                rows_v[b, r0, sl] = jnp.maximum(rows_v[b, r0, sl] + elo, 0.0)
                rows_v[b, r0 + 1, sl] = jnp.maximum(
                    rows_v[b, r0 + 1, sl] + ehi, 0.0)

    def issue_scatter(b):
        pltpu.async_copy(rows_v.at[b], aggr_sh.at[dst_v.at[b]], ssem[b],
                         add=True)

    def drain_scatter(b):
        pltpu.make_async_copy(rows_v.at[b], aggr_sh.at[dst_v.at[b]],
                              ssem[b]).wait()

    fill(0, 0)
    fill(1, 1)

    def pair_body(g, carry):
        for b in range(2):
            drain_loads(b)
            compute(b)
            issue_scatter(b)

        @pl.when(g < NPAIR - 1)
        def _():
            for b in range(2):
                drain_scatter(b)
                fill(2 * g + 2 + b, b)

        return carry

    lax.fori_loop(0, NPAIR, pair_body, 0)

    drain_scatter(0)
    fill(NCHUNK - 1, 0)
    drain_loads(0)
    compute(0)
    issue_scatter(0)
    drain_scatter(1)
    drain_scatter(0)

    plsc.subcore_barrier()
    pltpu.sync_copy(aggr_sh.at[pl.ds(s * RPS, RPS)], out_hbm.at[c * NS + s])


def _sc_aggregate(x, src, dst, emb):
    mesh = plsc.VectorSubcoreMesh(core_axis_name="c", subcore_axis_name="s")
    f = pl.kernel(
        _sc_body,
        out_type=jax.ShapeDtypeStruct((NC * NS, RPS, D), jnp.float32),
        mesh=mesh,
        scratch_types=[
            pltpu.VMEM((2, CHUNK), jnp.int32),
            pltpu.VMEM((2, CHUNK), jnp.int32),
            pltpu.VMEM((2, CHUNK, D), jnp.float32),
            pltpu.VMEM((2, CHUNK // 2, D), jnp.int32),
            pltpu.SemaphoreType.DMA,
            pltpu.SemaphoreType.DMA,
            pltpu.SemaphoreType.DMA,
            pltpu.SemaphoreType.DMA,
            pltpu.VMEM_SHARED((NP, D), jnp.float32),
        ],
    )
    return f(x, src, dst, emb)


def _mlp_body(x_ref, a0_ref, a1_ref, epsv_ref, w1_ref, b1_ref, w2_ref, b2_ref,
              out_ref):
    h = epsv_ref[...] * x_ref[...] + a0_ref[...] + a1_ref[...]
    h = jnp.dot(h, w1_ref[...], preferred_element_type=jnp.float32) + b1_ref[...]
    h = jnp.maximum(h, 0.0)
    out_ref[...] = (
        jnp.dot(h, w2_ref[...], preferred_element_type=jnp.float32) + b2_ref[...]
    )


def _mlp(x, a0, a1, epsv, W1f, b1f, W2f, b2f):
    BLK = 1000
    return pl.pallas_call(
        _mlp_body,
        grid=(N // BLK,),
        in_specs=[
            pl.BlockSpec((BLK, D), lambda i: (i, 0)),
            pl.BlockSpec((BLK, D), lambda i: (i, 0)),
            pl.BlockSpec((BLK, D), lambda i: (i, 0)),
            pl.BlockSpec((1, D), lambda i: (0, 0)),
            pl.BlockSpec((D, D_HID), lambda i: (0, 0)),
            pl.BlockSpec((1, D_HID), lambda i: (0, 0)),
            pl.BlockSpec((D_HID, D), lambda i: (0, 0)),
            pl.BlockSpec((1, D), lambda i: (0, 0)),
        ],
        out_specs=pl.BlockSpec((BLK, D), lambda i: (i, 0)),
        out_shape=jax.ShapeDtypeStruct((N, D), jnp.float32),
    )(x, a0, a1, epsv, W1f, b1f, W2f, b2f)


def kernel(input_feature, edge_index, edge_attr, W_e, b_e, eps, W1, b1,
           gamma1, beta1, mean1, var1, W2, b2, gamma2, beta2, mean2, var2):
    src = edge_index[0]
    dst = edge_index[1]

    emb = _edge_encoder(edge_attr, W_e, b_e)
    partials = _sc_aggregate(input_feature, src, dst, emb)
    partials = partials.reshape(NC, NP, D)
    a0 = partials[0]
    a1 = partials[1]

    scale1 = gamma1 / jnp.sqrt(var1 + 1e-5)
    W1f = W1 * scale1[None, :]
    b1f = ((b1 - mean1) * scale1 + beta1).reshape(1, D_HID)
    scale2 = gamma2 / jnp.sqrt(var2 + 1e-5)
    W2f = W2 * scale2[None, :]
    b2f = ((b2 - mean2) * scale2 + beta2).reshape(1, D)
    epsv = jnp.full((1, D), 1.0 + eps, dtype=jnp.float32)

    return _mlp(input_feature, a0, a1, epsv, W1f, b1f, W2f, b2f)

# --- scband reference (transcript-rebuilt; emitter-appended) ---
"""Pipeline reference for scband-single-gnn-layer-32014686224554 (READ-ONLY COPY).

The authoritative reference and input builder live on the scoring server;
editing this copy changes nothing except your own understanding.
"""

import jax, jax.numpy as jnp
import numpy as np

N = 10000
E = 320000
D = 128
D_EDGE = 16
D_HID = 256


def _bn(h, gamma, beta, mean, var):
    return (h - mean) / jnp.sqrt(var + 1e-5) * gamma + beta


def setup_inputs(seed: int = 0) -> dict:
    key = jax.random.key(seed)
    ks = jax.random.split(key, 12)
    inp = {}
    inp['input_feature'] = jax.random.normal(ks[0], (N, D), dtype=jnp.float32)
    inp['edge_index'] = jax.random.randint(ks[1], (2, E), 0, N, dtype=jnp.int32)
    inp['edge_attr'] = jax.random.normal(ks[2], (E, D_EDGE), dtype=jnp.float32)
    # GINConv parameters (OGB-style): edge encoder + eps + 2-layer MLP with internal BN
    inp['W_e'] = jax.random.normal(ks[3], (D_EDGE, D), dtype=jnp.float32) * 0.05
    inp['b_e'] = jnp.zeros((D,), dtype=jnp.float32)
    inp['eps'] = jnp.array(0.0, dtype=jnp.float32)
    inp['W1'] = jax.random.normal(ks[4], (D, D_HID), dtype=jnp.float32) * 0.05
    inp['b1'] = jnp.zeros((D_HID,), dtype=jnp.float32)
    inp['gamma1'] = jnp.ones((D_HID,), dtype=jnp.float32)
    inp['beta1'] = jnp.zeros((D_HID,), dtype=jnp.float32)
    inp['mean1'] = jnp.zeros((D_HID,), dtype=jnp.float32)
    inp['var1'] = jnp.ones((D_HID,), dtype=jnp.float32)
    inp['W2'] = jax.random.normal(ks[5], (D_HID, D), dtype=jnp.float32) * 0.05
    inp['b2'] = jnp.zeros((D,), dtype=jnp.float32)
    # outer BatchNorm1d(emb_dim), eval mode (running stats)
    inp['gamma2'] = jnp.ones((D,), dtype=jnp.float32)
    inp['beta2'] = jnp.zeros((D,), dtype=jnp.float32)
    inp['mean2'] = jnp.zeros((D,), dtype=jnp.float32)
    inp['var2'] = jnp.ones((D,), dtype=jnp.float32)
    return inp


def reference(input_feature, edge_index, edge_attr, W_e, b_e, eps, W1, b1,
              gamma1, beta1, mean1, var1, W2, b2, gamma2, beta2, mean2, var2):
    src = edge_index[0]
    dst = edge_index[1]
    # edge encoder
    edge_emb = edge_attr @ W_e + b_e
    # GIN message: relu(x_j + edge_emb), aggregated by sum at dst
    msg = jax.nn.relu(jnp.take(input_feature, src, axis=0) + edge_emb)
    aggr = jax.ops.segment_sum(msg, dst, num_segments=input_feature.shape[0])
    h = (1.0 + eps) * input_feature + aggr
    # GIN MLP: Linear -> BN -> ReLU -> Linear
    h = h @ W1 + b1
    h = _bn(h, gamma1, beta1, mean1, var1)
    h = jax.nn.relu(h)
    h = h @ W2 + b2
    # outer BatchNorm (eval); dropout is identity in eval; JK='last', residual=False
    h = _bn(h, gamma2, beta2, mean2, var2)
    return h

if __name__ == "__main__":
    import jax
    _d = setup_inputs()
    print(jax.jit(kernel)(*tuple(_d.values())))

</pallas_src>

<mosaic_0001>
#map = affine_map<(d0, d1) -> (0, 0)>
#map1 = affine_map<(d0, d1) -> (0)>
#map2 = affine_map<(d0, d1) -> (0, 0, 0)>
module attributes {stable_mosaic.version = 14 : i64} {
  func.func @_sc_body(%arg0: i32, %arg1: i32, %arg2: memref<10000x128xf32, #tpu.memory_space<hbm>>, %arg3: memref<320000xi32, #tpu.memory_space<hbm>>, %arg4: memref<320000xi32, #tpu.memory_space<hbm>>, %arg5: memref<160000x128xi32, #tpu.memory_space<hbm>>, %arg6: memref<32x640x128xf32, #tpu.memory_space<hbm>>, %arg7: memref<2x80xi32, #tpu.memory_space<vmem>>, %arg8: memref<2x80xi32, #tpu.memory_space<vmem>>, %arg9: memref<2x80x128xf32, #tpu.memory_space<vmem>>, %arg10: memref<2x40x128xi32, #tpu.memory_space<vmem>>, %arg11: memref<!tpu.dma_semaphore, #tpu.memory_space<semaphore_mem>>, %arg12: memref<!tpu.dma_semaphore, #tpu.memory_space<semaphore_mem>>, %arg13: memref<!tpu.dma_semaphore, #tpu.memory_space<semaphore_mem>>, %arg14: memref<!tpu.dma_semaphore, #tpu.memory_space<semaphore_mem>>, %arg15: memref<10240x128xf32, #tpu.memory_space<vmem_shared>>) attributes {dimension_semantics = [#tpu.dimension_semantics<core_parallel>, #tpu.dimension_semantics<subcore_parallel>], iteration_bounds = array<i64: 2, 16>, scalar_prefetch = 0 : i64, scratch_operands = 9 : i64, tpu.core_type = #tpu.core_type<sc_vector_subcore>, window_params = [{transform_indices = #map}, {transform_indices = #map1}, {transform_indices = #map1}, {transform_indices = #map}, {transform_indices = #map2}]} {
    %scan3A = arith.constant 0 : i32
    %scan3A_0 = arith.constant 0 : i32
    %scan3A_1 = arith.constant 80 : i32
    %scan3A_2 = arith.addi %scan3A_0, %scan3A_1 : i32
    %scan3A_3 = arith.constant 1 : i32
    scf.for %scan3A_237 = %scan3A_0 to %scan3A_2 step %scan3A_3  : i32 {
      %broadcast_in_dim3A = arith.constant 0.000000e+00 : f32
      %broadcast_in_dim3A_238 = vector.broadcast %broadcast_in_dim3A : f32 to vector<16xf32>
      %swap3A = arith.constant 0 : i32
      %swap3A_239 = arith.index_cast %swap3A : i32 to index
      %swap3A_240 = arith.index_cast %scan3A_237 : i32 to index
      %swap3A_241 = arith.constant 0 : index
      %swap3A_242 = tpu.vector_load %arg9[%swap3A_239, %swap3A_240, %swap3A_241] {strides = array<i32>} : memref<2x80x128xf32, #tpu.memory_space<vmem>>, vector<1x1x16xf32>,
      %swap3A_243 = vector.shape_cast %swap3A_242 : vector<1x1x16xf32> to vector<16xf32>
      %swap3A_244 = vector.shape_cast %broadcast_in_dim3A_238 : vector<16xf32> to vector<1x1x16xf32>
      tpu.vector_store %arg9[%swap3A_239, %swap3A_240, %swap3A_241], %swap3A_244 {strides = array<i32>} : memref<2x80x128xf32, #tpu.memory_space<vmem>>, vector<1x1x16xf32>,
      %broadcast_in_dim3A_245 = arith.constant 0.000000e+00 : f32
      %broadcast_in_dim3A_246 = vector.broadcast %broadcast_in_dim3A_245 : f32 to vector<16xf32>
      %swap3A_247 = arith.constant 0 : i32
      %swap3A_248 = arith.index_cast %swap3A_247 : i32 to index
      %swap3A_249 = arith.index_cast %scan3A_237 : i32 to index
      %swap3A_250 = arith.constant 16 : index
      %swap3A_251 = tpu.vector_load %arg9[%swap3A_248, %swap3A_249, %swap3A_250] {strides = array<i32>} : memref<2x80x128xf32, #tpu.memory_space<vmem>>, vector<1x1x16xf32>,
      %swap3A_252 = vector.shape_cast %swap3A_251 : vector<1x1x16xf32> to vector<16xf32>
      %swap3A_253 = vector.shape_cast %broadcast_in_dim3A_246 : vector<16xf32> to vector<1x1x16xf32>
      tpu.vector_store %arg9[%swap3A_248, %swap3A_249, %swap3A_250], %swap3A_253 {strides = array<i32>} : memref<2x80x128xf32, #tpu.memory_space<vmem>>, vector<1x1x16xf32>,
      %broadcast_in_dim3A_254 = arith.constant 0.000000e+00 : f32
      %broadcast_in_dim3A_255 = vector.broadcast %broadcast_in_dim3A_254 : f32 to vector<16xf32>
      %swap3A_256 = arith.constant 0 : i32
      %swap3A_257 = arith.index_cast %swap3A_256 : i32 to index
      %swap3A_258 = arith.index_cast %scan3A_237 : i32 to index
      %swap3A_259 = arith.constant 32 : index
      %swap3A_260 = tpu.vector_load %arg9[%swap3A_257, %swap3A_258, %swap3A_259] {strides = array<i32>} : memref<2x80x128xf32, #tpu.memory_space<vmem>>, vector<1x1x16xf32>,
      %swap3A_261 = vector.shape_cast %swap3A_260 : vector<1x1x16xf32> to vector<16xf32>
      %swap3A_262 = vector.shape_cast %broadcast_in_dim3A_255 : vector<16xf32> to vector<1x1x16xf32>
      tpu.vector_store %arg9[%swap3A_257, %swap3A_258, %swap3A_259], %swap3A_262 {strides = array<i32>} : memref<2x80x128xf32, #tpu.memory_space<vmem>>, vector<1x1x16xf32>,
      %broadcast_in_dim3A_263 = arith.constant 0.000000e+00 : f32
      %broadcast_in_dim3A_264 = vector.broadcast %broadcast_in_dim3A_263 : f32 to vector<16xf32>
      %swap3A_265 = arith.constant 0 : i32
      %swap3A_266 = arith.index_cast %swap3A_265 : i32 to index
      %swap3A_267 = arith.index_cast %scan3A_237 : i32 to index
      %swap3A_268 = arith.constant 48 : index
      %swap3A_269 = tpu.vector_load %arg9[%swap3A_266, %swap3A_267, %swap3A_268] {strides = array<i32>} : memref<2x80x128xf32, #tpu.memory_space<vmem>>, vector<1x1x16xf32>,
      %swap3A_270 = vector.shape_cast %swap3A_269 : vector<1x1x16xf32> to vector<16xf32>
      %swap3A_271 = vector.shape_cast %broadcast_in_dim3A_264 : vector<16xf32> to vector<1x1x16xf32>
      tpu.vector_store %arg9[%swap3A_266, %swap3A_267, %swap3A_268], %swap3A_271 {strides = array<i32>} : memref<2x80x128xf32, #tpu.memory_space<vmem>>, vector<1x1x16xf32>,
      %broadcast_in_dim3A_272 = arith.constant 0.000000e+00 : f32
      %broadcast_in_dim3A_273 = vector.broadcast %broadcast_in_dim3A_272 : f32 to vector<16xf32>
      %swap3A_274 = arith.constant 0 : i32
      %swap3A_275 = arith.index_cast %swap3A_274 : i32 to index
      %swap3A_276 = arith.index_cast %scan3A_237 : i32 to index
      %swap3A_277 = arith.constant 64 : index
      %swap3A_278 = tpu.vector_load %arg9[%swap3A_275, %swap3A_276, %swap3A_277] {strides = array<i32>} : memref<2x80x128xf32, #tpu.memory_space<vmem>>, vector<1x1x16xf32>,
      %swap3A_279 = vector.shape_cast %swap3A_278 : vector<1x1x16xf32> to vector<16xf32>
      %swap3A_280 = vector.shape_cast %broadcast_in_dim3A_273 : vector<16xf32> to vector<1x1x16xf32>
      tpu.vector_store %arg9[%swap3A_275, %swap3A_276, %swap3A_277], %swap3A_280 {strides = array<i32>} : memref<2x80x128xf32, #tpu.memory_space<vmem>>, vector<1x1x16xf32>,
      %broadcast_in_dim3A_281 = arith.constant 0.000000e+00 : f32
      %broadcast_in_dim3A_282 = vector.broadcast %broadcast_in_dim3A_281 : f32 to vector<16xf32>
      %swap3A_283 = arith.constant 0 : i32
      %swap3A_284 = arith.index_cast %swap3A_283 : i32 to index
      %swap3A_285 = arith.index_cast %scan3A_237 : i32 to index
      %swap3A_286 = arith.constant 80 : index
      %swap3A_287 = tpu.vector_load %arg9[%swap3A_284, %swap3A_285, %swap3A_286] {strides = array<i32>} : memref<2x80x128xf32, #tpu.memory_space<vmem>>, vector<1x1x16xf32>,
      %swap3A_288 = vector.shape_cast %swap3A_287 : vector<1x1x16xf32> to vector<16xf32>
      %swap3A_289 = vector.shape_cast %broadcast_in_dim3A_282 : vector<16xf32> to vector<1x1x16xf32>
      tpu.vector_store %arg9[%swap3A_284, %swap3A_285, %swap3A_286], %swap3A_289 {strides = array<i32>} : memref<2x80x128xf32, #tpu.memory_space<vmem>>, vector<1x1x16xf32>,
      %broadcast_in_dim3A_290 = arith.constant 0.000000e+00 : f32
      %broadcast_in_dim3A_291 = vector.broadcast %broadcast_in_dim3A_290 : f32 to vector<16xf32>
      %swap3A_292 = arith.constant 0 : i32
      %swap3A_293 = arith.index_cast %swap3A_292 : i32 to index
      %swap3A_294 = arith.index_cast %scan3A_237 : i32 to index
      %swap3A_295 = arith.constant 96 : index
      %swap3A_296 = tpu.vector_load %arg9[%swap3A_293, %swap3A_294, %swap3A_295] {strides = array<i32>} : memref<2x80x128xf32, #tpu.memory_space<vmem>>, vector<1x1x16xf32>,
      %swap3A_297 = vector.shape_cast %swap3A_296 : vector<1x1x16xf32> to vector<16xf32>
      %swap3A_298 = vector.shape_cast %broadcast_in_dim3A_291 : vector<16xf32> to vector<1x1x16xf32>
      tpu.vector_store %arg9[%swap3A_293, %swap3A_294, %swap3A_295], %swap3A_298 {strides = array<i32>} : memref<2x80x128xf32, #tpu.memory_space<vmem>>, vector<1x1x16xf32>,
      %broadcast_in_dim3A_299 = arith.constant 0.000000e+00 : f32
      %broadcast_in_dim3A_300 = vector.broadcast %broadcast_in_dim3A_299 : f32 to vector<16xf32>
      %swap3A_301 = arith.constant 0 : i32
      %swap3A_302 = arith.index_cast %swap3A_301 : i32 to index
      %swap3A_303 = arith.index_cast %scan3A_237 : i32 to index
      %swap3A_304 = arith.constant 112 : index
      %swap3A_305 = tpu.vector_load %arg9[%swap3A_302, %swap3A_303, %swap3A_304] {strides = array<i32>} : memref<2x80x128xf32, #tpu.memory_space<vmem>>, vector<1x1x16xf32>,
      %swap3A_306 = vector.shape_cast %swap3A_305 : vector<1x1x16xf32> to vector<16xf32>
      %swap3A_307 = vector.shape_cast %broadcast_in_dim3A_300 : vector<16xf32> to vector<1x1x16xf32>
      tpu.vector_store %arg9[%swap3A_302, %swap3A_303, %swap3A_304], %swap3A_307 {strides = array<i32>} : memref<2x80x128xf32, #tpu.memory_space<vmem>>, vector<1x1x16xf32>,
    }
    %scan3A_4 = arith.constant 80 : i32
    %mul3A = arith.constant 640 : i32
    %mul3A_5 = arith.muli %arg1, %mul3A : i32
    %add3A = arith.constant 0 : i32
    %add3A_6 = arith.addi %mul3A_5, %add3A : i32
    %run_scoped3A = arith.constant 0 : i32
    "tpu.region"() ({
      %run_scoped3A_237 = tpu.sem_alloc : memref<!tpu.dma_semaphore, #tpu.memory_space<semaphore_mem>>
      %dma_start3A_238 = arith.constant 0 : i32
      %dma_start3A_239 = arith.constant 0 : i32
      %dma_start3A_240 = tpu.memref_slice %arg9[%run_scoped3A, %dma_start3A_238, %dma_start3A_239] : memref<2x80x128xf32, #tpu.memory_space<vmem>> -> memref<1x80x128xf32, #tpu.memory_space<vmem>>
      %dma_start3A_241 = tpu.memref_squeeze %dma_start3A_240 : memref<1x80x128xf32, #tpu.memory_space<vmem>> -> memref<80x128xf32, #tpu.memory_space<vmem>>
      %dma_start3A_242 = arith.constant 0 : i32
      %dma_start3A_243 = tpu.memref_slice %arg15[%add3A_6, %dma_start3A_242] : memref<10240x128xf32, #tpu.memory_space<vmem_shared>> -> memref<80x128xf32, #tpu.memory_space<vmem_shared>>
      %dma_start3A_244 = arith.constant 0 : i32
      %dma_start3A_245 = tpu.memref_slice %arg15[%add3A_6, %dma_start3A_244] : memref<10240x128xf32, #tpu.memory_space<vmem_shared>> -> memref<80x128xf32, #tpu.memory_space<vmem_shared>>
      %dma_start3A_246 = arith.constant 0 : i32
      %dma_start3A_247 = arith.constant 0 : i32
      %dma_start3A_248 = tpu.memref_slice %arg9[%run_scoped3A, %dma_start3A_246, %dma_start3A_247] : memref<2x80x128xf32, #tpu.memory_space<vmem>> -> memref<1x80x128xf32, #tpu.memory_space<vmem>>
      %dma_start3A_249 = tpu.memref_squeeze %dma_start3A_248 : memref<1x80x128xf32, #tpu.memory_space<vmem>> -> memref<80x128xf32, #tpu.memory_space<vmem>>
      tpu.enqueue_dma source(%dma_start3A_249 : memref<80x128xf32, #tpu.memory_space<vmem>>) target(%dma_start3A_245 : memref<80x128xf32, #tpu.memory_space<vmem_shared>>) target_semaphore(%run_scoped3A_237 : memref<!tpu.dma_semaphore, #tpu.memory_space<semaphore_mem>>)
      %dma_wait3A_250 = arith.constant 0 : i32
      %dma_wait3A_251 = arith.constant 0 : i32
      %dma_wait3A_252 = tpu.memref_slice %arg9[%run_scoped3A, %dma_wait3A_250, %dma_wait3A_251] : memref<2x80x128xf32, #tpu.memory_space<vmem>> -> memref<1x80x128xf32, #tpu.memory_space<vmem>>
      %dma_wait3A_253 = tpu.memref_squeeze %dma_wait3A_252 : memref<1x80x128xf32, #tpu.memory_space<vmem>> -> memref<80x128xf32, #tpu.memory_space<vmem>>
      %dma_wait3A_254 = arith.constant 0 : i32
      %dma_wait3A_255 = tpu.memref_slice %arg15[%add3A_6, %dma_wait3A_254] : memref<10240x128xf32, #tpu.memory_space<vmem_shared>> -> memref<80x128xf32, #tpu.memory_space<vmem_shared>>
      %dma_wait3A_256 = arith.constant 0 : i32
      %dma_wait3A_257 = tpu.memref_slice %arg15[%add3A_6, %dma_wait3A_256] : memref<10240x128xf32, #tpu.memory_space<vmem_shared>> -> memref<80x128xf32, #tpu.memory_space<vmem_shared>>
      %dma_wait3A_258 = arith.constant 0 : i32
      %dma_wait3A_259 = arith.constant 0 : i32
      %dma_wait3A_260 = tpu.memref_slice %arg9[%run_scoped3A, %dma_wait3A_258, %dma_wait3A_259] : memref<2x80x128xf32, #tpu.memory_space<vmem>> -> memref<1x80x128xf32, #tpu.memory_space<vmem>>
      %dma_wait3A_261 = tpu.memref_squeeze %dma_wait3A_260 : memref<1x80x128xf32, #tpu.memory_space<vmem>> -> memref<80x128xf32, #tpu.memory_space<vmem>>
      tpu.wait_dma2 semaphore(%run_scoped3A_237 : memref<!tpu.dma_semaphore, #tpu.memory_space<semaphore_mem>>) src(%dma_wait3A_261 : memref<80x128xf32, #tpu.memory_space<vmem>>) dst(%dma_wait3A_257 : memref<80x128xf32, #tpu.memory_space<vmem_shared>>)
      tpu.yield
    }) : () -> ()
    %mul3A_7 = arith.constant 640 : i32
    %mul3A_8 = arith.muli %arg1, %mul3A_7 : i32
    %add3A_9 = arith.constant 80 : i32
    %add3A_10 = arith.addi %mul3A_8, %add3A_9 : i32
    %run_scoped3A_11 = arith.constant 0 : i32
    "tpu.region"() ({
      %run_scoped3A_237 = tpu.sem_alloc : memref<!tpu.dma_semaphore, #tpu.memory_space<semaphore_mem>>
      %dma_start3A_238 = arith.constant 0 : i32
      %dma_start3A_239 = arith.constant 0 : i32
      %dma_start3A_240 = tpu.memref_slice %arg9[%run_scoped3A_11, %dma_start3A_238, %dma_start3A_239] : memref<2x80x128xf32, #tpu.memory_space<vmem>> -> memref<1x80x128xf32, #tpu.memory_space<vmem>>
      %dma_start3A_241 = tpu.memref_squeeze %dma_start3A_240 : memref<1x80x128xf32, #tpu.memory_space<vmem>> -> memref<80x128xf32, #tpu.memory_space<vmem>>
      %dma_start3A_242 = arith.constant 0 : i32
      %dma_start3A_243 = tpu.memref_slice %arg15[%add3A_10, %dma_start3A_242] : memref<10240x128xf32, #tpu.memory_space<vmem_shared>> -> memref<80x128xf32, #tpu.memory_space<vmem_shared>>
      %dma_start3A_244 = arith.constant 0 : i32
      %dma_start3A_245 = tpu.memref_slice %arg15[%add3A_10, %dma_start3A_244] : memref<10240x128xf32, #tpu.memory_space<vmem_shared>> -> memref<80x128xf32, #tpu.memory_space<vmem_shared>>
      %dma_start3A_246 = arith.constant 0 : i32
      %dma_start3A_247 = arith.constant 0 : i32
      %dma_start3A_248 = tpu.memref_slice %arg9[%run_scoped3A_11, %dma_start3A_246, %dma_start3A_247] : memref<2x80x128xf32, #tpu.memory_space<vmem>> -> memref<1x80x128xf32, #tpu.memory_space<vmem>>
      %dma_start3A_249 = tpu.memref_squeeze %dma_start3A_248 : memref<1x80x128xf32, #tpu.memory_space<vmem>> -> memref<80x128xf32, #tpu.memory_space<vmem>>
      tpu.enqueue_dma source(%dma_start3A_249 : memref<80x128xf32, #tpu.memory_space<vmem>>) target(%dma_start3A_245 : memref<80x128xf32, #tpu.memory_space<vmem_shared>>) target_semaphore(%run_scoped3A_237 : memref<!tpu.dma_semaphore, #tpu.memory_space<semaphore_mem>>)
      %dma_wait3A_250 = arith.constant 0 : i32
      %dma_wait3A_251 = arith.constant 0 : i32
      %dma_wait3A_252 = tpu.memref_slice %arg9[%run_scoped3A_11, %dma_wait3A_250, %dma_wait3A_251] : memref<2x80x128xf32, #tpu.memory_space<vmem>> -> memref<1x80x128xf32, #tpu.memory_space<vmem>>
      %dma_wait3A_253 = tpu.memref_squeeze %dma_wait3A_252 : memref<1x80x128xf32, #tpu.memory_space<vmem>> -> memref<80x128xf32, #tpu.memory_space<vmem>>
      %dma_wait3A_254 = arith.constant 0 : i32
      %dma_wait3A_255 = tpu.memref_slice %arg15[%add3A_10, %dma_wait3A_254] : memref<10240x128xf32, #tpu.memory_space<vmem_shared>> -> memref<80x128xf32, #tpu.memory_space<vmem_shared>>
      %dma_wait3A_256 = arith.constant 0 : i32
      %dma_wait3A_257 = tpu.memref_slice %arg15[%add3A_10, %dma_wait3A_256] : memref<10240x128xf32, #tpu.memory_space<vmem_shared>> -> memref<80x128xf32, #tpu.memory_space<vmem_shared>>
      %dma_wait3A_258 = arith.constant 0 : i32
      %dma_wait3A_259 = arith.constant 0 : i32
      %dma_wait3A_260 = tpu.memref_slice %arg9[%run_scoped3A_11, %dma_wait3A_258, %dma_wait3A_259] : memref<2x80x128xf32, #tpu.memory_space<vmem>> -> memref<1x80x128xf32, #tpu.memory_space<vmem>>
      %dma_wait3A_261 = tpu.memref_squeeze %dma_wait3A_260 : memref<1x80x128xf32, #tpu.memory_space<vmem>> -> memref<80x128xf32, #tpu.memory_space<vmem>>
      tpu.wait_dma2 semaphore(%run_scoped3A_237 : memref<!tpu.dma_semaphore, #tpu.memory_space<semaphore_mem>>) src(%dma_wait3A_261 : memref<80x128xf32, #tpu.memory_space<vmem>>) dst(%dma_wait3A_257 : memref<80x128xf32, #tpu.memory_space<vmem_shared>>)
      tpu.yield
    }) : () -> ()
    %mul3A_12 = arith.constant 640 : i32
    %mul3A_13 = arith.muli %arg1, %mul3A_12 : i32
    %add3A_14 = arith.constant 160 : i32
    %add3A_15 = arith.addi %mul3A_13, %add3A_14 : i32
    %run_scoped3A_16 = arith.constant 0 : i32
    "tpu.region"() ({
      %run_scoped3A_237 = tpu.sem_alloc : memref<!tpu.dma_semaphore, #tpu.memory_space<semaphore_mem>>
      %dma_start3A_238 = arith.constant 0 : i32
      %dma_start3A_239 = arith.constant 0 : i32
      %dma_start3A_240 = tpu.memref_slice %arg9[%run_scoped3A_16, %dma_start3A_238, %dma_start3A_239] : memref<2x80x128xf32, #tpu.memory_space<vmem>> -> memref<1x80x128xf32, #tpu.memory_space<vmem>>
      %dma_start3A_241 = tpu.memref_squeeze %dma_start3A_240 : memref<1x80x128xf32, #tpu.memory_space<vmem>> -> memref<80x128xf32, #tpu.memory_space<vmem>>
      %dma_start3A_242 = arith.constant 0 : i32
      %dma_start3A_243 = tpu.memref_slice %arg15[%add3A_15, %dma_start3A_242] : memref<10240x128xf32, #tpu.memory_space<vmem_shared>> -> memref<80x128xf32, #tpu.memory_space<vmem_shared>>
      %dma_start3A_244 = arith.constant 0 : i32
      %dma_start3A_245 = tpu.memref_slice %arg15[%add3A_15, %dma_start3A_244] : memref<10240x128xf32, #tpu.memory_space<vmem_shared>> -> memref<80x128xf32, #tpu.memory_space<vmem_shared>>
      %dma_start3A_246 = arith.constant 0 : i32
      %dma_start3A_247 = arith.constant 0 : i32
      %dma_start3A_248 = tpu.memref_slice %arg9[%run_scoped3A_16, %dma_start3A_246, %dma_start3A_247] : memref<2x80x128xf32, #tpu.memory_space<vmem>> -> memref<1x80x128xf32, #tpu.memory_space<vmem>>
      %dma_start3A_249 = tpu.memref_squeeze %dma_start3A_248 : memref<1x80x128xf32, #tpu.memory_space<vmem>> -> memref<80x128xf32, #tpu.memory_space<vmem>>
      tpu.enqueue_dma source(%dma_start3A_249 : memref<80x128xf32, #tpu.memory_space<vmem>>) target(%dma_start3A_245 : memref<80x128xf32, #tpu.memory_space<vmem_shared>>) target_semaphore(%run_scoped3A_237 : memref<!tpu.dma_semaphore, #tpu.memory_space<semaphore_mem>>)
      %dma_wait3A_250 = arith.constant 0 : i32
      %dma_wait3A_251 = arith.constant 0 : i32
      %dma_wait3A_252 = tpu.memref_slice %arg9[%run_scoped3A_16, %dma_wait3A_250, %dma_wait3A_251] : memref<2x80x128xf32, #tpu.memory_space<vmem>> -> memref<1x80x128xf32, #tpu.memory_space<vmem>>
      %dma_wait3A_253 = tpu.memref_squeeze %dma_wait3A_252 : memref<1x80x128xf32, #tpu.memory_space<vmem>> -> memref<80x128xf32, #tpu.memory_space<vmem>>
      %dma_wait3A_254 = arith.constant 0 : i32
      %dma_wait3A_255 = tpu.memref_slice %arg15[%add3A_15, %dma_wait3A_254] : memref<10240x128xf32, #tpu.memory_space<vmem_shared>> -> memref<80x128xf32, #tpu.memory_space<vmem_shared>>
      %dma_wait3A_256 = arith.constant 0 : i32
      %dma_wait3A_257 = tpu.memref_slice %arg15[%add3A_15, %dma_wait3A_256] : memref<10240x128xf32, #tpu.memory_space<vmem_shared>> -> memref<80x128xf32, #tpu.memory_space<vmem_shared>>
      %dma_wait3A_258 = arith.constant 0 : i32
      %dma_wait3A_259 = arith.constant 0 : i32
      %dma_wait3A_260 = tpu.memref_slice %arg9[%run_scoped3A_16, %dma_wait3A_258, %dma_wait3A_259] : memref<2x80x128xf32, #tpu.memory_space<vmem>> -> memref<1x80x128xf32, #tpu.memory_space<vmem>>
      %dma_wait3A_261 = tpu.memref_squeeze %dma_wait3A_260 : memref<1x80x128xf32, #tpu.memory_space<vmem>> -> memref<80x128xf32, #tpu.memory_space<vmem>>
      tpu.wait_dma2 semaphore(%run_scoped3A_237 : memref<!tpu.dma_semaphore, #tpu.memory_space<semaphore_mem>>) src(%dma_wait3A_261 : memref<80x128xf32, #tpu.memory_space<vmem>>) dst(%dma_wait3A_257 : memref<80x128xf32, #tpu.memory_space<vmem_shared>>)
      tpu.yield
    }) : () -> ()
    %mul3A_17 = arith.constant 640 : i32
    %mul3A_18 = arith.muli %arg1, %mul3A_17 : i32
    %add3A_19 = arith.constant 240 : i32
    %add3A_20 = arith.addi %mul3A_18, %add3A_19 : i32
    %run_scoped3A_21 = arith.constant 0 : i32
    "tpu.region"() ({
      %run_scoped3A_237 = tpu.sem_alloc : memref<!tpu.dma_semaphore, #tpu.memory_space<semaphore_mem>>
      %dma_start3A_238 = arith.constant 0 : i32
      %dma_start3A_239 = arith.constant 0 : i32
      %dma_start3A_240 = tpu.memref_slice %arg9[%run_scoped3A_21, %dma_start3A_238, %dma_start3A_239] : memref<2x80x128xf32, #tpu.memory_space<vmem>> -> memref<1x80x128xf32, #tpu.memory_space<vmem>>
      %dma_start3A_241 = tpu.memref_squeeze %dma_start3A_240 : memref<1x80x128xf32, #tpu.memory_space<vmem>> -> memref<80x128xf32, #tpu.memory_space<vmem>>
      %dma_start3A_242 = arith.constant 0 : i32
      %dma_start3A_243 = tpu.memref_slice %arg15[%add3A_20, %dma_start3A_242] : memref<10240x128xf32, #tpu.memory_space<vmem_shared>> -> memref<80x128xf32, #tpu.memory_space<vmem_shared>>
      %dma_start3A_244 = arith.constant 0 : i32
      %dma_start3A_245 = tpu.memref_slice %arg15[%add3A_20, %dma_start3A_244] : memref<10240x128xf32, #tpu.memory_space<vmem_shared>> -> memref<80x128xf32, #tpu.memory_space<vmem_shared>>
      %dma_start3A_246 = arith.constant 0 : i32
      %dma_start3A_247 = arith.constant 0 : i32
      %dma_start3A_248 = tpu.memref_slice %arg9[%run_scoped3A_21, %dma_start3A_246, %dma_start3A_247] : memref<2x80x128xf32, #tpu.memory_space<vmem>> -> memref<1x80x128xf32, #tpu.memory_space<vmem>>
      %dma_start3A_249 = tpu.memref_squeeze %dma_start3A_248 : memref<1x80x128xf32, #tpu.memory_space<vmem>> -> memref<80x128xf32, #tpu.memory_space<vmem>>
      tpu.enqueue_dma source(%dma_start3A_249 : memref<80x128xf32, #tpu.memory_space<vmem>>) target(%dma_start3A_245 : memref<80x128xf32, #tpu.memory_space<vmem_shared>>) target_semaphore(%run_scoped3A_237 : memref<!tpu.dma_semaphore, #tpu.memory_space<semaphore_mem>>)
      %dma_wait3A_250 = arith.constant 0 : i32
      %dma_wait3A_251 = arith.constant 0 : i32
      %dma_wait3A_252 = tpu.memref_slice %arg9[%run_scoped3A_21, %dma_wait3A_250, %dma_wait3A_251] : memref<2x80x128xf32, #tpu.memory_space<vmem>> -> memref<1x80x128xf32, #tpu.memory_space<vmem>>
      %dma_wait3A_253 = tpu.memref_squeeze %dma_wait3A_252 : memref<1x80x128xf32, #tpu.memory_space<vmem>> -> memref<80x128xf32, #tpu.memory_space<vmem>>
      %dma_wait3A_254 = arith.constant 0 : i32
      %dma_wait3A_255 = tpu.memref_slice %arg15[%add3A_20, %dma_wait3A_254] : memref<10240x128xf32, #tpu.memory_space<vmem_shared>> -> memref<80x128xf32, #tpu.memory_space<vmem_shared>>
      %dma_wait3A_256 = arith.constant 0 : i32
      %dma_wait3A_257 = tpu.memref_slice %arg15[%add3A_20, %dma_wait3A_256] : memref<10240x128xf32, #tpu.memory_space<vmem_shared>> -> memref<80x128xf32, #tpu.memory_space<vmem_shared>>
      %dma_wait3A_258 = arith.constant 0 : i32
      %dma_wait3A_259 = arith.constant 0 : i32
      %dma_wait3A_260 = tpu.memref_slice %arg9[%run_scoped3A_21, %dma_wait3A_258, %dma_wait3A_259] : memref<2x80x128xf32, #tpu.memory_space<vmem>> -> memref<1x80x128xf32, #tpu.memory_space<vmem>>
      %dma_wait3A_261 = tpu.memref_squeeze %dma_wait3A_260 : memref<1x80x128xf32, #tpu.memory_space<vmem>> -> memref<80x128xf32, #tpu.memory_space<vmem>>
      tpu.wait_dma2 semaphore(%run_scoped3A_237 : memref<!tpu.dma_semaphore, #tpu.memory_space<semaphore_mem>>) src(%dma_wait3A_261 : memref<80x128xf32, #tpu.memory_space<vmem>>) dst(%dma_wait3A_257 : memref<80x128xf32, #tpu.memory_space<vmem_shared>>)
      tpu.yield
    }) : () -> ()
    %mul3A_22 = arith.constant 640 : i32
    %mul3A_23 = arith.muli %arg1, %mul3A_22 : i32
    %add3A_24 = arith.constant 320 : i32
    %add3A_25 = arith.addi %mul3A_23, %add3A_24 : i32
    %run_scoped3A_26 = arith.constant 0 : i32
    "tpu.region"() ({
      %run_scoped3A_237 = tpu.sem_alloc : memref<!tpu.dma_semaphore, #tpu.memory_space<semaphore_mem>>
      %dma_start3A_238 = arith.constant 0 : i32
      %dma_start3A_239 = arith.constant 0 : i32
      %dma_start3A_240 = tpu.memref_slice %arg9[%run_scoped3A_26, %dma_start3A_238, %dma_start3A_239] : memref<2x80x128xf32, #tpu.memory_space<vmem>> -> memref<1x80x128xf32, #tpu.memory_space<vmem>>
      %dma_start3A_241 = tpu.memref_squeeze %dma_start3A_240 : memref<1x80x128xf32, #tpu.memory_space<vmem>> -> memref<80x128xf32, #tpu.memory_space<vmem>>
      %dma_start3A_242 = arith.constant 0 : i32
      %dma_start3A_243 = tpu.memref_slice %arg15[%add3A_25, %dma_start3A_242] : memref<10240x128xf32, #tpu.memory_space<vmem_shared>> -> memref<80x128xf32, #tpu.memory_space<vmem_shared>>
      %dma_start3A_244 = arith.constant 0 : i32
      %dma_start3A_245 = tpu.memref_slice %arg15[%add3A_25, %dma_start3A_244] : memref<10240x128xf32, #tpu.memory_space<vmem_shared>> -> memref<80x128xf32, #tpu.memory_space<vmem_shared>>
      %dma_start3A_246 = arith.constant 0 : i32
      %dma_start3A_247 = arith.constant 0 : i32
      %dma_start3A_248 = tpu.memref_slice %arg9[%run_scoped3A_26, %dma_start3A_246, %dma_start3A_247] : memref<2x80x128xf32, #tpu.memory_space<vmem>> -> memref<1x80x128xf32, #tpu.memory_space<vmem>>
      %dma_start3A_249 = tpu.memref_squeeze %dma_start3A_248 : memref<1x80x128xf32, #tpu.memory_space<vmem>> -> memref<80x128xf32, #tpu.memory_space<vmem>>
      tpu.enqueue_dma source(%dma_start3A_249 : memref<80x128xf32, #tpu.memory_space<vmem>>) target(%dma_start3A_245 : memref<80x128xf32, #tpu.memory_space<vmem_shared>>) target_semaphore(%run_scoped3A_237 : memref<!tpu.dma_semaphore, #tpu.memory_space<semaphore_mem>>)
      %dma_wait3A_250 = arith.constant 0 : i32
      %dma_wait3A_251 = arith.constant 0 : i32
      %dma_wait3A_252 = tpu.memref_slice %arg9[%run_scoped3A_26, %dma_wait3A_250, %dma_wait3A_251] : memref<2x80x128xf32, #tpu.memory_space<vmem>> -> memref<1x80x128xf32, #tpu.memory_space<vmem>>
      %dma_wait3A_253 = tpu.memref_squeeze %dma_wait3A_252 : memref<1x80x128xf32, #tpu.memory_space<vmem>> -> memref<80x128xf32, #tpu.memory_space<vmem>>
      %dma_wait3A_254 = arith.constant 0 : i32
      %dma_wait3A_255 = tpu.memref_slice %arg15[%add3A_25, %dma_wait3A_254] : memref<10240x128xf32, #tpu.memory_space<vmem_shared>> -> memref<80x128xf32, #tpu.memory_space<vmem_shared>>
      %dma_wait3A_256 = arith.constant 0 : i32
      %dma_wait3A_257 = tpu.memref_slice %arg15[%add3A_25, %dma_wait3A_256] : memref<10240x128xf32, #tpu.memory_space<vmem_shared>> -> memref<80x128xf32, #tpu.memory_space<vmem_shared>>
      %dma_wait3A_258 = arith.constant 0 : i32
      %dma_wait3A_259 = arith.constant 0 : i32
      %dma_wait3A_260 = tpu.memref_slice %arg9[%run_scoped3A_26, %dma_wait3A_258, %dma_wait3A_259] : memref<2x80x128xf32, #tpu.memory_space<vmem>> -> memref<1x80x128xf32, #tpu.memory_space<vmem>>
      %dma_wait3A_261 = tpu.memref_squeeze %dma_wait3A_260 : memref<1x80x128xf32, #tpu.memory_space<vmem>> -> memref<80x128xf32, #tpu.memory_space<vmem>>
      tpu.wait_dma2 semaphore(%run_scoped3A_237 : memref<!tpu.dma_semaphore, #tpu.memory_space<semaphore_mem>>) src(%dma_wait3A_261 : memref<80x128xf32, #tpu.memory_space<vmem>>) dst(%dma_wait3A_257 : memref<80x128xf32, #tpu.memory_space<vmem_shared>>)
      tpu.yield
    }) : () -> ()
    %mul3A_27 = arith.constant 640 : i32
    %mul3A_28 = arith.muli %arg1, %mul3A_27 : i32
    %add3A_29 = arith.constant 400 : i32
    %add3A_30 = arith.addi %mul3A_28, %add3A_29 : i32
    %run_scoped3A_31 = arith.constant 0 : i32
    "tpu.region"() ({
      %run_scoped3A_237 = tpu.sem_alloc : memref<!tpu.dma_semaphore, #tpu.memory_space<semaphore_mem>>
      %dma_start3A_238 = arith.constant 0 : i32
      %dma_start3A_239 = arith.constant 0 : i32
      %dma_start3A_240 = tpu.memref_slice %arg9[%run_scoped3A_31, %dma_start3A_238, %dma_start3A_239] : memref<2x80x128xf32, #tpu.memory_space<vmem>> -> memref<1x80x128xf32, #tpu.memory_space<vmem>>
      %dma_start3A_241 = tpu.memref_squeeze %dma_start3A_240 : memref<1x80x128xf32, #tpu.memory_space<vmem>> -> memref<80x128xf32, #tpu.memory_space<vmem>>
      %dma_start3A_242 = arith.constant 0 : i32
      %dma_start3A_243 = tpu.memref_slice %arg15[%add3A_30, %dma_start3A_242] : memref<10240x128xf32, #tpu.memory_space<vmem_shared>> -> memref<80x128xf32, #tpu.memory_space<vmem_shared>>
      %dma_start3A_244 = arith.constant 0 : i32
      %dma_start3A_245 = tpu.memref_slice %arg15[%add3A_30, %dma_start3A_244] : memref<10240x128xf32, #tpu.memory_space<vmem_shared>> -> memref<80x128xf32, #tpu.memory_space<vmem_shared>>
      %dma_start3A_246 = arith.constant 0 : i32
      %dma_start3A_247 = arith.constant 0 : i32
      %dma_start3A_248 = tpu.memref_slice %arg9[%run_scoped3A_31, %dma_start3A_246, %dma_start3A_247] : memref<2x80x128xf32, #tpu.memory_space<vmem>> -> memref<1x80x128xf32, #tpu.memory_space<vmem>>
      %dma_start3A_249 = tpu.memref_squeeze %dma_start3A_248 : memref<1x80x128xf32, #tpu.memory_space<vmem>> -> memref<80x128xf32, #tpu.memory_space<vmem>>
      tpu.enqueue_dma source(%dma_start3A_249 : memref<80x128xf32, #tpu.memory_space<vmem>>) target(%dma_start3A_245 : memref<80x128xf32, #tpu.memory_space<vmem_shared>>) target_semaphore(%run_scoped3A_237 : memref<!tpu.dma_semaphore, #tpu.memory_space<semaphore_mem>>)
      %dma_wait3A_250 = arith.constant 0 : i32
      %dma_wait3A_251 = arith.constant 0 : i32
      %dma_wait3A_252 = tpu.memref_slice %arg9[%run_scoped3A_31, %dma_wait3A_250, %dma_wait3A_251] : memref<2x80x128xf32, #tpu.memory_space<vmem>> -> memref<1x80x128xf32, #tpu.memory_space<vmem>>
      %dma_wait3A_253 = tpu.memref_squeeze %dma_wait3A_252 : memref<1x80x128xf32, #tpu.memory_space<vmem>> -> memref<80x128xf32, #tpu.memory_space<vmem>>
      %dma_wait3A_254 = arith.constant 0 : i32
      %dma_wait3A_255 = tpu.memref_slice %arg15[%add3A_30, %dma_wait3A_254] : memref<10240x128xf32, #tpu.memory_space<vmem_shared>> -> memref<80x128xf32, #tpu.memory_space<vmem_shared>>
      %dma_wait3A_256 = arith.constant 0 : i32
      %dma_wait3A_257 = tpu.memref_slice %arg15[%add3A_30, %dma_wait3A_256] : memref<10240x128xf32, #tpu.memory_space<vmem_shared>> -> memref<80x128xf32, #tpu.memory_space<vmem_shared>>
      %dma_wait3A_258 = arith.constant 0 : i32
      %dma_wait3A_259 = arith.constant 0 : i32
      %dma_wait3A_260 = tpu.memref_slice %arg9[%run_scoped3A_31, %dma_wait3A_258, %dma_wait3A_259] : memref<2x80x128xf32, #tpu.memory_space<vmem>> -> memref<1x80x128xf32, #tpu.memory_space<vmem>>
      %dma_wait3A_261 = tpu.memref_squeeze %dma_wait3A_260 : memref<1x80x128xf32, #tpu.memory_space<vmem>> -> memref<80x128xf32, #tpu.memory_space<vmem>>
      tpu.wait_dma2 semaphore(%run_scoped3A_237 : memref<!tpu.dma_semaphore, #tpu.memory_space<semaphore_mem>>) src(%dma_wait3A_261 : memref<80x128xf32, #tpu.memory_space<vmem>>) dst(%dma_wait3A_257 : memref<80x128xf32, #tpu.memory_space<vmem_shared>>)
      tpu.yield
    }) : () -> ()
    %mul3A_32 = arith.constant 640 : i32
    %mul3A_33 = arith.muli %arg1, %mul3A_32 : i32
    %add3A_34 = arith.constant 480 : i32
    %add3A_35 = arith.addi %mul3A_33, %add3A_34 : i32
    %run_scoped3A_36 = arith.constant 0 : i32
    "tpu.region"() ({
      %run_scoped3A_237 = tpu.sem_alloc : memref<!tpu.dma_semaphore, #tpu.memory_space<semaphore_mem>>
      %dma_start3A_238 = arith.constant 0 : i32
      %dma_start3A_239 = arith.constant 0 : i32
      %dma_start3A_240 = tpu.memref_slice %arg9[%run_scoped3A_36, %dma_start3A_238, %dma_start3A_239] : memref<2x80x128xf32, #tpu.memory_space<vmem>> -> memref<1x80x128xf32, #tpu.memory_space<vmem>>
      %dma_start3A_241 = tpu.memref_squeeze %dma_start3A_240 : memref<1x80x128xf32, #tpu.memory_space<vmem>> -> memref<80x128xf32, #tpu.memory_space<vmem>>
      %dma_start3A_242 = arith.constant 0 : i32
      %dma_start3A_243 = tpu.memref_slice %arg15[%add3A_35, %dma_start3A_242] : memref<10240x128xf32, #tpu.memory_space<vmem_shared>> -> memref<80x128xf32, #tpu.memory_space<vmem_shared>>
      %dma_start3A_244 = arith.constant 0 : i32
      %dma_start3A_245 = tpu.memref_slice %arg15[%add3A_35, %dma_start3A_244] : memref<10240x128xf32, #tpu.memory_space<vmem_shared>> -> memref<80x128xf32, #tpu.memory_space<vmem_shared>>
      %dma_start3A_246 = arith.constant 0 : i32
      %dma_start3A_247 = arith.constant 0 : i32
      %dma_start3A_248 = tpu.memref_slice %arg9[%run_scoped3A_36, %dma_start3A_246, %dma_start3A_247] : memref<2x80x128xf32, #tpu.memory_space<vmem>> -> memref<1x80x128xf32, #tpu.memory_space<vmem>>
      %dma_start3A_249 = tpu.memref_squeeze %dma_start3A_248 : memref<1x80x128xf32, #tpu.memory_space<vmem>> -> memref<80x128xf32, #tpu.memory_space<vmem>>
      tpu.enqueue_dma source(%dma_start3A_249 : memref<80x128xf32, #tpu.memory_space<vmem>>) target(%dma_start3A_245 : memref<80x128xf32, #tpu.memory_space<vmem_shared>>) target_semaphore(%run_scoped3A_237 : memref<!tpu.dma_semaphore, #tpu.memory_space<semaphore_mem>>)
      %dma_wait3A_250 = arith.constant 0 : i32
      %dma_wait3A_251 = arith.constant 0 : i32
      %dma_wait3A_252 = tpu.memref_slice %arg9[%run_scoped3A_36, %dma_wait3A_250, %dma_wait3A_251] : memref<2x80x128xf32, #tpu.memory_space<vmem>> -> memref<1x80x128xf32, #tpu.memory_space<vmem>>
      %dma_wait3A_253 = tpu.memref_squeeze %dma_wait3A_252 : memref<1x80x128xf32, #tpu.memory_space<vmem>> -> memref<80x128xf32, #tpu.memory_space<vmem>>
      %dma_wait3A_254 = arith.constant 0 : i32
      %dma_wait3A_255 = tpu.memref_slice %arg15[%add3A_35, %dma_wait3A_254] : memref<10240x128xf32, #tpu.memory_space<vmem_shared>> -> memref<80x128xf32, #tpu.memory_space<vmem_shared>>
      %dma_wait3A_256 = arith.constant 0 : i32
      %dma_wait3A_257 = tpu.memref_slice %arg15[%add3A_35, %dma_wait3A_256] : memref<10240x128xf32, #tpu.memory_space<vmem_shared>> -> memref<80x128xf32, #tpu.memory_space<vmem_shared>>
      %dma_wait3A_258 = arith.constant 0 : i32
      %dma_wait3A_259 = arith.constant 0 : i32
      %dma_wait3A_260 = tpu.memref_slice %arg9[%run_scoped3A_36, %dma_wait3A_258, %dma_wait3A_259] : memref<2x80x128xf32, #tpu.memory_space<vmem>> -> memref<1x80x128xf32, #tpu.memory_space<vmem>>
      %dma_wait3A_261 = tpu.memref_squeeze %dma_wait3A_260 : memref<1x80x128xf32, #tpu.memory_space<vmem>> -> memref<80x128xf32, #tpu.memory_space<vmem>>
      tpu.wait_dma2 semaphore(%run_scoped3A_237 : memref<!tpu.dma_semaphore, #tpu.memory_space<semaphore_mem>>) src(%dma_wait3A_261 : memref<80x128xf32, #tpu.memory_space<vmem>>) dst(%dma_wait3A_257 : memref<80x128xf32, #tpu.memory_space<vmem_shared>>)
      tpu.yield
    }) : () -> ()
    %mul3A_37 = arith.constant 640 : i32
    %mul3A_38 = arith.muli %arg1, %mul3A_37 : i32
    %add3A_39 = arith.constant 560 : i32
    %add3A_40 = arith.addi %mul3A_38, %add3A_39 : i32
    %run_scoped3A_41 = arith.constant 0 : i32
    "tpu.region"() ({
      %run_scoped3A_237 = tpu.sem_alloc : memref<!tpu.dma_semaphore, #tpu.memory_space<semaphore_mem>>
      %dma_start3A_238 = arith.constant 0 : i32
      %dma_start3A_239 = arith.constant 0 : i32
      %dma_start3A_240 = tpu.memref_slice %arg9[%run_scoped3A_41, %dma_start3A_238, %dma_start3A_239] : memref<2x80x128xf32, #tpu.memory_space<vmem>> -> memref<1x80x128xf32, #tpu.memory_space<vmem>>
      %dma_start3A_241 = tpu.memref_squeeze %dma_start3A_240 : memref<1x80x128xf32, #tpu.memory_space<vmem>> -> memref<80x128xf32, #tpu.memory_space<vmem>>
      %dma_start3A_242 = arith.constant 0 : i32
      %dma_start3A_243 = tpu.memref_slice %arg15[%add3A_40, %dma_start3A_242] : memref<10240x128xf32, #tpu.memory_space<vmem_shared>> -> memref<80x128xf32, #tpu.memory_space<vmem_shared>>
      %dma_start3A_244 = arith.constant 0 : i32
      %dma_start3A_245 = tpu.memref_slice %arg15[%add3A_40, %dma_start3A_244] : memref<10240x128xf32, #tpu.memory_space<vmem_shared>> -> memref<80x128xf32, #tpu.memory_space<vmem_shared>>
      %dma_start3A_246 = arith.constant 0 : i32
      %dma_start3A_247 = arith.constant 0 : i32
      %dma_start3A_248 = tpu.memref_slice %arg9[%run_scoped3A_41, %dma_start3A_246, %dma_start3A_247] : memref<2x80x128xf32, #tpu.memory_space<vmem>> -> memref<1x80x128xf32, #tpu.memory_space<vmem>>
      %dma_start3A_249 = tpu.memref_squeeze %dma_start3A_248 : memref<1x80x128xf32, #tpu.memory_space<vmem>> -> memref<80x128xf32, #tpu.memory_space<vmem>>
      tpu.enqueue_dma source(%dma_start3A_249 : memref<80x128xf32, #tpu.memory_space<vmem>>) target(%dma_start3A_245 : memref<80x128xf32, #tpu.memory_space<vmem_shared>>) target_semaphore(%run_scoped3A_237 : memref<!tpu.dma_semaphore, #tpu.memory_space<semaphore_mem>>)
      %dma_wait3A_250 = arith.constant 0 : i32
      %dma_wait3A_251 = arith.constant 0 : i32
      %dma_wait3A_252 = tpu.memref_slice %arg9[%run_scoped3A_41, %dma_wait3A_250, %dma_wait3A_251] : memref<2x80x128xf32, #tpu.memory_space<vmem>> -> memref<1x80x128xf32, #tpu.memory_space<vmem>>
      %dma_wait3A_253 = tpu.memref_squeeze %dma_wait3A_252 : memref<1x80x128xf32, #tpu.memory_space<vmem>> -> memref<80x128xf32, #tpu.memory_space<vmem>>
      %dma_wait3A_254 = arith.constant 0 : i32
      %dma_wait3A_255 = tpu.memref_slice %arg15[%add3A_40, %dma_wait3A_254] : memref<10240x128xf32, #tpu.memory_space<vmem_shared>> -> memref<80x128xf32, #tpu.memory_space<vmem_shared>>
      %dma_wait3A_256 = arith.constant 0 : i32
      %dma_wait3A_257 = tpu.memref_slice %arg15[%add3A_40, %dma_wait3A_256] : memref<10240x128xf32, #tpu.memory_space<vmem_shared>> -> memref<80x128xf32, #tpu.memory_space<vmem_shared>>
      %dma_wait3A_258 = arith.constant 0 : i32
      %dma_wait3A_259 = arith.constant 0 : i32
      %dma_wait3A_260 = tpu.memref_slice %arg9[%run_scoped3A_41, %dma_wait3A_258, %dma_wait3A_259] : memref<2x80x128xf32, #tpu.memory_space<vmem>> -> memref<1x80x128xf32, #tpu.memory_space<vmem>>
      %dma_wait3A_261 = tpu.memref_squeeze %dma_wait3A_260 : memref<1x80x128xf32, #tpu.memory_space<vmem>> -> memref<80x128xf32, #tpu.memory_space<vmem>>
      tpu.wait_dma2 semaphore(%run_scoped3A_237 : memref<!tpu.dma_semaphore, #tpu.memory_space<semaphore_mem>>) src(%dma_wait3A_261 : memref<80x128xf32, #tpu.memory_space<vmem>>) dst(%dma_wait3A_257 : memref<80x128xf32, #tpu.memory_space<vmem_shared>>)
      tpu.yield
    }) : () -> ()
    %barrier3A = arith.constant 0 : index
    tpu.barrier barrier_id(%barrier3A)
    %mul3A_42 = arith.constant 16 : i32
    %mul3A_43 = arith.muli %arg0, %mul3A_42 : i32
    %add3A_44 = arith.addi %mul3A_43, %arg1 : i32
    %mul3A_45 = arith.constant 10000 : i32
    %mul3A_46 = arith.muli %add3A_44, %mul3A_45 : i32
    %mul3A_47 = arith.constant 16 : i32
    %mul3A_48 = arith.muli %arg0, %mul3A_47 : i32
    %add3A_49 = arith.addi %mul3A_48, %arg1 : i32
    %mul3A_50 = arith.constant 5000 : i32
    %mul3A_51 = arith.muli %add3A_49, %mul3A_50 : i32
    %add3A_52 = arith.constant 0 : i32
    %add3A_53 = arith.addi %mul3A_46, %add3A_52 : i32
    %add3A_54 = arith.constant 0 : i32
    %add3A_55 = arith.addi %mul3A_51, %add3A_54 : i32
    %run_scoped3A_56 = arith.constant 0 : i32
    "tpu.region"() ({
      %run_scoped3A_237 = tpu.sem_alloc : memref<!tpu.dma_semaphore, #tpu.memory_space<semaphore_mem>>
      %dma_start3A_238 = arith.constant 0 : i32
      %dma_start3A_239 = tpu.memref_slice %arg7[%run_scoped3A_56, %dma_start3A_238] : memref<2x80xi32, #tpu.memory_space<vmem>> -> memref<1x80xi32, #tpu.memory_space<vmem>>
      %dma_start3A_240 = tpu.memref_squeeze %dma_start3A_239 : memref<1x80xi32, #tpu.memory_space<vmem>> -> memref<80xi32, #tpu.memory_space<vmem>>
      %dma_start3A_241 = tpu.memref_slice %arg3[%add3A_53] : memref<320000xi32, #tpu.memory_space<hbm>> -> memref<80xi32, #tpu.memory_space<hbm>>
      %dma_start3A_242 = arith.constant 0 : i32
      %dma_start3A_243 = tpu.memref_slice %arg7[%run_scoped3A_56, %dma_start3A_242] : memref<2x80xi32, #tpu.memory_space<vmem>> -> memref<1x80xi32, #tpu.memory_space<vmem>>
      %dma_start3A_244 = tpu.memref_squeeze %dma_start3A_243 : memref<1x80xi32, #tpu.memory_space<vmem>> -> memref<80xi32, #tpu.memory_space<vmem>>
      %dma_start3A_245 = tpu.memref_slice %arg3[%add3A_53] : memref<320000xi32, #tpu.memory_space<hbm>> -> memref<80xi32, #tpu.memory_space<hbm>>
      tpu.enqueue_dma source(%dma_start3A_245 : memref<80xi32, #tpu.memory_space<hbm>>) target(%dma_start3A_244 : memref<80xi32, #tpu.memory_space<vmem>>) target_semaphore(%run_scoped3A_237 : memref<!tpu.dma_semaphore, #tpu.memory_space<semaphore_mem>>)
      %dma_wait3A_246 = arith.constant 0 : i32
      %dma_wait3A_247 = tpu.memref_slice %arg7[%run_scoped3A_56, %dma_wait3A_246] : memref<2x80xi32, #tpu.memory_space<vmem>> -> memref<1x80xi32, #tpu.memory_space<vmem>>
      %dma_wait3A_248 = tpu.memref_squeeze %dma_wait3A_247 : memref<1x80xi32, #tpu.memory_space<vmem>> -> memref<80xi32, #tpu.memory_space<vmem>>
      %dma_wait3A_249 = tpu.memref_slice %arg3[%add3A_53] : memref<320000xi32, #tpu.memory_space<hbm>> -> memref<80xi32, #tpu.memory_space<hbm>>
      %dma_wait3A_250 = arith.constant 0 : i32
      %dma_wait3A_251 = tpu.memref_slice %arg7[%run_scoped3A_56, %dma_wait3A_250] : memref<2x80xi32, #tpu.memory_space<vmem>> -> memref<1x80xi32, #tpu.memory_space<vmem>>
      %dma_wait3A_252 = tpu.memref_squeeze %dma_wait3A_251 : memref<1x80xi32, #tpu.memory_space<vmem>> -> memref<80xi32, #tpu.memory_space<vmem>>
      %dma_wait3A_253 = tpu.memref_slice %arg3[%add3A_53] : memref<320000xi32, #tpu.memory_space<hbm>> -> memref<80xi32, #tpu.memory_space<hbm>>
      tpu.wait_dma2 semaphore(%run_scoped3A_237 : memref<!tpu.dma_semaphore, #tpu.memory_space<semaphore_mem>>) src(%dma_wait3A_253 : memref<80xi32, #tpu.memory_space<hbm>>) dst(%dma_wait3A_252 : memref<80xi32, #tpu.memory_space<vmem>>)
      tpu.yield
    }) : () -> ()
    %run_scoped3A_57 = arith.constant 0 : i32
    "tpu.region"() ({
      %run_scoped3A_237 = tpu.sem_alloc : memref<!tpu.dma_semaphore, #tpu.memory_space<semaphore_mem>>
      %dma_start3A_238 = arith.constant 0 : i32
      %dma_start3A_239 = tpu.memref_slice %arg8[%run_scoped3A_57, %dma_start3A_238] : memref<2x80xi32, #tpu.memory_space<vmem>> -> memref<1x80xi32, #tpu.memory_space<vmem>>
      %dma_start3A_240 = tpu.memref_squeeze %dma_start3A_239 : memref<1x80xi32, #tpu.memory_space<vmem>> -> memref<80xi32, #tpu.memory_space<vmem>>
      %dma_start3A_241 = tpu.memref_slice %arg4[%add3A_53] : memref<320000xi32, #tpu.memory_space<hbm>> -> memref<80xi32, #tpu.memory_space<hbm>>
      %dma_start3A_242 = arith.constant 0 : i32
      %dma_start3A_243 = tpu.memref_slice %arg8[%run_scoped3A_57, %dma_start3A_242] : memref<2x80xi32, #tpu.memory_space<vmem>> -> memref<1x80xi32, #tpu.memory_space<vmem>>
      %dma_start3A_244 = tpu.memref_squeeze %dma_start3A_243 : memref<1x80xi32, #tpu.memory_space<vmem>> -> memref<80xi32, #tpu.memory_space<vmem>>
      %dma_start3A_245 = tpu.memref_slice %arg4[%add3A_53] : memref<320000xi32, #tpu.memory_space<hbm>> -> memref<80xi32, #tpu.memory_space<hbm>>
      tpu.enqueue_dma source(%dma_start3A_245 : memref<80xi32, #tpu.memory_space<hbm>>) target(%dma_start3A_244 : memref<80xi32, #tpu.memory_space<vmem>>) target_semaphore(%run_scoped3A_237 : memref<!tpu.dma_semaphore, #tpu.memory_space<semaphore_mem>>)
      %dma_wait3A_246 = arith.constant 0 : i32
      %dma_wait3A_247 = tpu.memref_slice %arg8[%run_scoped3A_57, %dma_wait3A_246] : memref<2x80xi32, #tpu.memory_space<vmem>> -> memref<1x80xi32, #tpu.memory_space<vmem>>
      %dma_wait3A_248 = tpu.memref_squeeze %dma_wait3A_247 : memref<1x80xi32, #tpu.memory_space<vmem>> -> memref<80xi32, #tpu.memory_space<vmem>>
      %dma_wait3A_249 = tpu.memref_slice %arg4[%add3A_53] : memref<320000xi32, #tpu.memory_space<hbm>> -> memref<80xi32, #tpu.memory_space<hbm>>
      %dma_wait3A_250 = arith.constant 0 : i32
      %dma_wait3A_251 = tpu.memref_slice %arg8[%run_scoped3A_57, %dma_wait3A_250] : memref<2x80xi32, #tpu.memory_space<vmem>> -> memref<1x80xi32, #tpu.memory_space<vmem>>
      %dma_wait3A_252 = tpu.memref_squeeze %dma_wait3A_251 : memref<1x80xi32, #tpu.memory_space<vmem>> -> memref<80xi32, #tpu.memory_space<vmem>>
      %dma_wait3A_253 = tpu.memref_slice %arg4[%add3A_53] : memref<320000xi32, #tpu.memory_space<hbm>> -> memref<80xi32, #tpu.memory_space<hbm>>
      tpu.wait_dma2 semaphore(%run_scoped3A_237 : memref<!tpu.dma_semaphore, #tpu.memory_space<semaphore_mem>>) src(%dma_wait3A_253 : memref<80xi32, #tpu.memory_space<hbm>>) dst(%dma_wait3A_252 : memref<80xi32, #tpu.memory_space<vmem>>)
      tpu.yield
    }) : () -> ()
    %dma_start3A = arith.constant 0 : i32
    %dma_start3A_58 = arith.constant 0 : i32
    %dma_start3A_59 = arith.constant 0 : i32
    %dma_start3A_60 = tpu.memref_slice %arg10[%dma_start3A, %dma_start3A_58, %dma_start3A_59] : memref<2x40x128xi32, #tpu.memory_space<vmem>> -> memref<1x40x128xi32, #tpu.memory_space<vmem>>
    %dma_start3A_61 = tpu.memref_squeeze %dma_start3A_60 : memref<1x40x128xi32, #tpu.memory_space<vmem>> -> memref<40x128xi32, #tpu.memory_space<vmem>>
    %dma_start3A_62 = arith.constant 0 : i32
    %dma_start3A_63 = tpu.memref_slice %arg5[%add3A_55, %dma_start3A_62] : memref<160000x128xi32, #tpu.memory_space<hbm>> -> memref<40x128xi32, #tpu.memory_space<hbm>>
    %dma_start3A_64 = arith.constant 0 : i32
    %dma_start3A_65 = arith.constant 0 : i32
    %dma_start3A_66 = tpu.memref_slice %arg10[%dma_start3A, %dma_start3A_64, %dma_start3A_65] : memref<2x40x128xi32, #tpu.memory_space<vmem>> -> memref<1x40x128xi32, #tpu.memory_space<vmem>>
    %dma_start3A_67 = tpu.memref_squeeze %dma_start3A_66 : memref<1x40x128xi32, #tpu.memory_space<vmem>> -> memref<40x128xi32, #tpu.memory_space<vmem>>
    %dma_start3A_68 = arith.constant 0 : i32
    %dma_start3A_69 = tpu.memref_slice %arg5[%add3A_55, %dma_start3A_68] : memref<160000x128xi32, #tpu.memory_space<hbm>> -> memref<40x128xi32, #tpu.memory_space<hbm>>
    tpu.enqueue_dma source(%dma_start3A_69 : memref<40x128xi32, #tpu.memory_space<hbm>>) target(%dma_start3A_67 : memref<40x128xi32, #tpu.memory_space<vmem>>) target_semaphore(%arg11 : memref<!tpu.dma_semaphore, #tpu.memory_space<semaphore_mem>>)
    %dma_start3A_70 = arith.constant 0 : i32
    %dma_start3A_71 = arith.constant 0 : i32
    %dma_start3A_72 = arith.constant 0 : i32
    %dma_start3A_73 = arith.constant 0 : i32
    %dma_start3A_74 = tpu.memref_slice %arg9[%dma_start3A_71, %dma_start3A_72, %dma_start3A_73] : memref<2x80x128xf32, #tpu.memory_space<vmem>> -> memref<1x80x128xf32, #tpu.memory_space<vmem>>
    %dma_start3A_75 = tpu.memref_squeeze %dma_start3A_74 : memref<1x80x128xf32, #tpu.memory_space<vmem>> -> memref<80x128xf32, #tpu.memory_space<vmem>>
    %dma_start3A_76 = arith.constant 0 : i32
    %dma_start3A_77 = tpu.memref_slice %arg7[%dma_start3A_70, %dma_start3A_76] : memref<2x80xi32, #tpu.memory_space<vmem>> -> memref<1x80xi32, #tpu.memory_space<vmem>>
    %dma_start3A_78 = tpu.memref_squeeze %dma_start3A_77 : memref<1x80xi32, #tpu.memory_space<vmem>> -> memref<80xi32, #tpu.memory_space<vmem>>
    %dma_start3A_79 = arith.constant 0 : i32
    %dma_start3A_80 = arith.constant 0 : i32
    %dma_start3A_81 = tpu.memref_slice %arg2[%dma_start3A_79, %dma_start3A_80] : memref<10000x128xf32, #tpu.memory_space<hbm>> -> memref<10000x128xf32, #tpu.memory_space<hbm>>
    tpu.enqueue_indirect_dma source(%dma_start3A_81 : memref<10000x128xf32, #tpu.memory_space<hbm>>) target(%dma_start3A_75 : memref<80x128xf32, #tpu.memory_space<vmem>>) offsets(%dma_start3A_78 : memref<80xi32, #tpu.memory_space<vmem>>) semaphore(%arg11 : memref<!tpu.dma_semaphore, #tpu.memory_space<semaphore_mem>>)
    %add3A_82 = arith.constant 80 : i32
    %add3A_83 = arith.addi %mul3A_46, %add3A_82 : i32
    %add3A_84 = arith.constant 40 : i32
    %add3A_85 = arith.addi %mul3A_51, %add3A_84 : i32
    %run_scoped3A_86 = arith.constant 1 : i32
    "tpu.region"() ({
      %run_scoped3A_237 = tpu.sem_alloc : memref<!tpu.dma_semaphore, #tpu.memory_space<semaphore_mem>>
      %dma_start3A_238 = arith.constant 0 : i32
      %dma_start3A_239 = tpu.memref_slice %arg7[%run_scoped3A_86, %dma_start3A_238] : memref<2x80xi32, #tpu.memory_space<vmem>> -> memref<1x80xi32, #tpu.memory_space<vmem>>
      %dma_start3A_240 = tpu.memref_squeeze %dma_start3A_239 : memref<1x80xi32, #tpu.memory_space<vmem>> -> memref<80xi32, #tpu.memory_space<vmem>>
      %dma_start3A_241 = tpu.memref_slice %arg3[%add3A_83] : memref<320000xi32, #tpu.memory_space<hbm>> -> memref<80xi32, #tpu.memory_space<hbm>>
      %dma_start3A_242 = arith.constant 0 : i32
      %dma_start3A_243 = tpu.memref_slice %arg7[%run_scoped3A_86, %dma_start3A_242] : memref<2x80xi32, #tpu.memory_space<vmem>> -> memref<1x80xi32, #tpu.memory_space<vmem>>
      %dma_start3A_244 = tpu.memref_squeeze %dma_start3A_243 : memref<1x80xi32, #tpu.memory_space<vmem>> -> memref<80xi32, #tpu.memory_space<vmem>>
      %dma_start3A_245 = tpu.memref_slice %arg3[%add3A_83] : memref<320000xi32, #tpu.memory_space<hbm>> -> memref<80xi32, #tpu.memory_space<hbm>>
      tpu.enqueue_dma source(%dma_start3A_245 : memref<80xi32, #tpu.memory_space<hbm>>) target(%dma_start3A_244 : memref<80xi32, #tpu.memory_space<vmem>>) target_semaphore(%run_scoped3A_237 : memref<!tpu.dma_semaphore, #tpu.memory_space<semaphore_mem>>)
      %dma_wait3A_246 = arith.constant 0 : i32
      %dma_wait3A_247 = tpu.memref_slice %arg7[%run_scoped3A_86, %dma_wait3A_246] : memref<2x80xi32, #tpu.memory_space<vmem>> -> memref<1x80xi32, #tpu.memory_space<vmem>>
      %dma_wait3A_248 = tpu.memref_squeeze %dma_wait3A_247 : memref<1x80xi32, #tpu.memory_space<vmem>> -> memref<80xi32, #tpu.memory_space<vmem>>
      %dma_wait3A_249 = tpu.memref_slice %arg3[%add3A_83] : memref<320000xi32, #tpu.memory_space<hbm>> -> memref<80xi32, #tpu.memory_space<hbm>>
      %dma_wait3A_250 = arith.constant 0 : i32
      %dma_wait3A_251 = tpu.memref_slice %arg7[%run_scoped3A_86, %dma_wait3A_250] : memref<2x80xi32, #tpu.memory_space<vmem>> -> memref<1x80xi32, #tpu.memory_space<vmem>>
      %dma_wait3A_252 = tpu.memref_squeeze %dma_wait3A_251 : memref<1x80xi32, #tpu.memory_space<vmem>> -> memref<80xi32, #tpu.memory_space<vmem>>
      %dma_wait3A_253 = tpu.memref_slice %arg3[%add3A_83] : memref<320000xi32, #tpu.memory_space<hbm>> -> memref<80xi32, #tpu.memory_space<hbm>>
      tpu.wait_dma2 semaphore(%run_scoped3A_237 : memref<!tpu.dma_semaphore, #tpu.memory_space<semaphore_mem>>) src(%dma_wait3A_253 : memref<80xi32, #tpu.memory_space<hbm>>) dst(%dma_wait3A_252 : memref<80xi32, #tpu.memory_space<vmem>>)
      tpu.yield
    }) : () -> ()
    %run_scoped3A_87 = arith.constant 1 : i32
    "tpu.region"() ({
      %run_scoped3A_237 = tpu.sem_alloc : memref<!tpu.dma_semaphore, #tpu.memory_space<semaphore_mem>>
      %dma_start3A_238 = arith.constant 0 : i32
      %dma_start3A_239 = tpu.memref_slice %arg8[%run_scoped3A_87, %dma_start3A_238] : memref<2x80xi32, #tpu.memory_space<vmem>> -> memref<1x80xi32, #tpu.memory_space<vmem>>
      %dma_start3A_240 = tpu.memref_squeeze %dma_start3A_239 : memref<1x80xi32, #tpu.memory_space<vmem>> -> memref<80xi32, #tpu.memory_space<vmem>>
      %dma_start3A_241 = tpu.memref_slice %arg4[%add3A_83] : memref<320000xi32, #tpu.memory_space<hbm>> -> memref<80xi32, #tpu.memory_space<hbm>>
      %dma_start3A_242 = arith.constant 0 : i32
      %dma_start3A_243 = tpu.memref_slice %arg8[%run_scoped3A_87, %dma_start3A_242] : memref<2x80xi32, #tpu.memory_space<vmem>> -> memref<1x80xi32, #tpu.memory_space<vmem>>
      %dma_start3A_244 = tpu.memref_squeeze %dma_start3A_243 : memref<1x80xi32, #tpu.memory_space<vmem>> -> memref<80xi32, #tpu.memory_space<vmem>>
      %dma_start3A_245 = tpu.memref_slice %arg4[%add3A_83] : memref<320000xi32, #tpu.memory_space<hbm>> -> memref<80xi32, #tpu.memory_space<hbm>>
      tpu.enqueue_dma source(%dma_start3A_245 : memref<80xi32, #tpu.memory_space<hbm>>) target(%dma_start3A_244 : memref<80xi32, #tpu.memory_space<vmem>>) target_semaphore(%run_scoped3A_237 : memref<!tpu.dma_semaphore, #tpu.memory_space<semaphore_mem>>)
      %dma_wait3A_246 = arith.constant 0 : i32
      %dma_wait3A_247 = tpu.memref_slice %arg8[%run_scoped3A_87, %dma_wait3A_246] : memref<2x80xi32, #tpu.memory_space<vmem>> -> memref<1x80xi32, #tpu.memory_space<vmem>>
      %dma_wait3A_248 = tpu.memref_squeeze %dma_wait3A_247 : memref<1x80xi32, #tpu.memory_space<vmem>> -> memref<80xi32, #tpu.memory_space<vmem>>
      %dma_wait3A_249 = tpu.memref_slice %arg4[%add3A_83] : memref<320000xi32, #tpu.memory_space<hbm>> -> memref<80xi32, #tpu.memory_space<hbm>>
      %dma_wait3A_250 = arith.constant 0 : i32
      %dma_wait3A_251 = tpu.memref_slice %arg8[%run_scoped3A_87, %dma_wait3A_250] : memref<2x80xi32, #tpu.memory_space<vmem>> -> memref<1x80xi32, #tpu.memory_space<vmem>>
      %dma_wait3A_252 = tpu.memref_squeeze %dma_wait3A_251 : memref<1x80xi32, #tpu.memory_space<vmem>> -> memref<80xi32, #tpu.memory_space<vmem>>
      %dma_wait3A_253 = tpu.memref_slice %arg4[%add3A_83] : memref<320000xi32, #tpu.memory_space<hbm>> -> memref<80xi32, #tpu.memory_space<hbm>>
      tpu.wait_dma2 semaphore(%run_scoped3A_237 : memref<!tpu.dma_semaphore, #tpu.memory_space<semaphore_mem>>) src(%dma_wait3A_253 : memref<80xi32, #tpu.memory_space<hbm>>) dst(%dma_wait3A_252 : memref<80xi32, #tpu.memory_space<vmem>>)
      tpu.yield
    }) : () -> ()
    %dma_start3A_88 = arith.constant 1 : i32
    %dma_start3A_89 = arith.constant 0 : i32
    %dma_start3A_90 = arith.constant 0 : i32
    %dma_start3A_91 = tpu.memref_slice %arg10[%dma_start3A_88, %dma_start3A_89, %dma_start3A_90] : memref<2x40x128xi32, #tpu.memory_space<vmem>> -> memref<1x40x128xi32, #tpu.memory_space<vmem>>
    %dma_start3A_92 = tpu.memref_squeeze %dma_start3A_91 : memref<1x40x128xi32, #tpu.memory_space<vmem>> -> memref<40x128xi32, #tpu.memory_space<vmem>>
    %dma_start3A_93 = arith.constant 0 : i32
    %dma_start3A_94 = tpu.memref_slice %arg5[%add3A_85, %dma_start3A_93] : memref<160000x128xi32, #tpu.memory_space<hbm>> -> memref<40x128xi32, #tpu.memory_space<hbm>>
    %dma_start3A_95 = arith.constant 0 : i32
    %dma_start3A_96 = arith.constant 0 : i32
    %dma_start3A_97 = tpu.memref_slice %arg10[%dma_start3A_88, %dma_start3A_95, %dma_start3A_96] : memref<2x40x128xi32, #tpu.memory_space<vmem>> -> memref<1x40x128xi32, #tpu.memory_space<vmem>>
    %dma_start3A_98 = tpu.memref_squeeze %dma_start3A_97 : memref<1x40x128xi32, #tpu.memory_space<vmem>> -> memref<40x128xi32, #tpu.memory_space<vmem>>
    %dma_start3A_99 = arith.constant 0 : i32
    %dma_start3A_100 = tpu.memref_slice %arg5[%add3A_85, %dma_start3A_99] : memref<160000x128xi32, #tpu.memory_space<hbm>> -> memref<40x128xi32, #tpu.memory_space<hbm>>
    tpu.enqueue_dma source(%dma_start3A_100 : memref<40x128xi32, #tpu.memory_space<hbm>>) target(%dma_start3A_98 : memref<40x128xi32, #tpu.memory_space<vmem>>) target_semaphore(%arg12 : memref<!tpu.dma_semaphore, #tpu.memory_space<semaphore_mem>>)
    %dma_start3A_101 = arith.constant 1 : i32
    %dma_start3A_102 = arith.constant 1 : i32
    %dma_start3A_103 = arith.constant 0 : i32
    %dma_start3A_104 = arith.constant 0 : i32
    %dma_start3A_105 = tpu.memref_slice %arg9[%dma_start3A_102, %dma_start3A_103, %dma_start3A_104] : memref<2x80x128xf32, #tpu.memory_space<vmem>> -> memref<1x80x128xf32, #tpu.memory_space<vmem>>
    %dma_start3A_106 = tpu.memref_squeeze %dma_start3A_105 : memref<1x80x128xf32, #tpu.memory_space<vmem>> -> memref<80x128xf32, #tpu.memory_space<vmem>>
    %dma_start3A_107 = arith.constant 0 : i32
    %dma_start3A_108 = tpu.memref_slice %arg7[%dma_start3A_101, %dma_start3A_107] : memref<2x80xi32, #tpu.memory_space<vmem>> -> memref<1x80xi32, #tpu.memory_space<vmem>>
    %dma_start3A_109 = tpu.memref_squeeze %dma_start3A_108 : memref<1x80xi32, #tpu.memory_space<vmem>> -> memref<80xi32, #tpu.memory_space<vmem>>
    %dma_start3A_110 = arith.constant 0 : i32
    %dma_start3A_111 = arith.constant 0 : i32
    %dma_start3A_112 = tpu.memref_slice %arg2[%dma_start3A_110, %dma_start3A_111] : memref<10000x128xf32, #tpu.memory_space<hbm>> -> memref<10000x128xf32, #tpu.memory_space<hbm>>
    tpu.enqueue_indirect_dma source(%dma_start3A_112 : memref<10000x128xf32, #tpu.memory_space<hbm>>) target(%dma_start3A_106 : memref<80x128xf32, #tpu.memory_space<vmem>>) offsets(%dma_start3A_109 : memref<80xi32, #tpu.memory_space<vmem>>) semaphore(%arg12 : memref<!tpu.dma_semaphore, #tpu.memory_space<semaphore_mem>>)
    %scan3A_113 = arith.constant 0 : i32
    %scan3A_114 = arith.constant -65536 : i32
    %scan3A_115 = arith.constant 0 : i32
    %scan3A_116 = arith.constant 62 : i32
    %scan3A_117 = arith.addi %scan3A_115, %scan3A_116 : i32
    %scan3A_118 = arith.constant 1 : i32
    scf.for %scan3A_237 = %scan3A_115 to %scan3A_117 step %scan3A_118  : i32 {
      %dma_wait3A_238 = arith.constant 0 : i32
      %dma_wait3A_239 = arith.constant 0 : i32
      %dma_wait3A_240 = arith.constant 0 : i32
      %dma_wait3A_241 = tpu.memref_slice %arg10[%dma_wait3A_238, %dma_wait3A_239, %dma_wait3A_240] : memref<2x40x128xi32, #tpu.memory_space<vmem>> -> memref<1x40x128xi32, #tpu.memory_space<vmem>>
      %dma_wait3A_242 = tpu.memref_squeeze %dma_wait3A_241 : memref<1x40x128xi32, #tpu.memory_space<vmem>> -> memref<40x128xi32, #tpu.memory_space<vmem>>
      %dma_wait3A_243 = arith.constant 0 : i32
      %dma_wait3A_244 = arith.constant 0 : i32
      %dma_wait3A_245 = tpu.memref_slice %arg5[%dma_wait3A_243, %dma_wait3A_244] : memref<160000x128xi32, #tpu.memory_space<hbm>> -> memref<40x128xi32, #tpu.memory_space<hbm>>
      %dma_wait3A_246 = arith.constant 0 : i32
      %dma_wait3A_247 = arith.constant 0 : i32
      %dma_wait3A_248 = tpu.memref_slice %arg10[%dma_wait3A_238, %dma_wait3A_246, %dma_wait3A_247] : memref<2x40x128xi32, #tpu.memory_space<vmem>> -> memref<1x40x128xi32, #tpu.memory_space<vmem>>
      %dma_wait3A_249 = tpu.memref_squeeze %dma_wait3A_248 : memref<1x40x128xi32, #tpu.memory_space<vmem>> -> memref<40x128xi32, #tpu.memory_space<vmem>>
      %dma_wait3A_250 = arith.constant 0 : i32
      %dma_wait3A_251 = arith.constant 0 : i32
      %dma_wait3A_252 = tpu.memref_slice %arg5[%dma_wait3A_250, %dma_wait3A_251] : memref<160000x128xi32, #tpu.memory_space<hbm>> -> memref<40x128xi32, #tpu.memory_space<hbm>>
      tpu.wait_dma2 semaphore(%arg11 : memref<!tpu.dma_semaphore, #tpu.memory_space<semaphore_mem>>) src(%dma_wait3A_252 : memref<40x128xi32, #tpu.memory_space<hbm>>) dst(%dma_wait3A_249 : memref<40x128xi32, #tpu.memory_space<vmem>>)
      %dma_wait3A_253 = arith.constant 0 : i32
      %dma_wait3A_254 = arith.constant 0 : i32
      %dma_wait3A_255 = arith.constant 0 : i32
      %dma_wait3A_256 = tpu.memref_slice %arg9[%dma_wait3A_253, %dma_wait3A_254, %dma_wait3A_255] : memref<2x80x128xf32, #tpu.memory_space<vmem>> -> memref<1x80x128xf32, #tpu.memory_space<vmem>>
      %dma_wait3A_257 = tpu.memref_squeeze %dma_wait3A_256 : memref<1x80x128xf32, #tpu.memory_space<vmem>> -> memref<80x128xf32, #tpu.memory_space<vmem>>
      %dma_wait3A_258 = arith.constant 0 : i32
      %dma_wait3A_259 = arith.constant 0 : i32
      %dma_wait3A_260 = tpu.memref_slice %arg2[%dma_wait3A_258, %dma_wait3A_259] : memref<10000x128xf32, #tpu.memory_space<hbm>> -> memref<80x128xf32, #tpu.memory_space<hbm>>
      %dma_wait3A_261 = arith.constant 0 : i32
      %dma_wait3A_262 = arith.constant 0 : i32
      %dma_wait3A_263 = tpu.memref_slice %arg9[%dma_wait3A_253, %dma_wait3A_261, %dma_wait3A_262] : memref<2x80x128xf32, #tpu.memory_space<vmem>> -> memref<1x80x128xf32, #tpu.memory_space<vmem>>
      %dma_wait3A_264 = tpu.memref_squeeze %dma_wait3A_263 : memref<1x80x128xf32, #tpu.memory_space<vmem>> -> memref<80x128xf32, #tpu.memory_space<vmem>>
      %dma_wait3A_265 = arith.constant 0 : i32
      %dma_wait3A_266 = arith.constant 0 : i32
      %dma_wait3A_267 = tpu.memref_slice %arg2[%dma_wait3A_265, %dma_wait3A_266] : memref<10000x128xf32, #tpu.memory_space<hbm>> -> memref<80x128xf32, #tpu.memory_space<hbm>>
      tpu.wait_dma2 semaphore(%arg11 : memref<!tpu.dma_semaphore, #tpu.memory_space<semaphore_mem>>) src(%dma_wait3A_267 : memref<80x128xf32, #tpu.memory_space<hbm>>) dst(%dma_wait3A_264 : memref<80x128xf32, #tpu.memory_space<vmem>>)
      %parallel_loop3A_268 = arith.constant 0 : i32
      %parallel_loop3A_269 = arith.constant 40 : i32
      %parallel_loop3A_270 = arith.constant 1 : i32
      scf.for %parallel_loop3A_330 = %parallel_loop3A_268 to %parallel_loop3A_269 step %parallel_loop3A_270  : i32 {
        %parallel_loop3A_331 = arith.constant 2 : i32
        %parallel_loop3A_332 = arith.muli %parallel_loop3A_331, %parallel_loop3A_330 : i32
        %parallel_loop3A_333 = arith.constant 0 : i32
        %parallel_loop3A_334 = arith.index_cast %parallel_loop3A_333 : i32 to index
        %parallel_loop3A_335 = arith.index_cast %parallel_loop3A_330 : i32 to index
        %parallel_loop3A_336 = arith.constant 0 : index
        %parallel_loop3A_337 = tpu.vector_load %arg10[%parallel_loop3A_334, %parallel_loop3A_335, %parallel_loop3A_336] {strides = array<i32>} : memref<2x40x128xi32, #tpu.memory_space<vmem>>, vector<1x1x16xi32>,
        %parallel_loop3A_338 = vector.shape_cast %parallel_loop3A_337 : vector<1x1x16xi32> to vector<16xi32>
        %parallel_loop3A_339 = arith.constant 16 : i32
        %parallel_loop3A_340 = vector.broadcast %parallel_loop3A_339 : i32 to vector<16xi32>
        %parallel_loop3A_341 = arith.shli %parallel_loop3A_338, %parallel_loop3A_340 : vector<16xi32>
        %parallel_loop3A_342 = tpu.bitcast %parallel_loop3A_341 : vector<16xi32> -> vector<16xf32>
        %parallel_loop3A_343 = vector.broadcast %scan3A_114 : i32 to vector<16xi32>
        %parallel_loop3A_344 = arith.andi %parallel_loop3A_338, %parallel_loop3A_343 : vector<16xi32>
        %parallel_loop3A_345 = tpu.bitcast %parallel_loop3A_344 : vector<16xi32> -> vector<16xf32>
        %parallel_loop3A_346 = arith.constant 0 : i32
        %parallel_loop3A_347 = arith.index_cast %parallel_loop3A_346 : i32 to index
        %parallel_loop3A_348 = arith.index_cast %parallel_loop3A_332 : i32 to index
        %parallel_loop3A_349 = arith.constant 0 : index
        %parallel_loop3A_350 = tpu.vector_load %arg9[%parallel_loop3A_347, %parallel_loop3A_348, %parallel_loop3A_349] {strides = array<i32>} : memref<2x80x128xf32, #tpu.memory_space<vmem>>, vector<1x1x16xf32>,
        %parallel_loop3A_351 = vector.shape_cast %parallel_loop3A_350 : vector<1x1x16xf32> to vector<16xf32>
        %parallel_loop3A_352 = arith.addf %parallel_loop3A_351, %parallel_loop3A_342 : vector<16xf32>
        %parallel_loop3A_353 = arith.constant 0.000000e+00 : f32
        %parallel_loop3A_354 = vector.broadcast %parallel_loop3A_353 : f32 to vector<16xf32>
        %parallel_loop3A_355 = arith.maximumf %parallel_loop3A_352, %parallel_loop3A_354 : vector<16xf32>
        %parallel_loop3A_356 = arith.constant 0 : i32
        %parallel_loop3A_357 = arith.index_cast %parallel_loop3A_356 : i32 to index
        %parallel_loop3A_358 = arith.index_cast %parallel_loop3A_332 : i32 to index
        %parallel_loop3A_359 = arith.constant 0 : index
        %parallel_loop3A_360 = tpu.vector_load %arg9[%parallel_loop3A_357, %parallel_loop3A_358, %parallel_loop3A_359] {strides = array<i32>} : memref<2x80x128xf32, #tpu.memory_space<vmem>>, vector<1x1x16xf32>,
        %parallel_loop3A_361 = vector.shape_cast %parallel_loop3A_360 : vector<1x1x16xf32> to vector<16xf32>
        %parallel_loop3A_362 = vector.shape_cast %parallel_loop3A_355 : vector<16xf32> to vector<1x1x16xf32>
        tpu.vector_store %arg9[%parallel_loop3A_357, %parallel_loop3A_358, %parallel_loop3A_359], %parallel_loop3A_362 {strides = array<i32>} : memref<2x80x128xf32, #tpu.memory_space<vmem>>, vector<1x1x16xf32>,
        %parallel_loop3A_363 = arith.constant 1 : i32
        %parallel_loop3A_364 = arith.addi %parallel_loop3A_332, %parallel_loop3A_363 : i32
        %parallel_loop3A_365 = arith.constant 0 : i32
        %parallel_loop3A_366 = arith.index_cast %parallel_loop3A_365 : i32 to index
        %parallel_loop3A_367 = arith.index_cast %parallel_loop3A_364 : i32 to index
        %parallel_loop3A_368 = arith.constant 0 : index
        %parallel_loop3A_369 = tpu.vector_load %arg9[%parallel_loop3A_366, %parallel_loop3A_367, %parallel_loop3A_368] {strides = array<i32>} : memref<2x80x128xf32, #tpu.memory_space<vmem>>, vector<1x1x16xf32>,
        %parallel_loop3A_370 = vector.shape_cast %parallel_loop3A_369 : vector<1x1x16xf32> to vector<16xf32>
        %parallel_loop3A_371 = arith.addf %parallel_loop3A_370, %parallel_loop3A_345 : vector<16xf32>
        %parallel_loop3A_372 = arith.constant 0.000000e+00 : f32
        %parallel_loop3A_373 = vector.broadcast %parallel_loop3A_372 : f32 to vector<16xf32>
        %parallel_loop3A_374 = arith.maximumf %parallel_loop3A_371, %parallel_loop3A_373 : vector<16xf32>
        %parallel_loop3A_375 = arith.constant 1 : i32
        %parallel_loop3A_376 = arith.addi %parallel_loop3A_332, %parallel_loop3A_375 : i32
        %parallel_loop3A_377 = arith.constant 0 : i32
        %parallel_loop3A_378 = arith.index_cast %parallel_loop3A_377 : i32 to index
        %parallel_loop3A_379 = arith.index_cast %parallel_loop3A_376 : i32 to index
        %parallel_loop3A_380 = arith.constant 0 : index
        %parallel_loop3A_381 = tpu.vector_load %arg9[%parallel_loop3A_378, %parallel_loop3A_379, %parallel_loop3A_380] {strides = array<i32>} : memref<2x80x128xf32, #tpu.memory_space<vmem>>, vector<1x1x16xf32>,
        %parallel_loop3A_382 = vector.shape_cast %parallel_loop3A_381 : vector<1x1x16xf32> to vector<16xf32>
        %parallel_loop3A_383 = vector.shape_cast %parallel_loop3A_374 : vector<16xf32> to vector<1x1x16xf32>
        tpu.vector_store %arg9[%parallel_loop3A_378, %parallel_loop3A_379, %parallel_loop3A_380], %parallel_loop3A_383 {strides = array<i32>} : memref<2x80x128xf32, #tpu.memory_space<vmem>>, vector<1x1x16xf32>,
        %parallel_loop3A_384 = arith.constant 0 : i32
        %parallel_loop3A_385 = arith.index_cast %parallel_loop3A_384 : i32 to index
        %parallel_loop3A_386 = arith.index_cast %parallel_loop3A_330 : i32 to index
        %parallel_loop3A_387 = arith.constant 16 : index
        %parallel_loop3A_388 = tpu.vector_load %arg10[%parallel_loop3A_385, %parallel_loop3A_386, %parallel_loop3A_387] {strides = array<i32>} : memref<2x40x128xi32, #tpu.memory_space<vmem>>, vector<1x1x16xi32>,
        %parallel_loop3A_389 = vector.shape_cast %parallel_loop3A_388 : vector<1x1x16xi32> to vector<16xi32>
        %parallel_loop3A_390 = arith.constant 16 : i32
        %parallel_loop3A_391 = vector.broadcast %parallel_loop3A_390 : i32 to vector<16xi32>
        %parallel_loop3A_392 = arith.shli %parallel_loop3A_389, %parallel_loop3A_391 : vector<16xi32>
        %parallel_loop3A_393 = tpu.bitcast %parallel_loop3A_392 : vector<16xi32> -> vector<16xf32>
        %parallel_loop3A_394 = vector.broadcast %scan3A_114 : i32 to vector<16xi32>
        %parallel_loop3A_395 = arith.andi %parallel_loop3A_389, %parallel_loop3A_394 : vector<16xi32>
        %parallel_loop3A_396 = tpu.bitcast %parallel_loop3A_395 : vector<16xi32> -> vector<16xf32>
        %parallel_loop3A_397 = arith.constant 0 : i32
        %parallel_loop3A_398 = arith.index_cast %parallel_loop3A_397 : i32 to index
        %parallel_loop3A_399 = arith.index_cast %parallel_loop3A_332 : i32 to index
        %parallel_loop3A_400 = arith.constant 16 : index
        %parallel_loop3A_401 = tpu.vector_load %arg9[%parallel_loop3A_398, %parallel_loop3A_399, %parallel_loop3A_400] {strides = array<i32>} : memref<2x80x128xf32, #tpu.memory_space<vmem>>, vector<1x1x16xf32>,
        %parallel_loop3A_402 = vector.shape_cast %parallel_loop3A_401 : vector<1x1x16xf32> to vector<16xf32>
        %parallel_loop3A_403 = arith.addf %parallel_loop3A_402, %parallel_loop3A_393 : vector<16xf32>
        %parallel_loop3A_404 = arith.constant 0.000000e+00 : f32
        %parallel_loop3A_405 = vector.broadcast %parallel_loop3A_404 : f32 to vector<16xf32>
        %parallel_loop3A_406 = arith.maximumf %parallel_loop3A_403, %parallel_loop3A_405 : vector<16xf32>
        %parallel_loop3A_407 = arith.constant 0 : i32
        %parallel_loop3A_408 = arith.index_cast %parallel_loop3A_407 : i32 to index
        %parallel_loop3A_409 = arith.index_cast %parallel_loop3A_332 : i32 to index
        %parallel_loop3A_410 = arith.constant 16 : index
        %parallel_loop3A_411 = tpu.vector_load %arg9[%parallel_loop3A_408, %parallel_loop3A_409, %parallel_loop3A_410] {strides = array<i32>} : memref<2x80x128xf32, #tpu.memory_space<vmem>>, vector<1x1x16xf32>,
        %parallel_loop3A_412 = vector.shape_cast %parallel_loop3A_411 : vector<1x1x16xf32> to vector<16xf32>
        %parallel_loop3A_413 = vector.shape_cast %parallel_loop3A_406 : vector<16xf32> to vector<1x1x16xf32>
        tpu.vector_store %arg9[%parallel_loop3A_408, %parallel_loop3A_409, %parallel_loop3A_410], %parallel_loop3A_413 {strides = array<i32>} : memref<2x80x128xf32, #tpu.memory_space<vmem>>, vector<1x1x16xf32>,
        %parallel_loop3A_414 = arith.constant 1 : i32
        %parallel_loop3A_415 = arith.addi %parallel_loop3A_332, %parallel_loop3A_414 : i32
        %parallel_loop3A_416 = arith.constant 0 : i32
        %parallel_loop3A_417 = arith.index_cast %parallel_loop3A_416 : i32 to index
        %parallel_loop3A_418 = arith.index_cast %parallel_loop3A_415 : i32 to index
        %parallel_loop3A_419 = arith.constant 16 : index
        %parallel_loop3A_420 = tpu.vector_load %arg9[%parallel_loop3A_417, %parallel_loop3A_418, %parallel_loop3A_419] {strides = array<i32>} : memref<2x80x128xf32, #tpu.memory_space<vmem>>, vector<1x1x16xf32>,
        %parallel_loop3A_421 = vector.shape_cast %parallel_loop3A_420 : vector<1x1x16xf32> to vector<16xf32>
        %parallel_loop3A_422 = arith.addf %parallel_loop3A_421, %parallel_loop3A_396 : vector<16xf32>
        %parallel_loop3A_423 = arith.constant 0.000000e+00 : f32
        %parallel_loop3A_424 = vector.broadcast %parallel_loop3A_423 : f32 to vector<16xf32>
        %parallel_loop3A_425 = arith.maximumf %parallel_loop3A_422, %parallel_loop3A_424 : vector<16xf32>
        %parallel_loop3A_426 = arith.constant 1 : i32
        %parallel_loop3A_427 = arith.addi %parallel_loop3A_332, %parallel_loop3A_426 : i32
        %parallel_loop3A_428 = arith.constant 0 : i32
        %parallel_loop3A_429 = arith.index_cast %parallel_loop3A_428 : i32 to index
        %parallel_loop3A_430 = arith.index_cast %parallel_loop3A_427 : i32 to index
        %parallel_loop3A_431 = arith.constant 16 : index
        %parallel_loop3A_432 = tpu.vector_load %arg9[%parallel_loop3A_429, %parallel_loop3A_430, %parallel_loop3A_431] {strides = array<i32>} : memref<2x80x128xf32, #tpu.memory_space<vmem>>, vector<1x1x16xf32>,
        %parallel_loop3A_433 = vector.shape_cast %parallel_loop3A_432 : vector<1x1x16xf32> to vector<16xf32>
        %parallel_loop3A_434 = vector.shape_cast %parallel_loop3A_425 : vector<16xf32> to vector<1x1x16xf32>
        tpu.vector_store %arg9[%parallel_loop3A_429, %parallel_loop3A_430, %parallel_loop3A_431], %parallel_loop3A_434 {strides = array<i32>} : memref<2x80x128xf32, #tpu.memory_space<vmem>>, vector<1x1x16xf32>,
        %parallel_loop3A_435 = arith.constant 0 : i32
        %parallel_loop3A_436 = arith.index_cast %parallel_loop3A_435 : i32 to index
        %parallel_loop3A_437 = arith.index_cast %parallel_loop3A_330 : i32 to index
        %parallel_loop3A_438 = arith.constant 32 : index
        %parallel_loop3A_439 = tpu.vector_load %arg10[%parallel_loop3A_436, %parallel_loop3A_437, %parallel_loop3A_438] {strides = array<i32>} : memref<2x40x128xi32, #tpu.memory_space<vmem>>, vector<1x1x16xi32>,
        %parallel_loop3A_440 = vector.shape_cast %parallel_loop3A_439 : vector<1x1x16xi32> to vector<16xi32>
        %parallel_loop3A_441 = arith.constant 16 : i32
        %parallel_loop3A_442 = vector.broadcast %parallel_loop3A_441 : i32 to vector<16xi32>
        %parallel_loop3A_443 = arith.shli %parallel_loop3A_440, %parallel_loop3A_442 : vector<16xi32>
        %parallel_loop3A_444 = tpu.bitcast %parallel_loop3A_443 : vector<16xi32> -> vector<16xf32>
        %parallel_loop3A_445 = vector.broadcast %scan3A_114 : i32 to vector<16xi32>
        %parallel_loop3A_446 = arith.andi %parallel_loop3A_440, %parallel_loop3A_445 : vector<16xi32>
        %parallel_loop3A_447 = tpu.bitcast %parallel_loop3A_446 : vector<16xi32> -> vector<16xf32>
        %parallel_loop3A_448 = arith.constant 0 : i32
        %parallel_loop3A_449 = arith.index_cast %parallel_loop3A_448 : i32 to index
        %parallel_loop3A_450 = arith.index_cast %parallel_loop3A_332 : i32 to index
        %parallel_loop3A_451 = arith.constant 32 : index
        %parallel_loop3A_452 = tpu.vector_load %arg9[%parallel_loop3A_449, %parallel_loop3A_450, %parallel_loop3A_451] {strides = array<i32>} : memref<2x80x128xf32, #tpu.memory_space<vmem>>, vector<1x1x16xf32>,
        %parallel_loop3A_453 = vector.shape_cast %parallel_loop3A_452 : vector<1x1x16xf32> to vector<16xf32>
        %parallel_loop3A_454 = arith.addf %parallel_loop3A_453, %parallel_loop3A_444 : vector<16xf32>
        %parallel_loop3A_455 = arith.constant 0.000000e+00 : f32
        %parallel_loop3A_456 = vector.broadcast %parallel_loop3A_455 : f32 to vector<16xf32>
        %parallel_loop3A_457 = arith.maximumf %parallel_loop3A_454, %parallel_loop3A_456 : vector<16xf32>
        %parallel_loop3A_458 = arith.constant 0 : i32
        %parallel_loop3A_459 = arith.index_cast %parallel_loop3A_458 : i32 to index
        %parallel_loop3A_460 = arith.index_cast %parallel_loop3A_332 : i32 to index
        %parallel_loop3A_461 = arith.constant 32 : index
        %parallel_loop3A_462 = tpu.vector_load %arg9[%parallel_loop3A_459, %parallel_loop3A_460, %parallel_loop3A_461] {strides = array<i32>} : memref<2x80x128xf32, #tpu.memory_space<vmem>>, vector<1x1x16xf32>,
        %parallel_loop3A_463 = vector.shape_cast %parallel_loop3A_462 : vector<1x1x16xf32> to vector<16xf32>
        %parallel_loop3A_464 = vector.shape_cast %parallel_loop3A_457 : vector<16xf32> to vector<1x1x16xf32>
        tpu.vector_store %arg9[%parallel_loop3A_459, %parallel_loop3A_460, %parallel_loop3A_461], %parallel_loop3A_464 {strides = array<i32>} : memref<2x80x128xf32, #tpu.memory_space<vmem>>, vector<1x1x16xf32>,
        %parallel_loop3A_465 = arith.constant 1 : i32
        %parallel_loop3A_466 = arith.addi %parallel_loop3A_332, %parallel_loop3A_465 : i32
        %parallel_loop3A_467 = arith.constant 0 : i32
        %parallel_loop3A_468 = arith.index_cast %parallel_loop3A_467 : i32 to index
        %parallel_loop3A_469 = arith.index_cast %parallel_loop3A_466 : i32 to index
        %parallel_loop3A_470 = arith.constant 32 : index
        %parallel_loop3A_471 = tpu.vector_load %arg9[%parallel_loop3A_468, %parallel_loop3A_469, %parallel_loop3A_470] {strides = array<i32>} : memref<2x80x128xf32, #tpu.memory_space<vmem>>, vector<1x1x16xf32>,
        %parallel_loop3A_472 = vector.shape_cast %parallel_loop3A_471 : vector<1x1x16xf32> to vector<16xf32>
        %parallel_loop3A_473 = arith.addf %parallel_loop3A_472, %parallel_loop3A_447 : vector<16xf32>
        %parallel_loop3A_474 = arith.constant 0.000000e+00 : f32
        %parallel_loop3A_475 = vector.broadcast %parallel_loop3A_474 : f32 to vector<16xf32>
        %parallel_loop3A_476 = arith.maximumf %parallel_loop3A_473, %parallel_loop3A_475 : vector<16xf32>
        %parallel_loop3A_477 = arith.constant 1 : i32
        %parallel_loop3A_478 = arith.addi %parallel_loop3A_332, %parallel_loop3A_477 : i32
        %parallel_loop3A_479 = arith.constant 0 : i32
        %parallel_loop3A_480 = arith.index_cast %parallel_loop3A_479 : i32 to index
        %parallel_loop3A_481 = arith.index_cast %parallel_loop3A_478 : i32 to index
        %parallel_loop3A_482 = arith.constant 32 : index
        %parallel_loop3A_483 = tpu.vector_load %arg9[%parallel_loop3A_480, %parallel_loop3A_481, %parallel_loop3A_482] {strides = array<i32>} : memref<2x80x128xf32, #tpu.memory_space<vmem>>, vector<1x1x16xf32>,
        %parallel_loop3A_484 = vector.shape_cast %parallel_loop3A_483 : vector<1x1x16xf32> to vector<16xf32>
        %parallel_loop3A_485 = vector.shape_cast %parallel_loop3A_476 : vector<16xf32> to vector<1x1x16xf32>
        tpu.vector_store %arg9[%parallel_loop3A_480, %parallel_loop3A_481, %parallel_loop3A_482], %parallel_loop3A_485 {strides = array<i32>} : memref<2x80x128xf32, #tpu.memory_space<vmem>>, vector<1x1x16xf32>,
        %parallel_loop3A_486 = arith.constant 0 : i32
        %parallel_loop3A_487 = arith.index_cast %parallel_loop3A_486 : i32 to index
        %parallel_loop3A_488 = arith.index_cast %parallel_loop3A_330 : i32 to index
        %parallel_loop3A_489 = arith.constant 48 : index
        %parallel_loop3A_490 = tpu.vector_load %arg10[%parallel_loop3A_487, %parallel_loop3A_488, %parallel_loop3A_489] {strides = array<i32>} : memref<2x40x128xi32, #tpu.memory_space<vmem>>, vector<1x1x16xi32>,
        %parallel_loop3A_491 = vector.shape_cast %parallel_loop3A_490 : vector<1x1x16xi32> to vector<16xi32>
        %parallel_loop3A_492 = arith.constant 16 : i32
        %parallel_loop3A_493 = vector.broadcast %parallel_loop3A_492 : i32 to vector<16xi32>
        %parallel_loop3A_494 = arith.shli %parallel_loop3A_491, %parallel_loop3A_493 : vector<16xi32>
        %parallel_loop3A_495 = tpu.bitcast %parallel_loop3A_494 : vector<16xi32> -> vector<16xf32>
        %parallel_loop3A_496 = vector.broadcast %scan3A_114 : i32 to vector<16xi32>
        %parallel_loop3A_497 = arith.andi %parallel_loop3A_491, %parallel_loop3A_496 : vector<16xi32>
        %parallel_loop3A_498 = tpu.bitcast %parallel_loop3A_497 : vector<16xi32> -> vector<16xf32>
        %parallel_loop3A_499 = arith.constant 0 : i32
        %parallel_loop3A_500 = arith.index_cast %parallel_loop3A_499 : i32 to index
        %parallel_loop3A_501 = arith.index_cast %parallel_loop3A_332 : i32 to index
        %parallel_loop3A_502 = arith.constant 48 : index
        %parallel_loop3A_503 = tpu.vector_load %arg9[%parallel_loop3A_500, %parallel_loop3A_501, %parallel_loop3A_502] {strides = array<i32>} : memref<2x80x128xf32, #tpu.memory_space<vmem>>, vector<1x1x16xf32>,
        %parallel_loop3A_504 = vector.shape_cast %parallel_loop3A_503 : vector<1x1x16xf32> to vector<16xf32>
        %parallel_loop3A_505 = arith.addf %parallel_loop3A_504, %parallel_loop3A_495 : vector<16xf32>
        %parallel_loop3A_506 = arith.constant 0.000000e+00 : f32
        %parallel_loop3A_507 = vector.broadcast %parallel_loop3A_506 : f32 to vector<16xf32>
        %parallel_loop3A_508 = arith.maximumf %parallel_loop3A_505, %parallel_loop3A_507 : vector<16xf32>
        %parallel_loop3A_509 = arith.constant 0 : i32
        %parallel_loop3A_510 = arith.index_cast %parallel_loop3A_509 : i32 to index
        %parallel_loop3A_511 = arith.index_cast %parallel_loop3A_332 : i32 to index
        %parallel_loop3A_512 = arith.constant 48 : index
        %parallel_loop3A_513 = tpu.vector_load %arg9[%parallel_loop3A_510, %parallel_loop3A_511, %parallel_loop3A_512] {strides = array<i32>} : memref<2x80x128xf32, #tpu.memory_space<vmem>>, vector<1x1x16xf32>,
        %parallel_loop3A_514 = vector.shape_cast %parallel_loop3A_513 : vector<1x1x16xf32> to vector<16xf32>
        %parallel_loop3A_515 = vector.shape_cast %parallel_loop3A_508 : vector<16xf32> to vector<1x1x16xf32>
        tpu.vector_store %arg9[%parallel_loop3A_510, %parallel_loop3A_511, %parallel_loop3A_512], %parallel_loop3A_515 {strides = array<i32>} : memref<2x80x128xf32, #tpu.memory_space<vmem>>, vector<1x1x16xf32>,
        %parallel_loop3A_516 = arith.constant 1 : i32
        %parallel_loop3A_517 = arith.addi %parallel_loop3A_332, %parallel_loop3A_516 : i32
        %parallel_loop3A_518 = arith.constant 0 : i32
        %parallel_loop3A_519 = arith.index_cast %parallel_loop3A_518 : i32 to index
        %parallel_loop3A_520 = arith.index_cast %parallel_loop3A_517 : i32 to index
        %parallel_loop3A_521 = arith.constant 48 : index
        %parallel_loop3A_522 = tpu.vector_load %arg9[%parallel_loop3A_519, %parallel_loop3A_520, %parallel_loop3A_521] {strides = array<i32>} : memref<2x80x128xf32, #tpu.memory_space<vmem>>, vector<1x1x16xf32>,
        %parallel_loop3A_523 = vector.shape_cast %parallel_loop3A_522 : vector<1x1x16xf32> to vector<16xf32>
        %parallel_loop3A_524 = arith.addf %parallel_loop3A_523, %parallel_loop3A_498 : vector<16xf32>
        %parallel_loop3A_525 = arith.constant 0.000000e+00 : f32
        %parallel_loop3A_526 = vector.broadcast %parallel_loop3A_525 : f32 to vector<16xf32>
        %parallel_loop3A_527 = arith.maximumf %parallel_loop3A_524, %parallel_loop3A_526 : vector<16xf32>
        %parallel_loop3A_528 = arith.constant 1 : i32
        %parallel_loop3A_529 = arith.addi %parallel_loop3A_332, %parallel_loop3A_528 : i32
        %parallel_loop3A_530 = arith.constant 0 : i32
        %parallel_loop3A_531 = arith.index_cast %parallel_loop3A_530 : i32 to index
        %parallel_loop3A_532 = arith.index_cast %parallel_loop3A_529 : i32 to index
        %parallel_loop3A_533 = arith.constant 48 : index
        %parallel_loop3A_534 = tpu.vector_load %arg9[%parallel_loop3A_531, %parallel_loop3A_532, %parallel_loop3A_533] {strides = array<i32>} : memref<2x80x128xf32, #tpu.memory_space<vmem>>, vector<1x1x16xf32>,
        %parallel_loop3A_535 = vector.shape_cast %parallel_loop3A_534 : vector<1x1x16xf32> to vector<16xf32>
        %parallel_loop3A_536 = vector.shape_cast %parallel_loop3A_527 : vector<16xf32> to vector<1x1x16xf32>
        tpu.vector_store %arg9[%parallel_loop3A_531, %parallel_loop3A_532, %parallel_loop3A_533], %parallel_loop3A_536 {strides = array<i32>} : memref<2x80x128xf32, #tpu.memory_space<vmem>>, vector<1x1x16xf32>,
        %parallel_loop3A_537 = arith.constant 0 : i32
        %parallel_loop3A_538 = arith.index_cast %parallel_loop3A_537 : i32 to index
        %parallel_loop3A_539 = arith.index_cast %parallel_loop3A_330 : i32 to index
        %parallel_loop3A_540 = arith.constant 64 : index
        %parallel_loop3A_541 = tpu.vector_load %arg10[%parallel_loop3A_538, %parallel_loop3A_539, %parallel_loop3A_540] {strides = array<i32>} : memref<2x40x128xi32, #tpu.memory_space<vmem>>, vector<1x1x16xi32>,
        %parallel_loop3A_542 = vector.shape_cast %parallel_loop3A_541 : vector<1x1x16xi32> to vector<16xi32>
        %parallel_loop3A_543 = arith.constant 16 : i32
        %parallel_loop3A_544 = vector.broadcast %parallel_loop3A_543 : i32 to vector<16xi32>
        %parallel_loop3A_545 = arith.shli %parallel_loop3A_542, %parallel_loop3A_544 : vector<16xi32>
        %parallel_loop3A_546 = tpu.bitcast %parallel_loop3A_545 : vector<16xi32> -> vector<16xf32>
        %parallel_loop3A_547 = vector.broadcast %scan3A_114 : i32 to vector<16xi32>
        %parallel_loop3A_548 = arith.andi %parallel_loop3A_542, %parallel_loop3A_547 : vector<16xi32>
        %parallel_loop3A_549 = tpu.bitcast %parallel_loop3A_548 : vector<16xi32> -> vector<16xf32>
        %parallel_loop3A_550 = arith.constant 0 : i32
        %parallel_loop3A_551 = arith.index_cast %parallel_loop3A_550 : i32 to index
        %parallel_loop3A_552 = arith.index_cast %parallel_loop3A_332 : i32 to index
        %parallel_loop3A_553 = arith.constant 64 : index
        %parallel_loop3A_554 = tpu.vector_load %arg9[%parallel_loop3A_551, %parallel_loop3A_552, %parallel_loop3A_553] {strides = array<i32>} : memref<2x80x128xf32, #tpu.memory_space<vmem>>, vector<1x1x16xf32>,
        %parallel_loop3A_555 = vector.shape_cast %parallel_loop3A_554 : vector<1x1x16xf32> to vector<16xf32>
        %parallel_loop3A_556 = arith.addf %parallel_loop3A_555, %parallel_loop3A_546 : vector<16xf32>
        %parallel_loop3A_557 = arith.constant 0.000000e+00 : f32
        %parallel_loop3A_558 = vector.broadcast %parallel_loop3A_557 : f32 to vector<16xf32>
        %parallel_loop3A_559 = arith.maximumf %parallel_loop3A_556, %parallel_loop3A_558 : vector<16xf32>
        %parallel_loop3A_560 = arith.constant 0 : i32
        %parallel_loop3A_561 = arith.index_cast %parallel_loop3A_560 : i32 to index
        %parallel_loop3A_562 = arith.index_cast %parallel_loop3A_332 : i32 to index
        %parallel_loop3A_563 = arith.constant 64 : index
        %parallel_loop3A_564 = tpu.vector_load %arg9[%parallel_loop3A_561, %parallel_loop3A_562, %parallel_loop3A_563] {strides = array<i32>} : memref<2x80x128xf32, #tpu.memory_space<vmem>>, vector<1x1x16xf32>,
        %parallel_loop3A_565 = vector.shape_cast %parallel_loop3A_564 : vector<1x1x16xf32> to vector<16xf32>
        %parallel_loop3A_566 = vector.shape_cast %parallel_loop3A_559 : vector<16xf32> to vector<1x1x16xf32>
        tpu.vector_store %arg9[%parallel_loop3A_561, %parallel_loop3A_562, %parallel_loop3A_563], %parallel_loop3A_566 {strides = array<i32>} : memref<2x80x128xf32, #tpu.memory_space<vmem>>, vector<1x1x16xf32>,
        %parallel_loop3A_567 = arith.constant 1 : i32
        %parallel_loop3A_568 = arith.addi %parallel_loop3A_332, %parallel_loop3A_567 : i32
        %parallel_loop3A_569 = arith.constant 0 : i32
        %parallel_loop3A_570 = arith.index_cast %parallel_loop3A_569 : i32 to index
        %parallel_loop3A_571 = arith.index_cast %parallel_loop3A_568 : i32 to index
        %parallel_loop3A_572 = arith.constant 64 : index
        %parallel_loop3A_573 = tpu.vector_load %arg9[%parallel_loop3A_570, %parallel_loop3A_571, %parallel_loop3A_572] {strides = array<i32>} : memref<2x80x128xf32, #tpu.memory_space<vmem>>, vector<1x1x16xf32>,
        %parallel_loop3A_574 = vector.shape_cast %parallel_loop3A_573 : vector<1x1x16xf32> to vector<16xf32>
        %parallel_loop3A_575 = arith.addf %parallel_loop3A_574, %parallel_loop3A_549 : vector<16xf32>
        %parallel_loop3A_576 = arith.constant 0.000000e+00 : f32
        %parallel_loop3A_577 = vector.broadcast %parallel_loop3A_576 : f32 to vector<16xf32>
        %parallel_loop3A_578 = arith.maximumf %parallel_loop3A_575, %parallel_loop3A_577 : vector<16xf32>
        %parallel_loop3A_579 = arith.constant 1 : i32
        %parallel_loop3A_580 = arith.addi %parallel_loop3A_332, %parallel_loop3A_579 : i32
        %parallel_loop3A_581 = arith.constant 0 : i32
        %parallel_loop3A_582 = arith.index_cast %parallel_loop3A_581 : i32 to index
        %parallel_loop3A_583 = arith.index_cast %parallel_loop3A_580 : i32 to index
        %parallel_loop3A_584 = arith.constant 64 : index
        %parallel_loop3A_585 = tpu.vector_load %arg9[%parallel_loop3A_582, %parallel_loop3A_583, %parallel_loop3A_584] {strides = array<i32>} : memref<2x80x128xf32, #tpu.memory_space<vmem>>, vector<1x1x16xf32>,
        %parallel_loop3A_586 = vector.shape_cast %parallel_loop3A_585 : vector<1x1x16xf32> to vector<16xf32>
        %parallel_loop3A_587 = vector.shape_cast %parallel_loop3A_578 : vector<16xf32> to vector<1x1x16xf32>
        tpu.vector_store %arg9[%parallel_loop3A_582, %parallel_loop3A_583, %parallel_loop3A_584], %parallel_loop3A_587 {strides = array<i32>} : memref<2x80x128xf32, #tpu.memory_space<vmem>>, vector<1x1x16xf32>,
        %parallel_loop3A_588 = arith.constant 0 : i32
        %parallel_loop3A_589 = arith.index_cast %parallel_loop3A_588 : i32 to index
        %parallel_loop3A_590 = arith.index_cast %parallel_loop3A_330 : i32 to index
        %parallel_loop3A_591 = arith.constant 80 : index
        %parallel_loop3A_592 = tpu.vector_load %arg10[%parallel_loop3A_589, %parallel_loop3A_590, %parallel_loop3A_591] {strides = array<i32>} : memref<2x40x128xi32, #tpu.memory_space<vmem>>, vector<1x1x16xi32>,
        %parallel_loop3A_593 = vector.shape_cast %parallel_loop3A_592 : vector<1x1x16xi32> to vector<16xi32>
        %parallel_loop3A_594 = arith.constant 16 : i32
        %parallel_loop3A_595 = vector.broadcast %parallel_loop3A_594 : i32 to vector<16xi32>
        %parallel_loop3A_596 = arith.shli %parallel_loop3A_593, %parallel_loop3A_595 : vector<16xi32>
        %parallel_loop3A_597 = tpu.bitcast %parallel_loop3A_596 : vector<16xi32> -> vector<16xf32>
        %parallel_loop3A_598 = vector.broadcast %scan3A_114 : i32 to vector<16xi32>
        %parallel_loop3A_599 = arith.andi %parallel_loop3A_593, %parallel_loop3A_598 : vector<16xi32>
        %parallel_loop3A_600 = tpu.bitcast %parallel_loop3A_599 : vector<16xi32> -> vector<16xf32>
        %parallel_loop3A_601 = arith.constant 0 : i32
        %parallel_loop3A_602 = arith.index_cast %parallel_loop3A_601 : i32 to index
        %parallel_loop3A_603 = arith.index_cast %parallel_loop3A_332 : i32 to index
        %parallel_loop3A_604 = arith.constant 80 : index
        %parallel_loop3A_605 = tpu.vector_load %arg9[%parallel_loop3A_602, %parallel_loop3A_603, %parallel_loop3A_604] {strides = array<i32>} : memref<2x80x128xf32, #tpu.memory_space<vmem>>, vector<1x1x16xf32>,
        %parallel_loop3A_606 = vector.shape_cast %parallel_loop3A_605 : vector<1x1x16xf32> to vector<16xf32>
        %parallel_loop3A_607 = arith.addf %parallel_loop3A_606, %parallel_loop3A_597 : vector<16xf32>
        %parallel_loop3A_608 = arith.constant 0.000000e+00 : f32
        %parallel_loop3A_609 = vector.broadcast %parallel_loop3A_608 : f32 to vector<16xf32>
        %parallel_loop3A_610 = arith.maximumf %parallel_loop3A_607, %parallel_loop3A_609 : vector<16xf32>
        %parallel_loop3A_611 = arith.constant 0 : i32
        %parallel_loop3A_612 = arith.index_cast %parallel_loop3A_611 : i32 to index
        %parallel_loop3A_613 = arith.index_cast %parallel_loop3A_332 : i32 to index
        %parallel_loop3A_614 = arith.constant 80 : index
        %parallel_loop3A_615 = tpu.vector_load %arg9[%parallel_loop3A_612, %parallel_loop3A_613, %parallel_loop3A_614] {strides = array<i32>} : memref<2x80x128xf32, #tpu.memory_space<vmem>>, vector<1x1x16xf32>,
        %parallel_loop3A_616 = vector.shape_cast %parallel_loop3A_615 : vector<1x1x16xf32> to vector<16xf32>
        %parallel_loop3A_617 = vector.shape_cast %parallel_loop3A_610 : vector<16xf32> to vector<1x1x16xf32>
        tpu.vector_store %arg9[%parallel_loop3A_612, %parallel_loop3A_613, %parallel_loop3A_614], %parallel_loop3A_617 {strides = array<i32>} : memref<2x80x128xf32, #tpu.memory_space<vmem>>, vector<1x1x16xf32>,
        %parallel_loop3A_618 = arith.constant 1 : i32
        %parallel_loop3A_619 = arith.addi %parallel_loop3A_332, %parallel_loop3A_618 : i32
        %parallel_loop3A_620 = arith.constant 0 : i32
        %parallel_loop3A_621 = arith.index_cast %parallel_loop3A_620 : i32 to index
        %parallel_loop3A_622 = arith.index_cast %parallel_loop3A_619 : i32 to index
        %parallel_loop3A_623 = arith.constant 80 : index
        %parallel_loop3A_624 = tpu.vector_load %arg9[%parallel_loop3A_621, %parallel_loop3A_622, %parallel_loop3A_623] {strides = array<i32>} : memref<2x80x128xf32, #tpu.memory_space<vmem>>, vector<1x1x16xf32>,
        %parallel_loop3A_625 = vector.shape_cast %parallel_loop3A_624 : vector<1x1x16xf32> to vector<16xf32>
        %parallel_loop3A_626 = arith.addf %parallel_loop3A_625, %parallel_loop3A_600 : vector<16xf32>
        %parallel_loop3A_627 = arith.constant 0.000000e+00 : f32
        %parallel_loop3A_628 = vector.broadcast %parallel_loop3A_627 : f32 to vector<16xf32>
        %parallel_loop3A_629 = arith.maximumf %parallel_loop3A_626, %parallel_loop3A_628 : vector<16xf32>
        %parallel_loop3A_630 = arith.constant 1 : i32
        %parallel_loop3A_631 = arith.addi %parallel_loop3A_332, %parallel_loop3A_630 : i32
        %parallel_loop3A_632 = arith.constant 0 : i32
        %parallel_loop3A_633 = arith.index_cast %parallel_loop3A_632 : i32 to index
        %parallel_loop3A_634 = arith.index_cast %parallel_loop3A_631 : i32 to index
        %parallel_loop3A_635 = arith.constant 80 : index
        %parallel_loop3A_636 = tpu.vector_load %arg9[%parallel_loop3A_633, %parallel_loop3A_634, %parallel_loop3A_635] {strides = array<i32>} : memref<2x80x128xf32, #tpu.memory_space<vmem>>, vector<1x1x16xf32>,
        %parallel_loop3A_637 = vector.shape_cast %parallel_loop3A_636 : vector<1x1x16xf32> to vector<16xf32>
        %parallel_loop3A_638 = vector.shape_cast %parallel_loop3A_629 : vector<16xf32> to vector<1x1x16xf32>
        tpu.vector_store %arg9[%parallel_loop3A_633, %parallel_loop3A_634, %parallel_loop3A_635], %parallel_loop3A_638 {strides = array<i32>} : memref<2x80x128xf32, #tpu.memory_space<vmem>>, vector<1x1x16xf32>,
        %parallel_loop3A_639 = arith.constant 0 : i32
        %parallel_loop3A_640 = arith.index_cast %parallel_loop3A_639 : i32 to index
        %parallel_loop3A_641 = arith.index_cast %parallel_loop3A_330 : i32 to index
        %parallel_loop3A_642 = arith.constant 96 : index
        %parallel_loop3A_643 = tpu.vector_load %arg10[%parallel_loop3A_640, %parallel_loop3A_641, %parallel_loop3A_642] {strides = array<i32>} : memref<2x40x128xi32, #tpu.memory_space<vmem>>, vector<1x1x16xi32>,
        %parallel_loop3A_644 = vector.shape_cast %parallel_loop3A_643 : vector<1x1x16xi32> to vector<16xi32>
        %parallel_loop3A_645 = arith.constant 16 : i32
        %parallel_loop3A_646 = vector.broadcast %parallel_loop3A_645 : i32 to vector<16xi32>
        %parallel_loop3A_647 = arith.shli %parallel_loop3A_644, %parallel_loop3A_646 : vector<16xi32>
        %parallel_loop3A_648 = tpu.bitcast %parallel_loop3A_647 : vector<16xi32> -> vector<16xf32>
        %parallel_loop3A_649 = vector.broadcast %scan3A_114 : i32 to vector<16xi32>
        %parallel_loop3A_650 = arith.andi %parallel_loop3A_644, %parallel_loop3A_649 : vector<16xi32>
        %parallel_loop3A_651 = tpu.bitcast %parallel_loop3A_650 : vector<16xi32> -> vector<16xf32>
        %parallel_loop3A_652 = arith.constant 0 : i32
        %parallel_loop3A_653 = arith.index_cast %parallel_loop3A_652 : i32 to index
        %parallel_loop3A_654 = arith.index_cast %parallel_loop3A_332 : i32 to index
        %parallel_loop3A_655 = arith.constant 96 : index
        %parallel_loop3A_656 = tpu.vector_load %arg9[%parallel_loop3A_653, %parallel_loop3A_654, %parallel_loop3A_655] {strides = array<i32>} : memref<2x80x128xf32, #tpu.memory_space<vmem>>, vector<1x1x16xf32>,
        %parallel_loop3A_657 = vector.shape_cast %parallel_loop3A_656 : vector<1x1x16xf32> to vector<16xf32>
        %parallel_loop3A_658 = arith.addf %parallel_loop3A_657, %parallel_loop3A_648 : vector<16xf32>
        %parallel_loop3A_659 = arith.constant 0.000000e+00 : f32
        %parallel_loop3A_660 = vector.broadcast %parallel_loop3A_659 : f32 to vector<16xf32>
        %parallel_loop3A_661 = arith.maximumf %parallel_loop3A_658, %parallel_loop3A_660 : vector<16xf32>
        %parallel_loop3A_662 = arith.constant 0 : i32
        %parallel_loop3A_663 = arith.index_cast %parallel_loop3A_662 : i32 to index
        %parallel_loop3A_664 = arith.index_cast %parallel_loop3A_332 : i32 to index
        %parallel_loop3A_665 = arith.constant 96 : index
        %parallel_loop3A_666 = tpu.vector_load %arg9[%parallel_loop3A_663, %parallel_loop3A_664, %parallel_loop3A_665] {strides = array<i32>} : memref<2x80x128xf32, #tpu.memory_space<vmem>>, vector<1x1x16xf32>,
        %parallel_loop3A_667 = vector.shape_cast %parallel_loop3A_666 : vector<1x1x16xf32> to vector<16xf32>
        %parallel_loop3A_668 = vector.shape_cast %parallel_loop3A_661 : vector<16xf32> to vector<1x1x16xf32>
        tpu.vector_store %arg9[%parallel_loop3A_663, %parallel_loop3A_664, %parallel_loop3A_665], %parallel_loop3A_668 {strides = array<i32>} : memref<2x80x128xf32, #tpu.memory_space<vmem>>, vector<1x1x16xf32>,
        %parallel_loop3A_669 = arith.constant 1 : i32
        %parallel_loop3A_670 = arith.addi %parallel_loop3A_332, %parallel_loop3A_669 : i32
        %parallel_loop3A_671 = arith.constant 0 : i32
        %parallel_loop3A_672 = arith.index_cast %parallel_loop3A_671 : i32 to index
        %parallel_loop3A_673 = arith.index_cast %parallel_loop3A_670 : i32 to index
        %parallel_loop3A_674 = arith.constant 96 : index
        %parallel_loop3A_675 = tpu.vector_load %arg9[%parallel_loop3A_672, %parallel_loop3A_673, %parallel_loop3A_674] {strides = array<i32>} : memref<2x80x128xf32, #tpu.memory_space<vmem>>, vector<1x1x16xf32>,
        %parallel_loop3A_676 = vector.shape_cast %parallel_loop3A_675 : vector<1x1x16xf32> to vector<16xf32>
        %parallel_loop3A_677 = arith.addf %parallel_loop3A_676, %parallel_loop3A_651 : vector<16xf32>
        %parallel_loop3A_678 = arith.constant 0.000000e+00 : f32
        %parallel_loop3A_679 = vector.broadcast %parallel_loop3A_678 : f32 to vector<16xf32>
        %parallel_loop3A_680 = arith.maximumf %parallel_loop3A_677, %parallel_loop3A_679 : vector<16xf32>
        %parallel_loop3A_681 = arith.constant 1 : i32
        %parallel_loop3A_682 = arith.addi %parallel_loop3A_332, %parallel_loop3A_681 : i32
        %parallel_loop3A_683 = arith.constant 0 : i32
        %parallel_loop3A_684 = arith.index_cast %parallel_loop3A_683 : i32 to index
        %parallel_loop3A_685 = arith.index_cast %parallel_loop3A_682 : i32 to index
        %parallel_loop3A_686 = arith.constant 96 : index
        %parallel_loop3A_687 = tpu.vector_load %arg9[%parallel_loop3A_684, %parallel_loop3A_685, %parallel_loop3A_686] {strides = array<i32>} : memref<2x80x128xf32, #tpu.memory_space<vmem>>, vector<1x1x16xf32>,
        %parallel_loop3A_688 = vector.shape_cast %parallel_loop3A_687 : vector<1x1x16xf32> to vector<16xf32>
        %parallel_loop3A_689 = vector.shape_cast %parallel_loop3A_680 : vector<16xf32> to vector<1x1x16xf32>
        tpu.vector_store %arg9[%parallel_loop3A_684, %parallel_loop3A_685, %parallel_loop3A_686], %parallel_loop3A_689 {strides = array<i32>} : memref<2x80x128xf32, #tpu.memory_space<vmem>>, vector<1x1x16xf32>,
        %parallel_loop3A_690 = arith.constant 0 : i32
        %parallel_loop3A_691 = arith.index_cast %parallel_loop3A_690 : i32 to index
        %parallel_loop3A_692 = arith.index_cast %parallel_loop3A_330 : i32 to index
        %parallel_loop3A_693 = arith.constant 112 : index
        %parallel_loop3A_694 = tpu.vector_load %arg10[%parallel_loop3A_691, %parallel_loop3A_692, %parallel_loop3A_693] {strides = array<i32>} : memref<2x40x128xi32, #tpu.memory_space<vmem>>, vector<1x1x16xi32>,
        %parallel_loop3A_695 = vector.shape_cast %parallel_loop3A_694 : vector<1x1x16xi32> to vector<16xi32>
        %parallel_loop3A_696 = arith.constant 16 : i32
        %parallel_loop3A_697 = vector.broadcast %parallel_loop3A_696 : i32 to vector<16xi32>
        %parallel_loop3A_698 = arith.shli %parallel_loop3A_695, %parallel_loop3A_697 : vector<16xi32>
        %parallel_loop3A_699 = tpu.bitcast %parallel_loop3A_698 : vector<16xi32> -> vector<16xf32>
        %parallel_loop3A_700 = vector.broadcast %scan3A_114 : i32 to vector<16xi32>
        %parallel_loop3A_701 = arith.andi %parallel_loop3A_695, %parallel_loop3A_700 : vector<16xi32>
        %parallel_loop3A_702 = tpu.bitcast %parallel_loop3A_701 : vector<16xi32> -> vector<16xf32>
        %parallel_loop3A_703 = arith.constant 0 : i32
        %parallel_loop3A_704 = arith.index_cast %parallel_loop3A_703 : i32 to index
        %parallel_loop3A_705 = arith.index_cast %parallel_loop3A_332 : i32 to index
        %parallel_loop3A_706 = arith.constant 112 : index
        %parallel_loop3A_707 = tpu.vector_load %arg9[%parallel_loop3A_704, %parallel_loop3A_705, %parallel_loop3A_706] {strides = array<i32>} : memref<2x80x128xf32, #tpu.memory_space<vmem>>, vector<1x1x16xf32>,
        %parallel_loop3A_708 = vector.shape_cast %parallel_loop3A_707 : vector<1x1x16xf32> to vector<16xf32>
        %parallel_loop3A_709 = arith.addf %parallel_loop3A_708, %parallel_loop3A_699 : vector<16xf32>
        %parallel_loop3A_710 = arith.constant 0.000000e+00 : f32
        %parallel_loop3A_711 = vector.broadcast %parallel_loop3A_710 : f32 to vector<16xf32>
        %parallel_loop3A_712 = arith.maximumf %parallel_loop3A_709, %parallel_loop3A_711 : vector<16xf32>
        %parallel_loop3A_713 = arith.constant 0 : i32
        %parallel_loop3A_714 = arith.index_cast %parallel_loop3A_713 : i32 to index
        %parallel_loop3A_715 = arith.index_cast %parallel_loop3A_332 : i32 to index
        %parallel_loop3A_716 = arith.constant 112 : index
        %parallel_loop3A_717 = tpu.vector_load %arg9[%parallel_loop3A_714, %parallel_loop3A_715, %parallel_loop3A_716] {strides = array<i32>} : memref<2x80x128xf32, #tpu.memory_space<vmem>>, vector<1x1x16xf32>,
        %parallel_loop3A_718 = vector.shape_cast %parallel_loop3A_717 : vector<1x1x16xf32> to vector<16xf32>
        %parallel_loop3A_719 = vector.shape_cast %parallel_loop3A_712 : vector<16xf32> to vector<1x1x16xf32>
        tpu.vector_store %arg9[%parallel_loop3A_714, %parallel_loop3A_715, %parallel_loop3A_716], %parallel_loop3A_719 {strides = array<i32>} : memref<2x80x128xf32, #tpu.memory_space<vmem>>, vector<1x1x16xf32>,
        %parallel_loop3A_720 = arith.constant 1 : i32
        %parallel_loop3A_721 = arith.addi %parallel_loop3A_332, %parallel_loop3A_720 : i32
        %parallel_loop3A_722 = arith.constant 0 : i32
        %parallel_loop3A_723 = arith.index_cast %parallel_loop3A_722 : i32 to index
        %parallel_loop3A_724 = arith.index_cast %parallel_loop3A_721 : i32 to index
        %parallel_loop3A_725 = arith.constant 112 : index
        %parallel_loop3A_726 = tpu.vector_load %arg9[%parallel_loop3A_723, %parallel_loop3A_724, %parallel_loop3A_725] {strides = array<i32>} : memref<2x80x128xf32, #tpu.memory_space<vmem>>, vector<1x1x16xf32>,
        %parallel_loop3A_727 = vector.shape_cast %parallel_loop3A_726 : vector<1x1x16xf32> to vector<16xf32>
        %parallel_loop3A_728 = arith.addf %parallel_loop3A_727, %parallel_loop3A_702 : vector<16xf32>
        %parallel_loop3A_729 = arith.constant 0.000000e+00 : f32
        %parallel_loop3A_730 = vector.broadcast %parallel_loop3A_729 : f32 to vector<16xf32>
        %parallel_loop3A_731 = arith.maximumf %parallel_loop3A_728, %parallel_loop3A_730 : vector<16xf32>
        %parallel_loop3A_732 = arith.constant 1 : i32
        %parallel_loop3A_733 = arith.addi %parallel_loop3A_332, %parallel_loop3A_732 : i32
        %parallel_loop3A_734 = arith.constant 0 : i32
        %parallel_loop3A_735 = arith.index_cast %parallel_loop3A_734 : i32 to index
        %parallel_loop3A_736 = arith.index_cast %parallel_loop3A_733 : i32 to index
        %parallel_loop3A_737 = arith.constant 112 : index
        %parallel_loop3A_738 = tpu.vector_load %arg9[%parallel_loop3A_735, %parallel_loop3A_736, %parallel_loop3A_737] {strides = array<i32>} : memref<2x80x128xf32, #tpu.memory_space<vmem>>, vector<1x1x16xf32>,
        %parallel_loop3A_739 = vector.shape_cast %parallel_loop3A_738 : vector<1x1x16xf32> to vector<16xf32>
        %parallel_loop3A_740 = vector.shape_cast %parallel_loop3A_731 : vector<16xf32> to vector<1x1x16xf32>
        tpu.vector_store %arg9[%parallel_loop3A_735, %parallel_loop3A_736, %parallel_loop3A_737], %parallel_loop3A_740 {strides = array<i32>} : memref<2x80x128xf32, #tpu.memory_space<vmem>>, vector<1x1x16xf32>,
      } {sc.loop_unroll_factor = 4 : i64, sc.parallel_access}
      %dma_start3A_271 = arith.constant 0 : i32
      %dma_start3A_272 = arith.constant 0 : i32
      %dma_start3A_273 = arith.constant 0 : i32
      %dma_start3A_274 = arith.constant 0 : i32
      %dma_start3A_275 = tpu.memref_slice %arg9[%dma_start3A_271, %dma_start3A_273, %dma_start3A_274] : memref<2x80x128xf32, #tpu.memory_space<vmem>> -> memref<1x80x128xf32, #tpu.memory_space<vmem>>
      %dma_start3A_276 = tpu.memref_squeeze %dma_start3A_275 : memref<1x80x128xf32, #tpu.memory_space<vmem>> -> memref<80x128xf32, #tpu.memory_space<vmem>>
      %dma_start3A_277 = arith.constant 0 : i32
      %dma_start3A_278 = tpu.memref_slice %arg8[%dma_start3A_272, %dma_start3A_277] : memref<2x80xi32, #tpu.memory_space<vmem>> -> memref<1x80xi32, #tpu.memory_space<vmem>>
      %dma_start3A_279 = tpu.memref_squeeze %dma_start3A_278 : memref<1x80xi32, #tpu.memory_space<vmem>> -> memref<80xi32, #tpu.memory_space<vmem>>
      %dma_start3A_280 = arith.constant 0 : i32
      %dma_start3A_281 = arith.constant 0 : i32
      %dma_start3A_282 = tpu.memref_slice %arg15[%dma_start3A_280, %dma_start3A_281] : memref<10240x128xf32, #tpu.memory_space<vmem_shared>> -> memref<10240x128xf32, #tpu.memory_space<vmem_shared>>
      tpu.enqueue_indirect_dma source(%dma_start3A_276 : memref<80x128xf32, #tpu.memory_space<vmem>>) target(%dma_start3A_282 : memref<10240x128xf32, #tpu.memory_space<vmem_shared>>) offsets(%dma_start3A_279 : memref<80xi32, #tpu.memory_space<vmem>>) semaphore(%arg13 : memref<!tpu.dma_semaphore, #tpu.memory_space<semaphore_mem>>) {add = true}
      %dma_wait3A_283 = arith.constant 1 : i32
      %dma_wait3A_284 = arith.constant 0 : i32
      %dma_wait3A_285 = arith.constant 0 : i32
      %dma_wait3A_286 = tpu.memref_slice %arg10[%dma_wait3A_283, %dma_wait3A_284, %dma_wait3A_285] : memref<2x40x128xi32, #tpu.memory_space<vmem>> -> memref<1x40x128xi32, #tpu.memory_space<vmem>>
      %dma_wait3A_287 = tpu.memref_squeeze %dma_wait3A_286 : memref<1x40x128xi32, #tpu.memory_space<vmem>> -> memref<40x128xi32, #tpu.memory_space<vmem>>
      %dma_wait3A_288 = arith.constant 0 : i32
      %dma_wait3A_289 = arith.constant 0 : i32
      %dma_wait3A_290 = tpu.memref_slice %arg5[%dma_wait3A_288, %dma_wait3A_289] : memref<160000x128xi32, #tpu.memory_space<hbm>> -> memref<40x128xi32, #tpu.memory_space<hbm>>
      %dma_wait3A_291 = arith.constant 0 : i32
      %dma_wait3A_292 = arith.constant 0 : i32
      %dma_wait3A_293 = tpu.memref_slice %arg10[%dma_wait3A_283, %dma_wait3A_291, %dma_wait3A_292] : memref<2x40x128xi32, #tpu.memory_space<vmem>> -> memref<1x40x128xi32, #tpu.memory_space<vmem>>
      %dma_wait3A_294 = tpu.memref_squeeze %dma_wait3A_293 : memref<1x40x128xi32, #tpu.memory_space<vmem>> -> memref<40x128xi32, #tpu.memory_space<vmem>>
      %dma_wait3A_295 = arith.constant 0 : i32
      %dma_wait3A_296 = arith.constant 0 : i32
      %dma_wait3A_297 = tpu.memref_slice %arg5[%dma_wait3A_295, %dma_wait3A_296] : memref<160000x128xi32, #tpu.memory_space<hbm>> -> memref<40x128xi32, #tpu.memory_space<hbm>>
      tpu.wait_dma2 semaphore(%arg12 : memref<!tpu.dma_semaphore, #tpu.memory_space<semaphore_mem>>) src(%dma_wait3A_297 : memref<40x128xi32, #tpu.memory_space<hbm>>) dst(%dma_wait3A_294 : memref<40x128xi32, #tpu.memory_space<vmem>>)
      %dma_wait3A_298 = arith.constant 1 : i32
      %dma_wait3A_299 = arith.constant 0 : i32
      %dma_wait3A_300 = arith.constant 0 : i32
      %dma_wait3A_301 = tpu.memref_slice %arg9[%dma_wait3A_298, %dma_wait3A_299, %dma_wait3A_300] : memref<2x80x128xf32, #tpu.memory_space<vmem>> -> memref<1x80x128xf32, #tpu.memory_space<vmem>>
      %dma_wait3A_302 = tpu.memref_squeeze %dma_wait3A_301 : memref<1x80x128xf32, #tpu.memory_space<vmem>> -> memref<80x128xf32, #tpu.memory_space<vmem>>
      %dma_wait3A_303 = arith.constant 0 : i32
      %dma_wait3A_304 = arith.constant 0 : i32
      %dma_wait3A_305 = tpu.memref_slice %arg2[%dma_wait3A_303, %dma_wait3A_304] : memref<10000x128xf32, #tpu.memory_space<hbm>> -> memref<80x128xf32, #tpu.memory_space<hbm>>
      %dma_wait3A_306 = arith.constant 0 : i32
      %dma_wait3A_307 = arith.constant 0 : i32
      %dma_wait3A_308 = tpu.memref_slice %arg9[%dma_wait3A_298, %dma_wait3A_306, %dma_wait3A_307] : memref<2x80x128xf32, #tpu.memory_space<vmem>> -> memref<1x80x128xf32, #tpu.memory_space<vmem>>
      %dma_wait3A_309 = tpu.memref_squeeze %dma_wait3A_308 : memref<1x80x128xf32, #tpu.memory_space<vmem>> -> memref<80x128xf32, #tpu.memory_space<vmem>>
      %dma_wait3A_310 = arith.constant 0 : i32
      %dma_wait3A_311 = arith.constant 0 : i32
      %dma_wait3A_312 = tpu.memref_slice %arg2[%dma_wait3A_310, %dma_wait3A_311] : memref<10000x128xf32, #tpu.memory_space<hbm>> -> memref<80x128xf32, #tpu.memory_space<hbm>>
      tpu.wait_dma2 semaphore(%arg12 : memref<!tpu.dma_semaphore, #tpu.memory_space<semaphore_mem>>) src(%dma_wait3A_312 : memref<80x128xf32, #tpu.memory_space<hbm>>) dst(%dma_wait3A_309 : memref<80x128xf32, #tpu.memory_space<vmem>>)
      %parallel_loop3A_313 = arith.constant 0 : i32
      %parallel_loop3A_314 = arith.constant 40 : i32
      %parallel_loop3A_315 = arith.constant 1 : i32
      scf.for %parallel_loop3A_330 = %parallel_loop3A_313 to %parallel_loop3A_314 step %parallel_loop3A_315  : i32 {
        %parallel_loop3A_331 = arith.constant 2 : i32
        %parallel_loop3A_332 = arith.muli %parallel_loop3A_331, %parallel_loop3A_330 : i32
        %parallel_loop3A_333 = arith.constant 1 : i32
        %parallel_loop3A_334 = arith.index_cast %parallel_loop3A_333 : i32 to index
        %parallel_loop3A_335 = arith.index_cast %parallel_loop3A_330 : i32 to index
        %parallel_loop3A_336 = arith.constant 0 : index
        %parallel_loop3A_337 = tpu.vector_load %arg10[%parallel_loop3A_334, %parallel_loop3A_335, %parallel_loop3A_336] {strides = array<i32>} : memref<2x40x128xi32, #tpu.memory_space<vmem>>, vector<1x1x16xi32>,
        %parallel_loop3A_338 = vector.shape_cast %parallel_loop3A_337 : vector<1x1x16xi32> to vector<16xi32>
        %parallel_loop3A_339 = arith.constant 16 : i32
        %parallel_loop3A_340 = vector.broadcast %parallel_loop3A_339 : i32 to vector<16xi32>
        %parallel_loop3A_341 = arith.shli %parallel_loop3A_338, %parallel_loop3A_340 : vector<16xi32>
        %parallel_loop3A_342 = tpu.bitcast %parallel_loop3A_341 : vector<16xi32> -> vector<16xf32>
        %parallel_loop3A_343 = vector.broadcast %scan3A_114 : i32 to vector<16xi32>
        %parallel_loop3A_344 = arith.andi %parallel_loop3A_338, %parallel_loop3A_343 : vector<16xi32>
        %parallel_loop3A_345 = tpu.bitcast %parallel_loop3A_344 : vector<16xi32> -> vector<16xf32>
        %parallel_loop3A_346 = arith.constant 1 : i32
        %parallel_loop3A_347 = arith.index_cast %parallel_loop3A_346 : i32 to index
        %parallel_loop3A_348 = arith.index_cast %parallel_loop3A_332 : i32 to index
        %parallel_loop3A_349 = arith.constant 0 : index
        %parallel_loop3A_350 = tpu.vector_load %arg9[%parallel_loop3A_347, %parallel_loop3A_348, %parallel_loop3A_349] {strides = array<i32>} : memref<2x80x128xf32, #tpu.memory_space<vmem>>, vector<1x1x16xf32>,
        %parallel_loop3A_351 = vector.shape_cast %parallel_loop3A_350 : vector<1x1x16xf32> to vector<16xf32>
        %parallel_loop3A_352 = arith.addf %parallel_loop3A_351, %parallel_loop3A_342 : vector<16xf32>
        %parallel_loop3A_353 = arith.constant 0.000000e+00 : f32
        %parallel_loop3A_354 = vector.broadcast %parallel_loop3A_353 : f32 to vector<16xf32>
        %parallel_loop3A_355 = arith.maximumf %parallel_loop3A_352, %parallel_loop3A_354 : vector<16xf32>
        %parallel_loop3A_356 = arith.constant 1 : i32
        %parallel_loop3A_357 = arith.index_cast %parallel_loop3A_356 : i32 to index
        %parallel_loop3A_358 = arith.index_cast %parallel_loop3A_332 : i32 to index
        %parallel_loop3A_359 = arith.constant 0 : index
        %parallel_loop3A_360 = tpu.vector_load %arg9[%parallel_loop3A_357, %parallel_loop3A_358, %parallel_loop3A_359] {strides = array<i32>} : memref<2x80x128xf32, #tpu.memory_space<vmem>>, vector<1x1x16xf32>,
        %parallel_loop3A_361 = vector.shape_cast %parallel_loop3A_360 : vector<1x1x16xf32> to vector<16xf32>
        %parallel_loop3A_362 = vector.shape_cast %parallel_loop3A_355 : vector<16xf32> to vector<1x1x16xf32>
        tpu.vector_store %arg9[%parallel_loop3A_357, %parallel_loop3A_358, %parallel_loop3A_359], %parallel_loop3A_362 {strides = array<i32>} : memref<2x80x128xf32, #tpu.memory_space<vmem>>, vector<1x1x16xf32>,
        %parallel_loop3A_363 = arith.constant 1 : i32
        %parallel_loop3A_364 = arith.addi %parallel_loop3A_332, %parallel_loop3A_363 : i32
        %parallel_loop3A_365 = arith.constant 1 : i32
        %parallel_loop3A_366 = arith.index_cast %parallel_loop3A_365 : i32 to index
        %parallel_loop3A_367 = arith.index_cast %parallel_loop3A_364 : i32 to index
        %parallel_loop3A_368 = arith.constant 0 : index
        %parallel_loop3A_369 = tpu.vector_load %arg9[%parallel_loop3A_366, %parallel_loop3A_367, %parallel_loop3A_368] {strides = array<i32>} : memref<2x80x128xf32, #tpu.memory_space<vmem>>, vector<1x1x16xf32>,
        %parallel_loop3A_370 = vector.shape_cast %parallel_loop3A_369 : vector<1x1x16xf32> to vector<16xf32>
        %parallel_loop3A_371 = arith.addf %parallel_loop3A_370, %parallel_loop3A_345 : vector<16xf32>
        %parallel_loop3A_372 = arith.constant 0.000000e+00 : f32
        %parallel_loop3A_373 = vector.broadcast %parallel_loop3A_372 : f32 to vector<16xf32>
        %parallel_loop3A_374 = arith.maximumf %parallel_loop3A_371, %parallel_loop3A_373 : vector<16xf32>
        %parallel_loop3A_375 = arith.constant 1 : i32
        %parallel_loop3A_376 = arith.addi %parallel_loop3A_332, %parallel_loop3A_375 : i32
        %parallel_loop3A_377 = arith.constant 1 : i32
        %parallel_loop3A_378 = arith.index_cast %parallel_loop3A_377 : i32 to index
        %parallel_loop3A_379 = arith.index_cast %parallel_loop3A_376 : i32 to index
        %parallel_loop3A_380 = arith.constant 0 : index
        %parallel_loop3A_381 = tpu.vector_load %arg9[%parallel_loop3A_378, %parallel_loop3A_379, %parallel_loop3A_380] {strides = array<i32>} : memref<2x80x128xf32, #tpu.memory_space<vmem>>, vector<1x1x16xf32>,
        %parallel_loop3A_382 = vector.shape_cast %parallel_loop3A_381 : vector<1x1x16xf32> to vector<16xf32>
        %parallel_loop3A_383 = vector.shape_cast %parallel_loop3A_374 : vector<16xf32> to vector<1x1x16xf32>
        tpu.vector_store %arg9[%parallel_loop3A_378, %parallel_loop3A_379, %parallel_loop3A_380], %parallel_loop3A_383 {strides = array<i32>} : memref<2x80x128xf32, #tpu.memory_space<vmem>>, vector<1x1x16xf32>,
        %parallel_loop3A_384 = arith.constant 1 : i32
        %parallel_loop3A_385 = arith.index_cast %parallel_loop3A_384 : i32 to index
        %parallel_loop3A_386 = arith.index_cast %parallel_loop3A_330 : i32 to index
        %parallel_loop3A_387 = arith.constant 16 : index
        %parallel_loop3A_388 = tpu.vector_load %arg10[%parallel_loop3A_385, %parallel_loop3A_386, %parallel_loop3A_387] {strides = array<i32>} : memref<2x40x128xi32, #tpu.memory_space<vmem>>, vector<1x1x16xi32>,
        %parallel_loop3A_389 = vector.shape_cast %parallel_loop3A_388 : vector<1x1x16xi32> to vector<16xi32>
        %parallel_loop3A_390 = arith.constant 16 : i32
        %parallel_loop3A_391 = vector.broadcast %parallel_loop3A_390 : i32 to vector<16xi32>
        %parallel_loop3A_392 = arith.shli %parallel_loop3A_389, %parallel_loop3A_391 : vector<16xi32>
        %parallel_loop3A_393 = tpu.bitcast %parallel_loop3A_392 : vector<16xi32> -> vector<16xf32>
        %parallel_loop3A_394 = vector.broadcast %scan3A_114 : i32 to vector<16xi32>
        %parallel_loop3A_395 = arith.andi %parallel_loop3A_389, %parallel_loop3A_394 : vector<16xi32>
        %parallel_loop3A_396 = tpu.bitcast %parallel_loop3A_395 : vector<16xi32> -> vector<16xf32>
        %parallel_loop3A_397 = arith.constant 1 : i32
        %parallel_loop3A_398 = arith.index_cast %parallel_loop3A_397 : i32 to index
        %parallel_loop3A_399 = arith.index_cast %parallel_loop3A_332 : i32 to index
        %parallel_loop3A_400 = arith.constant 16 : index
        %parallel_loop3A_401 = tpu.vector_load %arg9[%parallel_loop3A_398, %parallel_loop3A_399, %parallel_loop3A_400] {strides = array<i32>} : memref<2x80x128xf32, #tpu.memory_space<vmem>>, vector<1x1x16xf32>,
        %parallel_loop3A_402 = vector.shape_cast %parallel_loop3A_401 : vector<1x1x16xf32> to vector<16xf32>
        %parallel_loop3A_403 = arith.addf %parallel_loop3A_402, %parallel_loop3A_393 : vector<16xf32>
        %parallel_loop3A_404 = arith.constant 0.000000e+00 : f32
        %parallel_loop3A_405 = vector.broadcast %parallel_loop3A_404 : f32 to vector<16xf32>
        %parallel_loop3A_406 = arith.maximumf %parallel_loop3A_403, %parallel_loop3A_405 : vector<16xf32>
        %parallel_loop3A_407 = arith.constant 1 : i32
        %parallel_loop3A_408 = arith.index_cast %parallel_loop3A_407 : i32 to index
        %parallel_loop3A_409 = arith.index_cast %parallel_loop3A_332 : i32 to index
        %parallel_loop3A_410 = arith.constant 16 : index
        %parallel_loop3A_411 = tpu.vector_load %arg9[%parallel_loop3A_408, %parallel_loop3A_409, %parallel_loop3A_410] {strides = array<i32>} : memref<2x80x128xf32, #tpu.memory_space<vmem>>, vector<1x1x16xf32>,
        %parallel_loop3A_412 = vector.shape_cast %parallel_loop3A_411 : vector<1x1x16xf32> to vector<16xf32>
        %parallel_loop3A_413 = vector.shape_cast %parallel_loop3A_406 : vector<16xf32> to vector<1x1x16xf32>
        tpu.vector_store %arg9[%parallel_loop3A_408, %parallel_loop3A_409, %parallel_loop3A_410], %parallel_loop3A_413 {strides = array<i32>} : memref<2x80x128xf32, #tpu.memory_space<vmem>>, vector<1x1x16xf32>,
        %parallel_loop3A_414 = arith.constant 1 : i32
        %parallel_loop3A_415 = arith.addi %parallel_loop3A_332, %parallel_loop3A_414 : i32
        %parallel_loop3A_416 = arith.constant 1 : i32
        %parallel_loop3A_417 = arith.index_cast %parallel_loop3A_416 : i32 to index
        %parallel_loop3A_418 = arith.index_cast %parallel_loop3A_415 : i32 to index
        %parallel_loop3A_419 = arith.constant 16 : index
        %parallel_loop3A_420 = tpu.vector_load %arg9[%parallel_loop3A_417, %parallel_loop3A_418, %parallel_loop3A_419] {strides = array<i32>} : memref<2x80x128xf32, #tpu.memory_space<vmem>>, vector<1x1x16xf32>,
        %parallel_loop3A_421 = vector.shape_cast %parallel_loop3A_420 : vector<1x1x16xf32> to vector<16xf32>
        %parallel_loop3A_422 = arith.addf %parallel_loop3A_421, %parallel_loop3A_396 : vector<16xf32>
        %parallel_loop3A_423 = arith.constant 0.000000e+00 : f32
        %parallel_loop3A_424 = vector.broadcast %parallel_loop3A_423 : f32 to vector<16xf32>
        %parallel_loop3A_425 = arith.maximumf %parallel_loop3A_422, %parallel_loop3A_424 : vector<16xf32>
        %parallel_loop3A_426 = arith.constant 1 : i32
        %parallel_loop3A_427 = arith.addi %parallel_loop3A_332, %parallel_loop3A_426 : i32
        %parallel_loop3A_428 = arith.constant 1 : i32
        %parallel_loop3A_429 = arith.index_cast %parallel_loop3A_428 : i32 to index
        %parallel_loop3A_430 = arith.index_cast %parallel_loop3A_427 : i32 to index
        %parallel_loop3A_431 = arith.constant 16 : index
        %parallel_loop3A_432 = tpu.vector_load %arg9[%parallel_loop3A_429, %parallel_loop3A_430, %parallel_loop3A_431] {strides = array<i32>} : memref<2x80x128xf32, #tpu.memory_space<vmem>>, vector<1x1x16xf32>,
        %parallel_loop3A_433 = vector.shape_cast %parallel_loop3A_432 : vector<1x1x16xf32> to vector<16xf32>
        %parallel_loop3A_434 = vector.shape_cast %parallel_loop3A_425 : vector<16xf32> to vector<1x1x16xf32>
        tpu.vector_store %arg9[%parallel_loop3A_429, %parallel_loop3A_430, %parallel_loop3A_431], %parallel_loop3A_434 {strides = array<i32>} : memref<2x80x128xf32, #tpu.memory_space<vmem>>, vector<1x1x16xf32>,
        %parallel_loop3A_435 = arith.constant 1 : i32
        %parallel_loop3A_436 = arith.index_cast %parallel_loop3A_435 : i32 to index
        %parallel_loop3A_437 = arith.index_cast %parallel_loop3A_330 : i32 to index
        %parallel_loop3A_438 = arith.constant 32 : index
        %parallel_loop3A_439 = tpu.vector_load %arg10[%parallel_loop3A_436, %parallel_loop3A_437, %parallel_loop3A_438] {strides = array<i32>} : memref<2x40x128xi32, #tpu.memory_space<vmem>>, vector<1x1x16xi32>,
        %parallel_loop3A_440 = vector.shape_cast %parallel_loop3A_439 : vector<1x1x16xi32> to vector<16xi32>
        %parallel_loop3A_441 = arith.constant 16 : i32
        %parallel_loop3A_442 = vector.broadcast %parallel_loop3A_441 : i32 to vector<16xi32>
        %parallel_loop3A_443 = arith.shli %parallel_loop3A_440, %parallel_loop3A_442 : vector<16xi32>
        %parallel_loop3A_444 = tpu.bitcast %parallel_loop3A_443 : vector<16xi32> -> vector<16xf32>
        %parallel_loop3A_445 = vector.broadcast %scan3A_114 : i32 to vector<16xi32>
        %parallel_loop3A_446 = arith.andi %parallel_loop3A_440, %parallel_loop3A_445 : vector<16xi32>
        %parallel_loop3A_447 = tpu.bitcast %parallel_loop3A_446 : vector<16xi32> -> vector<16xf32>
        %parallel_loop3A_448 = arith.constant 1 : i32
        %parallel_loop3A_449 = arith.index_cast %parallel_loop3A_448 : i32 to index
        %parallel_loop3A_450 = arith.index_cast %parallel_loop3A_332 : i32 to index
        %parallel_loop3A_451 = arith.constant 32 : index
        %parallel_loop3A_452 = tpu.vector_load %arg9[%parallel_loop3A_449, %parallel_loop3A_450, %parallel_loop3A_451] {strides = array<i32>} : memref<2x80x128xf32, #tpu.memory_space<vmem>>, vector<1x1x16xf32>,
        %parallel_loop3A_453 = vector.shape_cast %parallel_loop3A_452 : vector<1x1x16xf32> to vector<16xf32>
        %parallel_loop3A_454 = arith.addf %parallel_loop3A_453, %parallel_loop3A_444 : vector<16xf32>
        %parallel_loop3A_455 = arith.constant 0.000000e+00 : f32
        %parallel_loop3A_456 = vector.broadcast %parallel_loop3A_455 : f32 to vector<16xf32>
        %parallel_loop3A_457 = arith.maximumf %parallel_loop3A_454, %parallel_loop3A_456 : vector<16xf32>
        %parallel_loop3A_458 = arith.constant 1 : i32
        %parallel_loop3A_459 = arith.index_cast %parallel_loop3A_458 : i32 to index
        %parallel_loop3A_460 = arith.index_cast %parallel_loop3A_332 : i32 to index
        %parallel_loop3A_461 = arith.constant 32 : index
        %parallel_loop3A_462 = tpu.vector_load %arg9[%parallel_loop3A_459, %parallel_loop3A_460, %parallel_loop3A_461] {strides = array<i32>} : memref<2x80x128xf32, #tpu.memory_space<vmem>>, vector<1x1x16xf32>,
        %parallel_loop3A_463 = vector.shape_cast %parallel_loop3A_462 : vector<1x1x16xf32> to vector<16xf32>
        %parallel_loop3A_464 = vector.shape_cast %parallel_loop3A_457 : vector<16xf32> to vector<1x1x16xf32>
        tpu.vector_store %arg9[%parallel_loop3A_459, %parallel_loop3A_460, %parallel_loop3A_461], %parallel_loop3A_464 {strides = array<i32>} : memref<2x80x128xf32, #tpu.memory_space<vmem>>, vector<1x1x16xf32>,
        %parallel_loop3A_465 = arith.constant 1 : i32
        %parallel_loop3A_466 = arith.addi %parallel_loop3A_332, %parallel_loop3A_465 : i32
        %parallel_loop3A_467 = arith.constant 1 : i32
        %parallel_loop3A_468 = arith.index_cast %parallel_loop3A_467 : i32 to index
        %parallel_loop3A_469 = arith.index_cast %parallel_loop3A_466 : i32 to index
        %parallel_loop3A_470 = arith.constant 32 : index
        %parallel_loop3A_471 = tpu.vector_load %arg9[%parallel_loop3A_468, %parallel_loop3A_469, %parallel_loop3A_470] {strides = array<i32>} : memref<2x80x128xf32, #tpu.memory_space<vmem>>, vector<1x1x16xf32>,
        %parallel_loop3A_472 = vector.shape_cast %parallel_loop3A_471 : vector<1x1x16xf32> to vector<16xf32>
        %parallel_loop3A_473 = arith.addf %parallel_loop3A_472, %parallel_loop3A_447 : vector<16xf32>
        %parallel_loop3A_474 = arith.constant 0.000000e+00 : f32
        %parallel_loop3A_475 = vector.broadcast %parallel_loop3A_474 : f32 to vector<16xf32>
        %parallel_loop3A_476 = arith.maximumf %parallel_loop3A_473, %parallel_loop3A_475 : vector<16xf32>
        %parallel_loop3A_477 = arith.constant 1 : i32
        %parallel_loop3A_478 = arith.addi %parallel_loop3A_332, %parallel_loop3A_477 : i32
        %parallel_loop3A_479 = arith.constant 1 : i32
        %parallel_loop3A_480 = arith.index_cast %parallel_loop3A_479 : i32 to index
        %parallel_loop3A_481 = arith.index_cast %parallel_loop3A_478 : i32 to index
        %parallel_loop3A_482 = arith.constant 32 : index
        %parallel_loop3A_483 = tpu.vector_load %arg9[%parallel_loop3A_480, %parallel_loop3A_481, %parallel_loop3A_482] {strides = array<i32>} : memref<2x80x128xf32, #tpu.memory_space<vmem>>, vector<1x1x16xf32>,
        %parallel_loop3A_484 = vector.shape_cast %parallel_loop3A_483 : vector<1x1x16xf32> to vector<16xf32>
        %parallel_loop3A_485 = vector.shape_cast %parallel_loop3A_476 : vector<16xf32> to vector<1x1x16xf32>
        tpu.vector_store %arg9[%parallel_loop3A_480, %parallel_loop3A_481, %parallel_loop3A_482], %parallel_loop3A_485 {strides = array<i32>} : memref<2x80x128xf32, #tpu.memory_space<vmem>>, vector<1x1x16xf32>,
        %parallel_loop3A_486 = arith.constant 1 : i32
        %parallel_loop3A_487 = arith.index_cast %parallel_loop3A_486 : i32 to index
        %parallel_loop3A_488 = arith.index_cast %parallel_loop3A_330 : i32 to index
        %parallel_loop3A_489 = arith.constant 48 : index
        %parallel_loop3A_490 = tpu.vector_load %arg10[%parallel_loop3A_487, %parallel_loop3A_488, %parallel_loop3A_489] {strides = array<i32>} : memref<2x40x128xi32, #tpu.memory_space<vmem>>, vector<1x1x16xi32>,
        %parallel_loop3A_491 = vector.shape_cast %parallel_loop3A_490 : vector<1x1x16xi32> to vector<16xi32>
        %parallel_loop3A_492 = arith.constant 16 : i32
        %parallel_loop3A_493 = vector.broadcast %parallel_loop3A_492 : i32 to vector<16xi32>
        %parallel_loop3A_494 = arith.shli %parallel_loop3A_491, %parallel_loop3A_493 : vector<16xi32>
        %parallel_loop3A_495 = tpu.bitcast %parallel_loop3A_494 : vector<16xi32> -> vector<16xf32>
        %parallel_loop3A_496 = vector.broadcast %scan3A_114 : i32 to vector<16xi32>
        %parallel_loop3A_497 = arith.andi %parallel_loop3A_491, %parallel_loop3A_496 : vector<16xi32>
        %parallel_loop3A_498 = tpu.bitcast %parallel_loop3A_497 : vector<16xi32> -> vector<16xf32>
        %parallel_loop3A_499 = arith.constant 1 : i32
        %parallel_loop3A_500 = arith.index_cast %parallel_loop3A_499 : i32 to index
        %parallel_loop3A_501 = arith.index_cast %parallel_loop3A_332 : i32 to index
        %parallel_loop3A_502 = arith.constant 48 : index
        %parallel_loop3A_503 = tpu.vector_load %arg9[%parallel_loop3A_500, %parallel_loop3A_501, %parallel_loop3A_502] {strides = array<i32>} : memref<2x80x128xf32, #tpu.memory_space<vmem>>, vector<1x1x16xf32>,
        %parallel_loop3A_504 = vector.shape_cast %parallel_loop3A_503 : vector<1x1x16xf32> to vector<16xf32>
        %parallel_loop3A_505 = arith.addf %parallel_loop3A_504, %parallel_loop3A_495 : vector<16xf32>
        %parallel_loop3A_506 = arith.constant 0.000000e+00 : f32
        %parallel_loop3A_507 = vector.broadcast %parallel_loop3A_506 : f32 to vector<16xf32>
        %parallel_loop3A_508 = arith.maximumf %parallel_loop3A_505, %parallel_loop3A_507 : vector<16xf32>
        %parallel_loop3A_509 = arith.constant 1 : i32
        %parallel_loop3A_510 = arith.index_cast %parallel_loop3A_509 : i32 to index
        %parallel_loop3A_511 = arith.index_cast %parallel_loop3A_332 : i32 to index
        %parallel_loop3A_512 = arith.constant 48 : index
        %parallel_loop3A_513 = tpu.vector_load %arg9[%parallel_loop3A_510, %parallel_loop3A_511, %parallel_loop3A_512] {strides = array<i32>} : memref<2x80x128xf32, #tpu.memory_space<vmem>>, vector<1x1x16xf32>,
        %parallel_loop3A_514 = vector.shape_cast %parallel_loop3A_513 : vector<1x1x16xf32> to vector<16xf32>
        %parallel_loop3A_515 = vector.shape_cast %parallel_loop3A_508 : vector<16xf32> to vector<1x1x16xf32>
        tpu.vector_store %arg9[%parallel_loop3A_510, %parallel_loop3A_511, %parallel_loop3A_512], %parallel_loop3A_515 {strides = array<i32>} : memref<2x80x128xf32, #tpu.memory_space<vmem>>, vector<1x1x16xf32>,
        %parallel_loop3A_516 = arith.constant 1 : i32
        %parallel_loop3A_517 = arith.addi %parallel_loop3A_332, %parallel_loop3A_516 : i32
        %parallel_loop3A_518 = arith.constant 1 : i32
        %parallel_loop3A_519 = arith.index_cast %parallel_loop3A_518 : i32 to index
        %parallel_loop3A_520 = arith.index_cast %parallel_loop3A_517 : i32 to index
        %parallel_loop3A_521 = arith.constant 48 : index
        %parallel_loop3A_522 = tpu.vector_load %arg9[%parallel_loop3A_519, %parallel_loop3A_520, %parallel_loop3A_521] {strides = array<i32>} : memref<2x80x128xf32, #tpu.memory_space<vmem>>, vector<1x1x16xf32>,
        %parallel_loop3A_523 = vector.shape_cast %parallel_loop3A_522 : vector<1x1x16xf32> to vector<16xf32>
        %parallel_loop3A_524 = arith.addf %parallel_loop3A_523, %parallel_loop3A_498 : vector<16xf32>
        %parallel_loop3A_525 = arith.constant 0.000000e+00 : f32
        %parallel_loop3A_526 = vector.broadcast %parallel_loop3A_525 : f32 to vector<16xf32>
        %parallel_loop3A_527 = arith.maximumf %parallel_loop3A_524, %parallel_loop3A_526 : vector<16xf32>
        %parallel_loop3A_528 = arith.constant 1 : i32
        %parallel_loop3A_529 = arith.addi %parallel_loop3A_332, %parallel_loop3A_528 : i32
        %parallel_loop3A_530 = arith.constant 1 : i32
        %parallel_loop3A_531 = arith.index_cast %parallel_loop3A_530 : i32 to index
        %parallel_loop3A_532 = arith.index_cast %parallel_loop3A_529 : i32 to index
        %parallel_loop3A_533 = arith.constant 48 : index
        %parallel_loop3A_534 = tpu.vector_load %arg9[%parallel_loop3A_531, %parallel_loop3A_532, %parallel_loop3A_533] {strides = array<i32>} : memref<2x80x128xf32, #tpu.memory_space<vmem>>, vector<1x1x16xf32>,
        %parallel_loop3A_535 = vector.shape_cast %parallel_loop3A_534 : vector<1x1x16xf32> to vector<16xf32>
        %parallel_loop3A_536 = vector.shape_cast %parallel_loop3A_527 : vector<16xf32> to vector<1x1x16xf32>
        tpu.vector_store %arg9[%parallel_loop3A_531, %parallel_loop3A_532, %parallel_loop3A_533], %parallel_loop3A_536 {strides = array<i32>} : memref<2x80x128xf32, #tpu.memory_space<vmem>>, vector<1x1x16xf32>,
        %parallel_loop3A_537 = arith.constant 1 : i32
        %parallel_loop3A_538 = arith.index_cast %parallel_loop3A_537 : i32 to index
        %parallel_loop3A_539 = arith.index_cast %parallel_loop3A_330 : i32 to index
        %parallel_loop3A_540 = arith.constant 64 : index
        %parallel_loop3A_541 = tpu.vector_load %arg10[%parallel_loop3A_538, %parallel_loop3A_539, %parallel_loop3A_540] {strides = array<i32>} : memref<2x40x128xi32, #tpu.memory_space<vmem>>, vector<1x1x16xi32>,
        %parallel_loop3A_542 = vector.shape_cast %parallel_loop3A_541 : vector<1x1x16xi32> to vector<16xi32>
        %parallel_loop3A_543 = arith.constant 16 : i32
        %parallel_loop3A_544 = vector.broadcast %parallel_loop3A_543 : i32 to vector<16xi32>
        %parallel_loop3A_545 = arith.shli %parallel_loop3A_542, %parallel_loop3A_544 : vector<16xi32>
        %parallel_loop3A_546 = tpu.bitcast %parallel_loop3A_545 : vector<16xi32> -> vector<16xf32>
        %parallel_loop3A_547 = vector.broadcast %scan3A_114 : i32 to vector<16xi32>
        %parallel_loop3A_548 = arith.andi %parallel_loop3A_542, %parallel_loop3A_547 : vector<16xi32>
        %parallel_loop3A_549 = tpu.bitcast %parallel_loop3A_548 : vector<16xi32> -> vector<16xf32>
        %parallel_loop3A_550 = arith.constant 1 : i32
        %parallel_loop3A_551 = arith.index_cast %parallel_loop3A_550 : i32 to index
        %parallel_loop3A_552 = arith.index_cast %parallel_loop3A_332 : i32 to index
        %parallel_loop3A_553 = arith.constant 64 : index
        %parallel_loop3A_554 = tpu.vector_load %arg9[%parallel_loop3A_551, %parallel_loop3A_552, %parallel_loop3A_553] {strides = array<i32>} : memref<2x80x128xf32, #tpu.memory_space<vmem>>, vector<1x1x16xf32>,
        %parallel_loop3A_555 = vector.shape_cast %parallel_loop3A_554 : vector<1x1x16xf32> to vector<16xf32>
        %parallel_loop3A_556 = arith.addf %parallel_loop3A_555, %parallel_loop3A_546 : vector<16xf32>
        %parallel_loop3A_557 = arith.constant 0.000000e+00 : f32
        %parallel_loop3A_558 = vector.broadcast %parallel_loop3A_557 : f32 to vector<16xf32>
        %parallel_loop3A_559 = arith.maximumf %parallel_loop3A_556, %parallel_loop3A_558 : vector<16xf32>
        %parallel_loop3A_560 = arith.constant 1 : i32
        %parallel_loop3A_561 = arith.index_cast %parallel_loop3A_560 : i32 to index
        %parallel_loop3A_562 = arith.index_cast %parallel_loop3A_332 : i32 to index
        %parallel_loop3A_563 = arith.constant 64 : index
        %parallel_loop3A_564 = tpu.vector_load %arg9[%parallel_loop3A_561, %parallel_loop3A_562, %parallel_loop3A_563] {strides = array<i32>} : memref<2x80x128xf32, #tpu.memory_space<vmem>>, vector<1x1x16xf32>,
        %parallel_loop3A_565 = vector.shape_cast %parallel_loop3A_564 : vector<1x1x16xf32> to vector<16xf32>
        %parallel_loop3A_566 = vector.shape_cast %parallel_loop3A_559 : vector<16xf32> to vector<1x1x16xf32>
        tpu.vector_store %arg9[%parallel_loop3A_561, %parallel_loop3A_562, %parallel_loop3A_563], %parallel_loop3A_566 {strides = array<i32>} : memref<2x80x128xf32, #tpu.memory_space<vmem>>, vector<1x1x16xf32>,
        %parallel_loop3A_567 = arith.constant 1 : i32
        %parallel_loop3A_568 = arith.addi %parallel_loop3A_332, %parallel_loop3A_567 : i32
        %parallel_loop3A_569 = arith.constant 1 : i32
        %parallel_loop3A_570 = arith.index_cast %parallel_loop3A_569 : i32 to index
        %parallel_loop3A_571 = arith.index_cast %parallel_loop3A_568 : i32 to index
        %parallel_loop3A_572 = arith.constant 64 : index
        %parallel_loop3A_573 = tpu.vector_load %arg9[%parallel_loop3A_570, %parallel_loop3A_571, %parallel_loop3A_572] {strides = array<i32>} : memref<2x80x128xf32, #tpu.memory_space<vmem>>, vector<1x1x16xf32>,
        %parallel_loop3A_574 = vector.shape_cast %parallel_loop3A_573 : vector<1x1x16xf32> to vector<16xf32>
        %parallel_loop3A_575 = arith.addf %parallel_loop3A_574, %parallel_loop3A_549 : vector<16xf32>
        %parallel_loop3A_576 = arith.constant 0.000000e+00 : f32
        %parallel_loop3A_577 = vector.broadcast %parallel_loop3A_576 : f32 to vector<16xf32>
        %parallel_loop3A_578 = arith.maximumf %parallel_loop3A_575, %parallel_loop3A_577 : vector<16xf32>
        %parallel_loop3A_579 = arith.constant 1 : i32
        %parallel_loop3A_580 = arith.addi %parallel_loop3A_332, %parallel_loop3A_579 : i32
        %parallel_loop3A_581 = arith.constant 1 : i32
        %parallel_loop3A_582 = arith.index_cast %parallel_loop3A_581 : i32 to index
        %parallel_loop3A_583 = arith.index_cast %parallel_loop3A_580 : i32 to index
        %parallel_loop3A_584 = arith.constant 64 : index
        %parallel_loop3A_585 = tpu.vector_load %arg9[%parallel_loop3A_582, %parallel_loop3A_583, %parallel_loop3A_584] {strides = array<i32>} : memref<2x80x128xf32, #tpu.memory_space<vmem>>, vector<1x1x16xf32>,
        %parallel_loop3A_586 = vector.shape_cast %parallel_loop3A_585 : vector<1x1x16xf32> to vector<16xf32>
        %parallel_loop3A_587 = vector.shape_cast %parallel_loop3A_578 : vector<16xf32> to vector<1x1x16xf32>
        tpu.vector_store %arg9[%parallel_loop3A_582, %parallel_loop3A_583, %parallel_loop3A_584], %parallel_loop3A_587 {strides = array<i32>} : memref<2x80x128xf32, #tpu.memory_space<vmem>>, vector<1x1x16xf32>,
        %parallel_loop3A_588 = arith.constant 1 : i32
        %parallel_loop3A_589 = arith.index_cast %parallel_loop3A_588 : i32 to index
        %parallel_loop3A_590 = arith.index_cast %parallel_loop3A_330 : i32 to index
        %parallel_loop3A_591 = arith.constant 80 : index
        %parallel_loop3A_592 = tpu.vector_load %arg10[%parallel_loop3A_589, %parallel_loop3A_590, %parallel_loop3A_591] {strides = array<i32>} : memref<2x40x128xi32, #tpu.memory_space<vmem>>, vector<1x1x16xi32>,
        %parallel_loop3A_593 = vector.shape_cast %parallel_loop3A_592 : vector<1x1x16xi32> to vector<16xi32>
        %parallel_loop3A_594 = arith.constant 16 : i32
        %parallel_loop3A_595 = vector.broadcast %parallel_loop3A_594 : i32 to vector<16xi32>
        %parallel_loop3A_596 = arith.shli %parallel_loop3A_593, %parallel_loop3A_595 : vector<16xi32>
        %parallel_loop3A_597 = tpu.bitcast %parallel_loop3A_596 : vector<16xi32> -> vector<16xf32>
        %parallel_loop3A_598 = vector.broadcast %scan3A_114 : i32 to vector<16xi32>
        %parallel_loop3A_599 = arith.andi %parallel_loop3A_593, %parallel_loop3A_598 : vector<16xi32>
        %parallel_loop3A_600 = tpu.bitcast %parallel_loop3A_599 : vector<16xi32> -> vector<16xf32>
        %parallel_loop3A_601 = arith.constant 1 : i32
        %parallel_loop3A_602 = arith.index_cast %parallel_loop3A_601 : i32 to index
        %parallel_loop3A_603 = arith.index_cast %parallel_loop3A_332 : i32 to index
        %parallel_loop3A_604 = arith.constant 80 : index
        %parallel_loop3A_605 = tpu.vector_load %arg9[%parallel_loop3A_602, %parallel_loop3A_603, %parallel_loop3A_604] {strides = array<i32>} : memref<2x80x128xf32, #tpu.memory_space<vmem>>, vector<1x1x16xf32>,
        %parallel_loop3A_606 = vector.shape_cast %parallel_loop3A_605 : vector<1x1x16xf32> to vector<16xf32>
        %parallel_loop3A_607 = arith.addf %parallel_loop3A_606, %parallel_loop3A_597 : vector<16xf32>
        %parallel_loop3A_608 = arith.constant 0.000000e+00 : f32
        %parallel_loop3A_609 = vector.broadcast %parallel_loop3A_608 : f32 to vector<16xf32>
        %parallel_loop3A_610 = arith.maximumf %parallel_loop3A_607, %parallel_loop3A_609 : vector<16xf32>
        %parallel_loop3A_611 = arith.constant 1 : i32
        %parallel_loop3A_612 = arith.index_cast %parallel_loop3A_611 : i32 to index
        %parallel_loop3A_613 = arith.index_cast %parallel_loop3A_332 : i32 to index
        %parallel_loop3A_614 = arith.constant 80 : index
        %parallel_loop3A_615 = tpu.vector_load %arg9[%parallel_loop3A_612, %parallel_loop3A_613, %parallel_loop3A_614] {strides = array<i32>} : memref<2x80x128xf32, #tpu.memory_space<vmem>>, vector<1x1x16xf32>,
        %parallel_loop3A_616 = vector.shape_cast %parallel_loop3A_615 : vector<1x1x16xf32> to vector<16xf32>
        %parallel_loop3A_617 = vector.shape_cast %parallel_loop3A_610 : vector<16xf32> to vector<1x1x16xf32>
        tpu.vector_store %arg9[%parallel_loop3A_612, %parallel_loop3A_613, %parallel_loop3A_614], %parallel_loop3A_617 {strides = array<i32>} : memref<2x80x128xf32, #tpu.memory_space<vmem>>, vector<1x1x16xf32>,
        %parallel_loop3A_618 = arith.constant 1 : i32
        %parallel_loop3A_619 = arith.addi %parallel_loop3A_332, %parallel_loop3A_618 : i32
        %parallel_loop3A_620 = arith.constant 1 : i32
        %parallel_loop3A_621 = arith.index_cast %parallel_loop3A_620 : i32 to index
        %parallel_loop3A_622 = arith.index_cast %parallel_loop3A_619 : i32 to index
        %parallel_loop3A_623 = arith.constant 80 : index
        %parallel_loop3A_624 = tpu.vector_load %arg9[%parallel_loop3A_621, %parallel_loop3A_622, %parallel_loop3A_623] {strides = array<i32>} : memref<2x80x128xf32, #tpu.memory_space<vmem>>, vector<1x1x16xf32>,
        %parallel_loop3A_625 = vector.shape_cast %parallel_loop3A_624 : vector<1x1x16xf32> to vector<16xf32>
        %parallel_loop3A_626 = arith.addf %parallel_loop3A_625, %parallel_loop3A_600 : vector<16xf32>
        %parallel_loop3A_627 = arith.constant 0.000000e+00 : f32
        %parallel_loop3A_628 = vector.broadcast %parallel_loop3A_627 : f32 to vector<16xf32>
        %parallel_loop3A_629 = arith.maximumf %parallel_loop3A_626, %parallel_loop3A_628 : vector<16xf32>
        %parallel_loop3A_630 = arith.constant 1 : i32
        %parallel_loop3A_631 = arith.addi %parallel_loop3A_332, %parallel_loop3A_630 : i32
        %parallel_loop3A_632 = arith.constant 1 : i32
        %parallel_loop3A_633 = arith.index_cast %parallel_loop3A_632 : i32 to index
        %parallel_loop3A_634 = arith.index_cast %parallel_loop3A_631 : i32 to index
        %parallel_loop3A_635 = arith.constant 80 : index
        %parallel_loop3A_636 = tpu.vector_load %arg9[%parallel_loop3A_633, %parallel_loop3A_634, %parallel_loop3A_635] {strides = array<i32>} : memref<2x80x128xf32, #tpu.memory_space<vmem>>, vector<1x1x16xf32>,
        %parallel_loop3A_637 = vector.shape_cast %parallel_loop3A_636 : vector<1x1x16xf32> to vector<16xf32>
        %parallel_loop3A_638 = vector.shape_cast %parallel_loop3A_629 : vector<16xf32> to vector<1x1x16xf32>
        tpu.vector_store %arg9[%parallel_loop3A_633, %parallel_loop3A_634, %parallel_loop3A_635], %parallel_loop3A_638 {strides = array<i32>} : memref<2x80x128xf32, #tpu.memory_space<vmem>>, vector<1x1x16xf32>,
        %parallel_loop3A_639 = arith.constant 1 : i32
        %parallel_loop3A_640 = arith.index_cast %parallel_loop3A_639 : i32 to index
        %parallel_loop3A_641 = arith.index_cast %parallel_loop3A_330 : i32 to index
        %parallel_loop3A_642 = arith.constant 96 : index
        %parallel_loop3A_643 = tpu.vector_load %arg10[%parallel_loop3A_640, %parallel_loop3A_641, %parallel_loop3A_642] {strides = array<i32>} : memref<2x40x128xi32, #tpu.memory_space<vmem>>, vector<1x1x16xi32>,
        %parallel_loop3A_644 = vector.shape_cast %parallel_loop3A_643 : vector<1x1x16xi32> to vector<16xi32>
        %parallel_loop3A_645 = arith.constant 16 : i32
        %parallel_loop3A_646 = vector.broadcast %parallel_loop3A_645 : i32 to vector<16xi32>
        %parallel_loop3A_647 = arith.shli %parallel_loop3A_644, %parallel_loop3A_646 : vector<16xi32>
        %parallel_loop3A_648 = tpu.bitcast %parallel_loop3A_647 : vector<16xi32> -> vector<16xf32>
        %parallel_loop3A_649 = vector.broadcast %scan3A_114 : i32 to vector<16xi32>
        %parallel_loop3A_650 = arith.andi %parallel_loop3A_644, %parallel_loop3A_649 : vector<16xi32>
        %parallel_loop3A_651 = tpu.bitcast %parallel_loop3A_650 : vector<16xi32> -> vector<16xf32>
        %parallel_loop3A_652 = arith.constant 1 : i32
        %parallel_loop3A_653 = arith.index_cast %parallel_loop3A_652 : i32 to index
        %parallel_loop3A_654 = arith.index_cast %parallel_loop3A_332 : i32 to index
        %parallel_loop3A_655 = arith.constant 96 : index
        %parallel_loop3A_656 = tpu.vector_load %arg9[%parallel_loop3A_653, %parallel_loop3A_654, %parallel_loop3A_655] {strides = array<i32>} : memref<2x80x128xf32, #tpu.memory_space<vmem>>, vector<1x1x16xf32>,
        %parallel_loop3A_657 = vector.shape_cast %parallel_loop3A_656 : vector<1x1x16xf32> to vector<16xf32>
        %parallel_loop3A_658 = arith.addf %parallel_loop3A_657, %parallel_loop3A_648 : vector<16xf32>
        %parallel_loop3A_659 = arith.constant 0.000000e+00 : f32
        %parallel_loop3A_660 = vector.broadcast %parallel_loop3A_659 : f32 to vector<16xf32>
        %parallel_loop3A_661 = arith.maximumf %parallel_loop3A_658, %parallel_loop3A_660 : vector<16xf32>
        %parallel_loop3A_662 = arith.constant 1 : i32
        %parallel_loop3A_663 = arith.index_cast %parallel_loop3A_662 : i32 to index
        %parallel_loop3A_664 = arith.index_cast %parallel_loop3A_332 : i32 to index
        %parallel_loop3A_665 = arith.constant 96 : index
        %parallel_loop3A_666 = tpu.vector_load %arg9[%parallel_loop3A_663, %parallel_loop3A_664, %parallel_loop3A_665] {strides = array<i32>} : memref<2x80x128xf32, #tpu.memory_space<vmem>>, vector<1x1x16xf32>,
        %parallel_loop3A_667 = vector.shape_cast %parallel_loop3A_666 : vector<1x1x16xf32> to vector<16xf32>
        %parallel_loop3A_668 = vector.shape_cast %parallel_loop3A_661 : vector<16xf32> to vector<1x1x16xf32>
        tpu.vector_store %arg9[%parallel_loop3A_663, %parallel_loop3A_664, %parallel_loop3A_665], %parallel_loop3A_668 {strides = array<i32>} : memref<2x80x128xf32, #tpu.memory_space<vmem>>, vector<1x1x16xf32>,
        %parallel_loop3A_669 = arith.constant 1 : i32
        %parallel_loop3A_670 = arith.addi %parallel_loop3A_332, %parallel_loop3A_669 : i32
        %parallel_loop3A_671 = arith.constant 1 : i32
        %parallel_loop3A_672 = arith.index_cast %parallel_loop3A_671 : i32 to index
        %parallel_loop3A_673 = arith.index_cast %parallel_loop3A_670 : i32 to index
        %parallel_loop3A_674 = arith.constant 96 : index
        %parallel_loop3A_675 = tpu.vector_load %arg9[%parallel_loop3A_672, %parallel_loop3A_673, %parallel_loop3A_674] {strides = array<i32>} : memref<2x80x128xf32, #tpu.memory_space<vmem>>, vector<1x1x16xf32>,
        %parallel_loop3A_676 = vector.shape_cast %parallel_loop3A_675 : vector<1x1x16xf32> to vector<16xf32>
        %parallel_loop3A_677 = arith.addf %parallel_loop3A_676, %parallel_loop3A_651 : vector<16xf32>
        %parallel_loop3A_678 = arith.constant 0.000000e+00 : f32
        %parallel_loop3A_679 = vector.broadcast %parallel_loop3A_678 : f32 to vector<16xf32>
        %parallel_loop3A_680 = arith.maximumf %parallel_loop3A_677, %parallel_loop3A_679 : vector<16xf32>
        %parallel_loop3A_681 = arith.constant 1 : i32
        %parallel_loop3A_682 = arith.addi %parallel_loop3A_332, %parallel_loop3A_681 : i32
        %parallel_loop3A_683 = arith.constant 1 : i32
        %parallel_loop3A_684 = arith.index_cast %parallel_loop3A_683 : i32 to index
        %parallel_loop3A_685 = arith.index_cast %parallel_loop3A_682 : i32 to index
        %parallel_loop3A_686 = arith.constant 96 : index
        %parallel_loop3A_687 = tpu.vector_load %arg9[%parallel_loop3A_684, %parallel_loop3A_685, %parallel_loop3A_686] {strides = array<i32>} : memref<2x80x128xf32, #tpu.memory_space<vmem>>, vector<1x1x16xf32>,
        %parallel_loop3A_688 = vector.shape_cast %parallel_loop3A_687 : vector<1x1x16xf32> to vector<16xf32>
        %parallel_loop3A_689 = vector.shape_cast %parallel_loop3A_680 : vector<16xf32> to vector<1x1x16xf32>
        tpu.vector_store %arg9[%parallel_loop3A_684, %parallel_loop3A_685, %parallel_loop3A_686], %parallel_loop3A_689 {strides = array<i32>} : memref<2x80x128xf32, #tpu.memory_space<vmem>>, vector<1x1x16xf32>,
        %parallel_loop3A_690 = arith.constant 1 : i32
        %parallel_loop3A_691 = arith.index_cast %parallel_loop3A_690 : i32 to index
        %parallel_loop3A_692 = arith.index_cast %parallel_loop3A_330 : i32 to index
        %parallel_loop3A_693 = arith.constant 112 : index
        %parallel_loop3A_694 = tpu.vector_load %arg10[%parallel_loop3A_691, %parallel_loop3A_692, %parallel_loop3A_693] {strides = array<i32>} : memref<2x40x128xi32, #tpu.memory_space<vmem>>, vector<1x1x16xi32>,
        %parallel_loop3A_695 = vector.shape_cast %parallel_loop3A_694 : vector<1x1x16xi32> to vector<16xi32>
        %parallel_loop3A_696 = arith.constant 16 : i32
        %parallel_loop3A_697 = vector.broadcast %parallel_loop3A_696 : i32 to vector<16xi32>
        %parallel_loop3A_698 = arith.shli %parallel_loop3A_695, %parallel_loop3A_697 : vector<16xi32>
        %parallel_loop3A_699 = tpu.bitcast %parallel_loop3A_698 : vector<16xi32> -> vector<16xf32>
        %parallel_loop3A_700 = vector.broadcast %scan3A_114 : i32 to vector<16xi32>
        %parallel_loop3A_701 = arith.andi %parallel_loop3A_695, %parallel_loop3A_700 : vector<16xi32>
        %parallel_loop3A_702 = tpu.bitcast %parallel_loop3A_701 : vector<16xi32> -> vector<16xf32>
        %parallel_loop3A_703 = arith.constant 1 : i32
        %parallel_loop3A_704 = arith.index_cast %parallel_loop3A_703 : i32 to index
        %parallel_loop3A_705 = arith.index_cast %parallel_loop3A_332 : i32 to index
        %parallel_loop3A_706 = arith.constant 112 : index
        %parallel_loop3A_707 = tpu.vector_load %arg9[%parallel_loop3A_704, %parallel_loop3A_705, %parallel_loop3A_706] {strides = array<i32>} : memref<2x80x128xf32, #tpu.memory_space<vmem>>, vector<1x1x16xf32>,
        %parallel_loop3A_708 = vector.shape_cast %parallel_loop3A_707 : vector<1x1x16xf32> to vector<16xf32>
        %parallel_loop3A_709 = arith.addf %parallel_loop3A_708, %parallel_loop3A_699 : vector<16xf32>
        %parallel_loop3A_710 = arith.constant 0.000000e+00 : f32
        %parallel_loop3A_711 = vector.broadcast %parallel_loop3A_710 : f32 to vector<16xf32>
        %parallel_loop3A_712 = arith.maximumf %parallel_loop3A_709, %parallel_loop3A_711 : vector<16xf32>
        %parallel_loop3A_713 = arith.constant 1 : i32
        %parallel_loop3A_714 = arith.index_cast %parallel_loop3A_713 : i32 to index
        %parallel_loop3A_715 = arith.index_cast %parallel_loop3A_332 : i32 to index
        %parallel_loop3A_716 = arith.constant 112 : index
        %parallel_loop3A_717 = tpu.vector_load %arg9[%parallel_loop3A_714, %parallel_loop3A_715, %parallel_loop3A_716] {strides = array<i32>} : memref<2x80x128xf32, #tpu.memory_space<vmem>>, vector<1x1x16xf32>,
        %parallel_loop3A_718 = vector.shape_cast %parallel_loop3A_717 : vector<1x1x16xf32> to vector<16xf32>
        %parallel_loop3A_719 = vector.shape_cast %parallel_loop3A_712 : vector<16xf32> to vector<1x1x16xf32>
        tpu.vector_store %arg9[%parallel_loop3A_714, %parallel_loop3A_715, %parallel_loop3A_716], %parallel_loop3A_719 {strides = array<i32>} : memref<2x80x128xf32, #tpu.memory_space<vmem>>, vector<1x1x16xf32>,
        %parallel_loop3A_720 = arith.constant 1 : i32
        %parallel_loop3A_721 = arith.addi %parallel_loop3A_332, %parallel_loop3A_720 : i32
        %parallel_loop3A_722 = arith.constant 1 : i32
        %parallel_loop3A_723 = arith.index_cast %parallel_loop3A_722 : i32 to index
        %parallel_loop3A_724 = arith.index_cast %parallel_loop3A_721 : i32 to index
        %parallel_loop3A_725 = arith.constant 112 : index
        %parallel_loop3A_726 = tpu.vector_load %arg9[%parallel_loop3A_723, %parallel_loop3A_724, %parallel_loop3A_725] {strides = array<i32>} : memref<2x80x128xf32, #tpu.memory_space<vmem>>, vector<1x1x16xf32>,
        %parallel_loop3A_727 = vector.shape_cast %parallel_loop3A_726 : vector<1x1x16xf32> to vector<16xf32>
        %parallel_loop3A_728 = arith.addf %parallel_loop3A_727, %parallel_loop3A_702 : vector<16xf32>
        %parallel_loop3A_729 = arith.constant 0.000000e+00 : f32
        %parallel_loop3A_730 = vector.broadcast %parallel_loop3A_729 : f32 to vector<16xf32>
        %parallel_loop3A_731 = arith.maximumf %parallel_loop3A_728, %parallel_loop3A_730 : vector<16xf32>
        %parallel_loop3A_732 = arith.constant 1 : i32
        %parallel_loop3A_733 = arith.addi %parallel_loop3A_332, %parallel_loop3A_732 : i32
        %parallel_loop3A_734 = arith.constant 1 : i32
        %parallel_loop3A_735 = arith.index_cast %parallel_loop3A_734 : i32 to index
        %parallel_loop3A_736 = arith.index_cast %parallel_loop3A_733 : i32 to index
        %parallel_loop3A_737 = arith.constant 112 : index
        %parallel_loop3A_738 = tpu.vector_load %arg9[%parallel_loop3A_735, %parallel_loop3A_736, %parallel_loop3A_737] {strides = array<i32>} : memref<2x80x128xf32, #tpu.memory_space<vmem>>, vector<1x1x16xf32>,
        %parallel_loop3A_739 = vector.shape_cast %parallel_loop3A_738 : vector<1x1x16xf32> to vector<16xf32>
        %parallel_loop3A_740 = vector.shape_cast %parallel_loop3A_731 : vector<16xf32> to vector<1x1x16xf32>
        tpu.vector_store %arg9[%parallel_loop3A_735, %parallel_loop3A_736, %parallel_loop3A_737], %parallel_loop3A_740 {strides = array<i32>} : memref<2x80x128xf32, #tpu.memory_space<vmem>>, vector<1x1x16xf32>,
      } {sc.loop_unroll_factor = 4 : i64, sc.parallel_access}
      %dma_start3A_316 = arith.constant 1 : i32
      %dma_start3A_317 = arith.constant 1 : i32
      %dma_start3A_318 = arith.constant 0 : i32
      %dma_start3A_319 = arith.constant 0 : i32
      %dma_start3A_320 = tpu.memref_slice %arg9[%dma_start3A_316, %dma_start3A_318, %dma_start3A_319] : memref<2x80x128xf32, #tpu.memory_space<vmem>> -> memref<1x80x128xf32, #tpu.memory_space<vmem>>
      %dma_start3A_321 = tpu.memref_squeeze %dma_start3A_320 : memref<1x80x128xf32, #tpu.memory_space<vmem>> -> memref<80x128xf32, #tpu.memory_space<vmem>>
      %dma_start3A_322 = arith.constant 0 : i32
      %dma_start3A_323 = tpu.memref_slice %arg8[%dma_start3A_317, %dma_start3A_322] : memref<2x80xi32, #tpu.memory_space<vmem>> -> memref<1x80xi32, #tpu.memory_space<vmem>>
      %dma_start3A_324 = tpu.memref_squeeze %dma_start3A_323 : memref<1x80xi32, #tpu.memory_space<vmem>> -> memref<80xi32, #tpu.memory_space<vmem>>
      %dma_start3A_325 = arith.constant 0 : i32
      %dma_start3A_326 = arith.constant 0 : i32
      %dma_start3A_327 = tpu.memref_slice %arg15[%dma_start3A_325, %dma_start3A_326] : memref<10240x128xf32, #tpu.memory_space<vmem_shared>> -> memref<10240x128xf32, #tpu.memory_space<vmem_shared>>
      tpu.enqueue_indirect_dma source(%dma_start3A_321 : memref<80x128xf32, #tpu.memory_space<vmem>>) target(%dma_start3A_327 : memref<10240x128xf32, #tpu.memory_space<vmem_shared>>) offsets(%dma_start3A_324 : memref<80xi32, #tpu.memory_space<vmem>>) semaphore(%arg14 : memref<!tpu.dma_semaphore, #tpu.memory_space<semaphore_mem>>) {add = true}
      %lt3A = arith.constant 61 : i32
      %lt3A_328 = arith.cmpi slt, %scan3A_237, %lt3A : i32
      %convert_element_type3A = arith.extui %lt3A_328 : i1 to i32
      %cond3A = arith.constant 0 : i32
      %cond3A_329 = arith.cmpi ne, %convert_element_type3A, %cond3A : i32
      scf.if %cond3A_329 {
        %dma_wait3A_330 = arith.constant 0 : i32
        %dma_wait3A_331 = arith.constant 0 : i32
        %dma_wait3A_332 = arith.constant 0 : i32
        %dma_wait3A_333 = arith.constant 0 : i32
        %dma_wait3A_334 = tpu.memref_slice %arg9[%dma_wait3A_330, %dma_wait3A_332, %dma_wait3A_333] : memref<2x80x128xf32, #tpu.memory_space<vmem>> -> memref<1x80x128xf32, #tpu.memory_space<vmem>>
        %dma_wait3A_335 = tpu.memref_squeeze %dma_wait3A_334 : memref<1x80x128xf32, #tpu.memory_space<vmem>> -> memref<80x128xf32, #tpu.memory_space<vmem>>
        %dma_wait3A_336 = arith.constant 0 : i32
        %dma_wait3A_337 = tpu.memref_slice %arg8[%dma_wait3A_331, %dma_wait3A_336] : memref<2x80xi32, #tpu.memory_space<vmem>> -> memref<1x80xi32, #tpu.memory_space<vmem>>
        %dma_wait3A_338 = tpu.memref_squeeze %dma_wait3A_337 : memref<1x80xi32, #tpu.memory_space<vmem>> -> memref<80xi32, #tpu.memory_space<vmem>>
        %dma_wait3A_339 = arith.constant 0 : i32
        %dma_wait3A_340 = arith.constant 0 : i32
        %dma_wait3A_341 = tpu.memref_slice %arg15[%dma_wait3A_339, %dma_wait3A_340] : memref<10240x128xf32, #tpu.memory_space<vmem_shared>> -> memref<10240x128xf32, #tpu.memory_space<vmem_shared>>
        tpu.wait_indirect_dma semaphore(%arg13 : memref<!tpu.dma_semaphore, #tpu.memory_space<semaphore_mem>>) src(%dma_wait3A_335 : memref<80x128xf32, #tpu.memory_space<vmem>>) dst(%dma_wait3A_341 : memref<10240x128xf32, #tpu.memory_space<vmem_shared>>)
        %mul3A_342 = arith.constant 2 : i32
        %mul3A_343 = arith.muli %mul3A_342, %scan3A_237 : i32
        %add3A_344 = arith.constant 2 : i32
        %add3A_345 = arith.addi %mul3A_343, %add3A_344 : i32
        %add3A_346 = arith.constant 0 : i32
        %add3A_347 = arith.addi %add3A_345, %add3A_346 : i32
        %mul3A_348 = arith.constant 80 : i32
        %mul3A_349 = arith.muli %add3A_347, %mul3A_348 : i32
        %add3A_350 = arith.addi %mul3A_46, %mul3A_349 : i32
        %mul3A_351 = arith.constant 40 : i32
        %mul3A_352 = arith.muli %add3A_347, %mul3A_351 : i32
        %add3A_353 = arith.addi %mul3A_51, %mul3A_352 : i32
        %run_scoped3A_354 = arith.constant 0 : i32
        "tpu.region"() ({
          %run_scoped3A_432 = tpu.sem_alloc : memref<!tpu.dma_semaphore, #tpu.memory_space<semaphore_mem>>
          %dma_start3A_433 = arith.constant 0 : i32
          %dma_start3A_434 = tpu.memref_slice %arg7[%run_scoped3A_354, %dma_start3A_433] : memref<2x80xi32, #tpu.memory_space<vmem>> -> memref<1x80xi32, #tpu.memory_space<vmem>>
          %dma_start3A_435 = tpu.memref_squeeze %dma_start3A_434 : memref<1x80xi32, #tpu.memory_space<vmem>> -> memref<80xi32, #tpu.memory_space<vmem>>
          %dma_start3A_436 = tpu.memref_slice %arg3[%add3A_350] : memref<320000xi32, #tpu.memory_space<hbm>> -> memref<80xi32, #tpu.memory_space<hbm>>
          %dma_start3A_437 = arith.constant 0 : i32
          %dma_start3A_438 = tpu.memref_slice %arg7[%run_scoped3A_354, %dma_start3A_437] : memref<2x80xi32, #tpu.memory_space<vmem>> -> memref<1x80xi32, #tpu.memory_space<vmem>>
          %dma_start3A_439 = tpu.memref_squeeze %dma_start3A_438 : memref<1x80xi32, #tpu.memory_space<vmem>> -> memref<80xi32, #tpu.memory_space<vmem>>
          %dma_start3A_440 = tpu.memref_slice %arg3[%add3A_350] : memref<320000xi32, #tpu.memory_space<hbm>> -> memref<80xi32, #tpu.memory_space<hbm>>
          tpu.enqueue_dma source(%dma_start3A_440 : memref<80xi32, #tpu.memory_space<hbm>>) target(%dma_start3A_439 : memref<80xi32, #tpu.memory_space<vmem>>) target_semaphore(%run_scoped3A_432 : memref<!tpu.dma_semaphore, #tpu.memory_space<semaphore_mem>>)
          %dma_wait3A_441 = arith.constant 0 : i32
          %dma_wait3A_442 = tpu.memref_slice %arg7[%run_scoped3A_354, %dma_wait3A_441] : memref<2x80xi32, #tpu.memory_space<vmem>> -> memref<1x80xi32, #tpu.memory_space<vmem>>
          %dma_wait3A_443 = tpu.memref_squeeze %dma_wait3A_442 : memref<1x80xi32, #tpu.memory_space<vmem>> -> memref<80xi32, #tpu.memory_space<vmem>>
          %dma_wait3A_444 = tpu.memref_slice %arg3[%add3A_350] : memref<320000xi32, #tpu.memory_space<hbm>> -> memref<80xi32, #tpu.memory_space<hbm>>
          %dma_wait3A_445 = arith.constant 0 : i32
          %dma_wait3A_446 = tpu.memref_slice %arg7[%run_scoped3A_354, %dma_wait3A_445] : memref<2x80xi32, #tpu.memory_space<vmem>> -> memref<1x80xi32, #tpu.memory_space<vmem>>
          %dma_wait3A_447 = tpu.memref_squeeze %dma_wait3A_446 : memref<1x80xi32, #tpu.memory_space<vmem>> -> memref<80xi32, #tpu.memory_space<vmem>>
          %dma_wait3A_448 = tpu.memref_slice %arg3[%add3A_350] : memref<320000xi32, #tpu.memory_space<hbm>> -> memref<80xi32, #tpu.memory_space<hbm>>
          tpu.wait_dma2 semaphore(%run_scoped3A_432 : memref<!tpu.dma_semaphore, #tpu.memory_space<semaphore_mem>>) src(%dma_wait3A_448 : memref<80xi32, #tpu.memory_space<hbm>>) dst(%dma_wait3A_447 : memref<80xi32, #tpu.memory_space<vmem>>)
          tpu.yield
        }) : () -> ()
        %run_scoped3A_355 = arith.constant 0 : i32
        "tpu.region"() ({
          %run_scoped3A_432 = tpu.sem_alloc : memref<!tpu.dma_semaphore, #tpu.memory_space<semaphore_mem>>
          %dma_start3A_433 = arith.constant 0 : i32
          %dma_start3A_434 = tpu.memref_slice %arg8[%run_scoped3A_355, %dma_start3A_433] : memref<2x80xi32, #tpu.memory_space<vmem>> -> memref<1x80xi32, #tpu.memory_space<vmem>>
          %dma_start3A_435 = tpu.memref_squeeze %dma_start3A_434 : memref<1x80xi32, #tpu.memory_space<vmem>> -> memref<80xi32, #tpu.memory_space<vmem>>
          %dma_start3A_436 = tpu.memref_slice %arg4[%add3A_350] : memref<320000xi32, #tpu.memory_space<hbm>> -> memref<80xi32, #tpu.memory_space<hbm>>
          %dma_start3A_437 = arith.constant 0 : i32
          %dma_start3A_438 = tpu.memref_slice %arg8[%run_scoped3A_355, %dma_start3A_437] : memref<2x80xi32, #tpu.memory_space<vmem>> -> memref<1x80xi32, #tpu.memory_space<vmem>>
          %dma_start3A_439 = tpu.memref_squeeze %dma_start3A_438 : memref<1x80xi32, #tpu.memory_space<vmem>> -> memref<80xi32, #tpu.memory_space<vmem>>
          %dma_start3A_440 = tpu.memref_slice %arg4[%add3A_350] : memref<320000xi32, #tpu.memory_space<hbm>> -> memref<80xi32, #tpu.memory_space<hbm>>
          tpu.enqueue_dma source(%dma_start3A_440 : memref<80xi32, #tpu.memory_space<hbm>>) target(%dma_start3A_439 : memref<80xi32, #tpu.memory_space<vmem>>) target_semaphore(%run_scoped3A_432 : memref<!tpu.dma_semaphore, #tpu.memory_space<semaphore_mem>>)
          %dma_wait3A_441 = arith.constant 0 : i32
          %dma_wait3A_442 = tpu.memref_slice %arg8[%run_scoped3A_355, %dma_wait3A_441] : memref<2x80xi32, #tpu.memory_space<vmem>> -> memref<1x80xi32, #tpu.memory_space<vmem>>
          %dma_wait3A_443 = tpu.memref_squeeze %dma_wait3A_442 : memref<1x80xi32, #tpu.memory_space<vmem>> -> memref<80xi32, #tpu.memory_space<vmem>>
          %dma_wait3A_444 = tpu.memref_slice %arg4[%add3A_350] : memref<320000xi32, #tpu.memory_space<hbm>> -> memref<80xi32, #tpu.memory_space<hbm>>
          %dma_wait3A_445 = arith.constant 0 : i32
          %dma_wait3A_446 = tpu.memref_slice %arg8[%run_scoped3A_355, %dma_wait3A_445] : memref<2x80xi32, #tpu.memory_space<vmem>> -> memref<1x80xi32, #tpu.memory_space<vmem>>
          %dma_wait3A_447 = tpu.memref_squeeze %dma_wait3A_446 : memref<1x80xi32, #tpu.memory_space<vmem>> -> memref<80xi32, #tpu.memory_space<vmem>>
          %dma_wait3A_448 = tpu.memref_slice %arg4[%add3A_350] : memref<320000xi32, #tpu.memory_space<hbm>> -> memref<80xi32, #tpu.memory_space<hbm>>
          tpu.wait_dma2 semaphore(%run_scoped3A_432 : memref<!tpu.dma_semaphore, #tpu.memory_space<semaphore_mem>>) src(%dma_wait3A_448 : memref<80xi32, #tpu.memory_space<hbm>>) dst(%dma_wait3A_447 : memref<80xi32, #tpu.memory_space<vmem>>)
          tpu.yield
        }) : () -> ()
        %dma_start3A_356 = arith.constant 0 : i32
        %dma_start3A_357 = arith.constant 0 : i32
        %dma_start3A_358 = arith.constant 0 : i32
        %dma_start3A_359 = tpu.memref_slice %arg10[%dma_start3A_356, %dma_start3A_357, %dma_start3A_358] : memref<2x40x128xi32, #tpu.memory_space<vmem>> -> memref<1x40x128xi32, #tpu.memory_space<vmem>>
        %dma_start3A_360 = tpu.memref_squeeze %dma_start3A_359 : memref<1x40x128xi32, #tpu.memory_space<vmem>> -> memref<40x128xi32, #tpu.memory_space<vmem>>
        %dma_start3A_361 = arith.constant 0 : i32
        %dma_start3A_362 = tpu.memref_slice %arg5[%add3A_353, %dma_start3A_361] : memref<160000x128xi32, #tpu.memory_space<hbm>> -> memref<40x128xi32, #tpu.memory_space<hbm>>
        %dma_start3A_363 = arith.constant 0 : i32
        %dma_start3A_364 = arith.constant 0 : i32
        %dma_start3A_365 = tpu.memref_slice %arg10[%dma_start3A_356, %dma_start3A_363, %dma_start3A_364] : memref<2x40x128xi32, #tpu.memory_space<vmem>> -> memref<1x40x128xi32, #tpu.memory_space<vmem>>
        %dma_start3A_366 = tpu.memref_squeeze %dma_start3A_365 : memref<1x40x128xi32, #tpu.memory_space<vmem>> -> memref<40x128xi32, #tpu.memory_space<vmem>>
        %dma_start3A_367 = arith.constant 0 : i32
        %dma_start3A_368 = tpu.memref_slice %arg5[%add3A_353, %dma_start3A_367] : memref<160000x128xi32, #tpu.memory_space<hbm>> -> memref<40x128xi32, #tpu.memory_space<hbm>>
        tpu.enqueue_dma source(%dma_start3A_368 : memref<40x128xi32, #tpu.memory_space<hbm>>) target(%dma_start3A_366 : memref<40x128xi32, #tpu.memory_space<vmem>>) target_semaphore(%arg11 : memref<!tpu.dma_semaphore, #tpu.memory_space<semaphore_mem>>)
        %dma_start3A_369 = arith.constant 0 : i32
        %dma_start3A_370 = arith.constant 0 : i32
        %dma_start3A_371 = arith.constant 0 : i32
        %dma_start3A_372 = arith.constant 0 : i32
        %dma_start3A_373 = tpu.memref_slice %arg9[%dma_start3A_370, %dma_start3A_371, %dma_start3A_372] : memref<2x80x128xf32, #tpu.memory_space<vmem>> -> memref<1x80x128xf32, #tpu.memory_space<vmem>>
        %dma_start3A_374 = tpu.memref_squeeze %dma_start3A_373 : memref<1x80x128xf32, #tpu.memory_space<vmem>> -> memref<80x128xf32, #tpu.memory_space<vmem>>
        %dma_start3A_375 = arith.constant 0 : i32
        %dma_start3A_376 = tpu.memref_slice %arg7[%dma_start3A_369, %dma_start3A_375] : memref<2x80xi32, #tpu.memory_space<vmem>> -> memref<1x80xi32, #tpu.memory_space<vmem>>
        %dma_start3A_377 = tpu.memref_squeeze %dma_start3A_376 : memref<1x80xi32, #tpu.memory_space<vmem>> -> memref<80xi32, #tpu.memory_space<vmem>>
        %dma_start3A_378 = arith.constant 0 : i32
        %dma_start3A_379 = arith.constant 0 : i32
        %dma_start3A_380 = tpu.memref_slice %arg2[%dma_start3A_378, %dma_start3A_379] : memref<10000x128xf32, #tpu.memory_space<hbm>> -> memref<10000x128xf32, #tpu.memory_space<hbm>>
        tpu.enqueue_indirect_dma source(%dma_start3A_380 : memref<10000x128xf32, #tpu.memory_space<hbm>>) target(%dma_start3A_374 : memref<80x128xf32, #tpu.memory_space<vmem>>) offsets(%dma_start3A_377 : memref<80xi32, #tpu.memory_space<vmem>>) semaphore(%arg11 : memref<!tpu.dma_semaphore, #tpu.memory_space<semaphore_mem>>)
        %dma_wait3A_381 = arith.constant 1 : i32
        %dma_wait3A_382 = arith.constant 1 : i32
        %dma_wait3A_383 = arith.constant 0 : i32
        %dma_wait3A_384 = arith.constant 0 : i32
        %dma_wait3A_385 = tpu.memref_slice %arg9[%dma_wait3A_381, %dma_wait3A_383, %dma_wait3A_384] : memref<2x80x128xf32, #tpu.memory_space<vmem>> -> memref<1x80x128xf32, #tpu.memory_space<vmem>>
        %dma_wait3A_386 = tpu.memref_squeeze %dma_wait3A_385 : memref<1x80x128xf32, #tpu.memory_space<vmem>> -> memref<80x128xf32, #tpu.memory_space<vmem>>
        %dma_wait3A_387 = arith.constant 0 : i32
        %dma_wait3A_388 = tpu.memref_slice %arg8[%dma_wait3A_382, %dma_wait3A_387] : memref<2x80xi32, #tpu.memory_space<vmem>> -> memref<1x80xi32, #tpu.memory_space<vmem>>
        %dma_wait3A_389 = tpu.memref_squeeze %dma_wait3A_388 : memref<1x80xi32, #tpu.memory_space<vmem>> -> memref<80xi32, #tpu.memory_space<vmem>>
        %dma_wait3A_390 = arith.constant 0 : i32
        %dma_wait3A_391 = arith.constant 0 : i32
        %dma_wait3A_392 = tpu.memref_slice %arg15[%dma_wait3A_390, %dma_wait3A_391] : memref<10240x128xf32, #tpu.memory_space<vmem_shared>> -> memref<10240x128xf32, #tpu.memory_space<vmem_shared>>
        tpu.wait_indirect_dma semaphore(%arg14 : memref<!tpu.dma_semaphore, #tpu.memory_space<semaphore_mem>>) src(%dma_wait3A_386 : memref<80x128xf32, #tpu.memory_space<vmem>>) dst(%dma_wait3A_392 : memref<10240x128xf32, #tpu.memory_space<vmem_shared>>)
        %mul3A_393 = arith.constant 2 : i32
        %mul3A_394 = arith.muli %mul3A_393, %scan3A_237 : i32
        %add3A_395 = arith.constant 2 : i32
        %add3A_396 = arith.addi %mul3A_394, %add3A_395 : i32
        %add3A_397 = arith.constant 1 : i32
        %add3A_398 = arith.addi %add3A_396, %add3A_397 : i32
        %mul3A_399 = arith.constant 80 : i32
        %mul3A_400 = arith.muli %add3A_398, %mul3A_399 : i32
        %add3A_401 = arith.addi %mul3A_46, %mul3A_400 : i32
        %mul3A_402 = arith.constant 40 : i32
        %mul3A_403 = arith.muli %add3A_398, %mul3A_402 : i32
        %add3A_404 = arith.addi %mul3A_51, %mul3A_403 : i32
        %run_scoped3A_405 = arith.constant 1 : i32
        "tpu.region"() ({
          %run_scoped3A_432 = tpu.sem_alloc : memref<!tpu.dma_semaphore, #tpu.memory_space<semaphore_mem>>
          %dma_start3A_433 = arith.constant 0 : i32
          %dma_start3A_434 = tpu.memref_slice %arg7[%run_scoped3A_405, %dma_start3A_433] : memref<2x80xi32, #tpu.memory_space<vmem>> -> memref<1x80xi32, #tpu.memory_space<vmem>>
          %dma_start3A_435 = tpu.memref_squeeze %dma_start3A_434 : memref<1x80xi32, #tpu.memory_space<vmem>> -> memref<80xi32, #tpu.memory_space<vmem>>
          %dma_start3A_436 = tpu.memref_slice %arg3[%add3A_401] : memref<320000xi32, #tpu.memory_space<hbm>> -> memref<80xi32, #tpu.memory_space<hbm>>
          %dma_start3A_437 = arith.constant 0 : i32
          %dma_start3A_438 = tpu.memref_slice %arg7[%run_scoped3A_405, %dma_start3A_437] : memref<2x80xi32, #tpu.memory_space<vmem>> -> memref<1x80xi32, #tpu.memory_space<vmem>>
          %dma_start3A_439 = tpu.memref_squeeze %dma_start3A_438 : memref<1x80xi32, #tpu.memory_space<vmem>> -> memref<80xi32, #tpu.memory_space<vmem>>
          %dma_start3A_440 = tpu.memref_slice %arg3[%add3A_401] : memref<320000xi32, #tpu.memory_space<hbm>> -> memref<80xi32, #tpu.memory_space<hbm>>
          tpu.enqueue_dma source(%dma_start3A_440 : memref<80xi32, #tpu.memory_space<hbm>>) target(%dma_start3A_439 : memref<80xi32, #tpu.memory_space<vmem>>) target_semaphore(%run_scoped3A_432 : memref<!tpu.dma_semaphore, #tpu.memory_space<semaphore_mem>>)
          %dma_wait3A_441 = arith.constant 0 : i32
          %dma_wait3A_442 = tpu.memref_slice %arg7[%run_scoped3A_405, %dma_wait3A_441] : memref<2x80xi32, #tpu.memory_space<vmem>> -> memref<1x80xi32, #tpu.memory_space<vmem>>
          %dma_wait3A_443 = tpu.memref_squeeze %dma_wait3A_442 : memref<1x80xi32, #tpu.memory_space<vmem>> -> memref<80xi32, #tpu.memory_space<vmem>>
          %dma_wait3A_444 = tpu.memref_slice %arg3[%add3A_401] : memref<320000xi32, #tpu.memory_space<hbm>> -> memref<80xi32, #tpu.memory_space<hbm>>
          %dma_wait3A_445 = arith.constant 0 : i32
          %dma_wait3A_446 = tpu.memref_slice %arg7[%run_scoped3A_405, %dma_wait3A_445] : memref<2x80xi32, #tpu.memory_space<vmem>> -> memref<1x80xi32, #tpu.memory_space<vmem>>
          %dma_wait3A_447 = tpu.memref_squeeze %dma_wait3A_446 : memref<1x80xi32, #tpu.memory_space<vmem>> -> memref<80xi32, #tpu.memory_space<vmem>>
          %dma_wait3A_448 = tpu.memref_slice %arg3[%add3A_401] : memref<320000xi32, #tpu.memory_space<hbm>> -> memref<80xi32, #tpu.memory_space<hbm>>
          tpu.wait_dma2 semaphore(%run_scoped3A_432 : memref<!tpu.dma_semaphore, #tpu.memory_space<semaphore_mem>>) src(%dma_wait3A_448 : memref<80xi32, #tpu.memory_space<hbm>>) dst(%dma_wait3A_447 : memref<80xi32, #tpu.memory_space<vmem>>)
          tpu.yield
        }) : () -> ()
        %run_scoped3A_406 = arith.constant 1 : i32
        "tpu.region"() ({
          %run_scoped3A_432 = tpu.sem_alloc : memref<!tpu.dma_semaphore, #tpu.memory_space<semaphore_mem>>
          %dma_start3A_433 = arith.constant 0 : i32
          %dma_start3A_434 = tpu.memref_slice %arg8[%run_scoped3A_406, %dma_start3A_433] : memref<2x80xi32, #tpu.memory_space<vmem>> -> memref<1x80xi32, #tpu.memory_space<vmem>>
          %dma_start3A_435 = tpu.memref_squeeze %dma_start3A_434 : memref<1x80xi32, #tpu.memory_space<vmem>> -> memref<80xi32, #tpu.memory_space<vmem>>
          %dma_start3A_436 = tpu.memref_slice %arg4[%add3A_401] : memref<320000xi32, #tpu.memory_space<hbm>> -> memref<80xi32, #tpu.memory_space<hbm>>
          %dma_start3A_437 = arith.constant 0 : i32
          %dma_start3A_438 = tpu.memref_slice %arg8[%run_scoped3A_406, %dma_start3A_437] : memref<2x80xi32, #tpu.memory_space<vmem>> -> memref<1x80xi32, #tpu.memory_space<vmem>>
          %dma_start3A_439 = tpu.memref_squeeze %dma_start3A_438 : memref<1x80xi32, #tpu.memory_space<vmem>> -> memref<80xi32, #tpu.memory_space<vmem>>
          %dma_start3A_440 = tpu.memref_slice %arg4[%add3A_401] : memref<320000xi32, #tpu.memory_space<hbm>> -> memref<80xi32, #tpu.memory_space<hbm>>
          tpu.enqueue_dma source(%dma_start3A_440 : memref<80xi32, #tpu.memory_space<hbm>>) target(%dma_start3A_439 : memref<80xi32, #tpu.memory_space<vmem>>) target_semaphore(%run_scoped3A_432 : memref<!tpu.dma_semaphore, #tpu.memory_space<semaphore_mem>>)
          %dma_wait3A_441 = arith.constant 0 : i32
          %dma_wait3A_442 = tpu.memref_slice %arg8[%run_scoped3A_406, %dma_wait3A_441] : memref<2x80xi32, #tpu.memory_space<vmem>> -> memref<1x80xi32, #tpu.memory_space<vmem>>
          %dma_wait3A_443 = tpu.memref_squeeze %dma_wait3A_442 : memref<1x80xi32, #tpu.memory_space<vmem>> -> memref<80xi32, #tpu.memory_space<vmem>>
          %dma_wait3A_444 = tpu.memref_slice %arg4[%add3A_401] : memref<320000xi32, #tpu.memory_space<hbm>> -> memref<80xi32, #tpu.memory_space<hbm>>
          %dma_wait3A_445 = arith.constant 0 : i32
          %dma_wait3A_446 = tpu.memref_slice %arg8[%run_scoped3A_406, %dma_wait3A_445] : memref<2x80xi32, #tpu.memory_space<vmem>> -> memref<1x80xi32, #tpu.memory_space<vmem>>
          %dma_wait3A_447 = tpu.memref_squeeze %dma_wait3A_446 : memref<1x80xi32, #tpu.memory_space<vmem>> -> memref<80xi32, #tpu.memory_space<vmem>>
          %dma_wait3A_448 = tpu.memref_slice %arg4[%add3A_401] : memref<320000xi32, #tpu.memory_space<hbm>> -> memref<80xi32, #tpu.memory_space<hbm>>
          tpu.wait_dma2 semaphore(%run_scoped3A_432 : memref<!tpu.dma_semaphore, #tpu.memory_space<semaphore_mem>>) src(%dma_wait3A_448 : memref<80xi32, #tpu.memory_space<hbm>>) dst(%dma_wait3A_447 : memref<80xi32, #tpu.memory_space<vmem>>)
          tpu.yield
        }) : () -> ()
        %dma_start3A_407 = arith.constant 1 : i32
        %dma_start3A_408 = arith.constant 0 : i32
        %dma_start3A_409 = arith.constant 0 : i32
        %dma_start3A_410 = tpu.memref_slice %arg10[%dma_start3A_407, %dma_start3A_408, %dma_start3A_409] : memref<2x40x128xi32, #tpu.memory_space<vmem>> -> memref<1x40x128xi32, #tpu.memory_space<vmem>>
        %dma_start3A_411 = tpu.memref_squeeze %dma_start3A_410 : memref<1x40x128xi32, #tpu.memory_space<vmem>> -> memref<40x128xi32, #tpu.memory_space<vmem>>
        %dma_start3A_412 = arith.constant 0 : i32
        %dma_start3A_413 = tpu.memref_slice %arg5[%add3A_404, %dma_start3A_412] : memref<160000x128xi32, #tpu.memory_space<hbm>> -> memref<40x128xi32, #tpu.memory_space<hbm>>
        %dma_start3A_414 = arith.constant 0 : i32
        %dma_start3A_415 = arith.constant 0 : i32
        %dma_start3A_416 = tpu.memref_slice %arg10[%dma_start3A_407, %dma_start3A_414, %dma_start3A_415] : memref<2x40x128xi32, #tpu.memory_space<vmem>> -> memref<1x40x128xi32, #tpu.memory_space<vmem>>
        %dma_start3A_417 = tpu.memref_squeeze %dma_start3A_416 : memref<1x40x128xi32, #tpu.memory_space<vmem>> -> memref<40x128xi32, #tpu.memory_space<vmem>>
        %dma_start3A_418 = arith.constant 0 : i32
        %dma_start3A_419 = tpu.memref_slice %arg5[%add3A_404, %dma_start3A_418] : memref<160000x128xi32, #tpu.memory_space<hbm>> -> memref<40x128xi32, #tpu.memory_space<hbm>>
        tpu.enqueue_dma source(%dma_start3A_419 : memref<40x128xi32, #tpu.memory_space<hbm>>) target(%dma_start3A_417 : memref<40x128xi32, #tpu.memory_space<vmem>>) target_semaphore(%arg12 : memref<!tpu.dma_semaphore, #tpu.memory_space<semaphore_mem>>)
        %dma_start3A_420 = arith.constant 1 : i32
        %dma_start3A_421 = arith.constant 1 : i32
        %dma_start3A_422 = arith.constant 0 : i32
        %dma_start3A_423 = arith.constant 0 : i32
        %dma_start3A_424 = tpu.memref_slice %arg9[%dma_start3A_421, %dma_start3A_422, %dma_start3A_423] : memref<2x80x128xf32, #tpu.memory_space<vmem>> -> memref<1x80x128xf32, #tpu.memory_space<vmem>>
        %dma_start3A_425 = tpu.memref_squeeze %dma_start3A_424 : memref<1x80x128xf32, #tpu.memory_space<vmem>> -> memref<80x128xf32, #tpu.memory_space<vmem>>
        %dma_start3A_426 = arith.constant 0 : i32
        %dma_start3A_427 = tpu.memref_slice %arg7[%dma_start3A_420, %dma_start3A_426] : memref<2x80xi32, #tpu.memory_space<vmem>> -> memref<1x80xi32, #tpu.memory_space<vmem>>
        %dma_start3A_428 = tpu.memref_squeeze %dma_start3A_427 : memref<1x80xi32, #tpu.memory_space<vmem>> -> memref<80xi32, #tpu.memory_space<vmem>>
        %dma_start3A_429 = arith.constant 0 : i32
        %dma_start3A_430 = arith.constant 0 : i32
        %dma_start3A_431 = tpu.memref_slice %arg2[%dma_start3A_429, %dma_start3A_430] : memref<10000x128xf32, #tpu.memory_space<hbm>> -> memref<10000x128xf32, #tpu.memory_space<hbm>>
        tpu.enqueue_indirect_dma source(%dma_start3A_431 : memref<10000x128xf32, #tpu.memory_space<hbm>>) target(%dma_start3A_425 : memref<80x128xf32, #tpu.memory_space<vmem>>) offsets(%dma_start3A_428 : memref<80xi32, #tpu.memory_space<vmem>>) semaphore(%arg12 : memref<!tpu.dma_semaphore, #tpu.memory_space<semaphore_mem>>)
      } else {
      }
    }
    %scan3A_119 = arith.constant 62 : i32
    %dma_wait3A = arith.constant 0 : i32
    %dma_wait3A_120 = arith.constant 0 : i32
    %dma_wait3A_121 = arith.constant 0 : i32
    %dma_wait3A_122 = arith.constant 0 : i32
    %dma_wait3A_123 = tpu.memref_slice %arg9[%dma_wait3A, %dma_wait3A_121, %dma_wait3A_122] : memref<2x80x128xf32, #tpu.memory_space<vmem>> -> memref<1x80x128xf32, #tpu.memory_space<vmem>>
    %dma_wait3A_124 = tpu.memref_squeeze %dma_wait3A_123 : memref<1x80x128xf32, #tpu.memory_space<vmem>> -> memref<80x128xf32, #tpu.memory_space<vmem>>
    %dma_wait3A_125 = arith.constant 0 : i32
    %dma_wait3A_126 = tpu.memref_slice %arg8[%dma_wait3A_120, %dma_wait3A_125] : memref<2x80xi32, #tpu.memory_space<vmem>> -> memref<1x80xi32, #tpu.memory_space<vmem>>
    %dma_wait3A_127 = tpu.memref_squeeze %dma_wait3A_126 : memref<1x80xi32, #tpu.memory_space<vmem>> -> memref<80xi32, #tpu.memory_space<vmem>>
    %dma_wait3A_128 = arith.constant 0 : i32
    %dma_wait3A_129 = arith.constant 0 : i32
    %dma_wait3A_130 = tpu.memref_slice %arg15[%dma_wait3A_128, %dma_wait3A_129] : memref<10240x128xf32, #tpu.memory_space<vmem_shared>> -> memref<10240x128xf32, #tpu.memory_space<vmem_shared>>
    tpu.wait_indirect_dma semaphore(%arg13 : memref<!tpu.dma_semaphore, #tpu.memory_space<semaphore_mem>>) src(%dma_wait3A_124 : memref<80x128xf32, #tpu.memory_space<vmem>>) dst(%dma_wait3A_130 : memref<10240x128xf32, #tpu.memory_space<vmem_shared>>)
    %add3A_131 = arith.constant 9920 : i32
    %add3A_132 = arith.addi %mul3A_46, %add3A_131 : i32
    %add3A_133 = arith.constant 4960 : i32
    %add3A_134 = arith.addi %mul3A_51, %add3A_133 : i32
    %run_scoped3A_135 = arith.constant 0 : i32
    "tpu.region"() ({
      %run_scoped3A_237 = tpu.sem_alloc : memref<!tpu.dma_semaphore, #tpu.memory_space<semaphore_mem>>
      %dma_start3A_238 = arith.constant 0 : i32
      %dma_start3A_239 = tpu.memref_slice %arg7[%run_scoped3A_135, %dma_start3A_238] : memref<2x80xi32, #tpu.memory_space<vmem>> -> memref<1x80xi32, #tpu.memory_space<vmem>>
      %dma_start3A_240 = tpu.memref_squeeze %dma_start3A_239 : memref<1x80xi32, #tpu.memory_space<vmem>> -> memref<80xi32, #tpu.memory_space<vmem>>
      %dma_start3A_241 = tpu.memref_slice %arg3[%add3A_132] : memref<320000xi32, #tpu.memory_space<hbm>> -> memref<80xi32, #tpu.memory_space<hbm>>
      %dma_start3A_242 = arith.constant 0 : i32
      %dma_start3A_243 = tpu.memref_slice %arg7[%run_scoped3A_135, %dma_start3A_242] : memref<2x80xi32, #tpu.memory_space<vmem>> -> memref<1x80xi32, #tpu.memory_space<vmem>>
      %dma_start3A_244 = tpu.memref_squeeze %dma_start3A_243 : memref<1x80xi32, #tpu.memory_space<vmem>> -> memref<80xi32, #tpu.memory_space<vmem>>
      %dma_start3A_245 = tpu.memref_slice %arg3[%add3A_132] : memref<320000xi32, #tpu.memory_space<hbm>> -> memref<80xi32, #tpu.memory_space<hbm>>
      tpu.enqueue_dma source(%dma_start3A_245 : memref<80xi32, #tpu.memory_space<hbm>>) target(%dma_start3A_244 : memref<80xi32, #tpu.memory_space<vmem>>) target_semaphore(%run_scoped3A_237 : memref<!tpu.dma_semaphore, #tpu.memory_space<semaphore_mem>>)
      %dma_wait3A_246 = arith.constant 0 : i32
      %dma_wait3A_247 = tpu.memref_slice %arg7[%run_scoped3A_135, %dma_wait3A_246] : memref<2x80xi32, #tpu.memory_space<vmem>> -> memref<1x80xi32, #tpu.memory_space<vmem>>
      %dma_wait3A_248 = tpu.memref_squeeze %dma_wait3A_247 : memref<1x80xi32, #tpu.memory_space<vmem>> -> memref<80xi32, #tpu.memory_space<vmem>>
      %dma_wait3A_249 = tpu.memref_slice %arg3[%add3A_132] : memref<320000xi32, #tpu.memory_space<hbm>> -> memref<80xi32, #tpu.memory_space<hbm>>
      %dma_wait3A_250 = arith.constant 0 : i32
      %dma_wait3A_251 = tpu.memref_slice %arg7[%run_scoped3A_135, %dma_wait3A_250] : memref<2x80xi32, #tpu.memory_space<vmem>> -> memref<1x80xi32, #tpu.memory_space<vmem>>
      %dma_wait3A_252 = tpu.memref_squeeze %dma_wait3A_251 : memref<1x80xi32, #tpu.memory_space<vmem>> -> memref<80xi32, #tpu.memory_space<vmem>>
      %dma_wait3A_253 = tpu.memref_slice %arg3[%add3A_132] : memref<320000xi32, #tpu.memory_space<hbm>> -> memref<80xi32, #tpu.memory_space<hbm>>
      tpu.wait_dma2 semaphore(%run_scoped3A_237 : memref<!tpu.dma_semaphore, #tpu.memory_space<semaphore_mem>>) src(%dma_wait3A_253 : memref<80xi32, #tpu.memory_space<hbm>>) dst(%dma_wait3A_252 : memref<80xi32, #tpu.memory_space<vmem>>)
      tpu.yield
    }) : () -> ()
    %run_scoped3A_136 = arith.constant 0 : i32
    "tpu.region"() ({
      %run_scoped3A_237 = tpu.sem_alloc : memref<!tpu.dma_semaphore, #tpu.memory_space<semaphore_mem>>
      %dma_start3A_238 = arith.constant 0 : i32
      %dma_start3A_239 = tpu.memref_slice %arg8[%run_scoped3A_136, %dma_start3A_238] : memref<2x80xi32, #tpu.memory_space<vmem>> -> memref<1x80xi32, #tpu.memory_space<vmem>>
      %dma_start3A_240 = tpu.memref_squeeze %dma_start3A_239 : memref<1x80xi32, #tpu.memory_space<vmem>> -> memref<80xi32, #tpu.memory_space<vmem>>
      %dma_start3A_241 = tpu.memref_slice %arg4[%add3A_132] : memref<320000xi32, #tpu.memory_space<hbm>> -> memref<80xi32, #tpu.memory_space<hbm>>
      %dma_start3A_242 = arith.constant 0 : i32
      %dma_start3A_243 = tpu.memref_slice %arg8[%run_scoped3A_136, %dma_start3A_242] : memref<2x80xi32, #tpu.memory_space<vmem>> -> memref<1x80xi32, #tpu.memory_space<vmem>>
      %dma_start3A_244 = tpu.memref_squeeze %dma_start3A_243 : memref<1x80xi32, #tpu.memory_space<vmem>> -> memref<80xi32, #tpu.memory_space<vmem>>
      %dma_start3A_245 = tpu.memref_slice %arg4[%add3A_132] : memref<320000xi32, #tpu.memory_space<hbm>> -> memref<80xi32, #tpu.memory_space<hbm>>
      tpu.enqueue_dma source(%dma_start3A_245 : memref<80xi32, #tpu.memory_space<hbm>>) target(%dma_start3A_244 : memref<80xi32, #tpu.memory_space<vmem>>) target_semaphore(%run_scoped3A_237 : memref<!tpu.dma_semaphore, #tpu.memory_space<semaphore_mem>>)
      %dma_wait3A_246 = arith.constant 0 : i32
      %dma_wait3A_247 = tpu.memref_slice %arg8[%run_scoped3A_136, %dma_wait3A_246] : memref<2x80xi32, #tpu.memory_space<vmem>> -> memref<1x80xi32, #tpu.memory_space<vmem>>
      %dma_wait3A_248 = tpu.memref_squeeze %dma_wait3A_247 : memref<1x80xi32, #tpu.memory_space<vmem>> -> memref<80xi32, #tpu.memory_space<vmem>>
      %dma_wait3A_249 = tpu.memref_slice %arg4[%add3A_132] : memref<320000xi32, #tpu.memory_space<hbm>> -> memref<80xi32, #tpu.memory_space<hbm>>
      %dma_wait3A_250 = arith.constant 0 : i32
      %dma_wait3A_251 = tpu.memref_slice %arg8[%run_scoped3A_136, %dma_wait3A_250] : memref<2x80xi32, #tpu.memory_space<vmem>> -> memref<1x80xi32, #tpu.memory_space<vmem>>
      %dma_wait3A_252 = tpu.memref_squeeze %dma_wait3A_251 : memref<1x80xi32, #tpu.memory_space<vmem>> -> memref<80xi32, #tpu.memory_space<vmem>>
      %dma_wait3A_253 = tpu.memref_slice %arg4[%add3A_132] : memref<320000xi32, #tpu.memory_space<hbm>> -> memref<80xi32, #tpu.memory_space<hbm>>
      tpu.wait_dma2 semaphore(%run_scoped3A_237 : memref<!tpu.dma_semaphore, #tpu.memory_space<semaphore_mem>>) src(%dma_wait3A_253 : memref<80xi32, #tpu.memory_space<hbm>>) dst(%dma_wait3A_252 : memref<80xi32, #tpu.memory_space<vmem>>)
      tpu.yield
    }) : () -> ()
    %dma_start3A_137 = arith.constant 0 : i32
    %dma_start3A_138 = arith.constant 0 : i32
    %dma_start3A_139 = arith.constant 0 : i32
    %dma_start3A_140 = tpu.memref_slice %arg10[%dma_start3A_137, %dma_start3A_138, %dma_start3A_139] : memref<2x40x128xi32, #tpu.memory_space<vmem>> -> memref<1x40x128xi32, #tpu.memory_space<vmem>>
    %dma_start3A_141 = tpu.memref_squeeze %dma_start3A_140 : memref<1x40x128xi32, #tpu.memory_space<vmem>> -> memref<40x128xi32, #tpu.memory_space<vmem>>
    %dma_start3A_142 = arith.constant 0 : i32
    %dma_start3A_143 = tpu.memref_slice %arg5[%add3A_134, %dma_start3A_142] : memref<160000x128xi32, #tpu.memory_space<hbm>> -> memref<40x128xi32, #tpu.memory_space<hbm>>
    %dma_start3A_144 = arith.constant 0 : i32
    %dma_start3A_145 = arith.constant 0 : i32
    %dma_start3A_146 = tpu.memref_slice %arg10[%dma_start3A_137, %dma_start3A_144, %dma_start3A_145] : memref<2x40x128xi32, #tpu.memory_space<vmem>> -> memref<1x40x128xi32, #tpu.memory_space<vmem>>
    %dma_start3A_147 = tpu.memref_squeeze %dma_start3A_146 : memref<1x40x128xi32, #tpu.memory_space<vmem>> -> memref<40x128xi32, #tpu.memory_space<vmem>>
    %dma_start3A_148 = arith.constant 0 : i32
    %dma_start3A_149 = tpu.memref_slice %arg5[%add3A_134, %dma_start3A_148] : memref<160000x128xi32, #tpu.memory_space<hbm>> -> memref<40x128xi32, #tpu.memory_space<hbm>>
    tpu.enqueue_dma source(%dma_start3A_149 : memref<40x128xi32, #tpu.memory_space<hbm>>) target(%dma_start3A_147 : memref<40x128xi32, #tpu.memory_space<vmem>>) target_semaphore(%arg11 : memref<!tpu.dma_semaphore, #tpu.memory_space<semaphore_mem>>)
    %dma_start3A_150 = arith.constant 0 : i32
    %dma_start3A_151 = arith.constant 0 : i32
    %dma_start3A_152 = arith.constant 0 : i32
    %dma_start3A_153 = arith.constant 0 : i32
    %dma_start3A_154 = tpu.memref_slice %arg9[%dma_start3A_151, %dma_start3A_152, %dma_start3A_153] : memref<2x80x128xf32, #tpu.memory_space<vmem>> -> memref<1x80x128xf32, #tpu.memory_space<vmem>>
    %dma_start3A_155 = tpu.memref_squeeze %dma_start3A_154 : memref<1x80x128xf32, #tpu.memory_space<vmem>> -> memref<80x128xf32, #tpu.memory_space<vmem>>
    %dma_start3A_156 = arith.constant 0 : i32
    %dma_start3A_157 = tpu.memref_slice %arg7[%dma_start3A_150, %dma_start3A_156] : memref<2x80xi32, #tpu.memory_space<vmem>> -> memref<1x80xi32, #tpu.memory_space<vmem>>
    %dma_start3A_158 = tpu.memref_squeeze %dma_start3A_157 : memref<1x80xi32, #tpu.memory_space<vmem>> -> memref<80xi32, #tpu.memory_space<vmem>>
    %dma_start3A_159 = arith.constant 0 : i32
    %dma_start3A_160 = arith.constant 0 : i32
    %dma_start3A_161 = tpu.memref_slice %arg2[%dma_start3A_159, %dma_start3A_160] : memref<10000x128xf32, #tpu.memory_space<hbm>> -> memref<10000x128xf32, #tpu.memory_space<hbm>>
    tpu.enqueue_indirect_dma source(%dma_start3A_161 : memref<10000x128xf32, #tpu.memory_space<hbm>>) target(%dma_start3A_155 : memref<80x128xf32, #tpu.memory_space<vmem>>) offsets(%dma_start3A_158 : memref<80xi32, #tpu.memory_space<vmem>>) semaphore(%arg11 : memref<!tpu.dma_semaphore, #tpu.memory_space<semaphore_mem>>)
    %dma_wait3A_162 = arith.constant 0 : i32
    %dma_wait3A_163 = arith.constant 0 : i32
    %dma_wait3A_164 = arith.constant 0 : i32
    %dma_wait3A_165 = tpu.memref_slice %arg10[%dma_wait3A_162, %dma_wait3A_163, %dma_wait3A_164] : memref<2x40x128xi32, #tpu.memory_space<vmem>> -> memref<1x40x128xi32, #tpu.memory_space<vmem>>
    %dma_wait3A_166 = tpu.memref_squeeze %dma_wait3A_165 : memref<1x40x128xi32, #tpu.memory_space<vmem>> -> memref<40x128xi32, #tpu.memory_space<vmem>>
    %dma_wait3A_167 = arith.constant 0 : i32
    %dma_wait3A_168 = arith.constant 0 : i32
    %dma_wait3A_169 = tpu.memref_slice %arg5[%dma_wait3A_167, %dma_wait3A_168] : memref<160000x128xi32, #tpu.memory_space<hbm>> -> memref<40x128xi32, #tpu.memory_space<hbm>>
    %dma_wait3A_170 = arith.constant 0 : i32
    %dma_wait3A_171 = arith.constant 0 : i32
    %dma_wait3A_172 = tpu.memref_slice %arg10[%dma_wait3A_162, %dma_wait3A_170, %dma_wait3A_171] : memref<2x40x128xi32, #tpu.memory_space<vmem>> -> memref<1x40x128xi32, #tpu.memory_space<vmem>>
    %dma_wait3A_173 = tpu.memref_squeeze %dma_wait3A_172 : memref<1x40x128xi32, #tpu.memory_space<vmem>> -> memref<40x128xi32, #tpu.memory_space<vmem>>
    %dma_wait3A_174 = arith.constant 0 : i32
    %dma_wait3A_175 = arith.constant 0 : i32
    %dma_wait3A_176 = tpu.memref_slice %arg5[%dma_wait3A_174, %dma_wait3A_175] : memref<160000x128xi32, #tpu.memory_space<hbm>> -> memref<40x128xi32, #tpu.memory_space<hbm>>
    tpu.wait_dma2 semaphore(%arg11 : memref<!tpu.dma_semaphore, #tpu.memory_space<semaphore_mem>>) src(%dma_wait3A_176 : memref<40x128xi32, #tpu.memory_space<hbm>>) dst(%dma_wait3A_173 : memref<40x128xi32, #tpu.memory_space<vmem>>)
    %dma_wait3A_177 = arith.constant 0 : i32
    %dma_wait3A_178 = arith.constant 0 : i32
    %dma_wait3A_179 = arith.constant 0 : i32
    %dma_wait3A_180 = tpu.memref_slice %arg9[%dma_wait3A_177, %dma_wait3A_178, %dma_wait3A_179] : memref<2x80x128xf32, #tpu.memory_space<vmem>> -> memref<1x80x128xf32, #tpu.memory_space<vmem>>
    %dma_wait3A_181 = tpu.memref_squeeze %dma_wait3A_180 : memref<1x80x128xf32, #tpu.memory_space<vmem>> -> memref<80x128xf32, #tpu.memory_space<vmem>>
    %dma_wait3A_182 = arith.constant 0 : i32
    %dma_wait3A_183 = arith.constant 0 : i32
    %dma_wait3A_184 = tpu.memref_slice %arg2[%dma_wait3A_182, %dma_wait3A_183] : memref<10000x128xf32, #tpu.memory_space<hbm>> -> memref<80x128xf32, #tpu.memory_space<hbm>>
    %dma_wait3A_185 = arith.constant 0 : i32
    %dma_wait3A_186 = arith.constant 0 : i32
    %dma_wait3A_187 = tpu.memref_slice %arg9[%dma_wait3A_177, %dma_wait3A_185, %dma_wait3A_186] : memref<2x80x128xf32, #tpu.memory_space<vmem>> -> memref<1x80x128xf32, #tpu.memory_space<vmem>>
    %dma_wait3A_188 = tpu.memref_squeeze %dma_wait3A_187 : memref<1x80x128xf32, #tpu.memory_space<vmem>> -> memref<80x128xf32, #tpu.memory_space<vmem>>
    %dma_wait3A_189 = arith.constant 0 : i32
    %dma_wait3A_190 = arith.constant 0 : i32
    %dma_wait3A_191 = tpu.memref_slice %arg2[%dma_wait3A_189, %dma_wait3A_190] : memref<10000x128xf32, #tpu.memory_space<hbm>> -> memref<80x128xf32, #tpu.memory_space<hbm>>
    tpu.wait_dma2 semaphore(%arg11 : memref<!tpu.dma_semaphore, #tpu.memory_space<semaphore_mem>>) src(%dma_wait3A_191 : memref<80x128xf32, #tpu.memory_space<hbm>>) dst(%dma_wait3A_188 : memref<80x128xf32, #tpu.memory_space<vmem>>)
    %parallel_loop3A = arith.constant 0 : i32
    %parallel_loop3A_192 = arith.constant 40 : i32
    %parallel_loop3A_193 = arith.constant 1 : i32
    %parallel_loop3A_194 = arith.constant -65536 : i32
    scf.for %parallel_loop3A_237 = %parallel_loop3A to %parallel_loop3A_192 step %parallel_loop3A_193  : i32 {
      %parallel_loop3A_238 = arith.constant 2 : i32
      %parallel_loop3A_239 = arith.muli %parallel_loop3A_238, %parallel_loop3A_237 : i32
      %parallel_loop3A_240 = arith.constant 0 : i32
      %parallel_loop3A_241 = arith.index_cast %parallel_loop3A_240 : i32 to index
      %parallel_loop3A_242 = arith.index_cast %parallel_loop3A_237 : i32 to index
      %parallel_loop3A_243 = arith.constant 0 : index
      %parallel_loop3A_244 = tpu.vector_load %arg10[%parallel_loop3A_241, %parallel_loop3A_242, %parallel_loop3A_243] {strides = array<i32>} : memref<2x40x128xi32, #tpu.memory_space<vmem>>, vector<1x1x16xi32>,
      %parallel_loop3A_245 = vector.shape_cast %parallel_loop3A_244 : vector<1x1x16xi32> to vector<16xi32>
      %parallel_loop3A_246 = arith.constant 16 : i32
      %parallel_loop3A_247 = vector.broadcast %parallel_loop3A_246 : i32 to vector<16xi32>
      %parallel_loop3A_248 = arith.shli %parallel_loop3A_245, %parallel_loop3A_247 : vector<16xi32>
      %parallel_loop3A_249 = tpu.bitcast %parallel_loop3A_248 : vector<16xi32> -> vector<16xf32>
      %parallel_loop3A_250 = vector.broadcast %parallel_loop3A_194 : i32 to vector<16xi32>
      %parallel_loop3A_251 = arith.andi %parallel_loop3A_245, %parallel_loop3A_250 : vector<16xi32>
      %parallel_loop3A_252 = tpu.bitcast %parallel_loop3A_251 : vector<16xi32> -> vector<16xf32>
      %parallel_loop3A_253 = arith.constant 0 : i32
      %parallel_loop3A_254 = arith.index_cast %parallel_loop3A_253 : i32 to index
      %parallel_loop3A_255 = arith.index_cast %parallel_loop3A_239 : i32 to index
      %parallel_loop3A_256 = arith.constant 0 : index
      %parallel_loop3A_257 = tpu.vector_load %arg9[%parallel_loop3A_254, %parallel_loop3A_255, %parallel_loop3A_256] {strides = array<i32>} : memref<2x80x128xf32, #tpu.memory_space<vmem>>, vector<1x1x16xf32>,
      %parallel_loop3A_258 = vector.shape_cast %parallel_loop3A_257 : vector<1x1x16xf32> to vector<16xf32>
      %parallel_loop3A_259 = arith.addf %parallel_loop3A_258, %parallel_loop3A_249 : vector<16xf32>
      %parallel_loop3A_260 = arith.constant 0.000000e+00 : f32
      %parallel_loop3A_261 = vector.broadcast %parallel_loop3A_260 : f32 to vector<16xf32>
      %parallel_loop3A_262 = arith.maximumf %parallel_loop3A_259, %parallel_loop3A_261 : vector<16xf32>
      %parallel_loop3A_263 = arith.constant 0 : i32
      %parallel_loop3A_264 = arith.index_cast %parallel_loop3A_263 : i32 to index
      %parallel_loop3A_265 = arith.index_cast %parallel_loop3A_239 : i32 to index
      %parallel_loop3A_266 = arith.constant 0 : index
      %parallel_loop3A_267 = tpu.vector_load %arg9[%parallel_loop3A_264, %parallel_loop3A_265, %parallel_loop3A_266] {strides = array<i32>} : memref<2x80x128xf32, #tpu.memory_space<vmem>>, vector<1x1x16xf32>,
      %parallel_loop3A_268 = vector.shape_cast %parallel_loop3A_267 : vector<1x1x16xf32> to vector<16xf32>
      %parallel_loop3A_269 = vector.shape_cast %parallel_loop3A_262 : vector<16xf32> to vector<1x1x16xf32>
      tpu.vector_store %arg9[%parallel_loop3A_264, %parallel_loop3A_265, %parallel_loop3A_266], %parallel_loop3A_269 {strides = array<i32>} : memref<2x80x128xf32, #tpu.memory_space<vmem>>, vector<1x1x16xf32>,
      %parallel_loop3A_270 = arith.constant 1 : i32
      %parallel_loop3A_271 = arith.addi %parallel_loop3A_239, %parallel_loop3A_270 : i32
      %parallel_loop3A_272 = arith.constant 0 : i32
      %parallel_loop3A_273 = arith.index_cast %parallel_loop3A_272 : i32 to index
      %parallel_loop3A_274 = arith.index_cast %parallel_loop3A_271 : i32 to index
      %parallel_loop3A_275 = arith.constant 0 : index
      %parallel_loop3A_276 = tpu.vector_load %arg9[%parallel_loop3A_273, %parallel_loop3A_274, %parallel_loop3A_275] {strides = array<i32>} : memref<2x80x128xf32, #tpu.memory_space<vmem>>, vector<1x1x16xf32>,
      %parallel_loop3A_277 = vector.shape_cast %parallel_loop3A_276 : vector<1x1x16xf32> to vector<16xf32>
      %parallel_loop3A_278 = arith.addf %parallel_loop3A_277, %parallel_loop3A_252 : vector<16xf32>
      %parallel_loop3A_279 = arith.constant 0.000000e+00 : f32
      %parallel_loop3A_280 = vector.broadcast %parallel_loop3A_279 : f32 to vector<16xf32>
      %parallel_loop3A_281 = arith.maximumf %parallel_loop3A_278, %parallel_loop3A_280 : vector<16xf32>
      %parallel_loop3A_282 = arith.constant 1 : i32
      %parallel_loop3A_283 = arith.addi %parallel_loop3A_239, %parallel_loop3A_282 : i32
      %parallel_loop3A_284 = arith.constant 0 : i32
      %parallel_loop3A_285 = arith.index_cast %parallel_loop3A_284 : i32 to index
      %parallel_loop3A_286 = arith.index_cast %parallel_loop3A_283 : i32 to index
      %parallel_loop3A_287 = arith.constant 0 : index
      %parallel_loop3A_288 = tpu.vector_load %arg9[%parallel_loop3A_285, %parallel_loop3A_286, %parallel_loop3A_287] {strides = array<i32>} : memref<2x80x128xf32, #tpu.memory_space<vmem>>, vector<1x1x16xf32>,
      %parallel_loop3A_289 = vector.shape_cast %parallel_loop3A_288 : vector<1x1x16xf32> to vector<16xf32>
      %parallel_loop3A_290 = vector.shape_cast %parallel_loop3A_281 : vector<16xf32> to vector<1x1x16xf32>
      tpu.vector_store %arg9[%parallel_loop3A_285, %parallel_loop3A_286, %parallel_loop3A_287], %parallel_loop3A_290 {strides = array<i32>} : memref<2x80x128xf32, #tpu.memory_space<vmem>>, vector<1x1x16xf32>,
      %parallel_loop3A_291 = arith.constant 0 : i32
      %parallel_loop3A_292 = arith.index_cast %parallel_loop3A_291 : i32 to index
      %parallel_loop3A_293 = arith.index_cast %parallel_loop3A_237 : i32 to index
      %parallel_loop3A_294 = arith.constant 16 : index
      %parallel_loop3A_295 = tpu.vector_load %arg10[%parallel_loop3A_292, %parallel_loop3A_293, %parallel_loop3A_294] {strides = array<i32>} : memref<2x40x128xi32, #tpu.memory_space<vmem>>, vector<1x1x16xi32>,
      %parallel_loop3A_296 = vector.shape_cast %parallel_loop3A_295 : vector<1x1x16xi32> to vector<16xi32>
      %parallel_loop3A_297 = arith.constant 16 : i32
      %parallel_loop3A_298 = vector.broadcast %parallel_loop3A_297 : i32 to vector<16xi32>
      %parallel_loop3A_299 = arith.shli %parallel_loop3A_296, %parallel_loop3A_298 : vector<16xi32>
      %parallel_loop3A_300 = tpu.bitcast %parallel_loop3A_299 : vector<16xi32> -> vector<16xf32>
      %parallel_loop3A_301 = vector.broadcast %parallel_loop3A_194 : i32 to vector<16xi32>
      %parallel_loop3A_302 = arith.andi %parallel_loop3A_296, %parallel_loop3A_301 : vector<16xi32>
      %parallel_loop3A_303 = tpu.bitcast %parallel_loop3A_302 : vector<16xi32> -> vector<16xf32>
      %parallel_loop3A_304 = arith.constant 0 : i32
      %parallel_loop3A_305 = arith.index_cast %parallel_loop3A_304 : i32 to index
      %parallel_loop3A_306 = arith.index_cast %parallel_loop3A_239 : i32 to index
      %parallel_loop3A_307 = arith.constant 16 : index
      %parallel_loop3A_308 = tpu.vector_load %arg9[%parallel_loop3A_305, %parallel_loop3A_306, %parallel_loop3A_307] {strides = array<i32>} : memref<2x80x128xf32, #tpu.memory_space<vmem>>, vector<1x1x16xf32>,
      %parallel_loop3A_309 = vector.shape_cast %parallel_loop3A_308 : vector<1x1x16xf32> to vector<16xf32>
      %parallel_loop3A_310 = arith.addf %parallel_loop3A_309, %parallel_loop3A_300 : vector<16xf32>
      %parallel_loop3A_311 = arith.constant 0.000000e+00 : f32
      %parallel_loop3A_312 = vector.broadcast %parallel_loop3A_311 : f32 to vector<16xf32>
      %parallel_loop3A_313 = arith.maximumf %parallel_loop3A_310, %parallel_loop3A_312 : vector<16xf32>
      %parallel_loop3A_314 = arith.constant 0 : i32
      %parallel_loop3A_315 = arith.index_cast %parallel_loop3A_314 : i32 to index
      %parallel_loop3A_316 = arith.index_cast %parallel_loop3A_239 : i32 to index
      %parallel_loop3A_317 = arith.constant 16 : index
      %parallel_loop3A_318 = tpu.vector_load %arg9[%parallel_loop3A_315, %parallel_loop3A_316, %parallel_loop3A_317] {strides = array<i32>} : memref<2x80x128xf32, #tpu.memory_space<vmem>>, vector<1x1x16xf32>,
      %parallel_loop3A_319 = vector.shape_cast %parallel_loop3A_318 : vector<1x1x16xf32> to vector<16xf32>
      %parallel_loop3A_320 = vector.shape_cast %parallel_loop3A_313 : vector<16xf32> to vector<1x1x16xf32>
      tpu.vector_store %arg9[%parallel_loop3A_315, %parallel_loop3A_316, %parallel_loop3A_317], %parallel_loop3A_320 {strides = array<i32>} : memref<2x80x128xf32, #tpu.memory_space<vmem>>, vector<1x1x16xf32>,
      %parallel_loop3A_321 = arith.constant 1 : i32
      %parallel_loop3A_322 = arith.addi %parallel_loop3A_239, %parallel_loop3A_321 : i32
      %parallel_loop3A_323 = arith.constant 0 : i32
      %parallel_loop3A_324 = arith.index_cast %parallel_loop3A_323 : i32 to index
      %parallel_loop3A_325 = arith.index_cast %parallel_loop3A_322 : i32 to index
      %parallel_loop3A_326 = arith.constant 16 : index
      %parallel_loop3A_327 = tpu.vector_load %arg9[%parallel_loop3A_324, %parallel_loop3A_325, %parallel_loop3A_326] {strides = array<i32>} : memref<2x80x128xf32, #tpu.memory_space<vmem>>, vector<1x1x16xf32>,
      %parallel_loop3A_328 = vector.shape_cast %parallel_loop3A_327 : vector<1x1x16xf32> to vector<16xf32>
      %parallel_loop3A_329 = arith.addf %parallel_loop3A_328, %parallel_loop3A_303 : vector<16xf32>
      %parallel_loop3A_330 = arith.constant 0.000000e+00 : f32
      %parallel_loop3A_331 = vector.broadcast %parallel_loop3A_330 : f32 to vector<16xf32>
      %parallel_loop3A_332 = arith.maximumf %parallel_loop3A_329, %parallel_loop3A_331 : vector<16xf32>
      %parallel_loop3A_333 = arith.constant 1 : i32
      %parallel_loop3A_334 = arith.addi %parallel_loop3A_239, %parallel_loop3A_333 : i32
      %parallel_loop3A_335 = arith.constant 0 : i32
      %parallel_loop3A_336 = arith.index_cast %parallel_loop3A_335 : i32 to index
      %parallel_loop3A_337 = arith.index_cast %parallel_loop3A_334 : i32 to index
      %parallel_loop3A_338 = arith.constant 16 : index
      %parallel_loop3A_339 = tpu.vector_load %arg9[%parallel_loop3A_336, %parallel_loop3A_337, %parallel_loop3A_338] {strides = array<i32>} : memref<2x80x128xf32, #tpu.memory_space<vmem>>, vector<1x1x16xf32>,
      %parallel_loop3A_340 = vector.shape_cast %parallel_loop3A_339 : vector<1x1x16xf32> to vector<16xf32>
      %parallel_loop3A_341 = vector.shape_cast %parallel_loop3A_332 : vector<16xf32> to vector<1x1x16xf32>
      tpu.vector_store %arg9[%parallel_loop3A_336, %parallel_loop3A_337, %parallel_loop3A_338], %parallel_loop3A_341 {strides = array<i32>} : memref<2x80x128xf32, #tpu.memory_space<vmem>>, vector<1x1x16xf32>,
      %parallel_loop3A_342 = arith.constant 0 : i32
      %parallel_loop3A_343 = arith.index_cast %parallel_loop3A_342 : i32 to index
      %parallel_loop3A_344 = arith.index_cast %parallel_loop3A_237 : i32 to index
      %parallel_loop3A_345 = arith.constant 32 : index
      %parallel_loop3A_346 = tpu.vector_load %arg10[%parallel_loop3A_343, %parallel_loop3A_344, %parallel_loop3A_345] {strides = array<i32>} : memref<2x40x128xi32, #tpu.memory_space<vmem>>, vector<1x1x16xi32>,
      %parallel_loop3A_347 = vector.shape_cast %parallel_loop3A_346 : vector<1x1x16xi32> to vector<16xi32>
      %parallel_loop3A_348 = arith.constant 16 : i32
      %parallel_loop3A_349 = vector.broadcast %parallel_loop3A_348 : i32 to vector<16xi32>
      %parallel_loop3A_350 = arith.shli %parallel_loop3A_347, %parallel_loop3A_349 : vector<16xi32>
      %parallel_loop3A_351 = tpu.bitcast %parallel_loop3A_350 : vector<16xi32> -> vector<16xf32>
      %parallel_loop3A_352 = vector.broadcast %parallel_loop3A_194 : i32 to vector<16xi32>
      %parallel_loop3A_353 = arith.andi %parallel_loop3A_347, %parallel_loop3A_352 : vector<16xi32>
      %parallel_loop3A_354 = tpu.bitcast %parallel_loop3A_353 : vector<16xi32> -> vector<16xf32>
      %parallel_loop3A_355 = arith.constant 0 : i32
      %parallel_loop3A_356 = arith.index_cast %parallel_loop3A_355 : i32 to index
      %parallel_loop3A_357 = arith.index_cast %parallel_loop3A_239 : i32 to index
      %parallel_loop3A_358 = arith.constant 32 : index
      %parallel_loop3A_359 = tpu.vector_load %arg9[%parallel_loop3A_356, %parallel_loop3A_357, %parallel_loop3A_358] {strides = array<i32>} : memref<2x80x128xf32, #tpu.memory_space<vmem>>, vector<1x1x16xf32>,
      %parallel_loop3A_360 = vector.shape_cast %parallel_loop3A_359 : vector<1x1x16xf32> to vector<16xf32>
      %parallel_loop3A_361 = arith.addf %parallel_loop3A_360, %parallel_loop3A_351 : vector<16xf32>
      %parallel_loop3A_362 = arith.constant 0.000000e+00 : f32
      %parallel_loop3A_363 = vector.broadcast %parallel_loop3A_362 : f32 to vector<16xf32>
      %parallel_loop3A_364 = arith.maximumf %parallel_loop3A_361, %parallel_loop3A_363 : vector<16xf32>
      %parallel_loop3A_365 = arith.constant 0 : i32
      %parallel_loop3A_366 = arith.index_cast %parallel_loop3A_365 : i32 to index
      %parallel_loop3A_367 = arith.index_cast %parallel_loop3A_239 : i32 to index
      %parallel_loop3A_368 = arith.constant 32 : index
      %parallel_loop3A_369 = tpu.vector_load %arg9[%parallel_loop3A_366, %parallel_loop3A_367, %parallel_loop3A_368] {strides = array<i32>} : memref<2x80x128xf32, #tpu.memory_space<vmem>>, vector<1x1x16xf32>,
      %parallel_loop3A_370 = vector.shape_cast %parallel_loop3A_369 : vector<1x1x16xf32> to vector<16xf32>
      %parallel_loop3A_371 = vector.shape_cast %parallel_loop3A_364 : vector<16xf32> to vector<1x1x16xf32>
      tpu.vector_store %arg9[%parallel_loop3A_366, %parallel_loop3A_367, %parallel_loop3A_368], %parallel_loop3A_371 {strides = array<i32>} : memref<2x80x128xf32, #tpu.memory_space<vmem>>, vector<1x1x16xf32>,
      %parallel_loop3A_372 = arith.constant 1 : i32
      %parallel_loop3A_373 = arith.addi %parallel_loop3A_239, %parallel_loop3A_372 : i32
      %parallel_loop3A_374 = arith.constant 0 : i32
      %parallel_loop3A_375 = arith.index_cast %parallel_loop3A_374 : i32 to index
      %parallel_loop3A_376 = arith.index_cast %parallel_loop3A_373 : i32 to index
      %parallel_loop3A_377 = arith.constant 32 : index
      %parallel_loop3A_378 = tpu.vector_load %arg9[%parallel_loop3A_375, %parallel_loop3A_376, %parallel_loop3A_377] {strides = array<i32>} : memref<2x80x128xf32, #tpu.memory_space<vmem>>, vector<1x1x16xf32>,
      %parallel_loop3A_379 = vector.shape_cast %parallel_loop3A_378 : vector<1x1x16xf32> to vector<16xf32>
      %parallel_loop3A_380 = arith.addf %parallel_loop3A_379, %parallel_loop3A_354 : vector<16xf32>
      %parallel_loop3A_381 = arith.constant 0.000000e+00 : f32
      %parallel_loop3A_382 = vector.broadcast %parallel_loop3A_381 : f32 to vector<16xf32>
      %parallel_loop3A_383 = arith.maximumf %parallel_loop3A_380, %parallel_loop3A_382 : vector<16xf32>
      %parallel_loop3A_384 = arith.constant 1 : i32
      %parallel_loop3A_385 = arith.addi %parallel_loop3A_239, %parallel_loop3A_384 : i32
      %parallel_loop3A_386 = arith.constant 0 : i32
      %parallel_loop3A_387 = arith.index_cast %parallel_loop3A_386 : i32 to index
      %parallel_loop3A_388 = arith.index_cast %parallel_loop3A_385 : i32 to index
      %parallel_loop3A_389 = arith.constant 32 : index
      %parallel_loop3A_390 = tpu.vector_load %arg9[%parallel_loop3A_387, %parallel_loop3A_388, %parallel_loop3A_389] {strides = array<i32>} : memref<2x80x128xf32, #tpu.memory_space<vmem>>, vector<1x1x16xf32>,
      %parallel_loop3A_391 = vector.shape_cast %parallel_loop3A_390 : vector<1x1x16xf32> to vector<16xf32>
      %parallel_loop3A_392 = vector.shape_cast %parallel_loop3A_383 : vector<16xf32> to vector<1x1x16xf32>
      tpu.vector_store %arg9[%parallel_loop3A_387, %parallel_loop3A_388, %parallel_loop3A_389], %parallel_loop3A_392 {strides = array<i32>} : memref<2x80x128xf32, #tpu.memory_space<vmem>>, vector<1x1x16xf32>,
      %parallel_loop3A_393 = arith.constant 0 : i32
      %parallel_loop3A_394 = arith.index_cast %parallel_loop3A_393 : i32 to index
      %parallel_loop3A_395 = arith.index_cast %parallel_loop3A_237 : i32 to index
      %parallel_loop3A_396 = arith.constant 48 : index
      %parallel_loop3A_397 = tpu.vector_load %arg10[%parallel_loop3A_394, %parallel_loop3A_395, %parallel_loop3A_396] {strides = array<i32>} : memref<2x40x128xi32, #tpu.memory_space<vmem>>, vector<1x1x16xi32>,
      %parallel_loop3A_398 = vector.shape_cast %parallel_loop3A_397 : vector<1x1x16xi32> to vector<16xi32>
      %parallel_loop3A_399 = arith.constant 16 : i32
      %parallel_loop3A_400 = vector.broadcast %parallel_loop3A_399 : i32 to vector<16xi32>
      %parallel_loop3A_401 = arith.shli %parallel_loop3A_398, %parallel_loop3A_400 : vector<16xi32>
      %parallel_loop3A_402 = tpu.bitcast %parallel_loop3A_401 : vector<16xi32> -> vector<16xf32>
      %parallel_loop3A_403 = vector.broadcast %parallel_loop3A_194 : i32 to vector<16xi32>
      %parallel_loop3A_404 = arith.andi %parallel_loop3A_398, %parallel_loop3A_403 : vector<16xi32>
      %parallel_loop3A_405 = tpu.bitcast %parallel_loop3A_404 : vector<16xi32> -> vector<16xf32>
      %parallel_loop3A_406 = arith.constant 0 : i32
      %parallel_loop3A_407 = arith.index_cast %parallel_loop3A_406 : i32 to index
      %parallel_loop3A_408 = arith.index_cast %parallel_loop3A_239 : i32 to index
      %parallel_loop3A_409 = arith.constant 48 : index
      %parallel_loop3A_410 = tpu.vector_load %arg9[%parallel_loop3A_407, %parallel_loop3A_408, %parallel_loop3A_409] {strides = array<i32>} : memref<2x80x128xf32, #tpu.memory_space<vmem>>, vector<1x1x16xf32>,
      %parallel_loop3A_411 = vector.shape_cast %parallel_loop3A_410 : vector<1x1x16xf32> to vector<16xf32>
      %parallel_loop3A_412 = arith.addf %parallel_loop3A_411, %parallel_loop3A_402 : vector<16xf32>
      %parallel_loop3A_413 = arith.constant 0.000000e+00 : f32
      %parallel_loop3A_414 = vector.broadcast %parallel_loop3A_413 : f32 to vector<16xf32>
      %parallel_loop3A_415 = arith.maximumf %parallel_loop3A_412, %parallel_loop3A_414 : vector<16xf32>
      %parallel_loop3A_416 = arith.constant 0 : i32
      %parallel_loop3A_417 = arith.index_cast %parallel_loop3A_416 : i32 to index
      %parallel_loop3A_418 = arith.index_cast %parallel_loop3A_239 : i32 to index
      %parallel_loop3A_419 = arith.constant 48 : index
      %parallel_loop3A_420 = tpu.vector_load %arg9[%parallel_loop3A_417, %parallel_loop3A_418, %parallel_loop3A_419] {strides = array<i32>} : memref<2x80x128xf32, #tpu.memory_space<vmem>>, vector<1x1x16xf32>,
      %parallel_loop3A_421 = vector.shape_cast %parallel_loop3A_420 : vector<1x1x16xf32> to vector<16xf32>
      %parallel_loop3A_422 = vector.shape_cast %parallel_loop3A_415 : vector<16xf32> to vector<1x1x16xf32>
      tpu.vector_store %arg9[%parallel_loop3A_417, %parallel_loop3A_418, %parallel_loop3A_419], %parallel_loop3A_422 {strides = array<i32>} : memref<2x80x128xf32, #tpu.memory_space<vmem>>, vector<1x1x16xf32>,
      %parallel_loop3A_423 = arith.constant 1 : i32
      %parallel_loop3A_424 = arith.addi %parallel_loop3A_239, %parallel_loop3A_423 : i32
      %parallel_loop3A_425 = arith.constant 0 : i32
      %parallel_loop3A_426 = arith.index_cast %parallel_loop3A_425 : i32 to index
      %parallel_loop3A_427 = arith.index_cast %parallel_loop3A_424 : i32 to index
      %parallel_loop3A_428 = arith.constant 48 : index
      %parallel_loop3A_429 = tpu.vector_load %arg9[%parallel_loop3A_426, %parallel_loop3A_427, %parallel_loop3A_428] {strides = array<i32>} : memref<2x80x128xf32, #tpu.memory_space<vmem>>, vector<1x1x16xf32>,
      %parallel_loop3A_430 = vector.shape_cast %parallel_loop3A_429 : vector<1x1x16xf32> to vector<16xf32>
      %parallel_loop3A_431 = arith.addf %parallel_loop3A_430, %parallel_loop3A_405 : vector<16xf32>
      %parallel_loop3A_432 = arith.constant 0.000000e+00 : f32
      %parallel_loop3A_433 = vector.broadcast %parallel_loop3A_432 : f32 to vector<16xf32>
      %parallel_loop3A_434 = arith.maximumf %parallel_loop3A_431, %parallel_loop3A_433 : vector<16xf32>
      %parallel_loop3A_435 = arith.constant 1 : i32
      %parallel_loop3A_436 = arith.addi %parallel_loop3A_239, %parallel_loop3A_435 : i32
      %parallel_loop3A_437 = arith.constant 0 : i32
      %parallel_loop3A_438 = arith.index_cast %parallel_loop3A_437 : i32 to index
      %parallel_loop3A_439 = arith.index_cast %parallel_loop3A_436 : i32 to index
      %parallel_loop3A_440 = arith.constant 48 : index
      %parallel_loop3A_441 = tpu.vector_load %arg9[%parallel_loop3A_438, %parallel_loop3A_439, %parallel_loop3A_440] {strides = array<i32>} : memref<2x80x128xf32, #tpu.memory_space<vmem>>, vector<1x1x16xf32>,
      %parallel_loop3A_442 = vector.shape_cast %parallel_loop3A_441 : vector<1x1x16xf32> to vector<16xf32>
      %parallel_loop3A_443 = vector.shape_cast %parallel_loop3A_434 : vector<16xf32> to vector<1x1x16xf32>
      tpu.vector_store %arg9[%parallel_loop3A_438, %parallel_loop3A_439, %parallel_loop3A_440], %parallel_loop3A_443 {strides = array<i32>} : memref<2x80x128xf32, #tpu.memory_space<vmem>>, vector<1x1x16xf32>,
      %parallel_loop3A_444 = arith.constant 0 : i32
      %parallel_loop3A_445 = arith.index_cast %parallel_loop3A_444 : i32 to index
      %parallel_loop3A_446 = arith.index_cast %parallel_loop3A_237 : i32 to index
      %parallel_loop3A_447 = arith.constant 64 : index
      %parallel_loop3A_448 = tpu.vector_load %arg10[%parallel_loop3A_445, %parallel_loop3A_446, %parallel_loop3A_447] {strides = array<i32>} : memref<2x40x128xi32, #tpu.memory_space<vmem>>, vector<1x1x16xi32>,
      %parallel_loop3A_449 = vector.shape_cast %parallel_loop3A_448 : vector<1x1x16xi32> to vector<16xi32>
      %parallel_loop3A_450 = arith.constant 16 : i32
      %parallel_loop3A_451 = vector.broadcast %parallel_loop3A_450 : i32 to vector<16xi32>
      %parallel_loop3A_452 = arith.shli %parallel_loop3A_449, %parallel_loop3A_451 : vector<16xi32>
      %parallel_loop3A_453 = tpu.bitcast %parallel_loop3A_452 : vector<16xi32> -> vector<16xf32>
      %parallel_loop3A_454 = vector.broadcast %parallel_loop3A_194 : i32 to vector<16xi32>
      %parallel_loop3A_455 = arith.andi %parallel_loop3A_449, %parallel_loop3A_454 : vector<16xi32>
      %parallel_loop3A_456 = tpu.bitcast %parallel_loop3A_455 : vector<16xi32> -> vector<16xf32>
      %parallel_loop3A_457 = arith.constant 0 : i32
      %parallel_loop3A_458 = arith.index_cast %parallel_loop3A_457 : i32 to index
      %parallel_loop3A_459 = arith.index_cast %parallel_loop3A_239 : i32 to index
      %parallel_loop3A_460 = arith.constant 64 : index
      %parallel_loop3A_461 = tpu.vector_load %arg9[%parallel_loop3A_458, %parallel_loop3A_459, %parallel_loop3A_460] {strides = array<i32>} : memref<2x80x128xf32, #tpu.memory_space<vmem>>, vector<1x1x16xf32>,
      %parallel_loop3A_462 = vector.shape_cast %parallel_loop3A_461 : vector<1x1x16xf32> to vector<16xf32>
      %parallel_loop3A_463 = arith.addf %parallel_loop3A_462, %parallel_loop3A_453 : vector<16xf32>
      %parallel_loop3A_464 = arith.constant 0.000000e+00 : f32
      %parallel_loop3A_465 = vector.broadcast %parallel_loop3A_464 : f32 to vector<16xf32>
      %parallel_loop3A_466 = arith.maximumf %parallel_loop3A_463, %parallel_loop3A_465 : vector<16xf32>
      %parallel_loop3A_467 = arith.constant 0 : i32
      %parallel_loop3A_468 = arith.index_cast %parallel_loop3A_467 : i32 to index
      %parallel_loop3A_469 = arith.index_cast %parallel_loop3A_239 : i32 to index
      %parallel_loop3A_470 = arith.constant 64 : index
      %parallel_loop3A_471 = tpu.vector_load %arg9[%parallel_loop3A_468, %parallel_loop3A_469, %parallel_loop3A_470] {strides = array<i32>} : memref<2x80x128xf32, #tpu.memory_space<vmem>>, vector<1x1x16xf32>,
      %parallel_loop3A_472 = vector.shape_cast %parallel_loop3A_471 : vector<1x1x16xf32> to vector<16xf32>
      %parallel_loop3A_473 = vector.shape_cast %parallel_loop3A_466 : vector<16xf32> to vector<1x1x16xf32>
      tpu.vector_store %arg9[%parallel_loop3A_468, %parallel_loop3A_469, %parallel_loop3A_470], %parallel_loop3A_473 {strides = array<i32>} : memref<2x80x128xf32, #tpu.memory_space<vmem>>, vector<1x1x16xf32>,
      %parallel_loop3A_474 = arith.constant 1 : i32
      %parallel_loop3A_475 = arith.addi %parallel_loop3A_239, %parallel_loop3A_474 : i32
      %parallel_loop3A_476 = arith.constant 0 : i32
      %parallel_loop3A_477 = arith.index_cast %parallel_loop3A_476 : i32 to index
      %parallel_loop3A_478 = arith.index_cast %parallel_loop3A_475 : i32 to index
      %parallel_loop3A_479 = arith.constant 64 : index
      %parallel_loop3A_480 = tpu.vector_load %arg9[%parallel_loop3A_477, %parallel_loop3A_478, %parallel_loop3A_479] {strides = array<i32>} : memref<2x80x128xf32, #tpu.memory_space<vmem>>, vector<1x1x16xf32>,
      %parallel_loop3A_481 = vector.shape_cast %parallel_loop3A_480 : vector<1x1x16xf32> to vector<16xf32>
      %parallel_loop3A_482 = arith.addf %parallel_loop3A_481, %parallel_loop3A_456 : vector<16xf32>
      %parallel_loop3A_483 = arith.constant 0.000000e+00 : f32
      %parallel_loop3A_484 = vector.broadcast %parallel_loop3A_483 : f32 to vector<16xf32>
      %parallel_loop3A_485 = arith.maximumf %parallel_loop3A_482, %parallel_loop3A_484 : vector<16xf32>
      %parallel_loop3A_486 = arith.constant 1 : i32
      %parallel_loop3A_487 = arith.addi %parallel_loop3A_239, %parallel_loop3A_486 : i32
      %parallel_loop3A_488 = arith.constant 0 : i32
      %parallel_loop3A_489 = arith.index_cast %parallel_loop3A_488 : i32 to index
      %parallel_loop3A_490 = arith.index_cast %parallel_loop3A_487 : i32 to index
      %parallel_loop3A_491 = arith.constant 64 : index
      %parallel_loop3A_492 = tpu.vector_load %arg9[%parallel_loop3A_489, %parallel_loop3A_490, %parallel_loop3A_491] {strides = array<i32>} : memref<2x80x128xf32, #tpu.memory_space<vmem>>, vector<1x1x16xf32>,
      %parallel_loop3A_493 = vector.shape_cast %parallel_loop3A_492 : vector<1x1x16xf32> to vector<16xf32>
      %parallel_loop3A_494 = vector.shape_cast %parallel_loop3A_485 : vector<16xf32> to vector<1x1x16xf32>
      tpu.vector_store %arg9[%parallel_loop3A_489, %parallel_loop3A_490, %parallel_loop3A_491], %parallel_loop3A_494 {strides = array<i32>} : memref<2x80x128xf32, #tpu.memory_space<vmem>>, vector<1x1x16xf32>,
      %parallel_loop3A_495 = arith.constant 0 : i32
      %parallel_loop3A_496 = arith.index_cast %parallel_loop3A_495 : i32 to index
      %parallel_loop3A_497 = arith.index_cast %parallel_loop3A_237 : i32 to index
      %parallel_loop3A_498 = arith.constant 80 : index
      %parallel_loop3A_499 = tpu.vector_load %arg10[%parallel_loop3A_496, %parallel_loop3A_497, %parallel_loop3A_498] {strides = array<i32>} : memref<2x40x128xi32, #tpu.memory_space<vmem>>, vector<1x1x16xi32>,
      %parallel_loop3A_500 = vector.shape_cast %parallel_loop3A_499 : vector<1x1x16xi32> to vector<16xi32>
      %parallel_loop3A_501 = arith.constant 16 : i32
      %parallel_loop3A_502 = vector.broadcast %parallel_loop3A_501 : i32 to vector<16xi32>
      %parallel_loop3A_503 = arith.shli %parallel_loop3A_500, %parallel_loop3A_502 : vector<16xi32>
      %parallel_loop3A_504 = tpu.bitcast %parallel_loop3A_503 : vector<16xi32> -> vector<16xf32>
      %parallel_loop3A_505 = vector.broadcast %parallel_loop3A_194 : i32 to vector<16xi32>
      %parallel_loop3A_506 = arith.andi %parallel_loop3A_500, %parallel_loop3A_505 : vector<16xi32>
      %parallel_loop3A_507 = tpu.bitcast %parallel_loop3A_506 : vector<16xi32> -> vector<16xf32>
      %parallel_loop3A_508 = arith.constant 0 : i32
      %parallel_loop3A_509 = arith.index_cast %parallel_loop3A_508 : i32 to index
      %parallel_loop3A_510 = arith.index_cast %parallel_loop3A_239 : i32 to index
      %parallel_loop3A_511 = arith.constant 80 : index
      %parallel_loop3A_512 = tpu.vector_load %arg9[%parallel_loop3A_509, %parallel_loop3A_510, %parallel_loop3A_511] {strides = array<i32>} : memref<2x80x128xf32, #tpu.memory_space<vmem>>, vector<1x1x16xf32>,
      %parallel_loop3A_513 = vector.shape_cast %parallel_loop3A_512 : vector<1x1x16xf32> to vector<16xf32>
      %parallel_loop3A_514 = arith.addf %parallel_loop3A_513, %parallel_loop3A_504 : vector<16xf32>
      %parallel_loop3A_515 = arith.constant 0.000000e+00 : f32
      %parallel_loop3A_516 = vector.broadcast %parallel_loop3A_515 : f32 to vector<16xf32>
      %parallel_loop3A_517 = arith.maximumf %parallel_loop3A_514, %parallel_loop3A_516 : vector<16xf32>
      %parallel_loop3A_518 = arith.constant 0 : i32
      %parallel_loop3A_519 = arith.index_cast %parallel_loop3A_518 : i32 to index
      %parallel_loop3A_520 = arith.index_cast %parallel_loop3A_239 : i32 to index
      %parallel_loop3A_521 = arith.constant 80 : index
      %parallel_loop3A_522 = tpu.vector_load %arg9[%parallel_loop3A_519, %parallel_loop3A_520, %parallel_loop3A_521] {strides = array<i32>} : memref<2x80x128xf32, #tpu.memory_space<vmem>>, vector<1x1x16xf32>,
      %parallel_loop3A_523 = vector.shape_cast %parallel_loop3A_522 : vector<1x1x16xf32> to vector<16xf32>
      %parallel_loop3A_524 = vector.shape_cast %parallel_loop3A_517 : vector<16xf32> to vector<1x1x16xf32>
      tpu.vector_store %arg9[%parallel_loop3A_519, %parallel_loop3A_520, %parallel_loop3A_521], %parallel_loop3A_524 {strides = array<i32>} : memref<2x80x128xf32, #tpu.memory_space<vmem>>, vector<1x1x16xf32>,
      %parallel_loop3A_525 = arith.constant 1 : i32
      %parallel_loop3A_526 = arith.addi %parallel_loop3A_239, %parallel_loop3A_525 : i32
      %parallel_loop3A_527 = arith.constant 0 : i32
      %parallel_loop3A_528 = arith.index_cast %parallel_loop3A_527 : i32 to index
      %parallel_loop3A_529 = arith.index_cast %parallel_loop3A_526 : i32 to index
      %parallel_loop3A_530 = arith.constant 80 : index
      %parallel_loop3A_531 = tpu.vector_load %arg9[%parallel_loop3A_528, %parallel_loop3A_529, %parallel_loop3A_530] {strides = array<i32>} : memref<2x80x128xf32, #tpu.memory_space<vmem>>, vector<1x1x16xf32>,
      %parallel_loop3A_532 = vector.shape_cast %parallel_loop3A_531 : vector<1x1x16xf32> to vector<16xf32>
      %parallel_loop3A_533 = arith.addf %parallel_loop3A_532, %parallel_loop3A_507 : vector<16xf32>
      %parallel_loop3A_534 = arith.constant 0.000000e+00 : f32
      %parallel_loop3A_535 = vector.broadcast %parallel_loop3A_534 : f32 to vector<16xf32>
      %parallel_loop3A_536 = arith.maximumf %parallel_loop3A_533, %parallel_loop3A_535 : vector<16xf32>
      %parallel_loop3A_537 = arith.constant 1 : i32
      %parallel_loop3A_538 = arith.addi %parallel_loop3A_239, %parallel_loop3A_537 : i32
      %parallel_loop3A_539 = arith.constant 0 : i32
      %parallel_loop3A_540 = arith.index_cast %parallel_loop3A_539 : i32 to index
      %parallel_loop3A_541 = arith.index_cast %parallel_loop3A_538 : i32 to index
      %parallel_loop3A_542 = arith.constant 80 : index
      %parallel_loop3A_543 = tpu.vector_load %arg9[%parallel_loop3A_540, %parallel_loop3A_541, %parallel_loop3A_542] {strides = array<i32>} : memref<2x80x128xf32, #tpu.memory_space<vmem>>, vector<1x1x16xf32>,
      %parallel_loop3A_544 = vector.shape_cast %parallel_loop3A_543 : vector<1x1x16xf32> to vector<16xf32>
      %parallel_loop3A_545 = vector.shape_cast %parallel_loop3A_536 : vector<16xf32> to vector<1x1x16xf32>
      tpu.vector_store %arg9[%parallel_loop3A_540, %parallel_loop3A_541, %parallel_loop3A_542], %parallel_loop3A_545 {strides = array<i32>} : memref<2x80x128xf32, #tpu.memory_space<vmem>>, vector<1x1x16xf32>,
      %parallel_loop3A_546 = arith.constant 0 : i32
      %parallel_loop3A_547 = arith.index_cast %parallel_loop3A_546 : i32 to index
      %parallel_loop3A_548 = arith.index_cast %parallel_loop3A_237 : i32 to index
      %parallel_loop3A_549 = arith.constant 96 : index
      %parallel_loop3A_550 = tpu.vector_load %arg10[%parallel_loop3A_547, %parallel_loop3A_548, %parallel_loop3A_549] {strides = array<i32>} : memref<2x40x128xi32, #tpu.memory_space<vmem>>, vector<1x1x16xi32>,
      %parallel_loop3A_551 = vector.shape_cast %parallel_loop3A_550 : vector<1x1x16xi32> to vector<16xi32>
      %parallel_loop3A_552 = arith.constant 16 : i32
      %parallel_loop3A_553 = vector.broadcast %parallel_loop3A_552 : i32 to vector<16xi32>
      %parallel_loop3A_554 = arith.shli %parallel_loop3A_551, %parallel_loop3A_553 : vector<16xi32>
      %parallel_loop3A_555 = tpu.bitcast %parallel_loop3A_554 : vector<16xi32> -> vector<16xf32>
      %parallel_loop3A_556 = vector.broadcast %parallel_loop3A_194 : i32 to vector<16xi32>
      %parallel_loop3A_557 = arith.andi %parallel_loop3A_551, %parallel_loop3A_556 : vector<16xi32>
      %parallel_loop3A_558 = tpu.bitcast %parallel_loop3A_557 : vector<16xi32> -> vector<16xf32>
      %parallel_loop3A_559 = arith.constant 0 : i32
      %parallel_loop3A_560 = arith.index_cast %parallel_loop3A_559 : i32 to index
      %parallel_loop3A_561 = arith.index_cast %parallel_loop3A_239 : i32 to index
      %parallel_loop3A_562 = arith.constant 96 : index
      %parallel_loop3A_563 = tpu.vector_load %arg9[%parallel_loop3A_560, %parallel_loop3A_561, %parallel_loop3A_562] {strides = array<i32>} : memref<2x80x128xf32, #tpu.memory_space<vmem>>, vector<1x1x16xf32>,
      %parallel_loop3A_564 = vector.shape_cast %parallel_loop3A_563 : vector<1x1x16xf32> to vector<16xf32>
      %parallel_loop3A_565 = arith.addf %parallel_loop3A_564, %parallel_loop3A_555 : vector<16xf32>
      %parallel_loop3A_566 = arith.constant 0.000000e+00 : f32
      %parallel_loop3A_567 = vector.broadcast %parallel_loop3A_566 : f32 to vector<16xf32>
      %parallel_loop3A_568 = arith.maximumf %parallel_loop3A_565, %parallel_loop3A_567 : vector<16xf32>
      %parallel_loop3A_569 = arith.constant 0 : i32
      %parallel_loop3A_570 = arith.index_cast %parallel_loop3A_569 : i32 to index
      %parallel_loop3A_571 = arith.index_cast %parallel_loop3A_239 : i32 to index
      %parallel_loop3A_572 = arith.constant 96 : index
      %parallel_loop3A_573 = tpu.vector_load %arg9[%parallel_loop3A_570, %parallel_loop3A_571, %parallel_loop3A_572] {strides = array<i32>} : memref<2x80x128xf32, #tpu.memory_space<vmem>>, vector<1x1x16xf32>,
      %parallel_loop3A_574 = vector.shape_cast %parallel_loop3A_573 : vector<1x1x16xf32> to vector<16xf32>
      %parallel_loop3A_575 = vector.shape_cast %parallel_loop3A_568 : vector<16xf32> to vector<1x1x16xf32>
      tpu.vector_store %arg9[%parallel_loop3A_570, %parallel_loop3A_571, %parallel_loop3A_572], %parallel_loop3A_575 {strides = array<i32>} : memref<2x80x128xf32, #tpu.memory_space<vmem>>, vector<1x1x16xf32>,
      %parallel_loop3A_576 = arith.constant 1 : i32
      %parallel_loop3A_577 = arith.addi %parallel_loop3A_239, %parallel_loop3A_576 : i32
      %parallel_loop3A_578 = arith.constant 0 : i32
      %parallel_loop3A_579 = arith.index_cast %parallel_loop3A_578 : i32 to index
      %parallel_loop3A_580 = arith.index_cast %parallel_loop3A_577 : i32 to index
      %parallel_loop3A_581 = arith.constant 96 : index
      %parallel_loop3A_582 = tpu.vector_load %arg9[%parallel_loop3A_579, %parallel_loop3A_580, %parallel_loop3A_581] {strides = array<i32>} : memref<2x80x128xf32, #tpu.memory_space<vmem>>, vector<1x1x16xf32>,
      %parallel_loop3A_583 = vector.shape_cast %parallel_loop3A_582 : vector<1x1x16xf32> to vector<16xf32>
      %parallel_loop3A_584 = arith.addf %parallel_loop3A_583, %parallel_loop3A_558 : vector<16xf32>
      %parallel_loop3A_585 = arith.constant 0.000000e+00 : f32
      %parallel_loop3A_586 = vector.broadcast %parallel_loop3A_585 : f32 to vector<16xf32>
      %parallel_loop3A_587 = arith.maximumf %parallel_loop3A_584, %parallel_loop3A_586 : vector<16xf32>
      %parallel_loop3A_588 = arith.constant 1 : i32
      %parallel_loop3A_589 = arith.addi %parallel_loop3A_239, %parallel_loop3A_588 : i32
      %parallel_loop3A_590 = arith.constant 0 : i32
      %parallel_loop3A_591 = arith.index_cast %parallel_loop3A_590 : i32 to index
      %parallel_loop3A_592 = arith.index_cast %parallel_loop3A_589 : i32 to index
      %parallel_loop3A_593 = arith.constant 96 : index
      %parallel_loop3A_594 = tpu.vector_load %arg9[%parallel_loop3A_591, %parallel_loop3A_592, %parallel_loop3A_593] {strides = array<i32>} : memref<2x80x128xf32, #tpu.memory_space<vmem>>, vector<1x1x16xf32>,
      %parallel_loop3A_595 = vector.shape_cast %parallel_loop3A_594 : vector<1x1x16xf32> to vector<16xf32>
      %parallel_loop3A_596 = vector.shape_cast %parallel_loop3A_587 : vector<16xf32> to vector<1x1x16xf32>
      tpu.vector_store %arg9[%parallel_loop3A_591, %parallel_loop3A_592, %parallel_loop3A_593], %parallel_loop3A_596 {strides = array<i32>} : memref<2x80x128xf32, #tpu.memory_space<vmem>>, vector<1x1x16xf32>,
      %parallel_loop3A_597 = arith.constant 0 : i32
      %parallel_loop3A_598 = arith.index_cast %parallel_loop3A_597 : i32 to index
      %parallel_loop3A_599 = arith.index_cast %parallel_loop3A_237 : i32 to index
      %parallel_loop3A_600 = arith.constant 112 : index
      %parallel_loop3A_601 = tpu.vector_load %arg10[%parallel_loop3A_598, %parallel_loop3A_599, %parallel_loop3A_600] {strides = array<i32>} : memref<2x40x128xi32, #tpu.memory_space<vmem>>, vector<1x1x16xi32>,
      %parallel_loop3A_602 = vector.shape_cast %parallel_loop3A_601 : vector<1x1x16xi32> to vector<16xi32>
      %parallel_loop3A_603 = arith.constant 16 : i32
      %parallel_loop3A_604 = vector.broadcast %parallel_loop3A_603 : i32 to vector<16xi32>
      %parallel_loop3A_605 = arith.shli %parallel_loop3A_602, %parallel_loop3A_604 : vector<16xi32>
      %parallel_loop3A_606 = tpu.bitcast %parallel_loop3A_605 : vector<16xi32> -> vector<16xf32>
      %parallel_loop3A_607 = vector.broadcast %parallel_loop3A_194 : i32 to vector<16xi32>
      %parallel_loop3A_608 = arith.andi %parallel_loop3A_602, %parallel_loop3A_607 : vector<16xi32>
      %parallel_loop3A_609 = tpu.bitcast %parallel_loop3A_608 : vector<16xi32> -> vector<16xf32>
      %parallel_loop3A_610 = arith.constant 0 : i32
      %parallel_loop3A_611 = arith.index_cast %parallel_loop3A_610 : i32 to index
      %parallel_loop3A_612 = arith.index_cast %parallel_loop3A_239 : i32 to index
      %parallel_loop3A_613 = arith.constant 112 : index
      %parallel_loop3A_614 = tpu.vector_load %arg9[%parallel_loop3A_611, %parallel_loop3A_612, %parallel_loop3A_613] {strides = array<i32>} : memref<2x80x128xf32, #tpu.memory_space<vmem>>, vector<1x1x16xf32>,
      %parallel_loop3A_615 = vector.shape_cast %parallel_loop3A_614 : vector<1x1x16xf32> to vector<16xf32>
      %parallel_loop3A_616 = arith.addf %parallel_loop3A_615, %parallel_loop3A_606 : vector<16xf32>
      %parallel_loop3A_617 = arith.constant 0.000000e+00 : f32
      %parallel_loop3A_618 = vector.broadcast %parallel_loop3A_617 : f32 to vector<16xf32>
      %parallel_loop3A_619 = arith.maximumf %parallel_loop3A_616, %parallel_loop3A_618 : vector<16xf32>
      %parallel_loop3A_620 = arith.constant 0 : i32
      %parallel_loop3A_621 = arith.index_cast %parallel_loop3A_620 : i32 to index
      %parallel_loop3A_622 = arith.index_cast %parallel_loop3A_239 : i32 to index
      %parallel_loop3A_623 = arith.constant 112 : index
      %parallel_loop3A_624 = tpu.vector_load %arg9[%parallel_loop3A_621, %parallel_loop3A_622, %parallel_loop3A_623] {strides = array<i32>} : memref<2x80x128xf32, #tpu.memory_space<vmem>>, vector<1x1x16xf32>,
      %parallel_loop3A_625 = vector.shape_cast %parallel_loop3A_624 : vector<1x1x16xf32> to vector<16xf32>
      %parallel_loop3A_626 = vector.shape_cast %parallel_loop3A_619 : vector<16xf32> to vector<1x1x16xf32>
      tpu.vector_store %arg9[%parallel_loop3A_621, %parallel_loop3A_622, %parallel_loop3A_623], %parallel_loop3A_626 {strides = array<i32>} : memref<2x80x128xf32, #tpu.memory_space<vmem>>, vector<1x1x16xf32>,
      %parallel_loop3A_627 = arith.constant 1 : i32
      %parallel_loop3A_628 = arith.addi %parallel_loop3A_239, %parallel_loop3A_627 : i32
      %parallel_loop3A_629 = arith.constant 0 : i32
      %parallel_loop3A_630 = arith.index_cast %parallel_loop3A_629 : i32 to index
      %parallel_loop3A_631 = arith.index_cast %parallel_loop3A_628 : i32 to index
      %parallel_loop3A_632 = arith.constant 112 : index
      %parallel_loop3A_633 = tpu.vector_load %arg9[%parallel_loop3A_630, %parallel_loop3A_631, %parallel_loop3A_632] {strides = array<i32>} : memref<2x80x128xf32, #tpu.memory_space<vmem>>, vector<1x1x16xf32>,
      %parallel_loop3A_634 = vector.shape_cast %parallel_loop3A_633 : vector<1x1x16xf32> to vector<16xf32>
      %parallel_loop3A_635 = arith.addf %parallel_loop3A_634, %parallel_loop3A_609 : vector<16xf32>
      %parallel_loop3A_636 = arith.constant 0.000000e+00 : f32
      %parallel_loop3A_637 = vector.broadcast %parallel_loop3A_636 : f32 to vector<16xf32>
      %parallel_loop3A_638 = arith.maximumf %parallel_loop3A_635, %parallel_loop3A_637 : vector<16xf32>
      %parallel_loop3A_639 = arith.constant 1 : i32
      %parallel_loop3A_640 = arith.addi %parallel_loop3A_239, %parallel_loop3A_639 : i32
      %parallel_loop3A_641 = arith.constant 0 : i32
      %parallel_loop3A_642 = arith.index_cast %parallel_loop3A_641 : i32 to index
      %parallel_loop3A_643 = arith.index_cast %parallel_loop3A_640 : i32 to index
      %parallel_loop3A_644 = arith.constant 112 : index
      %parallel_loop3A_645 = tpu.vector_load %arg9[%parallel_loop3A_642, %parallel_loop3A_643, %parallel_loop3A_644] {strides = array<i32>} : memref<2x80x128xf32, #tpu.memory_space<vmem>>, vector<1x1x16xf32>,
      %parallel_loop3A_646 = vector.shape_cast %parallel_loop3A_645 : vector<1x1x16xf32> to vector<16xf32>
      %parallel_loop3A_647 = vector.shape_cast %parallel_loop3A_638 : vector<16xf32> to vector<1x1x16xf32>
      tpu.vector_store %arg9[%parallel_loop3A_642, %parallel_loop3A_643, %parallel_loop3A_644], %parallel_loop3A_647 {strides = array<i32>} : memref<2x80x128xf32, #tpu.memory_space<vmem>>, vector<1x1x16xf32>,
    } {sc.loop_unroll_factor = 4 : i64, sc.parallel_access}
    %dma_start3A_195 = arith.constant 0 : i32
    %dma_start3A_196 = arith.constant 0 : i32
    %dma_start3A_197 = arith.constant 0 : i32
    %dma_start3A_198 = arith.constant 0 : i32
    %dma_start3A_199 = tpu.memref_slice %arg9[%dma_start3A_195, %dma_start3A_197, %dma_start3A_198] : memref<2x80x128xf32, #tpu.memory_space<vmem>> -> memref<1x80x128xf32, #tpu.memory_space<vmem>>
    %dma_start3A_200 = tpu.memref_squeeze %dma_start3A_199 : memref<1x80x128xf32, #tpu.memory_space<vmem>> -> memref<80x128xf32, #tpu.memory_space<vmem>>
    %dma_start3A_201 = arith.constant 0 : i32
    %dma_start3A_202 = tpu.memref_slice %arg8[%dma_start3A_196, %dma_start3A_201] : memref<2x80xi32, #tpu.memory_space<vmem>> -> memref<1x80xi32, #tpu.memory_space<vmem>>
    %dma_start3A_203 = tpu.memref_squeeze %dma_start3A_202 : memref<1x80xi32, #tpu.memory_space<vmem>> -> memref<80xi32, #tpu.memory_space<vmem>>
    %dma_start3A_204 = arith.constant 0 : i32
    %dma_start3A_205 = arith.constant 0 : i32
    %dma_start3A_206 = tpu.memref_slice %arg15[%dma_start3A_204, %dma_start3A_205] : memref<10240x128xf32, #tpu.memory_space<vmem_shared>> -> memref<10240x128xf32, #tpu.memory_space<vmem_shared>>
    tpu.enqueue_indirect_dma source(%dma_start3A_200 : memref<80x128xf32, #tpu.memory_space<vmem>>) target(%dma_start3A_206 : memref<10240x128xf32, #tpu.memory_space<vmem_shared>>) offsets(%dma_start3A_203 : memref<80xi32, #tpu.memory_space<vmem>>) semaphore(%arg13 : memref<!tpu.dma_semaphore, #tpu.memory_space<semaphore_mem>>) {add = true}
    %dma_wait3A_207 = arith.constant 1 : i32
    %dma_wait3A_208 = arith.constant 1 : i32
    %dma_wait3A_209 = arith.constant 0 : i32
    %dma_wait3A_210 = arith.constant 0 : i32
    %dma_wait3A_211 = tpu.memref_slice %arg9[%dma_wait3A_207, %dma_wait3A_209, %dma_wait3A_210] : memref<2x80x128xf32, #tpu.memory_space<vmem>> -> memref<1x80x128xf32, #tpu.memory_space<vmem>>
    %dma_wait3A_212 = tpu.memref_squeeze %dma_wait3A_211 : memref<1x80x128xf32, #tpu.memory_space<vmem>> -> memref<80x128xf32, #tpu.memory_space<vmem>>
    %dma_wait3A_213 = arith.constant 0 : i32
    %dma_wait3A_214 = tpu.memref_slice %arg8[%dma_wait3A_208, %dma_wait3A_213] : memref<2x80xi32, #tpu.memory_space<vmem>> -> memref<1x80xi32, #tpu.memory_space<vmem>>
    %dma_wait3A_215 = tpu.memref_squeeze %dma_wait3A_214 : memref<1x80xi32, #tpu.memory_space<vmem>> -> memref<80xi32, #tpu.memory_space<vmem>>
    %dma_wait3A_216 = arith.constant 0 : i32
    %dma_wait3A_217 = arith.constant 0 : i32
    %dma_wait3A_218 = tpu.memref_slice %arg15[%dma_wait3A_216, %dma_wait3A_217] : memref<10240x128xf32, #tpu.memory_space<vmem_shared>> -> memref<10240x128xf32, #tpu.memory_space<vmem_shared>>
    tpu.wait_indirect_dma semaphore(%arg14 : memref<!tpu.dma_semaphore, #tpu.memory_space<semaphore_mem>>) src(%dma_wait3A_212 : memref<80x128xf32, #tpu.memory_space<vmem>>) dst(%dma_wait3A_218 : memref<10240x128xf32, #tpu.memory_space<vmem_shared>>)
    %dma_wait3A_219 = arith.constant 0 : i32
    %dma_wait3A_220 = arith.constant 0 : i32
    %dma_wait3A_221 = arith.constant 0 : i32
    %dma_wait3A_222 = arith.constant 0 : i32
    %dma_wait3A_223 = tpu.memref_slice %arg9[%dma_wait3A_219, %dma_wait3A_221, %dma_wait3A_222] : memref<2x80x128xf32, #tpu.memory_space<vmem>> -> memref<1x80x128xf32, #tpu.memory_space<vmem>>
    %dma_wait3A_224 = tpu.memref_squeeze %dma_wait3A_223 : memref<1x80x128xf32, #tpu.memory_space<vmem>> -> memref<80x128xf32, #tpu.memory_space<vmem>>
    %dma_wait3A_225 = arith.constant 0 : i32
    %dma_wait3A_226 = tpu.memref_slice %arg8[%dma_wait3A_220, %dma_wait3A_225] : memref<2x80xi32, #tpu.memory_space<vmem>> -> memref<1x80xi32, #tpu.memory_space<vmem>>
    %dma_wait3A_227 = tpu.memref_squeeze %dma_wait3A_226 : memref<1x80xi32, #tpu.memory_space<vmem>> -> memref<80xi32, #tpu.memory_space<vmem>>
    %dma_wait3A_228 = arith.constant 0 : i32
    %dma_wait3A_229 = arith.constant 0 : i32
    %dma_wait3A_230 = tpu.memref_slice %arg15[%dma_wait3A_228, %dma_wait3A_229] : memref<10240x128xf32, #tpu.memory_space<vmem_shared>> -> memref<10240x128xf32, #tpu.memory_space<vmem_shared>>
    tpu.wait_indirect_dma semaphore(%arg13 : memref<!tpu.dma_semaphore, #tpu.memory_space<semaphore_mem>>) src(%dma_wait3A_224 : memref<80x128xf32, #tpu.memory_space<vmem>>) dst(%dma_wait3A_230 : memref<10240x128xf32, #tpu.memory_space<vmem_shared>>)
    %barrier3A_231 = arith.constant 0 : index
    tpu.barrier barrier_id(%barrier3A_231)
    %mul3A_232 = arith.constant 640 : i32
    %mul3A_233 = arith.muli %arg1, %mul3A_232 : i32
    %mul3A_234 = arith.constant 16 : i32
    %mul3A_235 = arith.muli %arg0, %mul3A_234 : i32
    %add3A_236 = arith.addi %mul3A_235, %arg1 : i32
    "tpu.region"() ({
      %run_scoped3A_237 = tpu.sem_alloc : memref<!tpu.dma_semaphore, #tpu.memory_space<semaphore_mem>>
      %dma_start3A_238 = arith.constant 0 : i32
      %dma_start3A_239 = arith.constant 0 : i32
      %dma_start3A_240 = tpu.memref_slice %arg6[%add3A_236, %dma_start3A_238, %dma_start3A_239] : memref<32x640x128xf32, #tpu.memory_space<hbm>> -> memref<1x640x128xf32, #tpu.memory_space<hbm>>
      %dma_start3A_241 = tpu.memref_squeeze %dma_start3A_240 : memref<1x640x128xf32, #tpu.memory_space<hbm>> -> memref<640x128xf32, #tpu.memory_space<hbm>>
      %dma_start3A_242 = arith.constant 0 : i32
      %dma_start3A_243 = tpu.memref_slice %arg15[%mul3A_233, %dma_start3A_242] : memref<10240x128xf32, #tpu.memory_space<vmem_shared>> -> memref<640x128xf32, #tpu.memory_space<vmem_shared>>
      tpu.enqueue_dma source(%dma_start3A_243 : memref<640x128xf32, #tpu.memory_space<vmem_shared>>) target(%dma_start3A_241 : memref<640x128xf32, #tpu.memory_space<hbm>>) target_semaphore(%run_scoped3A_237 : memref<!tpu.dma_semaphore, #tpu.memory_space<semaphore_mem>>)
      %dma_wait3A_244 = arith.constant 0 : i32
      %dma_wait3A_245 = arith.constant 0 : i32
      %dma_wait3A_246 = tpu.memref_slice %arg6[%add3A_236, %dma_wait3A_244, %dma_wait3A_245] : memref<32x640x128xf32, #tpu.memory_space<hbm>> -> memref<1x640x128xf32, #tpu.memory_space<hbm>>
      %dma_wait3A_247 = tpu.memref_squeeze %dma_wait3A_246 : memref<1x640x128xf32, #tpu.memory_space<hbm>> -> memref<640x128xf32, #tpu.memory_space<hbm>>
      %dma_wait3A_248 = arith.constant 0 : i32
      %dma_wait3A_249 = tpu.memref_slice %arg15[%mul3A_233, %dma_wait3A_248] : memref<10240x128xf32, #tpu.memory_space<vmem_shared>> -> memref<640x128xf32, #tpu.memory_space<vmem_shared>>
      tpu.wait_dma2 semaphore(%run_scoped3A_237 : memref<!tpu.dma_semaphore, #tpu.memory_space<semaphore_mem>>) src(%dma_wait3A_249 : memref<640x128xf32, #tpu.memory_space<vmem_shared>>) dst(%dma_wait3A_247 : memref<640x128xf32, #tpu.memory_space<hbm>>)
      tpu.yield
    }) : () -> ()
    return
  }
}

module attributes {stable_mosaic.version = 14 : i64} {
  func.func @_enc_body(%arg0: i32, %arg1: memref<3200x16xf32, #tpu.memory_space<vmem>>, %arg2: memref<16x128xf32, #tpu.memory_space<vmem>>, %arg3: memref<1x128xf32, #tpu.memory_space<vmem>>, %arg4: memref<1600x128xi32, #tpu.memory_space<vmem>>) attributes {dimension_semantics = [#tpu.dimension_semantics<arbitrary>], iteration_bounds = array<i64: 100>, scalar_prefetch = 0 : i64, scratch_operands = 0 : i64, tpu.core_type = #tpu.core_type<tc>, window_params = [{transform_indices = @transform_0, window_bounds = array<i64: 3200, 16>}, {pipeline_mode = #tpu.pipeline_mode<synchronous>, transform_indices = @transform_1, window_bounds = array<i64: 16, 128>}, {pipeline_mode = #tpu.pipeline_mode<synchronous>, transform_indices = @transform_2, window_bounds = array<i64: 1, 128>}, {transform_indices = @transform_3, window_bounds = array<i64: 1600, 128>}]} {
    %get3A = arith.constant 0 : index
    %get3A_0 = arith.constant 0 : index
    %get3A_1 = vector.load %arg1[%get3A, %get3A_0] : memref<3200x16xf32, #tpu.memory_space<vmem>>, vector<3200x16xf32>
    %get3A_2 = arith.constant 0 : index
    %get3A_3 = arith.constant 0 : index
    %get3A_4 = vector.load %arg2[%get3A_2, %get3A_3] : memref<16x128xf32, #tpu.memory_space<vmem>>, vector<16x128xf32>
    %dot_general3A = arith.constant dense<0.000000e+00> : vector<3200x128xf32>
    %dot_general3A_5 = tpu.matmul %get3A_1, %get3A_4, %dot_general3A {dimension_numbers = #tpu.dot_dimension_numbers<[1], [0], [0], [1], [0, 0, 1, 1], [], []>, transpose_lhs_hint = false} : vector<3200x16xf32>, vector<16x128xf32>, vector<3200x128xf32> -> vector<3200x128xf32>
    %get3A_6 = arith.constant 0 : index
    %get3A_7 = arith.constant 0 : index
    %get3A_8 = vector.load %arg3[%get3A_6, %get3A_7] : memref<1x128xf32, #tpu.memory_space<vmem>>, vector<1x128xf32>
    %add3A = vector.broadcast %get3A_8 : vector<1x128xf32> to vector<3200x128xf32>
    %add3A_9 = arith.addf %dot_general3A_5, %add3A : vector<3200x128xf32>
    %convert_element_type3A = arith.truncf %add3A_9 : vector<3200x128xf32> to vector<3200x128xbf16>
    %bitcast3A = tpu.bitcast %convert_element_type3A : vector<3200x128xbf16> -> vector<1600x128xi32>
    %swap3A = arith.constant 0 : index
    %swap3A_10 = arith.constant 0 : index
    %swap3A_11 = vector.load %arg4[%swap3A, %swap3A_10] : memref<1600x128xi32, #tpu.memory_space<vmem>>, vector<1600x128xi32>
    tpu.vector_store %arg4[%swap3A, %swap3A_10], %bitcast3A {strides = array<i32>} : memref<1600x128xi32, #tpu.memory_space<vmem>>, vector<1600x128xi32>,
    return
  }
  func.func @transform_0(%arg0: i32) -> (i32, i32) {
    %c0_i32 = arith.constant 0 : i32
    %c0_i32_0 = arith.constant 0 : i32
    return %arg0, %c0_i32 : i32, i32
  }
  func.func @transform_1(%arg0: i32) -> (i32, i32) {
    %c0_i32 = arith.constant 0 : i32
    %c0_i32_0 = arith.constant 0 : i32
    %c0_i32_1 = arith.constant 0 : i32
    return %c0_i32, %c0_i32_0 : i32, i32
  }
  func.func @transform_2(%arg0: i32) -> (i32, i32) {
    %c0_i32 = arith.constant 0 : i32
    %c0_i32_0 = arith.constant 0 : i32
    %c0_i32_1 = arith.constant 0 : i32
    return %c0_i32, %c0_i32_0 : i32, i32
  }
  func.func @transform_3(%arg0: i32) -> (i32, i32) {
    %c0_i32 = arith.constant 0 : i32
    %c0_i32_0 = arith.constant 0 : i32
    return %arg0, %c0_i32 : i32, i32
  }
}

module attributes {stable_mosaic.version = 14 : i64} {
  func.func @_mlp_body(%arg0: i32, %arg1: memref<1000x128xf32, #tpu.memory_space<vmem>>, %arg2: memref<1000x128xf32, #tpu.memory_space<vmem>>, %arg3: memref<1000x128xf32, #tpu.memory_space<vmem>>, %arg4: memref<1x128xf32, #tpu.memory_space<vmem>>, %arg5: memref<128x256xf32, #tpu.memory_space<vmem>>, %arg6: memref<1x256xf32, #tpu.memory_space<vmem>>, %arg7: memref<256x128xf32, #tpu.memory_space<vmem>>, %arg8: memref<1x128xf32, #tpu.memory_space<vmem>>, %arg9: memref<1000x128xf32, #tpu.memory_space<vmem>>) attributes {dimension_semantics = [#tpu.dimension_semantics<arbitrary>], iteration_bounds = array<i64: 10>, scalar_prefetch = 0 : i64, scratch_operands = 0 : i64, tpu.core_type = #tpu.core_type<tc>, window_params = [{transform_indices = @transform_0, window_bounds = array<i64: 1000, 128>}, {transform_indices = @transform_1, window_bounds = array<i64: 1000, 128>}, {transform_indices = @transform_2, window_bounds = array<i64: 1000, 128>}, {pipeline_mode = #tpu.pipeline_mode<synchronous>, transform_indices = @transform_3, window_bounds = array<i64: 1, 128>}, {pipeline_mode = #tpu.pipeline_mode<synchronous>, transform_indices = @transform_4, window_bounds = array<i64: 128, 256>}, {pipeline_mode = #tpu.pipeline_mode<synchronous>, transform_indices = @transform_5, window_bounds = array<i64: 1, 256>}, {pipeline_mode = #tpu.pipeline_mode<synchronous>, transform_indices = @transform_6, window_bounds = array<i64: 256, 128>}, {pipeline_mode = #tpu.pipeline_mode<synchronous>, transform_indices = @transform_7, window_bounds = array<i64: 1, 128>}, {transform_indices = @transform_8, window_bounds = array<i64: 1000, 128>}]} {
    %get3A = arith.constant 0 : index
    %get3A_0 = arith.constant 0 : index
    %get3A_1 = vector.load %arg4[%get3A, %get3A_0] : memref<1x128xf32, #tpu.memory_space<vmem>>, vector<1x128xf32>
    %get3A_2 = arith.constant 0 : index
    %get3A_3 = arith.constant 0 : index
    %get3A_4 = vector.load %arg1[%get3A_2, %get3A_3] : memref<1000x128xf32, #tpu.memory_space<vmem>>, vector<1000x128xf32>
    %mul3A = vector.broadcast %get3A_1 : vector<1x128xf32> to vector<1000x128xf32>
    %mul3A_5 = arith.mulf %mul3A, %get3A_4 : vector<1000x128xf32>
    %get3A_6 = arith.constant 0 : index
    %get3A_7 = arith.constant 0 : index
    %get3A_8 = vector.load %arg2[%get3A_6, %get3A_7] : memref<1000x128xf32, #tpu.memory_space<vmem>>, vector<1000x128xf32>
    %add3A = arith.addf %mul3A_5, %get3A_8 : vector<1000x128xf32>
    %get3A_9 = arith.constant 0 : index
    %get3A_10 = arith.constant 0 : index
    %get3A_11 = vector.load %arg3[%get3A_9, %get3A_10] : memref<1000x128xf32, #tpu.memory_space<vmem>>, vector<1000x128xf32>
    %add3A_12 = arith.addf %add3A, %get3A_11 : vector<1000x128xf32>
    %get3A_13 = arith.constant 0 : index
    %get3A_14 = arith.constant 0 : index
    %get3A_15 = vector.load %arg5[%get3A_13, %get3A_14] : memref<128x256xf32, #tpu.memory_space<vmem>>, vector<128x256xf32>
    %dot_general3A = arith.constant dense<0.000000e+00> : vector<1000x256xf32>
    %dot_general3A_16 = tpu.matmul %add3A_12, %get3A_15, %dot_general3A {dimension_numbers = #tpu.dot_dimension_numbers<[1], [0], [0], [1], [0, 0, 1, 1], [], []>, transpose_lhs_hint = false} : vector<1000x128xf32>, vector<128x256xf32>, vector<1000x256xf32> -> vector<1000x256xf32>
    %get3A_17 = arith.constant 0 : index
    %get3A_18 = arith.constant 0 : index
    %get3A_19 = vector.load %arg6[%get3A_17, %get3A_18] : memref<1x256xf32, #tpu.memory_space<vmem>>, vector<1x256xf32>
    %add3A_20 = vector.broadcast %get3A_19 : vector<1x256xf32> to vector<1000x256xf32>
    %add3A_21 = arith.addf %dot_general3A_16, %add3A_20 : vector<1000x256xf32>
    %max3A = arith.constant 0.000000e+00 : f32
    %max3A_22 = vector.broadcast %max3A : f32 to vector<1000x256xf32>
    %max3A_23 = arith.maximumf %add3A_21, %max3A_22 : vector<1000x256xf32>
    %get3A_24 = arith.constant 0 : index
    %get3A_25 = arith.constant 0 : index
    %get3A_26 = vector.load %arg7[%get3A_24, %get3A_25] : memref<256x128xf32, #tpu.memory_space<vmem>>, vector<256x128xf32>
    %dot_general3A_27 = arith.constant dense<0.000000e+00> : vector<1000x128xf32>
    %dot_general3A_28 = tpu.matmul %max3A_23, %get3A_26, %dot_general3A_27 {dimension_numbers = #tpu.dot_dimension_numbers<[1], [0], [0], [1], [0, 0, 1, 1], [], []>, transpose_lhs_hint = false} : vector<1000x256xf32>, vector<256x128xf32>, vector<1000x128xf32> -> vector<1000x128xf32>
    %get3A_29 = arith.constant 0 : index
    %get3A_30 = arith.constant 0 : index
    %get3A_31 = vector.load %arg8[%get3A_29, %get3A_30] : memref<1x128xf32, #tpu.memory_space<vmem>>, vector<1x128xf32>
    %add3A_32 = vector.broadcast %get3A_31 : vector<1x128xf32> to vector<1000x128xf32>
    %add3A_33 = arith.addf %dot_general3A_28, %add3A_32 : vector<1000x128xf32>
    %swap3A = arith.constant 0 : index
    %swap3A_34 = arith.constant 0 : index
    %swap3A_35 = vector.load %arg9[%swap3A, %swap3A_34] : memref<1000x128xf32, #tpu.memory_space<vmem>>, vector<1000x128xf32>
    tpu.vector_store %arg9[%swap3A, %swap3A_34], %add3A_33 {strides = array<i32>} : memref<1000x128xf32, #tpu.memory_space<vmem>>, vector<1000x128xf32>,
    return
  }
  func.func @transform_0(%arg0: i32) -> (i32, i32) {
    %c0_i32 = arith.constant 0 : i32
    %c0_i32_0 = arith.constant 0 : i32
    return %arg0, %c0_i32 : i32, i32
  }
  func.func @transform_1(%arg0: i32) -> (i32, i32) {
    %c0_i32 = arith.constant 0 : i32
    %c0_i32_0 = arith.constant 0 : i32
    return %arg0, %c0_i32 : i32, i32
  }
  func.func @transform_2(%arg0: i32) -> (i32, i32) {
    %c0_i32 = arith.constant 0 : i32
    %c0_i32_0 = arith.constant 0 : i32
    return %arg0, %c0_i32 : i32, i32
  }
  func.func @transform_3(%arg0: i32) -> (i32, i32) {
    %c0_i32 = arith.constant 0 : i32
    %c0_i32_0 = arith.constant 0 : i32
    %c0_i32_1 = arith.constant 0 : i32
    return %c0_i32, %c0_i32_0 : i32, i32
  }
  func.func @transform_4(%arg0: i32) -> (i32, i32) {
    %c0_i32 = arith.constant 0 : i32
    %c0_i32_0 = arith.constant 0 : i32
    %c0_i32_1 = arith.constant 0 : i32
    return %c0_i32, %c0_i32_0 : i32, i32
  }
  func.func @transform_5(%arg0: i32) -> (i32, i32) {
    %c0_i32 = arith.constant 0 : i32
    %c0_i32_0 = arith.constant 0 : i32
    %c0_i32_1 = arith.constant 0 : i32
    return %c0_i32, %c0_i32_0 : i32, i32
  }
  func.func @transform_6(%arg0: i32) -> (i32, i32) {
    %c0_i32 = arith.constant 0 : i32
    %c0_i32_0 = arith.constant 0 : i32
    %c0_i32_1 = arith.constant 0 : i32
    return %c0_i32, %c0_i32_0 : i32, i32
  }
  func.func @transform_7(%arg0: i32) -> (i32, i32) {
    %c0_i32 = arith.constant 0 : i32
    %c0_i32_0 = arith.constant 0 : i32
    %c0_i32_1 = arith.constant 0 : i32
    return %c0_i32, %c0_i32_0 : i32, i32
  }
  func.func @transform_8(%arg0: i32) -> (i32, i32) {
    %c0_i32 = arith.constant 0 : i32
    %c0_i32_0 = arith.constant 0 : i32
    return %arg0, %c0_i32 : i32, i32
  }
}

</mosaic_0001>

<sc_bundles>
// kernel: kernel.5.cloned.1.call-start
scs
__scs_entry_jumppad:
0x0: {  	(pc) =	sbr.rel $0x88, $3  }
0x1: {  	(tag) =	ssettag $0x0;
	lr =	simm.s32 $0x1  }
0x2: {  	[smem:$0x3F8F] =	sst lr;
	_ =	strace $0xD0000000  }
0x3: {  	_ = 	snop  }
0x4: {  	_ = 	snop  }
0x5: {  	_ = 	snop  }
0x6: {  	_ = 	snop  }
0x7: {  	_ = 	snop  }
__scs_overlays_trampoline_lowered:
0x8: {  	[smem:$0x3F9E] =	sst s0  }
0x9: {  	[smem:$0x3F9F] =	sst s1  }
0xa: {  	[smem:$0x3FA0] =	sst s2  }
0xb: {  	[smem:$0x3FA1] =	sst s3  }
0xc: {  	[smem:$0x3FA2] =	sst s4  }
0xd: {  	[smem:$0x3FA3] =	sst s5  }
0xe: {  	[smem:$0x3FA4] =	sst s6  }
0xf: {  	[smem:$0x3FA5] =	sst s7  }
0x10: {  	[smem:$0x3FA6] =	sst s8  }
0x11: {  	[smem:$0x3FA7] =	sst s9;
	s0 =	simm.s32 @!p0 $0x0  }
0x12: {  	s1 =	sld [smem:$0x3F8D];
	s0 =	simm.s32 @p0 $0x1  }
0x13: {  	[smem:$0x3FA8] =	sst s0;
	s0 =	simm.s32 @!p1 $0x0  }
0x14: {  	s2 =	sld [smem:$0x3F8C];
	s0 =	simm.s32 @p1 $0x1  }
0x15: {  	[smem:$0x3FA9] =	sst s0;
	s0 =	simm.s32 @!p2 $0x0  }
0x16: {  	s3 =	sld [smem:$0x3FDB];
	s0 =	simm.s32 @p2 $0x1  }
0x17: {  	s4 =	simm.s32 $0x1BF5;
	[smem:$0x3FAB] =	sst s0  }
0x18: {  	s0 =	sld [smem:$0x3F8E];
	_ =	swait.ge [sflag:s4], $0x0  }
0x19: {  	s7 =	sld [smem:$0x3F8F]  }
0x1a: {  	s8 =	sadd.s32 $0xFFFFE003, lr  }
0x1b: {  	s9 =	sadd.s32 $0xFFFFFEF7, lr;
	s5 =	simm.s32 $0xFFFFFFFF;
	p2 =	slt.u32 s8, $0xFFFFF086  }
0x1c: {  	p1 =	slt.u32 s9, $0xF7A;
	s5 =	simm.s32 @!p2 $0x0  }
0x1d: {  	s5 =	simm.s32 @p1 $0x1;
	p0 =	seq.s32 s7, s2  }
0x1e: {  	s7 =	smul.u32 @!p0 $0xF7A, s2;
	p2 =	seq.s32 @!p0 s5, $0x0  }
0x1f: {  	s9 =	smul.u32 $0xF7A, s1;
	s8 =	simm.s32 @!p0 $0x1BF5;
	p2 =	por !p2, p0  }
0x20: {  	[sflag:s8] =	ssyncset.s32 @!p0 $0xFFFFF086;
	s6 =	sadd.s32 @!p0 s3, s7;
	s7 =	simm.s32 @!p0 $0x108  }
0x21: {  	s3 =	sadd.s32 s3, s9;
	s6 =	sadd.s32 @!p0 $0x88, s6;
	s7 =	simm.s32 @p2 $0x1082  }
0x22: {  	[simem:s7], [sflag:s8] =	dma.local @!p0 [hbm:s6], $0xF7A  }
0x23: {  	s9 =	sor.u32 $0xD0000000, s2;
	s6 =	simm.s32 $0x108;
	_ =	swait.ge @!p0 [sflag:s8], $0x0  }
0x24: {  	s3 =	sadd.s32 $0x88, s3;
	s6 =	simm.s32 @!p1 $0x1082;
	[sflag:s4] =	ssyncset.s32 $0xFFFFF086  }
0x25: {  	[simem:s6], [sflag:s4] =	dma.local [hbm:s3], $0xF7A  }
0x26: {  	[smem:$0x3F8F] =	sst s1;
	(tag) =	ssettag s2;
	_ =	strace s9  }
0x27: {  	s1 =	sld [smem:$0x3F9F]  }
0x28: {  	s2 =	sld [smem:$0x3FA0]  }
0x29: {  	s4 =	sld [smem:$0x3FA2]  }
0x2a: {  	p0 =	seq.s32 s5, $0x0;
	s5 =	sld [smem:$0x3FA3]  }
0x2b: {  	s6 =	sld [smem:$0x3FA4]  }
0x2c: {  	s7 =	sld [smem:$0x3FA5]  }
0x2d: {  	s3 =	simm.s32 $0x108;
	s8 =	sld [smem:$0x3FA6]  }
0x2e: {  	s3 =	simm.s32 @!p0 $0x1082;
	s9 =	sld [smem:$0x3FA7]  }
0x2f: {  	lr =	sadd.s32 s0, s3;
	s0 =	sld [smem:$0x3F9E]  }
0x30: {  	s3 =	sld [smem:$0x3FA1]  }
0x31: {  	[smem:$0x3FAA] =	sst s10  }
0x32: {  	s10 =	sld [smem:$0x3FA8];
	_ =	sdelay $0x3  }
0x33: {  	p0 =	seq.s32 s10, $0x1;
	s10 =	sld [smem:$0x3FAA];
	_ =	sdelay $0x3  }
0x34: {  	[smem:$0x3FAA] =	sst s10  }
0x35: {  	s10 =	sld [smem:$0x3FA9];
	_ =	sdelay $0x3  }
0x36: {  	p1 =	seq.s32 s10, $0x1;
	s10 =	sld [smem:$0x3FAA];
	_ =	sdelay $0x3  }
0x37: {  	[smem:$0x3FAA] =	sst s10  }
0x38: {  	s10 =	sld [smem:$0x3FAB]  }
0x39: {  	_ = 	snop;
	(pc) =	sbr.ind lr, $3  }
0x3a: {  	_ = 	snop  }
0x3b: {  	_ = 	snop  }
0x3c: {  	p2 =	seq.s32 s10, $0x1;
	s10 =	sld [smem:$0x3FAA]  }
0x3d: {  	_ =	shalt  }
0x3e: {  	_ =	shalt  }
0x3f: {  	_ =	shalt  }
0x40: {  	_ =	shalt  }
0x41: {  	_ =	shalt  }
0x42: {  	_ =	shalt  }
0x43: {  	_ =	shalt  }
0x44: {  	_ =	shalt  }
0x45: {  	_ =	shalt  }
0x46: {  	_ =	shalt  }
0x47: {  	_ =	shalt  }
0x48: {  	_ =	shalt  }
0x49: {  	_ =	shalt  }
0x4a: {  	_ =	shalt  }
0x4b: {  	_ =	shalt  }
0x4c: {  	_ =	shalt  }
0x4d: {  	_ =	shalt  }
0x4e: {  	_ =	shalt  }
0x4f: {  	_ =	shalt  }
0x50: {  	_ =	shalt  }
0x51: {  	_ =	shalt  }
0x52: {  	_ =	shalt  }
0x53: {  	_ =	shalt  }
0x54: {  	_ =	shalt  }
0x55: {  	_ =	shalt  }
0x56: {  	_ =	shalt  }
0x57: {  	_ =	shalt  }
0x58: {  	_ =	shalt  }
0x59: {  	_ =	shalt  }
0x5a: {  	_ =	shalt  }
0x5b: {  	_ =	shalt  }
0x5c: {  	_ =	shalt  }
0x5d: {  	_ =	shalt  }
0x5e: {  	_ =	shalt  }
0x5f: {  	_ =	shalt  }
0x60: {  	_ =	shalt  }
0x61: {  	_ =	shalt  }
0x62: {  	_ =	shalt  }
0x63: {  	_ =	shalt  }
0x64: {  	_ =	shalt  }
0x65: {  	_ =	shalt  }
0x66: {  	_ =	shalt  }
0x67: {  	_ =	shalt  }
0x68: {  	_ =	shalt  }
0x69: {  	_ =	shalt  }
0x6a: {  	_ =	shalt  }
0x6b: {  	_ =	shalt  }
0x6c: {  	_ =	shalt  }
0x6d: {  	_ =	shalt  }
0x6e: {  	_ =	shalt  }
0x6f: {  	_ =	shalt  }
0x70: {  	_ =	shalt  }
0x71: {  	_ =	shalt  }
0x72: {  	_ =	shalt  }
0x73: {  	_ =	shalt  }
0x74: {  	_ =	shalt  }
0x75: {  	_ =	shalt  }
0x76: {  	_ =	shalt  }
0x77: {  	_ =	shalt  }
0x78: {  	_ =	shalt  }
0x79: {  	_ =	shalt  }
0x7a: {  	_ =	shalt  }
0x7b: {  	_ =	shalt  }
0x7c: {  	_ =	shalt  }
0x7d: {  	_ =	shalt  }
0x7e: {  	_ =	shalt  }
0x7f: {  	_ =	shalt  }
0x80: {  	_ =	shalt  }
0x81: {  	_ =	shalt  }
0x82: {  	_ =	shalt  }
0x83: {  	_ =	shalt  }
0x84: {  	_ =	shalt  }
0x85: {  	_ =	shalt  }
0x86: {  	_ =	shalt  }
0x87: {  	_ =	shalt  }
.Lfunc_end0:
.L_simem_size_0:
called_computation_lowered:
.L_overlay_start_0:
0x88: {  	s2 =	sld [smem:$0x3FD9]  }
0x89: {  	s3 =	sld [smem:$0x3FFE];
	_ =	sdelay $0x1  }
0x8a: {  	s1 =	srdreg.scid  }
0x8b: {  	s0 =	sand.u32 $0x1, s1  }
0x8c: {  	s17 =	sshll.u32 s0, $0xA;
	s2 =	sadd.s32 s3, s2  }
0x8d: {  	s2 =	sadd.s32 s2, s17  }
0x8e: {  	[smem:$0x3FB6] =	sst s2  }
0x8f: {  	_ = 	snop  }
0x90: {  	s2 =	sld [smem:$0x3FC9]  }
0x91: {  	s18 =	sld [smem:$0x3FD0];
	(tm) =	ssettm $0x1  }
0x92: {  	s4 =	sld [smem:$0x3FFB];
	_ =	sdelay $0x3  }
0x93: {  	_ =	strace s4  }
0x94: {  	s4 =	sld [smem:$0x3FFC];
	_ =	sdelay $0x3  }
0x95: {  	_ =	strace s4  }
0x96: {  	s4 =	sld [smem:$0x3FFD];
	_ =	sdelay $0x3  }
0x97: {  	_ =	strace s4  }
0x98: {  	_ =	strace $0x8FFFFFFF  }
0x99: {  	s19 =	sld [smem:$0x3FDB];
	_ =	sdelay $0x1  }
0x9a: {  	s5 =	simm.s32 $_scs_section_size  }
0x9b: {  	s6 =	simm.s32 $_size__tile_overlayer_lowered;
	s7 =	simm.s32 $_tile_overlayer_lowered  }
0x9c: {  	s22 =	simm.s32 $0x1BFF;
	s21 =	sshll.u32 s7, $0x1;
	s4 =	sadd.s32 s5, s19  }
0x9d: {  	s8 =	simm.s32 $0x0;
	s20 =	sshll.u32 s6, $0x1;
	s6 =	sadd.s32 s21, s4  }
0x9e: {  	[timem:s8], [sflag:s22] =	dma.local [hbm:s6], s20  }
0x9f: {  	_ =	swait.ge [sflag:s22], s20  }
0xa0: {  	s5 =	ssub.s32 $0x0, s20;
	[sflag:s22] =	ssyncset.done $0x0  }
0xa1: {  	[sflag:s22] =	ssyncadd.s32 s5;
	_ =	sdelay $0x1  }
0xa2: {  	s23 =	simm.s32 $0x1B8B  }
0xa3: {  	_ =	swait.ge [sflag:s23], $0x1  }
0xa4: {  	[sflag:s23] =	ssyncset.done $0x0  }
0xa5: {  	s25 =	simm.s32 $0x1B8E;
	s24 =	sld [smem:$0x3FFE];
	[sflag:s23] =	ssyncadd.s32 $0xFFFFFFFF  }
0xa6: {  	s26 =	simm.s32 $execute0_lowered;
	[smem:$0x3FD2] =	sst s25  }
0xa7: {  	s6 =	sshll.u32 s26, $0x1;
	_ =	strace $0x80000046;
	[dreg:$0x1] =	wrdreg $0xFFFFFFFF  }
0xa8: {  	s28 =	simm.s32 $_size_execute0_lowered;
	s4 =	sadd.s32 s4, s6;
	[dreg:$0x0] =	wrdreg $0x0  }
0xa9: {  	s6 =	sshll.u32 s28, $0x1;
	[dreg:$0x2] =	wrdreg s4  }
0xaa: {  	[dreg:$0x3] =	wrdreg s6  }
0xab: {  	[dreg:$0x4] =	wrdreg $0xC0  }
0xac: {  	_ =	task [dreg:s8], $0x5FFFF  }
0xad: {  	[dreg:$0x1] =	wrdreg $0xFFFFFFFF  }
0xae: {  	[dreg:$0x0] =	wrdreg $0x60  }
0xaf: {  	[dreg:$0x2] =	wrdreg s2  }
0xb0: {  	[dreg:$0x3] =	wrdreg s24  }
0xb1: {  	[dreg:$0x4] =	wrdreg s18  }
0xb2: {  	[dreg:$0x5] =	wrdreg $0x7A000  }
0xb3: {  	[dreg:$0x6] =	wrdreg $0x9  }
0xb4: {  	_ =	task.clear_ibuf [dreg:s8], $0x7FFFF;
	_ =	strace $0x90000046  }
0xb5: {  	s29 =	simm.s32 $0x9;
	_ =	strace $0x80000048  }
0xb6: {  	_ =	swait.ge [sflag:s29], $0x1  }
0xb7: {  	[sflag:s29] =	ssyncadd.s32 $0xFFFFFFFF  }
0xb8: {  	_ =	strace $0x90000048  }
0xb9: {  	_ =	sfence  }
0xba: {  	s30 =	sld [smem:$0x0];
	_ =	sdelay $0x2  }
0xbb: {  	s31 =	sshll.u32 s1, $0xD;
	s1 =	sshrl.u32 s1, $0x2  }
0xbc: {  	s3 =	sand.u32 $0x4000, s31;
	s1 =	sadd.s32 s1, s30  }
0xbd: {  	s0 =	sor.u32 s3, s0;
	s1 =	sshll.u32 s1, $0x11  }
0xbe: {  	s0 =	sor.u32 s1, s0  }
0xbf: {  	s0 =	sadd.s32 $0x8F2B, s0  }
0xc0: {  	[sflag:s0] =	ssyncadd.remote.s32 $0x1  }
0xc1: {  	_ =	sfence.sel $0xFFFF  }
0xc2: {  	[dreg:$0x0] =	wrdreg $0xFFFFFFFF;
	(pc) =	sbr.abs _section_cstart, $3  }
0xc3: {  	[dreg:$0x1] =	wrdreg $0xFFFFFFFF  }
0xc4: {  	_ =	task.clear_ibuf [dreg:s8], $0x2FFFF;
	_ =	strace $0x9FFFFFFF  }
0xc5: {  	(tm) =	ssettm $0x7FFFFFFF  }
tec
execute0_lowered:
.L_overlay_start_1:
0x0: {  	(tag) =	ssettag $0x1  }
0x1: {  	s1 =	rddreg [dreg:$0x0]  }
0x2: {  	s0 =	rddreg [dreg:$0x1]  }
0x3: {  	s2 =	rddreg [dreg:$0x2]  }
0x4: {  	s3 =	rddreg [dreg:$0x3];
	s4 =	srdreg.scid;
	s5 =	simm.s32 $0x0  }
0x5: {  	s7 =	stileid.u32;
	s30 =	simm.s32 $0x200;
	s4 =	sand.u32 $0x1, s4  }
0x6: {  	s31 =	simm.s32 $0x5;
	[smem:$0x7FF] =	sst s5;
	s6 =	sshll.u32 s4, $0x4  }
0x7: {  	s8 =	smul.u32 $0x50000, s7;
	_ =	strace $0x80000047;
	s9 =	sor.u32 s7, s6  }
0x8: {  	s4 =	ssub.s32 $0x2, s4;
	s6 =	sadd.s32 $0x2400, s0;
	s10 =	smul.u32 $0x2800, s9  }
0x9: {  	s7 =	sadd.s32 $0x4EE200, s0;
	s8 =	sshrl.u32 s8, $0x2;
	s26 =	smul.u32 $0x13880, s9  }
0xa: {  	s23 =	sshrl.u32 s4, $0x1;
	s8 =	sadd.s32 s8, s3;
	s13 =	smul.u32 $0x9C400, s9  }
0xb: {  	s4 =	ssub.s32 s4, s23;
	s14 =	smul.u32 $0x1388, s9;
	s24 =	sadd.s32 $0x2800, s8  }
0xc: {  	s11 =	sadd.s32 $0x5000, s8;
	s25 =	sadd.s32 $0x7800, s8;
	[dreg:$0x5] =	wrdreg s24  }
0xd: {  	s12 =	sadd.s32 $0xA000, s8;
	s28 =	sadd.s32 $0xF000, s8;
	[dreg:$0x6] =	wrdreg s11  }
0xe: {  	s29 =	sadd.s32 $0x11800, s8;
	s0 =	sadd.s32 s10, s0;
	[dreg:$0x7] =	wrdreg s25  }
0xf: {  	s10 =	smul.u32 $0x2710, s9;
	[dreg:$0x8] =	wrdreg s12;
	s18 =	sadd.s32 s7, s26  }
0x10: {  	s20 =	sshrl.u32 s13, $0x3;
	s26 =	smax.u32 s4, $0x1;
	s4 =	simm.s32 $0x5200  }
0x11: {  	s13 =	simm.s32 $0x6600;
	[dreg:$0xb] =	wrdreg s18;
	s11 =	sadd.s32 s7, s20  }
0x12: {  	s0 =	sadd.s32 $0xC200, s0;
	[dreg:$0x13] =	wrdreg s26;
	s26 =	sadd.s32 $0xC800, s8  }
0x13: {  	s18 =	simm.s32 $0x3;
	s20 =	simm.s32 $0x0;
	s15 =	sshrl.u32 s10, $0x3  }
0x14: {  	s22 =	sadd.s32 $0x280, s11;
	s25 =	sadd.s32 $0x13600, s11;
	[dreg:$0x12] =	wrdreg s0  }
0x15: {  	s0 =	simm.s32 $0x100;
	s11 =	simm.s32 $0x80;
	[dreg:$0xe] =	wrdreg s22  }
0x16: {  	s16 =	sadd.s32 s6, s15;
	s17 =	sadd.s32 s2, s15;
	[dreg:$0x11] =	wrdreg s25  }
0x17: {  	s19 =	sadd.s32 $0xA, s15;
	s12 =	sadd.s32 $0x4D8, s15;
	[dreg:$0x9] =	wrdreg s16  }
0x18: {  	s15 =	simm.s32 $0x2A00;
	[dreg:$0xa] =	wrdreg s17;
	s21 =	sadd.s32 s6, s19  }
0x19: {  	s9 =	sadd.s32 s2, s19;
	s23 =	sadd.s32 s6, s12;
	[dreg:$0xc] =	wrdreg s21  }
0x1a: {  	s24 =	sadd.s32 s2, s12;
	s12 =	simm.s32 $0x180;
	[dreg:$0xd] =	wrdreg s9  }
0x1b: {  	s16 =	simm.s32 $0x1;
	s17 =	simm.s32 $0x2;
	[dreg:$0xf] =	wrdreg s23  }
0x1c: {  	v0 =	vimm.f32 $0.0e+00;
	s19 =	simm.s32 $0x4;
	[dreg:$0x10] =	wrdreg s24;
	s9 =	simm.s32 $0x50  }
.LBB2_1:
0x1d: {  	s21 =	simm.s32 $0x0;
	s22 =	simm.s32 $0x200  }
.LBB2_2:
0x1e: {  	p0 =	sne.s32 s22, $0x9E00;
	[tilespmem:s21+$0x270] =	vst v0  }
0x1f: {  	[tilespmem:s21+$0x200] =	vst v0  }
0x20: {  	[tilespmem:s21+$0x210] =	vst v0  }
.Ltmp0:
0x21: {  	[tilespmem:s21+$0x220] =	vst v0;
	(pc) =	sbr.rel @p0 .LBB2_2-.Ltmp0, $4  }
0x22: {  	[tilespmem:s21+$0x230] =	vst v0  }
0x23: {  	[tilespmem:s21+$0x240] =	vst v0  }
0x24: {  	[tilespmem:s21+$0x250] =	vst v0  }
0x25: {  	[tilespmem:s21+$0x260] =	vst v0;
	s21 =	sshra.s32 s22, $0x2;
	s22 =	sadd.s32 $0x200, s22  }
0x26: {  	[tilespmem:s21+$0x270] =	vst v0  }
0x27: {  	[tilespmem:s21+$0x200] =	vst v0  }
0x28: {  	[tilespmem:s21+$0x210] =	vst v0  }
0x29: {  	[tilespmem:s21+$0x220] =	vst v0  }
0x2a: {  	[tilespmem:s21+$0x230] =	vst v0  }
0x2b: {  	[tilespmem:s21+$0x240] =	vst v0  }
0x2c: {  	[tilespmem:s21+$0x250] =	vst v0  }
0x2d: {  	[tilespmem:s21+$0x260] =	vst v0  }
0x2e: {  	[spmem:s8] =	stream.linear.scatter [tilespmem:s30], [sflag:$0x5], $0x2800, $0x38;
	[tilespmem:$0x1BA00] =	vst v63  }
0x2f: {  	_ =	swait.ge [sflag:s31], $0x2800  }
0x30: {  	[sflag:s31] =	ssyncset.done $0x0  }
0x31: {  	s24 =	rddreg [dreg:$0x5];
	[sflag:s31] =	ssyncadd.s32 $0xFFFFD800  }
0x32: {  	[spmem:s24] =	stream.linear.scatter [tilespmem:s30], [sflag:$0x5], $0x2800, $0x38;
	[tilespmem:$0x1BA00] =	vst v63  }
0x33: {  	_ =	swait.ge [sflag:s31], $0x2800  }
0x34: {  	[sflag:s31] =	ssyncset.done $0x0  }
0x35: {  	s25 =	rddreg [dreg:$0x6];
	[sflag:s31] =	ssyncadd.s32 $0xFFFFD800  }
0x36: {  	[spmem:s25] =	stream.linear.scatter [tilespmem:s30], [sflag:$0x5], $0x2800, $0x38;
	[tilespmem:$0x1BA00] =	vst v63  }
0x37: {  	_ =	swait.ge [sflag:s31], $0x2800  }
0x38: {  	[sflag:s31] =	ssyncset.done $0x0  }
0x39: {  	s22 =	rddreg [dreg:$0x7];
	[sflag:s31] =	ssyncadd.s32 $0xFFFFD800  }
0x3a: {  	[spmem:s22] =	stream.linear.scatter [tilespmem:s30], [sflag:$0x5], $0x2800, $0x38;
	[tilespmem:$0x1BA00] =	vst v63  }
0x3b: {  	_ =	swait.ge [sflag:s31], $0x2800  }
0x3c: {  	[sflag:s31] =	ssyncset.done $0x0  }
0x3d: {  	s23 =	rddreg [dreg:$0x8];
	[sflag:s31] =	ssyncadd.s32 $0xFFFFD800  }
0x3e: {  	[spmem:s23] =	stream.linear.scatter [tilespmem:s30], [sflag:$0x5], $0x2800, $0x38;
	[tilespmem:$0x1BA00] =	vst v63  }
0x3f: {  	_ =	swait.ge [sflag:s31], $0x2800  }
0x40: {  	[sflag:s31] =	ssyncset.done $0x0  }
0x41: {  	[sflag:s31] =	ssyncadd.s32 $0xFFFFD800  }
0x42: {  	[spmem:s26] =	stream.linear.scatter [tilespmem:s30], [sflag:$0x5], $0x2800, $0x38;
	[tilespmem:$0x1BA00] =	vst v63  }
0x43: {  	_ =	swait.ge [sflag:s31], $0x2800  }
0x44: {  	[sflag:s31] =	ssyncset.done $0x0  }
0x45: {  	[sflag:s31] =	ssyncadd.s32 $0xFFFFD800  }
0x46: {  	[spmem:s28] =	stream.linear.scatter [tilespmem:s30], [sflag:$0x5], $0x2800, $0x38;
	[tilespmem:$0x1BA00] =	vst v63  }
0x47: {  	_ =	swait.ge [sflag:s31], $0x2800  }
0x48: {  	[sflag:s31] =	ssyncset.done $0x0  }
0x49: {  	[sflag:s31] =	ssyncadd.s32 $0xFFFFD800  }
0x4a: {  	[spmem:s29] =	stream.linear.scatter [tilespmem:s30], [sflag:$0x5], $0x2800, $0x38;
	[tilespmem:$0x1BA00] =	vst v63  }
0x4b: {  	_ =	swait.ge [sflag:s31], $0x2800  }
0x4c: {  	[sflag:s31] =	ssyncset.done $0x0  }
0x4d: {  	[sflag:s31] =	ssyncadd.s32 $0xFFFFD800  }
0x4e: {  	[bflag:$0x0] =	sbarrier.arrive $0xFFFF  }
0x4f: {  	s21 =	simm.s32 $0x0;
	s22 =	rddreg [dreg:$0x9]  }
0x50: {  	[tilespmem:s21], [sflag:$0x5] =	stream.linear.gather [hbm4b:s22+s21], $0x50, $0x38;
	[tilespmem:$0x1BA00] =	vst v63  }
0x51: {  	_ =	swait.ge [sflag:s31], $0x50  }
0x52: {  	[sflag:s31] =	ssyncset.done $0x0  }
0x53: {  	s24 =	rddreg [dreg:$0xa];
	[sflag:s31] =	ssyncadd.s32 $0xFFFFFFB0  }
0x54: {  	[tilespmem:s0], [sflag:$0x5] =	stream.linear.gather [hbm4b:s24+s21], $0x50, $0x38;
	[tilespmem:$0x1BA00] =	vst v63  }
0x55: {  	_ =	swait.ge [sflag:s31], $0x50  }
0x56: {  	[sflag:s31] =	ssyncset.done $0x0  }
0x57: {  	s25 =	rddreg [dreg:$0xb];
	[sflag:s31] =	ssyncadd.s32 $0xFFFFFFB0  }
0x58: {  	[tilespmem:s4], [sflag:$0x1] =	stream.linear.gather [hbm4b:s25+s21], $0x1400, $0x38;
	[tilespmem:$0x1BA00] =	vst v63  }
0x59: {  	_ = 	snop  }
0x5a: {  	[tilespmem:s30], [sflag:$0x1] =	stream.indirect.gather [hbm4b:s1+s9], $0x80, s21, s9, $0xb8;
	[tilespmem:$0x1BA00] =	vst v63  }
0x5b: {  	s23 =	rddreg [dreg:$0xc]  }
0x5c: {  	[tilespmem:s11], [sflag:$0x5] =	stream.linear.gather [hbm4b:s23+s21], $0x50, $0x38;
	[tilespmem:$0x1BA00] =	vst v63  }
0x5d: {  	_ =	swait.ge [sflag:s31], $0x50  }
0x5e: {  	[sflag:s31] =	ssyncset.done $0x0  }
0x5f: {  	s24 =	rddreg [dreg:$0xd];
	[sflag:s31] =	ssyncadd.s32 $0xFFFFFFB0  }
0x60: {  	[tilespmem:s12], [sflag:$0x5] =	stream.linear.gather [hbm4b:s24+s21], $0x50, $0x38;
	[tilespmem:$0x1BA00] =	vst v63  }
0x61: {  	_ =	swait.ge [sflag:s31], $0x50  }
0x62: {  	[sflag:s31] =	ssyncset.done $0x0  }
0x63: {  	s25 =	rddreg [dreg:$0xe];
	[sflag:s31] =	ssyncadd.s32 $0xFFFFFFB0  }
0x64: {  	[tilespmem:s13], [sflag:$0x2] =	stream.linear.gather [hbm4b:s25+s21], $0x1400, $0x38;
	[tilespmem:$0x1BA00] =	vst v63  }
0x65: {  	_ = 	snop  }
0x66: {  	[tilespmem:s15], [sflag:$0x2] =	stream.indirect.gather [hbm4b:s1+s9], $0x80, s11, s9, $0xb8;
	[tilespmem:$0x1BA00] =	vst v63  }
.LBB2_4:
0x67: {  	_ =	swait.ge [sflag:s16], $0x1400  }
0x68: {  	[sflag:s16] =	ssyncset.done $0x0  }
0x69: {  	[sflag:s16] =	ssyncadd.s32 $0xFFFFEC00  }
0x6a: {  	_ =	swait.ge [sflag:s16], $0x2800  }
0x6b: {  	[sflag:s16] =	ssyncset.done $0x0  }
0x6c: {  	s23 =	simm.s32 $0x5300;
	[sflag:s16] =	ssyncadd.s32 $0xFFFFD800  }
0x6d: {  	s22 =	simm.s32 $0x400;
	v1 =	vld [tilespmem:s23+$0x80]  }
0x6e: {  	v2 =	vld [tilespmem:s22+$0x100]  }
0x6f: {  	v3 =	vld [tilespmem:s22+$0x180]  }
0x70: {  	v4 =	vld [tilespmem:s23+$0xFFFFFF80]  }
0x71: {  	v5 =	vld [tilespmem:s23+$0xFFFFFF00]  }
0x72: {  	v7 =	vld [tilespmem:s22+$0xFFFFFE00];
	v6 =	vshll.u32 v1, $0x10  }
0x73: {  	v8 =	vld [tilespmem:s23+$0x0];
	v1 =	vand.u32 $0xFFFF0000, v1;
	v2 =	vadd.f32 v6, v2  }
0x74: {  	v6 =	vld [tilespmem:s22+$0xFFFFFE80];
	v1 =	vadd.f32 v1, v3  }
0x75: {  	v3 =	vld [tilespmem:s22+$0xFFFFFF00];
	v2 =	vmax.f32 v2, $0.0e+00  }
0x76: {  	v9 =	vld [tilespmem:s22+$0xFFFFFF80];
	v1 =	vmax.f32 v1, $0.0e+00;
	[tilespmem:s22+$0x100] =	vst v2  }
0x77: {  	v10 =	vld [tilespmem:s22+$0x0];
	v2 =	vshll.u32 v5, $0x10;
	[tilespmem:s22+$0x180] =	vst v1  }
0x78: {  	v5 =	vand.u32 $0xFFFF0000, v5;
	v1 =	vadd.f32 v2, v7;
	v2 =	vld [tilespmem:s23+$0x90]  }
0x79: {  	v7 =	vld [tilespmem:s22+$0x110];
	v5 =	vadd.f32 v5, v6;
	v6 =	vshll.u32 v4, $0x10  }
0x7a: {  	v4 =	vand.u32 $0xFFFF0000, v4;
	v1 =	vmax.f32 v1, $0.0e+00;
	v3 =	vadd.f32 v6, v3;
	v6 =	vld [tilespmem:s22+$0x190]  }
0x7b: {  	v11 =	vld [tilespmem:s22+$0xFFFFFE90];
	v4 =	vadd.f32 v4, v9;
	[tilespmem:s22+$0xFFFFFE00] =	vst v1;
	v1 =	vmax.f32 v5, $0.0e+00  }
0x7c: {  	v5 =	vld [tilespmem:s22+$0x80];
	[tilespmem:s22+$0xFFFFFE80] =	vst v1;
	v1 =	vshll.u32 v8, $0x10;
	v3 =	vmax.f32 v3, $0.0e+00  }
0x7d: {  	v1 =	vadd.f32 v1, v10;
	v10 =	vld [tilespmem:s23+$0xFFFFFF10];
	[tilespmem:s22+$0xFFFFFF00] =	vst v3;
	v3 =	vmax.f32 v4, $0.0e+00;
	v4 =	vshll.u32 v2, $0x10  }
0x7e: {  	v9 =	vld [tilespmem:s22+$0xFFFFFE10];
	v2 =	vand.u32 $0xFFFF0000, v2;
	[tilespmem:s22+$0xFFFFFF80] =	vst v3;
	v3 =	vadd.f32 v4, v7  }
0x7f: {  	v1 =	vmax.f32 v1, $0.0e+00;
	v4 =	vld [tilespmem:s23+$0xFFFFFF90];
	v2 =	vadd.f32 v2, v6  }
0x80: {  	[tilespmem:s22+$0x0] =	vst v1;
	v1 =	vld [tilespmem:s22+$0xFFFFFF10];
	v3 =	vmax.f32 v3, $0.0e+00  }
0x81: {  	v7 =	vld [tilespmem:s22+$0xFFFFFF90];
	v6 =	vand.u32 $0xFFFF0000, v8;
	[tilespmem:s22+$0x110] =	vst v3;
	v2 =	vmax.f32 v2, $0.0e+00  }
0x82: {  	v3 =	vadd.f32 v6, v5;
	v6 =	vld [tilespmem:s22+$0x10];
	v5 =	vshll.u32 v10, $0x10;
	[tilespmem:s22+$0x190] =	vst v2  }
0x83: {  	v2 =	vand.u32 $0xFFFF0000, v10;
	v5 =	vadd.f32 v5, v9;
	v8 =	vld [tilespmem:s23+$0xA0]  }
0x84: {  	v10 =	vld [tilespmem:s22+$0x120];
	v3 =	vmax.f32 v3, $0.0e+00;
	v2 =	vadd.f32 v2, v11;
	v9 =	vshll.u32 v4, $0x10  }
0x85: {  	[tilespmem:s22+$0x80] =	vst v3;
	v3 =	vand.u32 $0xFFFF0000, v4;
	v4 =	vmax.f32 v5, $0.0e+00;
	v1 =	vadd.f32 v9, v1;
	v5 =	vld [tilespmem:s22+$0x1A0]  }
0x86: {  	v2 =	vmax.f32 v2, $0.0e+00;
	v3 =	vadd.f32 v3, v7;
	[tilespmem:s22+$0xFFFFFE10] =	vst v4;
	v4 =	vld [tilespmem:s23+$0x10]  }
0x87: {  	v9 =	vld [tilespmem:s22+$0xFFFFFE20];
	[tilespmem:s22+$0xFFFFFE90] =	vst v2;
	v1 =	vmax.f32 v1, $0.0e+00  }
0x88: {  	v2 =	vld [tilespmem:s22+$0x90];
	[tilespmem:s22+$0xFFFFFF10] =	vst v1;
	v1 =	vmax.f32 v3, $0.0e+00;
	v3 =	vshll.u32 v8, $0x10  }
0x89: {  	v7 =	vld [tilespmem:s23+$0xFFFFFF20];
	[tilespmem:s22+$0xFFFFFF90] =	vst v1;
	v1 =	vand.u32 $0xFFFF0000, v8;
	v3 =	vadd.f32 v3, v10  }
0x8a: {  	v8 =	vld [tilespmem:s23+$0xFFFFFFA0];
	v1 =	vadd.f32 v1, v5  }
0x8b: {  	v5 =	vld [tilespmem:s22+$0xFFFFFEA0];
	v10 =	vshll.u32 v4, $0x10;
	v3 =	vmax.f32 v3, $0.0e+00  }
0x8c: {  	v11 =	vld [tilespmem:s22+$0xFFFFFF20];
	v4 =	vand.u32 $0xFFFF0000, v4;
	v6 =	vadd.f32 v10, v6;
	[tilespmem:s22+$0x120] =	vst v3;
	v1 =	vmax.f32 v1, $0.0e+00  }
0x8d: {  	v2 =	vadd.f32 v4, v2;
	v3 =	vld [tilespmem:s22+$0xFFFFFFA0];
	[tilespmem:s22+$0x1A0] =	vst v1  }
0x8e: {  	v1 =	vshll.u32 v7, $0x10;
	v4 =	vmax.f32 v6, $0.0e+00;
	v6 =	vld [tilespmem:s23+$0xB0]  }
0x8f: {  	v7 =	vand.u32 $0xFFFF0000, v7;
	v1 =	vadd.f32 v1, v9;
	v2 =	vmax.f32 v2, $0.0e+00;
	[tilespmem:s22+$0x10] =	vst v4;
	v4 =	vld [tilespmem:s22+$0x130]  }
0x90: {  	v9 =	vshll.u32 v8, $0x10;
	v5 =	vadd.f32 v7, v5;
	[tilespmem:s22+$0x90] =	vst v2;
	v2 =	vld [tilespmem:s22+$0x1B0]  }
0x91: {  	v7 =	vand.u32 $0xFFFF0000, v8;
	v1 =	vmax.f32 v1, $0.0e+00;
	v8 =	vadd.f32 v9, v11;
	v9 =	vld [tilespmem:s23+$0x20]  }
0x92: {  	[tilespmem:s22+$0xFFFFFE20] =	vst v1;
	v1 =	vmax.f32 v5, $0.0e+00;
	v3 =	vadd.f32 v7, v3;
	v5 =	vld [tilespmem:s22+$0x20]  }
0x93: {  	v7 =	vld [tilespmem:s22+$0xA0];
	[tilespmem:s22+$0xFFFFFEA0] =	vst v1;
	v1 =	vmax.f32 v8, $0.0e+00;
	v8 =	vshll.u32 v6, $0x10  }
0x94: {  	v10 =	vld [tilespmem:s23+$0xFFFFFF30];
	[tilespmem:s22+$0xFFFFFF20] =	vst v1;
	v1 =	vmax.f32 v3, $0.0e+00;
	v3 =	vand.u32 $0xFFFF0000, v6;
	v4 =	vadd.f32 v8, v4  }
0x95: {  	v6 =	vld [tilespmem:s22+$0xFFFFFE30];
	[tilespmem:s22+$0xFFFFFFA0] =	vst v1;
	v1 =	vadd.f32 v3, v2  }
0x96: {  	v2 =	vld [tilespmem:s23+$0xFFFFFFB0];
	v3 =	vshll.u32 v9, $0x10;
	v4 =	vmax.f32 v4, $0.0e+00  }
0x97: {  	v8 =	vand.u32 $0xFFFF0000, v9;
	v9 =	vld [tilespmem:s22+$0xFFFFFEB0];
	v3 =	vadd.f32 v3, v5;
	v1 =	vmax.f32 v1, $0.0e+00;
	[tilespmem:s22+$0x130] =	vst v4  }
0x98: {  	v5 =	vadd.f32 v8, v7;
	v4 =	vld [tilespmem:s22+$0xFFFFFF30];
	[tilespmem:s22+$0x1B0] =	vst v1  }
0x99: {  	v1 =	vmax.f32 v3, $0.0e+00;
	v3 =	vld [tilespmem:s23+$0xC0]  }
0x9a: {  	v7 =	vshll.u32 v10, $0x10;
	[tilespmem:s22+$0x20] =	vst v1;
	v1 =	vmax.f32 v5, $0.0e+00;
	v5 =	vld [tilespmem:s22+$0x140]  }
0x9b: {  	v8 =	vand.u32 $0xFFFF0000, v10;
	v6 =	vadd.f32 v7, v6;
	[tilespmem:s22+$0xA0] =	vst v1;
	v1 =	vld [tilespmem:s22+$0x1C0]  }
0x9c: {  	v10 =	vld [tilespmem:s22+$0xFFFFFFB0];
	v7 =	vadd.f32 v8, v9  }
0x9d: {  	v9 =	vshll.u32 v2, $0x10;
	v8 =	vld [tilespmem:s23+$0x30];
	v6 =	vmax.f32 v6, $0.0e+00  }
0x9e: {  	[tilespmem:s22+$0xFFFFFE30] =	vst v6;
	v4 =	vadd.f32 v9, v4;
	v6 =	vmax.f32 v7, $0.0e+00;
	v7 =	vld [tilespmem:s22+$0x30];
	v9 =	vshll.u32 v3, $0x10  }
0x9f: {  	[tilespmem:s22+$0xFFFFFEB0] =	vst v6;
	v6 =	vld [tilespmem:s22+$0xB0];
	v3 =	vand.u32 $0xFFFF0000, v3;
	v5 =	vadd.f32 v9, v5  }
0xa0: {  	v11 =	vld [tilespmem:s22+$0xFFFFFEC0];
	v4 =	vmax.f32 v4, $0.0e+00;
	v1 =	vadd.f32 v3, v1  }
0xa1: {  	v2 =	vand.u32 $0xFFFF0000, v2;
	v9 =	vld [tilespmem:s23+$0xFFFFFF40];
	[tilespmem:s22+$0xFFFFFF30] =	vst v4;
	v4 =	vmax.f32 v5, $0.0e+00  }
0xa2: {  	v2 =	vadd.f32 v2, v10;
	v3 =	vld [tilespmem:s22+$0xFFFFFE40];
	v5 =	vshll.u32 v8, $0x10;
	[tilespmem:s22+$0x140] =	vst v4;
	v1 =	vmax.f32 v1, $0.0e+00  }
0xa3: {  	v4 =	vand.u32 $0xFFFF0000, v8;
	v8 =	vld [tilespmem:s22+$0xFFFFFF40];
	v5 =	vadd.f32 v5, v7;
	[tilespmem:s22+$0x1C0] =	vst v1  }
0xa4: {  	v1 =	vmax.f32 v2, $0.0e+00;
	v2 =	vadd.f32 v4, v6;
	v4 =	vld [tilespmem:s23+$0xD0]  }
0xa5: {  	[tilespmem:s22+$0xFFFFFFB0] =	vst v1;
	v1 =	vmax.f32 v5, $0.0e+00;
	v5 =	vld [tilespmem:s22+$0x150]  }
0xa6: {  	v6 =	vshll.u32 v9, $0x10;
	v7 =	vand.u32 $0xFFFF0000, v9;
	v9 =	vld [tilespmem:s22+$0xFFFFFFC0]  }
0xa7: {  	[tilespmem:s22+$0x30] =	vst v1;
	v1 =	vmax.f32 v2, $0.0e+00;
	v2 =	vld [tilespmem:s22+$0x1D0]  }
0xa8: {  	v3 =	vadd.f32 v6, v3;
	v6 =	vld [tilespmem:s23+$0xFFFFFFC0]  }
0xa9: {  	[tilespmem:s22+$0xB0] =	vst v1;
	v1 =	vadd.f32 v7, v11;
	v11 =	vld [tilespmem:s22+$0xFFFFFE50]  }
0xaa: {  	v7 =	vld [tilespmem:s23+$0x40];
	v3 =	vmax.f32 v3, $0.0e+00;
	v10 =	vshll.u32 v4, $0x10  }
0xab: {  	[tilespmem:s22+$0xFFFFFE40] =	vst v3;
	v1 =	vmax.f32 v1, $0.0e+00;
	v3 =	vld [tilespmem:s22+$0x40];
	v4 =	vand.u32 $0xFFFF0000, v4;
	v5 =	vadd.f32 v10, v5  }
0xac: {  	[tilespmem:s22+$0xFFFFFEC0] =	vst v1;
	v1 =	vld [tilespmem:s22+$0xC0];
	v2 =	vadd.f32 v4, v2  }
0xad: {  	v4 =	vld [tilespmem:s23+$0xFFFFFF50];
	v10 =	vshll.u32 v6, $0x10;
	v6 =	vand.u32 $0xFFFF0000, v6;
	v5 =	vmax.f32 v5, $0.0e+00  }
0xae: {  	v6 =	vadd.f32 v6, v9;
	v2 =	vmax.f32 v2, $0.0e+00;
	[tilespmem:s22+$0x150] =	vst v5;
	v5 =	vadd.f32 v10, v8;
	v8 =	vld [tilespmem:s22+$0xFFFFFED0]  }
0xaf: {  	[tilespmem:s22+$0x1D0] =	vst v2;
	v2 =	vshll.u32 v7, $0x10;
	v10 =	vld [tilespmem:s22+$0xFFFFFF50]  }
0xb0: {  	v7 =	vand.u32 $0xFFFF0000, v7;
	v9 =	vld [tilespmem:s23+$0xE0];
	v2 =	vadd.f32 v2, v3;
	v3 =	vmax.f32 v6, $0.0e+00  }
0xb1: {  	v6 =	vld [tilespmem:s22+$0x160];
	v1 =	vadd.f32 v7, v1;
	v5 =	vmax.f32 v5, $0.0e+00;
	[tilespmem:s22+$0xFFFFFFC0] =	vst v3  }
0xb2: {  	[tilespmem:s22+$0xFFFFFF40] =	vst v5;
	v5 =	vld [tilespmem:s22+$0x1E0];
	v2 =	vmax.f32 v2, $0.0e+00  }
0xb3: {  	v7 =	vshll.u32 v4, $0x10;
	v1 =	vmax.f32 v1, $0.0e+00;
	v3 =	vld [tilespmem:s23+$0xFFFFFFD0];
	[tilespmem:s22+$0x40] =	vst v2  }
0xb4: {  	v2 =	vand.u32 $0xFFFF0000, v4;
	v4 =	vadd.f32 v7, v11;
	v7 =	vld [tilespmem:s22+$0xFFFFFFD0];
	[tilespmem:s22+$0xC0] =	vst v1  }
0xb5: {  	v1 =	vadd.f32 v2, v8;
	v8 =	vld [tilespmem:s23+$0x50];
	v2 =	vshll.u32 v9, $0x10  }
0xb6: {  	v4 =	vmax.f32 v4, $0.0e+00;
	v9 =	vand.u32 $0xFFFF0000, v9;
	v2 =	vadd.f32 v2, v6;
	v6 =	vld [tilespmem:s22+$0x50]  }
0xb7: {  	[tilespmem:s22+$0xFFFFFE50] =	vst v4;
	v1 =	vmax.f32 v1, $0.0e+00;
	v4 =	vadd.f32 v9, v5;
	v5 =	vld [tilespmem:s22+$0xD0]  }
0xb8: {  	v12 =	vld [tilespmem:s22+$0xFFFFFEF0];
	[tilespmem:s22+$0xFFFFFED0] =	vst v1;
	v9 =	vshll.u32 v3, $0x10;
	v1 =	vmax.f32 v2, $0.0e+00  }
0xb9: {  	v2 =	vand.u32 $0xFFFF0000, v3;
	v3 =	vadd.f32 v9, v10;
	v9 =	vld [tilespmem:s23+$0xFFFFFF60];
	[tilespmem:s22+$0x160] =	vst v1;
	v1 =	vmax.f32 v4, $0.0e+00  }
0xba: {  	v2 =	vadd.f32 v2, v7;
	v4 =	vld [tilespmem:s22+$0xFFFFFE60];
	[tilespmem:s22+$0x1E0] =	vst v1;
	v1 =	vshll.u32 v8, $0x10  }
0xbb: {  	v7 =	vand.u32 $0xFFFF0000, v8;
	v8 =	vld [tilespmem:s22+$0xE0];
	v3 =	vmax.f32 v3, $0.0e+00;
	v1 =	vadd.f32 v1, v6  }
0xbc: {  	v2 =	vmax.f32 v2, $0.0e+00;
	[tilespmem:s22+$0xFFFFFF50] =	vst v3;
	v3 =	vld [tilespmem:s22+$0xFFFFFEE0];
	v5 =	vadd.f32 v7, v5  }
0xbd: {  	[tilespmem:s22+$0xFFFFFFD0] =	vst v2;
	v2 =	vld [tilespmem:s22+$0xFFFFFF60];
	v1 =	vmax.f32 v1, $0.0e+00  }
0xbe: {  	v7 =	vld [tilespmem:s23+$0xFFFFFFE0];
	[tilespmem:s22+$0x50] =	vst v1;
	v1 =	vmax.f32 v5, $0.0e+00  }
0xbf: {  	v6 =	vshll.u32 v9, $0x10;
	v5 =	vld [tilespmem:s22+$0xFFFFFFE0];
	[tilespmem:s22+$0xD0] =	vst v1  }
0xc0: {  	v4 =	vadd.f32 v6, v4;
	v1 =	vand.u32 $0xFFFF0000, v9;
	v6 =	vld [tilespmem:s23+$0x60]  }
0xc1: {  	v1 =	vadd.f32 v1, v3;
	v3 =	vld [tilespmem:s22+$0x60]  }
0xc2: {  	v10 =	vld [tilespmem:s23+$0xF0];
	v4 =	vmax.f32 v4, $0.0e+00  }
0xc3: {  	v11 =	vld [tilespmem:s22+$0x1F0];
	[tilespmem:s22+$0xFFFFFE60] =	vst v4;
	v4 =	vshll.u32 v7, $0x10;
	v1 =	vmax.f32 v1, $0.0e+00  }
0xc4: {  	v9 =	vld [tilespmem:s22+$0xFFFFFE70];
	[tilespmem:s22+$0xFFFFFEE0] =	vst v1;
	v1 =	vadd.f32 v4, v2;
	v2 =	vand.u32 $0xFFFF0000, v7  }
0xc5: {  	v4 =	vadd.f32 v2, v5;
	v5 =	vshll.u32 v6, $0x10;
	v13 =	vld [tilespmem:s23+$0xFFFFFF70]  }
0xc6: {  	v2 =	vld [tilespmem:s22+$0xFFFFFF70];
	v6 =	vand.u32 $0xFFFF0000, v6;
	v1 =	vmax.f32 v1, $0.0e+00;
	v3 =	vadd.f32 v5, v3  }
0xc7: {  	v5 =	vadd.f32 v6, v8;
	v6 =	vand.u32 $0xFFFF0000, v10;
	[tilespmem:s22+$0xFFFFFF60] =	vst v1;
	v1 =	vmax.f32 v4, $0.0e+00;
	v4 =	vld [tilespmem:s22+$0xFFFFFFF0]  }
0xc8: {  	v6 =	vadd.f32 v6, v11;
	[tilespmem:s22+$0xFFFFFFE0] =	vst v1;
	v1 =	vmax.f32 v3, $0.0e+00;
	v3 =	vld [tilespmem:s22+$0x70]  }
0xc9: {  	[tilespmem:s22+$0x60] =	vst v1;
	v1 =	vmax.f32 v5, $0.0e+00;
	v7 =	vld [tilespmem:s23+$0xFFFFFFF0]  }
0xca: {  	v5 =	vld [tilespmem:s22+$0xF0];
	[tilespmem:s22+$0xE0] =	vst v1;
	v1 =	vmax.f32 v6, $0.0e+00;
	v6 =	vshll.u32 v13, $0x10;
	v11 =	vand.u32 $0xFFFF0000, v13  }
0xcb: {  	[tilespmem:s22+$0x1F0] =	vst v1;
	v8 =	vld [tilespmem:s23+$0x70];
	v1 =	vshll.u32 v10, $0x10;
	v10 =	vadd.f32 v6, v9;
	v9 =	vadd.f32 v11, v12  }
0xcc: {  	s24 =	simm.s32 $0x0;
	s25 =	simm.s32 $0x5500;
	v6 =	vld [tilespmem:s22+$0x170];
	s23 =	simm.s32 $0x400  }
.LBB2_5:
0xcd: {  	v11 =	vld [tilespmem:s25+$0x80];
	v10 =	vmax.f32 v10, $0.0e+00;
	v9 =	vmax.f32 v9, $0.0e+00;
	s22 =	sadd.s32 $0x400, s22  }
0xce: {  	v12 =	vld [tilespmem:s22+$0x100];
	[tilespmem:s23+$0xFFFFFE70] =	vst v10;
	v10 =	vshll.u32 v7, $0x10;
	v7 =	vand.u32 $0xFFFF0000, v7  }
0xcf: {  	v13 =	vld [tilespmem:s22+$0x180];
	[tilespmem:s23+$0xFFFFFEF0] =	vst v9;
	v2 =	vadd.f32 v10, v2;
	v4 =	vadd.f32 v7, v4  }
0xd0: {  	v7 =	vld [tilespmem:s25+$0xFFFFFF80];
	v9 =	vshll.u32 v8, $0x10;
	v8 =	vand.u32 $0xFFFF0000, v8  }
0xd1: {  	v10 =	vld [tilespmem:s25+$0x0];
	v2 =	vmax.f32 v2, $0.0e+00;
	v3 =	vadd.f32 v9, v3;
	v5 =	vadd.f32 v8, v5  }
0xd2: {  	v1 =	vadd.f32 v1, v6;
	v8 =	vld [tilespmem:s25+$0xFFFFFF00];
	v9 =	vshll.u32 v11, $0x10;
	[tilespmem:s23+$0xFFFFFF70] =	vst v2;
	v2 =	vmax.f32 v4, $0.0e+00  }
0xd3: {  	v6 =	vand.u32 $0xFFFF0000, v11;
	v4 =	vld [tilespmem:s22+$0xFFFFFE00];
	v9 =	vadd.f32 v9, v12;
	[tilespmem:s23+$0xFFFFFFF0] =	vst v2;
	v2 =	vmax.f32 v3, $0.0e+00  }
0xd4: {  	s24 =	sadd.s32 $0x4, s24;
	v1 =	vmax.f32 v1, $0.0e+00;
	v3 =	vld [tilespmem:s22+$0xFFFFFE80];
	v6 =	vadd.f32 v6, v13;
	[tilespmem:s23+$0x70] =	vst v2;
	v2 =	vmax.f32 v5, $0.0e+00  }
0xd5: {  	p0 =	slt.u32 s24, $0x24;
	v5 =	vshll.u32 v7, $0x10;
	v7 =	vand.u32 $0xFFFF0000, v7;
	v11 =	vld [tilespmem:s22+$0xFFFFFF00];
	v9 =	vmax.f32 v9, $0.0e+00;
	[tilespmem:s23+$0xF0] =	vst v2  }
0xd6: {  	v2 =	vld [tilespmem:s22+$0xFFFFFF80];
	v12 =	vshll.u32 v10, $0x10;
	v10 =	vand.u32 $0xFFFF0000, v10;
	[tilespmem:s22+$0x100] =	vst v9;
	v6 =	vmax.f32 v6, $0.0e+00  }
0xd7: {  	v9 =	vshll.u32 v8, $0x10;
	v8 =	vand.u32 $0xFFFF0000, v8;
	v13 =	vld [tilespmem:s22+$0x0];
	[tilespmem:s22+$0x180] =	vst v6  }
0xd8: {  	v4 =	vadd.f32 v9, v4;
	v6 =	vld [tilespmem:s25+$0x90];
	[tilespmem:s23+$0x170] =	vst v1;
	s23 =	smov.u32 s22  }
0xd9: {  	v1 =	vadd.f32 v8, v3;
	v3 =	vld [tilespmem:s22+$0x110]  }
0xda: {  	v4 =	vmax.f32 v4, $0.0e+00;
	v5 =	vadd.f32 v5, v11;
	v8 =	vld [tilespmem:s22+$0x190]  }
0xdb: {  	[tilespmem:s22+$0xFFFFFE00] =	vst v4;
	v1 =	vmax.f32 v1, $0.0e+00;
	v2 =	vadd.f32 v7, v2;
	v4 =	vld [tilespmem:s22+$0x80]  }
0xdc: {  	[tilespmem:s22+$0xFFFFFE80] =	vst v1;
	v1 =	vld [tilespmem:s22+$0xFFFFFE10];
	v5 =	vmax.f32 v5, $0.0e+00;
	v7 =	vadd.f32 v12, v13  }
0xdd: {  	v9 =	vld [tilespmem:s25+$0xFFFFFF10];
	[tilespmem:s22+$0xFFFFFF00] =	vst v5;
	v2 =	vmax.f32 v2, $0.0e+00;
	v5 =	vshll.u32 v6, $0x10  }
0xde: {  	v6 =	vand.u32 $0xFFFF0000, v6;
	v11 =	vld [tilespmem:s22+$0xFFFFFE90];
	[tilespmem:s22+$0xFFFFFF80] =	vst v2;
	v2 =	vmax.f32 v7, $0.0e+00;
	v3 =	vadd.f32 v5, v3  }
0xdf: {  	v5 =	vld [tilespmem:s25+$0xFFFFFF90];
	[tilespmem:s22+$0x0] =	vst v2;
	v2 =	vadd.f32 v6, v8  }
0xe0: {  	v6 =	vld [tilespmem:s22+$0xFFFFFF10];
	v4 =	vadd.f32 v10, v4;
	v3 =	vmax.f32 v3, $0.0e+00  }
0xe1: {  	v7 =	vld [tilespmem:s22+$0xFFFFFF90];
	[tilespmem:s22+$0x110] =	vst v3;
	v2 =	vmax.f32 v2, $0.0e+00  }
0xe2: {  	v3 =	vshll.u32 v9, $0x10;
	v8 =	vand.u32 $0xFFFF0000, v9;
	v4 =	vmax.f32 v4, $0.0e+00;
	v9 =	vld [tilespmem:s22+$0x10];
	[tilespmem:s22+$0x190] =	vst v2  }
0xe3: {  	v1 =	vadd.f32 v3, v1;
	v2 =	vadd.f32 v8, v11;
	[tilespmem:s22+$0x80] =	vst v4;
	v3 =	vld [tilespmem:s25+$0xA0]  }
0xe4: {  	v4 =	vshll.u32 v5, $0x10;
	v5 =	vand.u32 $0xFFFF0000, v5;
	v8 =	vld [tilespmem:s22+$0x120]  }
0xe5: {  	v1 =	vmax.f32 v1, $0.0e+00;
	v2 =	vmax.f32 v2, $0.0e+00;
	v4 =	vadd.f32 v4, v6;
	v6 =	vld [tilespmem:s22+$0x1A0]  }
0xe6: {  	[tilespmem:s22+$0xFFFFFE10] =	vst v1;
	v1 =	vadd.f32 v5, v7;
	v5 =	vld [tilespmem:s25+$0x10]  }
0xe7: {  	[tilespmem:s22+$0xFFFFFE90] =	vst v2;
	v2 =	vmax.f32 v4, $0.0e+00;
	v4 =	vld [tilespmem:s22+$0x90]  }
0xe8: {  	v7 =	vld [tilespmem:s25+$0xFFFFFF20];
	[tilespmem:s22+$0xFFFFFF10] =	vst v2;
	v1 =	vmax.f32 v1, $0.0e+00;
	v2 =	vshll.u32 v3, $0x10  }
0xe9: {  	v10 =	vld [tilespmem:s22+$0xFFFFFE20];
	[tilespmem:s22+$0xFFFFFF90] =	vst v1;
	v1 =	vand.u32 $0xFFFF0000, v3;
	v2 =	vadd.f32 v2, v8  }
0xea: {  	v3 =	vld [tilespmem:s25+$0xFFFFFFA0];
	v1 =	vadd.f32 v1, v6  }
0xeb: {  	v6 =	vld [tilespmem:s22+$0xFFFFFEA0];
	v8 =	vshll.u32 v5, $0x10;
	v5 =	vand.u32 $0xFFFF0000, v5;
	v2 =	vmax.f32 v2, $0.0e+00  }
0xec: {  	v11 =	vld [tilespmem:s22+$0xFFFFFF20];
	v8 =	vadd.f32 v8, v9;
	v4 =	vadd.f32 v5, v4;
	[tilespmem:s22+$0x120] =	vst v2;
	v1 =	vmax.f32 v1, $0.0e+00  }
0xed: {  	v2 =	vshll.u32 v7, $0x10;
	v5 =	vand.u32 $0xFFFF0000, v7;
	v7 =	vld [tilespmem:s22+$0xFFFFFFA0];
	[tilespmem:s22+$0x1A0] =	vst v1  }
0xee: {  	v1 =	vadd.f32 v2, v10;
	v2 =	vmax.f32 v8, $0.0e+00;
	v4 =	vmax.f32 v4, $0.0e+00;
	v8 =	vld [tilespmem:s25+$0xB0]  }
0xef: {  	v9 =	vshll.u32 v3, $0x10;
	v3 =	vand.u32 $0xFFFF0000, v3;
	[tilespmem:s22+$0x10] =	vst v2;
	v2 =	vld [tilespmem:s22+$0x130]  }
0xf0: {  	v1 =	vmax.f32 v1, $0.0e+00;
	v5 =	vadd.f32 v5, v6;
	[tilespmem:s22+$0x90] =	vst v4;
	v4 =	vld [tilespmem:s22+$0x1B0]  }
0xf1: {  	[tilespmem:s22+$0xFFFFFE20] =	vst v1;
	v1 =	vadd.f32 v9, v11;
	v6 =	vld [tilespmem:s25+$0x20]  }
0xf2: {  	v5 =	vmax.f32 v5, $0.0e+00;
	v3 =	vadd.f32 v3, v7;
	v7 =	vld [tilespmem:s22+$0x20]  }
0xf3: {  	[tilespmem:s22+$0xFFFFFEA0] =	vst v5;
	v1 =	vmax.f32 v1, $0.0e+00;
	v5 =	vld [tilespmem:s22+$0xA0];
	v9 =	vshll.u32 v8, $0x10  }
0xf4: {  	v10 =	vld [tilespmem:s25+$0xFFFFFF30];
	[tilespmem:s22+$0xFFFFFF20] =	vst v1;
	v1 =	vmax.f32 v3, $0.0e+00;
	v3 =	vand.u32 $0xFFFF0000, v8;
	v2 =	vadd.f32 v9, v2  }
0xf5: {  	v8 =	vld [tilespmem:s22+$0xFFFFFE30];
	[tilespmem:s22+$0xFFFFFFA0] =	vst v1;
	v1 =	vadd.f32 v3, v4  }
0xf6: {  	v3 =	vld [tilespmem:s25+$0xFFFFFFB0];
	v4 =	vshll.u32 v6, $0x10;
	v6 =	vand.u32 $0xFFFF0000, v6;
	v2 =	vmax.f32 v2, $0.0e+00  }
0xf7: {  	v9 =	vld [tilespmem:s22+$0xFFFFFEB0];
	v4 =	vadd.f32 v4, v7;
	[tilespmem:s22+$0x130] =	vst v2;
	v1 =	vmax.f32 v1, $0.0e+00  }
0xf8: {  	v2 =	vld [tilespmem:s22+$0xFFFFFF30];
	v5 =	vadd.f32 v6, v5;
	[tilespmem:s22+$0x1B0] =	vst v1  }
0xf9: {  	v1 =	vshll.u32 v10, $0x10;
	v6 =	vand.u32 $0xFFFF0000, v10;
	v4 =	vmax.f32 v4, $0.0e+00;
	v7 =	vld [tilespmem:s25+$0xC0]  }
0xfa: {  	v1 =	vadd.f32 v1, v8;
	[tilespmem:s22+$0x20] =	vst v4;
	v4 =	vmax.f32 v5, $0.0e+00;
	v5 =	vld [tilespmem:s22+$0x140]  }
0xfb: {  	v8 =	vshll.u32 v3, $0x10;
	v3 =	vand.u32 $0xFFFF0000, v3;
	[tilespmem:s22+$0xA0] =	vst v4;
	v4 =	vld [tilespmem:s22+$0x1C0]  }
0xfc: {  	v1 =	vmax.f32 v1, $0.0e+00;
	v6 =	vadd.f32 v6, v9;
	v9 =	vld [tilespmem:s25+$0x30]  }
0xfd: {  	[tilespmem:s22+$0xFFFFFE30] =	vst v1;
	v1 =	vadd.f32 v8, v2;
	v2 =	vld [tilespmem:s22+$0xFFFFFFB0]  }
0xfe: {  	v6 =	vmax.f32 v6, $0.0e+00;
	v8 =	vld [tilespmem:s22+$0x30];
	v10 =	vshll.u32 v7, $0x10  }
0xff: {  	v7 =	vand.u32 $0xFFFF0000, v7;
	[tilespmem:s22+$0xFFFFFEB0] =	vst v6;
	v1 =	vmax.f32 v1, $0.0e+00;
	v6 =	vld [tilespmem:s22+$0xB0];
	v5 =	vadd.f32 v10, v5  }
0x100: {  	v10 =	vld [tilespmem:s25+$0xFFFFFF40];
	[tilespmem:s22+$0xFFFFFF30] =	vst v1;
	v1 =	vadd.f32 v7, v4  }
0x101: {  	v4 =	vld [tilespmem:s22+$0xFFFFFE40];
	v7 =	vshll.u32 v9, $0x10;
	v9 =	vand.u32 $0xFFFF0000, v9;
	v5 =	vmax.f32 v5, $0.0e+00  }
0x102: {  	v11 =	vld [tilespmem:s22+$0xFFFFFEC0];
	v2 =	vadd.f32 v3, v2;
	[tilespmem:s22+$0x140] =	vst v5;
	v1 =	vmax.f32 v1, $0.0e+00  }
0x103: {  	v3 =	vld [tilespmem:s22+$0xFFFFFF40];
	v5 =	vadd.f32 v7, v8;
	[tilespmem:s22+$0x1C0] =	vst v1  }
0x104: {  	v1 =	vmax.f32 v2, $0.0e+00;
	v2 =	vadd.f32 v9, v6;
	v6 =	vld [tilespmem:s25+$0xD0]  }
0x105: {  	v7 =	vshll.u32 v10, $0x10;
	v8 =	vand.u32 $0xFFFF0000, v10;
	[tilespmem:s22+$0xFFFFFFB0] =	vst v1;
	v1 =	vmax.f32 v5, $0.0e+00;
	v5 =	vld [tilespmem:s22+$0x150]  }
0x106: {  	v4 =	vadd.f32 v7, v4;
	[tilespmem:s22+$0x30] =	vst v1;
	v1 =	vmax.f32 v2, $0.0e+00;
	v2 =	vld [tilespmem:s22+$0x1D0]  }
0x107: {  	v7 =	vadd.f32 v8, v11;
	v8 =	vld [tilespmem:s25+$0xFFFFFFC0];
	[tilespmem:s22+$0xB0] =	vst v1  }
0x108: {  	v1 =	vmax.f32 v4, $0.0e+00;
	v4 =	vld [tilespmem:s25+$0x40]  }
0x109: {  	[tilespmem:s22+$0xFFFFFE40] =	vst v1;
	v1 =	vmax.f32 v7, $0.0e+00;
	v7 =	vld [tilespmem:s22+$0xFFFFFFC0];
	v9 =	vshll.u32 v6, $0x10  }
0x10a: {  	v6 =	vand.u32 $0xFFFF0000, v6;
	[tilespmem:s22+$0xFFFFFEC0] =	vst v1;
	v1 =	vld [tilespmem:s22+$0x40];
	v5 =	vadd.f32 v9, v5  }
0x10b: {  	v9 =	vld [tilespmem:s22+$0xC0];
	v2 =	vadd.f32 v6, v2  }
0x10c: {  	v6 =	vld [tilespmem:s25+$0xFFFFFF50];
	v10 =	vshll.u32 v8, $0x10;
	v8 =	vand.u32 $0xFFFF0000, v8;
	v5 =	vmax.f32 v5, $0.0e+00  }
0x10d: {  	v11 =	vld [tilespmem:s22+$0xFFFFFE50];
	v12 =	vshll.u32 v4, $0x10;
	v4 =	vand.u32 $0xFFFF0000, v4;
	[tilespmem:s22+$0x150] =	vst v5;
	v2 =	vmax.f32 v2, $0.0e+00  }
0x10e: {  	v3 =	vadd.f32 v10, v3;
	v5 =	vld [tilespmem:s22+$0xFFFFFED0];
	v7 =	vadd.f32 v8, v7;
	[tilespmem:s22+$0x1D0] =	vst v2  }
0x10f: {  	v1 =	vadd.f32 v12, v1;
	v2 =	vld [tilespmem:s25+$0xE0]  }
0x110: {  	v3 =	vmax.f32 v3, $0.0e+00;
	v7 =	vmax.f32 v7, $0.0e+00;
	v4 =	vadd.f32 v4, v9;
	v8 =	vld [tilespmem:s22+$0x160]  }
0x111: {  	v9 =	vshll.u32 v6, $0x10;
	v6 =	vand.u32 $0xFFFF0000, v6;
	[tilespmem:s22+$0xFFFFFF40] =	vst v3;
	v1 =	vmax.f32 v1, $0.0e+00;
	v3 =	vld [tilespmem:s22+$0x1E0]  }
0x112: {  	v9 =	vadd.f32 v9, v11;
	[tilespmem:s22+$0xFFFFFFC0] =	vst v7;
	v7 =	vld [tilespmem:s22+$0xFFFFFF50];
	v4 =	vmax.f32 v4, $0.0e+00  }
0x113: {  	v5 =	vadd.f32 v6, v5;
	v6 =	vld [tilespmem:s25+$0xFFFFFFD0];
	[tilespmem:s22+$0x40] =	vst v1  }
0x114: {  	v1 =	vmax.f32 v9, $0.0e+00;
	v9 =	vld [tilespmem:s22+$0xFFFFFFD0];
	[tilespmem:s22+$0xC0] =	vst v4;
	v4 =	vshll.u32 v2, $0x10  }
0x115: {  	v2 =	vand.u32 $0xFFFF0000, v2;
	[tilespmem:s22+$0xFFFFFE50] =	vst v1;
	v1 =	vmax.f32 v5, $0.0e+00;
	v5 =	vld [tilespmem:s25+$0x50];
	v4 =	vadd.f32 v4, v8  }
0x116: {  	[tilespmem:s22+$0xFFFFFED0] =	vst v1;
	v1 =	vld [tilespmem:s22+$0x50];
	v2 =	vadd.f32 v2, v3  }
0x117: {  	v3 =	vld [tilespmem:s22+$0xD0];
	v4 =	vmax.f32 v4, $0.0e+00  }
0x118: {  	v8 =	vld [tilespmem:s25+$0xFFFFFF60];
	v10 =	vshll.u32 v6, $0x10;
	v6 =	vand.u32 $0xFFFF0000, v6;
	[tilespmem:s22+$0x160] =	vst v4;
	v2 =	vmax.f32 v2, $0.0e+00  }
0x119: {  	v4 =	vld [tilespmem:s22+$0xFFFFFE60];
	v7 =	vadd.f32 v10, v7;
	v6 =	vadd.f32 v6, v9;
	[tilespmem:s22+$0x1E0] =	vst v2  }
0x11a: {  	v2 =	vshll.u32 v5, $0x10;
	v5 =	vand.u32 $0xFFFF0000, v5;
	v9 =	vld [tilespmem:s25+$0xF0]  }
0x11b: {  	v7 =	vmax.f32 v7, $0.0e+00;
	v6 =	vmax.f32 v6, $0.0e+00;
	v1 =	vadd.f32 v2, v1;
	v2 =	vld [tilespmem:s22+$0x1F0]  }
0x11c: {  	v10 =	vld [tilespmem:s22+$0xFFFFFEE0];
	[tilespmem:s22+$0xFFFFFF50] =	vst v7;
	v3 =	vadd.f32 v5, v3  }
0x11d: {  	v5 =	vshll.u32 v8, $0x10;
	v7 =	vand.u32 $0xFFFF0000, v8;
	[tilespmem:s22+$0xFFFFFFD0] =	vst v6;
	v6 =	vld [tilespmem:s22+$0xFFFFFF60];
	v1 =	vmax.f32 v1, $0.0e+00  }
0x11e: {  	v4 =	vadd.f32 v5, v4;
	v5 =	vld [tilespmem:s25+$0xFFFFFFE0];
	[tilespmem:s22+$0x50] =	vst v1;
	v1 =	vmax.f32 v3, $0.0e+00  }
0x11f: {  	v3 =	vld [tilespmem:s22+$0xFFFFFFE0];
	[tilespmem:s22+$0xD0] =	vst v1;
	v1 =	vshll.u32 v9, $0x10;
	v8 =	vand.u32 $0xFFFF0000, v9  }
0x120: {  	v4 =	vmax.f32 v4, $0.0e+00;
	v9 =	vld [tilespmem:s25+$0x60];
	v2 =	vadd.f32 v8, v2  }
0x121: {  	[tilespmem:s22+$0xFFFFFE60] =	vst v4;
	v4 =	vadd.f32 v7, v10;
	v7 =	vld [tilespmem:s22+$0x60]  }
0x122: {  	v8 =	vld [tilespmem:s22+$0xE0];
	v2 =	vmax.f32 v2, $0.0e+00  }
0x123: {  	v4 =	vmax.f32 v4, $0.0e+00;
	v10 =	vld [tilespmem:s22+$0xFFFFFE70];
	v11 =	vshll.u32 v5, $0x10;
	v5 =	vand.u32 $0xFFFF0000, v5;
	[tilespmem:s22+$0x1F0] =	vst v2  }
0x124: {  	[tilespmem:s22+$0xFFFFFEE0] =	vst v4;
	v12 =	vld [tilespmem:s22+$0xFFFFFEF0];
	v2 =	vadd.f32 v11, v6;
	v3 =	vadd.f32 v5, v3  }
0x125: {  	v5 =	vld [tilespmem:s25+$0xFFFFFF70];
	v4 =	vshll.u32 v9, $0x10;
	v6 =	vand.u32 $0xFFFF0000, v9  }
0x126: {  	v9 =	vmax.f32 v2, $0.0e+00;
	v3 =	vmax.f32 v3, $0.0e+00;
	v2 =	vld [tilespmem:s22+$0xFFFFFF70];
	v7 =	vadd.f32 v4, v7  }
0x127: {  	[tilespmem:s22+$0xFFFFFF60] =	vst v9;
	v4 =	vld [tilespmem:s22+$0xFFFFFFF0];
	v6 =	vadd.f32 v6, v8  }
.Ltmp1:
0x128: {  	[tilespmem:s22+$0xFFFFFFE0] =	vst v3;
	v8 =	vmax.f32 v7, $0.0e+00;
	v3 =	vld [tilespmem:s22+$0x70];
	(pc) =	sbr.rel @p0 .LBB2_5-.Ltmp1, $4  }
0x129: {  	v7 =	vld [tilespmem:s25+$0xFFFFFFF0];
	[tilespmem:s22+$0x60] =	vst v8;
	v6 =	vmax.f32 v6, $0.0e+00  }
0x12a: {  	v8 =	vshll.u32 v5, $0x10;
	v9 =	vand.u32 $0xFFFF0000, v5;
	[tilespmem:s22+$0xE0] =	vst v6;
	v5 =	vld [tilespmem:s22+$0xF0]  }
0x12b: {  	v10 =	vadd.f32 v8, v10;
	v9 =	vadd.f32 v9, v12;
	v8 =	vld [tilespmem:s25+$0x70]  }
0x12c: {  	s25 =	sadd.s32 $0x200, s25;
	v6 =	vld [tilespmem:s22+$0x170]  }
0x12d: {  	_ = 	snop  }
0x12e: {  	v11 =	vshll.u32 v7, $0x10  }
0x12f: {  	v10 =	vmax.f32 v10, $0.0e+00;
	v7 =	vand.u32 $0xFFFF0000, v7;
	v2 =	vadd.f32 v11, v2  }
0x130: {  	v9 =	vmax.f32 v9, $0.0e+00;
	[tilespmem:s23+$0xFFFFFE70] =	vst v10;
	v4 =	vadd.f32 v7, v4;
	v7 =	vshll.u32 v8, $0x10  }
0x131: {  	[tilespmem:s23+$0xFFFFFEF0] =	vst v9;
	v2 =	vmax.f32 v2, $0.0e+00;
	v3 =	vadd.f32 v7, v3  }
0x132: {  	v8 =	vand.u32 $0xFFFF0000, v8;
	v1 =	vadd.f32 v1, v6;
	[tilespmem:s23+$0xFFFFFF70] =	vst v2;
	v2 =	vmax.f32 v4, $0.0e+00  }
0x133: {  	v5 =	vadd.f32 v8, v5;
	[tilespmem:s23+$0xFFFFFFF0] =	vst v2;
	v2 =	vmax.f32 v3, $0.0e+00  }
0x134: {  	v1 =	vmax.f32 v1, $0.0e+00;
	[tilespmem:s23+$0x70] =	vst v2  }
0x135: {  	v2 =	vmax.f32 v5, $0.0e+00;
	[tilespmem:s23+$0x170] =	vst v1  }
0x136: {  	[tilespmem:s23+$0xF0] =	vst v2  }
0x137: {  	[spmem:s3] =	stream.indirect.scatter.add.f32 [tilespmem:s30], [sflag:$0x3], $0x80, s0, s9, $0xb8;
	[tilespmem:$0x1BA00] =	vst v63  }
0x138: {  	_ =	swait.ge [sflag:s17], $0x1400  }
0x139: {  	[sflag:s17] =	ssyncset.done $0x0  }
0x13a: {  	[sflag:s17] =	ssyncadd.s32 $0xFFFFEC00  }
0x13b: {  	_ =	swait.ge [sflag:s17], $0x2800  }
0x13c: {  	[sflag:s17] =	ssyncset.done $0x0  }
0x13d: {  	s25 =	simm.s32 $0x67F0;
	[sflag:s17] =	ssyncadd.s32 $0xFFFFD800  }
0x13e: {  	s22 =	simm.s32 $0x2DF0;
	v1 =	vld [tilespmem:s25+$0xFFFFFF90]  }
0x13f: {  	v2 =	vld [tilespmem:s22+$0xFFFFFF10]  }
0x140: {  	v3 =	vld [tilespmem:s22+$0xFFFFFF90]  }
0x141: {  	v4 =	vld [tilespmem:s25+$0xFFFFFE90]  }
0x142: {  	v5 =	vld [tilespmem:s25+$0xFFFFFE10]  }
0x143: {  	v7 =	vld [tilespmem:s22+$0xFFFFFC10];
	v6 =	vshll.u32 v1, $0x10  }
0x144: {  	v8 =	vld [tilespmem:s25+$0xFFFFFF10];
	v1 =	vand.u32 $0xFFFF0000, v1;
	v2 =	vadd.f32 v6, v2  }
0x145: {  	v6 =	vld [tilespmem:s22+$0xFFFFFC90];
	v1 =	vadd.f32 v1, v3  }
0x146: {  	v3 =	vld [tilespmem:s22+$0xFFFFFD10];
	v2 =	vmax.f32 v2, $0.0e+00  }
0x147: {  	v9 =	vld [tilespmem:s22+$0xFFFFFD90];
	v1 =	vmax.f32 v1, $0.0e+00;
	[tilespmem:s22+$0xFFFFFF10] =	vst v2  }
0x148: {  	v10 =	vld [tilespmem:s22+$0xFFFFFE10];
	v2 =	vshll.u32 v5, $0x10;
	[tilespmem:s22+$0xFFFFFF90] =	vst v1  }
0x149: {  	v5 =	vand.u32 $0xFFFF0000, v5;
	v1 =	vadd.f32 v2, v7;
	v2 =	vld [tilespmem:s25+$0xFFFFFFA0]  }
0x14a: {  	v7 =	vld [tilespmem:s22+$0xFFFFFF20];
	v5 =	vadd.f32 v5, v6;
	v6 =	vshll.u32 v4, $0x10  }
0x14b: {  	v4 =	vand.u32 $0xFFFF0000, v4;
	v1 =	vmax.f32 v1, $0.0e+00;
	v3 =	vadd.f32 v6, v3;
	v6 =	vld [tilespmem:s22+$0xFFFFFFA0]  }
0x14c: {  	v11 =	vld [tilespmem:s22+$0xFFFFFCA0];
	v4 =	vadd.f32 v4, v9;
	[tilespmem:s22+$0xFFFFFC10] =	vst v1;
	v1 =	vmax.f32 v5, $0.0e+00  }
0x14d: {  	v5 =	vld [tilespmem:s22+$0xFFFFFE90];
	[tilespmem:s22+$0xFFFFFC90] =	vst v1;
	v1 =	vshll.u32 v8, $0x10;
	v3 =	vmax.f32 v3, $0.0e+00  }
0x14e: {  	v1 =	vadd.f32 v1, v10;
	v10 =	vld [tilespmem:s25+$0xFFFFFE20];
	[tilespmem:s22+$0xFFFFFD10] =	vst v3;
	v3 =	vmax.f32 v4, $0.0e+00;
	v4 =	vshll.u32 v2, $0x10  }
0x14f: {  	v9 =	vld [tilespmem:s22+$0xFFFFFC20];
	v2 =	vand.u32 $0xFFFF0000, v2;
	[tilespmem:s22+$0xFFFFFD90] =	vst v3;
	v3 =	vadd.f32 v4, v7  }
0x150: {  	v1 =	vmax.f32 v1, $0.0e+00;
	v4 =	vld [tilespmem:s25+$0xFFFFFEA0];
	v2 =	vadd.f32 v2, v6  }
0x151: {  	[tilespmem:s22+$0xFFFFFE10] =	vst v1;
	v1 =	vld [tilespmem:s22+$0xFFFFFD20];
	v3 =	vmax.f32 v3, $0.0e+00  }
0x152: {  	v7 =	vld [tilespmem:s22+$0xFFFFFDA0];
	v6 =	vand.u32 $0xFFFF0000, v8;
	[tilespmem:s22+$0xFFFFFF20] =	vst v3;
	v2 =	vmax.f32 v2, $0.0e+00  }
0x153: {  	v3 =	vadd.f32 v6, v5;
	v6 =	vld [tilespmem:s22+$0xFFFFFE20];
	v5 =	vshll.u32 v10, $0x10;
	[tilespmem:s22+$0xFFFFFFA0] =	vst v2  }
0x154: {  	v2 =	vand.u32 $0xFFFF0000, v10;
	v5 =	vadd.f32 v5, v9;
	v8 =	vld [tilespmem:s25+$0xFFFFFFB0]  }
0x155: {  	v10 =	vld [tilespmem:s22+$0xFFFFFF30];
	v3 =	vmax.f32 v3, $0.0e+00;
	v2 =	vadd.f32 v2, v11;
	v9 =	vshll.u32 v4, $0x10  }
0x156: {  	[tilespmem:s22+$0xFFFFFE90] =	vst v3;
	v3 =	vand.u32 $0xFFFF0000, v4;
	v4 =	vmax.f32 v5, $0.0e+00;
	v1 =	vadd.f32 v9, v1;
	v5 =	vld [tilespmem:s22+$0xFFFFFFB0]  }
0x157: {  	v2 =	vmax.f32 v2, $0.0e+00;
	v3 =	vadd.f32 v3, v7;
	[tilespmem:s22+$0xFFFFFC20] =	vst v4;
	v4 =	vld [tilespmem:s25+$0xFFFFFF20]  }
0x158: {  	v9 =	vld [tilespmem:s22+$0xFFFFFC30];
	[tilespmem:s22+$0xFFFFFCA0] =	vst v2;
	v1 =	vmax.f32 v1, $0.0e+00  }
0x159: {  	v2 =	vld [tilespmem:s22+$0xFFFFFEA0];
	[tilespmem:s22+$0xFFFFFD20] =	vst v1;
	v1 =	vmax.f32 v3, $0.0e+00;
	v3 =	vshll.u32 v8, $0x10  }
0x15a: {  	v7 =	vld [tilespmem:s25+$0xFFFFFE30];
	[tilespmem:s22+$0xFFFFFDA0] =	vst v1;
	v1 =	vand.u32 $0xFFFF0000, v8;
	v3 =	vadd.f32 v3, v10  }
0x15b: {  	v8 =	vld [tilespmem:s25+$0xFFFFFEB0];
	v1 =	vadd.f32 v1, v5  }
0x15c: {  	v5 =	vld [tilespmem:s22+$0xFFFFFCB0];
	v10 =	vshll.u32 v4, $0x10;
	v3 =	vmax.f32 v3, $0.0e+00  }
0x15d: {  	v11 =	vld [tilespmem:s22+$0xFFFFFD30];
	v4 =	vand.u32 $0xFFFF0000, v4;
	v6 =	vadd.f32 v10, v6;
	[tilespmem:s22+$0xFFFFFF30] =	vst v3;
	v1 =	vmax.f32 v1, $0.0e+00  }
0x15e: {  	v2 =	vadd.f32 v4, v2;
	v3 =	vld [tilespmem:s22+$0xFFFFFDB0];
	[tilespmem:s22+$0xFFFFFFB0] =	vst v1  }
0x15f: {  	v1 =	vshll.u32 v7, $0x10;
	v4 =	vmax.f32 v6, $0.0e+00;
	v6 =	vld [tilespmem:s25+$0xFFFFFFC0]  }
0x160: {  	v7 =	vand.u32 $0xFFFF0000, v7;
	v1 =	vadd.f32 v1, v9;
	v2 =	vmax.f32 v2, $0.0e+00;
	[tilespmem:s22+$0xFFFFFE20] =	vst v4;
	v4 =	vld [tilespmem:s22+$0xFFFFFF40]  }
0x161: {  	v9 =	vshll.u32 v8, $0x10;
	v5 =	vadd.f32 v7, v5;
	[tilespmem:s22+$0xFFFFFEA0] =	vst v2;
	v2 =	vld [tilespmem:s22+$0xFFFFFFC0]  }
0x162: {  	v7 =	vand.u32 $0xFFFF0000, v8;
	v1 =	vmax.f32 v1, $0.0e+00;
	v8 =	vadd.f32 v9, v11;
	v9 =	vld [tilespmem:s25+$0xFFFFFF30]  }
0x163: {  	[tilespmem:s22+$0xFFFFFC30] =	vst v1;
	v1 =	vmax.f32 v5, $0.0e+00;
	v3 =	vadd.f32 v7, v3;
	v5 =	vld [tilespmem:s22+$0xFFFFFE30]  }
0x164: {  	v7 =	vld [tilespmem:s22+$0xFFFFFEB0];
	[tilespmem:s22+$0xFFFFFCB0] =	vst v1;
	v1 =	vmax.f32 v8, $0.0e+00;
	v8 =	vshll.u32 v6, $0x10  }
0x165: {  	v10 =	vld [tilespmem:s25+$0xFFFFFE40];
	[tilespmem:s22+$0xFFFFFD30] =	vst v1;
	v1 =	vmax.f32 v3, $0.0e+00;
	v3 =	vand.u32 $0xFFFF0000, v6;
	v4 =	vadd.f32 v8, v4  }
0x166: {  	v6 =	vld [tilespmem:s22+$0xFFFFFC40];
	[tilespmem:s22+$0xFFFFFDB0] =	vst v1;
	v1 =	vadd.f32 v3, v2  }
0x167: {  	v2 =	vld [tilespmem:s25+$0xFFFFFEC0];
	v3 =	vshll.u32 v9, $0x10;
	v4 =	vmax.f32 v4, $0.0e+00  }
0x168: {  	v8 =	vand.u32 $0xFFFF0000, v9;
	v9 =	vld [tilespmem:s22+$0xFFFFFCC0];
	v3 =	vadd.f32 v3, v5;
	v1 =	vmax.f32 v1, $0.0e+00;
	[tilespmem:s22+$0xFFFFFF40] =	vst v4  }
0x169: {  	v5 =	vadd.f32 v8, v7;
	v4 =	vld [tilespmem:s22+$0xFFFFFD40];
	[tilespmem:s22+$0xFFFFFFC0] =	vst v1  }
0x16a: {  	v1 =	vmax.f32 v3, $0.0e+00;
	v3 =	vld [tilespmem:s25+$0xFFFFFFD0]  }
0x16b: {  	v7 =	vshll.u32 v10, $0x10;
	[tilespmem:s22+$0xFFFFFE30] =	vst v1;
	v1 =	vmax.f32 v5, $0.0e+00;
	v5 =	vld [tilespmem:s22+$0xFFFFFF50]  }
0x16c: {  	v8 =	vand.u32 $0xFFFF0000, v10;
	v6 =	vadd.f32 v7, v6;
	[tilespmem:s22+$0xFFFFFEB0] =	vst v1;
	v1 =	vld [tilespmem:s22+$0xFFFFFFD0]  }
0x16d: {  	v10 =	vld [tilespmem:s22+$0xFFFFFDC0];
	v7 =	vadd.f32 v8, v9  }
0x16e: {  	v9 =	vshll.u32 v2, $0x10;
	v8 =	vld [tilespmem:s25+$0xFFFFFF40];
	v6 =	vmax.f32 v6, $0.0e+00  }
0x16f: {  	[tilespmem:s22+$0xFFFFFC40] =	vst v6;
	v4 =	vadd.f32 v9, v4;
	v6 =	vmax.f32 v7, $0.0e+00;
	v7 =	vld [tilespmem:s22+$0xFFFFFE40];
	v9 =	vshll.u32 v3, $0x10  }
0x170: {  	[tilespmem:s22+$0xFFFFFCC0] =	vst v6;
	v6 =	vld [tilespmem:s22+$0xFFFFFEC0];
	v3 =	vand.u32 $0xFFFF0000, v3;
	v5 =	vadd.f32 v9, v5  }
0x171: {  	v11 =	vld [tilespmem:s22+$0xFFFFFCD0];
	v4 =	vmax.f32 v4, $0.0e+00;
	v1 =	vadd.f32 v3, v1  }
0x172: {  	v2 =	vand.u32 $0xFFFF0000, v2;
	v9 =	vld [tilespmem:s25+$0xFFFFFE50];
	[tilespmem:s22+$0xFFFFFD40] =	vst v4;
	v4 =	vmax.f32 v5, $0.0e+00  }
0x173: {  	v2 =	vadd.f32 v2, v10;
	v3 =	vld [tilespmem:s22+$0xFFFFFC50];
	v5 =	vshll.u32 v8, $0x10;
	[tilespmem:s22+$0xFFFFFF50] =	vst v4;
	v1 =	vmax.f32 v1, $0.0e+00  }
0x174: {  	v4 =	vand.u32 $0xFFFF0000, v8;
	v8 =	vld [tilespmem:s22+$0xFFFFFD50];
	v5 =	vadd.f32 v5, v7;
	[tilespmem:s22+$0xFFFFFFD0] =	vst v1  }
0x175: {  	v1 =	vmax.f32 v2, $0.0e+00;
	v2 =	vadd.f32 v4, v6;
	v4 =	vld [tilespmem:s25+$0xFFFFFFE0]  }
0x176: {  	[tilespmem:s22+$0xFFFFFDC0] =	vst v1;
	v1 =	vmax.f32 v5, $0.0e+00;
	v5 =	vld [tilespmem:s22+$0xFFFFFF60]  }
0x177: {  	v6 =	vshll.u32 v9, $0x10;
	v7 =	vand.u32 $0xFFFF0000, v9;
	v9 =	vld [tilespmem:s22+$0xFFFFFDD0]  }
0x178: {  	[tilespmem:s22+$0xFFFFFE40] =	vst v1;
	v1 =	vmax.f32 v2, $0.0e+00;
	v2 =	vld [tilespmem:s22+$0xFFFFFFE0]  }
0x179: {  	v3 =	vadd.f32 v6, v3;
	v6 =	vld [tilespmem:s25+$0xFFFFFED0]  }
0x17a: {  	[tilespmem:s22+$0xFFFFFEC0] =	vst v1;
	v1 =	vadd.f32 v7, v11;
	v11 =	vld [tilespmem:s22+$0xFFFFFC60]  }
0x17b: {  	v7 =	vld [tilespmem:s25+$0xFFFFFF50];
	v3 =	vmax.f32 v3, $0.0e+00;
	v10 =	vshll.u32 v4, $0x10  }
0x17c: {  	[tilespmem:s22+$0xFFFFFC50] =	vst v3;
	v1 =	vmax.f32 v1, $0.0e+00;
	v3 =	vld [tilespmem:s22+$0xFFFFFE50];
	v4 =	vand.u32 $0xFFFF0000, v4;
	v5 =	vadd.f32 v10, v5  }
0x17d: {  	[tilespmem:s22+$0xFFFFFCD0] =	vst v1;
	v1 =	vld [tilespmem:s22+$0xFFFFFED0];
	v2 =	vadd.f32 v4, v2  }
0x17e: {  	v4 =	vld [tilespmem:s25+$0xFFFFFE60];
	v10 =	vshll.u32 v6, $0x10;
	v6 =	vand.u32 $0xFFFF0000, v6;
	v5 =	vmax.f32 v5, $0.0e+00  }
0x17f: {  	v6 =	vadd.f32 v6, v9;
	v2 =	vmax.f32 v2, $0.0e+00;
	[tilespmem:s22+$0xFFFFFF60] =	vst v5;
	v5 =	vadd.f32 v10, v8;
	v8 =	vld [tilespmem:s22+$0xFFFFFCE0]  }
0x180: {  	[tilespmem:s22+$0xFFFFFFE0] =	vst v2;
	v2 =	vshll.u32 v7, $0x10;
	v10 =	vld [tilespmem:s22+$0xFFFFFD60]  }
0x181: {  	v7 =	vand.u32 $0xFFFF0000, v7;
	v9 =	vld [tilespmem:s25+$0xFFFFFFF0];
	v2 =	vadd.f32 v2, v3;
	v3 =	vmax.f32 v6, $0.0e+00  }
0x182: {  	v6 =	vld [tilespmem:s22+$0xFFFFFF70];
	v1 =	vadd.f32 v7, v1;
	v5 =	vmax.f32 v5, $0.0e+00;
	[tilespmem:s22+$0xFFFFFDD0] =	vst v3  }
0x183: {  	[tilespmem:s22+$0xFFFFFD50] =	vst v5;
	v5 =	vld [tilespmem:s22+$0xFFFFFFF0];
	v2 =	vmax.f32 v2, $0.0e+00  }
0x184: {  	v7 =	vshll.u32 v4, $0x10;
	v1 =	vmax.f32 v1, $0.0e+00;
	v3 =	vld [tilespmem:s25+$0xFFFFFEE0];
	[tilespmem:s22+$0xFFFFFE50] =	vst v2  }
0x185: {  	v2 =	vand.u32 $0xFFFF0000, v4;
	v4 =	vadd.f32 v7, v11;
	v7 =	vld [tilespmem:s22+$0xFFFFFDE0];
	[tilespmem:s22+$0xFFFFFED0] =	vst v1  }
0x186: {  	v1 =	vadd.f32 v2, v8;
	v8 =	vld [tilespmem:s25+$0xFFFFFF60];
	v2 =	vshll.u32 v9, $0x10  }
0x187: {  	v4 =	vmax.f32 v4, $0.0e+00;
	v9 =	vand.u32 $0xFFFF0000, v9;
	v2 =	vadd.f32 v2, v6;
	v6 =	vld [tilespmem:s22+$0xFFFFFE60]  }
0x188: {  	[tilespmem:s22+$0xFFFFFC60] =	vst v4;
	v1 =	vmax.f32 v1, $0.0e+00;
	v4 =	vadd.f32 v9, v5;
	v5 =	vld [tilespmem:s22+$0xFFFFFEE0]  }
0x189: {  	v12 =	vld [tilespmem:s22+$0xFFFFFD00];
	[tilespmem:s22+$0xFFFFFCE0] =	vst v1;
	v9 =	vshll.u32 v3, $0x10;
	v1 =	vmax.f32 v2, $0.0e+00  }
0x18a: {  	v2 =	vand.u32 $0xFFFF0000, v3;
	v3 =	vadd.f32 v9, v10;
	v9 =	vld [tilespmem:s25+$0xFFFFFE70];
	[tilespmem:s22+$0xFFFFFF70] =	vst v1;
	v1 =	vmax.f32 v4, $0.0e+00  }
0x18b: {  	v2 =	vadd.f32 v2, v7;
	v4 =	vld [tilespmem:s22+$0xFFFFFC70];
	[tilespmem:s22+$0xFFFFFFF0] =	vst v1;
	v1 =	vshll.u32 v8, $0x10  }
0x18c: {  	v7 =	vand.u32 $0xFFFF0000, v8;
	v8 =	vld [tilespmem:s22+$0xFFFFFEF0];
	v3 =	vmax.f32 v3, $0.0e+00;
	v1 =	vadd.f32 v1, v6  }
0x18d: {  	v2 =	vmax.f32 v2, $0.0e+00;
	[tilespmem:s22+$0xFFFFFD60] =	vst v3;
	v3 =	vld [tilespmem:s22+$0xFFFFFCF0];
	v5 =	vadd.f32 v7, v5  }
0x18e: {  	[tilespmem:s22+$0xFFFFFDE0] =	vst v2;
	v2 =	vld [tilespmem:s22+$0xFFFFFD70];
	v1 =	vmax.f32 v1, $0.0e+00  }
0x18f: {  	v7 =	vld [tilespmem:s25+$0xFFFFFEF0];
	[tilespmem:s22+$0xFFFFFE60] =	vst v1;
	v1 =	vmax.f32 v5, $0.0e+00  }
0x190: {  	v6 =	vshll.u32 v9, $0x10;
	v5 =	vld [tilespmem:s22+$0xFFFFFDF0];
	[tilespmem:s22+$0xFFFFFEE0] =	vst v1  }
0x191: {  	v4 =	vadd.f32 v6, v4;
	v1 =	vand.u32 $0xFFFF0000, v9;
	v6 =	vld [tilespmem:s25+$0xFFFFFF70]  }
0x192: {  	v1 =	vadd.f32 v1, v3;
	v3 =	vld [tilespmem:s22+$0xFFFFFE70]  }
0x193: {  	v10 =	vld [tilespmem:s25+$0x0];
	v4 =	vmax.f32 v4, $0.0e+00  }
0x194: {  	v11 =	vld [tilespmem:s22+$0x0];
	[tilespmem:s22+$0xFFFFFC70] =	vst v4;
	v4 =	vshll.u32 v7, $0x10;
	v1 =	vmax.f32 v1, $0.0e+00  }
0x195: {  	v9 =	vld [tilespmem:s22+$0xFFFFFC80];
	[tilespmem:s22+$0xFFFFFCF0] =	vst v1;
	v1 =	vadd.f32 v4, v2;
	v2 =	vand.u32 $0xFFFF0000, v7  }
0x196: {  	v4 =	vadd.f32 v2, v5;
	v5 =	vshll.u32 v6, $0x10;
	v13 =	vld [tilespmem:s25+$0xFFFFFE80]  }
0x197: {  	v2 =	vld [tilespmem:s22+$0xFFFFFD80];
	v6 =	vand.u32 $0xFFFF0000, v6;
	v1 =	vmax.f32 v1, $0.0e+00;
	v3 =	vadd.f32 v5, v3  }
0x198: {  	v5 =	vadd.f32 v6, v8;
	v6 =	vand.u32 $0xFFFF0000, v10;
	[tilespmem:s22+$0xFFFFFD70] =	vst v1;
	v1 =	vmax.f32 v4, $0.0e+00;
	v4 =	vld [tilespmem:s22+$0xFFFFFE00]  }
0x199: {  	v6 =	vadd.f32 v6, v11;
	[tilespmem:s22+$0xFFFFFDF0] =	vst v1;
	v1 =	vmax.f32 v3, $0.0e+00;
	v3 =	vld [tilespmem:s22+$0xFFFFFE80]  }
0x19a: {  	[tilespmem:s22+$0xFFFFFE70] =	vst v1;
	v1 =	vmax.f32 v5, $0.0e+00;
	v7 =	vld [tilespmem:s25+$0xFFFFFF00]  }
0x19b: {  	v5 =	vld [tilespmem:s22+$0xFFFFFF00];
	[tilespmem:s22+$0xFFFFFEF0] =	vst v1;
	v1 =	vmax.f32 v6, $0.0e+00;
	v6 =	vshll.u32 v13, $0x10;
	v11 =	vand.u32 $0xFFFF0000, v13  }
0x19c: {  	[tilespmem:s22+$0x0] =	vst v1;
	v8 =	vld [tilespmem:s25+$0xFFFFFF80];
	v1 =	vshll.u32 v10, $0x10;
	v10 =	vadd.f32 v6, v9;
	v9 =	vadd.f32 v11, v12  }
0x19d: {  	s24 =	simm.s32 $0x0;
	s23 =	simm.s32 $0x2DF0;
	v6 =	vld [tilespmem:s22+$0xFFFFFF80];
	s25 =	simm.s32 $0x69F0  }
.LBB2_7:
0x19e: {  	v11 =	vld [tilespmem:s25+$0xFFFFFF90];
	v10 =	vmax.f32 v10, $0.0e+00;
	v9 =	vmax.f32 v9, $0.0e+00;
	s22 =	sadd.s32 $0x400, s22  }
0x19f: {  	v12 =	vld [tilespmem:s22+$0xFFFFFF10];
	[tilespmem:s23+$0xFFFFFC80] =	vst v10;
	v10 =	vshll.u32 v7, $0x10;
	v7 =	vand.u32 $0xFFFF0000, v7  }
0x1a0: {  	v13 =	vld [tilespmem:s22+$0xFFFFFF90];
	[tilespmem:s23+$0xFFFFFD00] =	vst v9;
	v2 =	vadd.f32 v10, v2;
	v4 =	vadd.f32 v7, v4  }
0x1a1: {  	v7 =	vld [tilespmem:s25+$0xFFFFFE90];
	v9 =	vshll.u32 v8, $0x10;
	v8 =	vand.u32 $0xFFFF0000, v8  }
0x1a2: {  	v10 =	vld [tilespmem:s25+$0xFFFFFF10];
	v2 =	vmax.f32 v2, $0.0e+00;
	v3 =	vadd.f32 v9, v3;
	v5 =	vadd.f32 v8, v5  }
0x1a3: {  	v1 =	vadd.f32 v1, v6;
	v8 =	vld [tilespmem:s25+$0xFFFFFE10];
	v9 =	vshll.u32 v11, $0x10;
	[tilespmem:s23+$0xFFFFFD80] =	vst v2;
	v2 =	vmax.f32 v4, $0.0e+00  }
0x1a4: {  	v6 =	vand.u32 $0xFFFF0000, v11;
	v4 =	vld [tilespmem:s22+$0xFFFFFC10];
	v9 =	vadd.f32 v9, v12;
	[tilespmem:s23+$0xFFFFFE00] =	vst v2;
	v2 =	vmax.f32 v3, $0.0e+00  }
0x1a5: {  	s24 =	sadd.s32 $0x4, s24;
	v1 =	vmax.f32 v1, $0.0e+00;
	v3 =	vld [tilespmem:s22+$0xFFFFFC90];
	v6 =	vadd.f32 v6, v13;
	[tilespmem:s23+$0xFFFFFE80] =	vst v2;
	v2 =	vmax.f32 v5, $0.0e+00  }
0x1a6: {  	p0 =	slt.u32 s24, $0x24;
	v5 =	vshll.u32 v7, $0x10;
	v7 =	vand.u32 $0xFFFF0000, v7;
	v11 =	vld [tilespmem:s22+$0xFFFFFD10];
	v9 =	vmax.f32 v9, $0.0e+00;
	[tilespmem:s23+$0xFFFFFF00] =	vst v2  }
0x1a7: {  	v2 =	vld [tilespmem:s22+$0xFFFFFD90];
	v12 =	vshll.u32 v10, $0x10;
	v10 =	vand.u32 $0xFFFF0000, v10;
	[tilespmem:s22+$0xFFFFFF10] =	vst v9;
	v6 =	vmax.f32 v6, $0.0e+00  }
0x1a8: {  	v9 =	vshll.u32 v8, $0x10;
	v8 =	vand.u32 $0xFFFF0000, v8;
	v13 =	vld [tilespmem:s22+$0xFFFFFE10];
	[tilespmem:s22+$0xFFFFFF90] =	vst v6  }
0x1a9: {  	v4 =	vadd.f32 v9, v4;
	v6 =	vld [tilespmem:s25+$0xFFFFFFA0];
	[tilespmem:s23+$0xFFFFFF80] =	vst v1;
	s23 =	smov.u32 s22  }
0x1aa: {  	v1 =	vadd.f32 v8, v3;
	v3 =	vld [tilespmem:s22+$0xFFFFFF20]  }
0x1ab: {  	v4 =	vmax.f32 v4, $0.0e+00;
	v5 =	vadd.f32 v5, v11;
	v8 =	vld [tilespmem:s22+$0xFFFFFFA0]  }
0x1ac: {  	[tilespmem:s22+$0xFFFFFC10] =	vst v4;
	v1 =	vmax.f32 v1, $0.0e+00;
	v2 =	vadd.f32 v7, v2;
	v4 =	vld [tilespmem:s22+$0xFFFFFE90]  }
0x1ad: {  	[tilespmem:s22+$0xFFFFFC90] =	vst v1;
	v1 =	vld [tilespmem:s22+$0xFFFFFC20];
	v5 =	vmax.f32 v5, $0.0e+00;
	v7 =	vadd.f32 v12, v13  }
0x1ae: {  	v9 =	vld [tilespmem:s25+$0xFFFFFE20];
	[tilespmem:s22+$0xFFFFFD10] =	vst v5;
	v2 =	vmax.f32 v2, $0.0e+00;
	v5 =	vshll.u32 v6, $0x10  }
0x1af: {  	v6 =	vand.u32 $0xFFFF0000, v6;
	v11 =	vld [tilespmem:s22+$0xFFFFFCA0];
	[tilespmem:s22+$0xFFFFFD90] =	vst v2;
	v2 =	vmax.f32 v7, $0.0e+00;
	v3 =	vadd.f32 v5, v3  }
0x1b0: {  	v5 =	vld [tilespmem:s25+$0xFFFFFEA0];
	[tilespmem:s22+$0xFFFFFE10] =	vst v2;
	v2 =	vadd.f32 v6, v8  }
0x1b1: {  	v6 =	vld [tilespmem:s22+$0xFFFFFD20];
	v4 =	vadd.f32 v10, v4;
	v3 =	vmax.f32 v3, $0.0e+00  }
0x1b2: {  	v7 =	vld [tilespmem:s22+$0xFFFFFDA0];
	[tilespmem:s22+$0xFFFFFF20] =	vst v3;
	v2 =	vmax.f32 v2, $0.0e+00  }
0x1b3: {  	v3 =	vshll.u32 v9, $0x10;
	v8 =	vand.u32 $0xFFFF0000, v9;
	v4 =	vmax.f32 v4, $0.0e+00;
	v9 =	vld [tilespmem:s22+$0xFFFFFE20];
	[tilespmem:s22+$0xFFFFFFA0] =	vst v2  }
0x1b4: {  	v1 =	vadd.f32 v3, v1;
	v2 =	vadd.f32 v8, v11;
	[tilespmem:s22+$0xFFFFFE90] =	vst v4;
	v3 =	vld [tilespmem:s25+$0xFFFFFFB0]  }
0x1b5: {  	v4 =	vshll.u32 v5, $0x10;
	v5 =	vand.u32 $0xFFFF0000, v5;
	v8 =	vld [tilespmem:s22+$0xFFFFFF30]  }
0x1b6: {  	v1 =	vmax.f32 v1, $0.0e+00;
	v2 =	vmax.f32 v2, $0.0e+00;
	v4 =	vadd.f32 v4, v6;
	v6 =	vld [tilespmem:s22+$0xFFFFFFB0]  }
0x1b7: {  	[tilespmem:s22+$0xFFFFFC20] =	vst v1;
	v1 =	vadd.f32 v5, v7;
	v5 =	vld [tilespmem:s25+$0xFFFFFF20]  }
0x1b8: {  	[tilespmem:s22+$0xFFFFFCA0] =	vst v2;
	v2 =	vmax.f32 v4, $0.0e+00;
	v4 =	vld [tilespmem:s22+$0xFFFFFEA0]  }
0x1b9: {  	v7 =	vld [tilespmem:s25+$0xFFFFFE30];
	[tilespmem:s22+$0xFFFFFD20] =	vst v2;
	v1 =	vmax.f32 v1, $0.0e+00;
	v2 =	vshll.u32 v3, $0x10  }
0x1ba: {  	v10 =	vld [tilespmem:s22+$0xFFFFFC30];
	[tilespmem:s22+$0xFFFFFDA0] =	vst v1;
	v1 =	vand.u32 $0xFFFF0000, v3;
	v2 =	vadd.f32 v2, v8  }
0x1bb: {  	v3 =	vld [tilespmem:s25+$0xFFFFFEB0];
	v1 =	vadd.f32 v1, v6  }
0x1bc: {  	v6 =	vld [tilespmem:s22+$0xFFFFFCB0];
	v8 =	vshll.u32 v5, $0x10;
	v5 =	vand.u32 $0xFFFF0000, v5;
	v2 =	vmax.f32 v2, $0.0e+00  }
0x1bd: {  	v11 =	vld [tilespmem:s22+$0xFFFFFD30];
	v8 =	vadd.f32 v8, v9;
	v4 =	vadd.f32 v5, v4;
	[tilespmem:s22+$0xFFFFFF30] =	vst v2;
	v1 =	vmax.f32 v1, $0.0e+00  }
0x1be: {  	v2 =	vshll.u32 v7, $0x10;
	v5 =	vand.u32 $0xFFFF0000, v7;
	v7 =	vld [tilespmem:s22+$0xFFFFFDB0];
	[tilespmem:s22+$0xFFFFFFB0] =	vst v1  }
0x1bf: {  	v1 =	vadd.f32 v2, v10;
	v2 =	vmax.f32 v8, $0.0e+00;
	v4 =	vmax.f32 v4, $0.0e+00;
	v8 =	vld [tilespmem:s25+$0xFFFFFFC0]  }
0x1c0: {  	v9 =	vshll.u32 v3, $0x10;
	v3 =	vand.u32 $0xFFFF0000, v3;
	[tilespmem:s22+$0xFFFFFE20] =	vst v2;
	v2 =	vld [tilespmem:s22+$0xFFFFFF40]  }
0x1c1: {  	v1 =	vmax.f32 v1, $0.0e+00;
	v5 =	vadd.f32 v5, v6;
	[tilespmem:s22+$0xFFFFFEA0] =	vst v4;
	v4 =	vld [tilespmem:s22+$0xFFFFFFC0]  }
0x1c2: {  	[tilespmem:s22+$0xFFFFFC30] =	vst v1;
	v1 =	vadd.f32 v9, v11;
	v6 =	vld [tilespmem:s25+$0xFFFFFF30]  }
0x1c3: {  	v5 =	vmax.f32 v5, $0.0e+00;
	v3 =	vadd.f32 v3, v7;
	v7 =	vld [tilespmem:s22+$0xFFFFFE30]  }
0x1c4: {  	[tilespmem:s22+$0xFFFFFCB0] =	vst v5;
	v1 =	vmax.f32 v1, $0.0e+00;
	v5 =	vld [tilespmem:s22+$0xFFFFFEB0];
	v9 =	vshll.u32 v8, $0x10  }
0x1c5: {  	v10 =	vld [tilespmem:s25+$0xFFFFFE40];
	[tilespmem:s22+$0xFFFFFD30] =	vst v1;
	v1 =	vmax.f32 v3, $0.0e+00;
	v3 =	vand.u32 $0xFFFF0000, v8;
	v2 =	vadd.f32 v9, v2  }
0x1c6: {  	v8 =	vld [tilespmem:s22+$0xFFFFFC40];
	[tilespmem:s22+$0xFFFFFDB0] =	vst v1;
	v1 =	vadd.f32 v3, v4  }
0x1c7: {  	v3 =	vld [tilespmem:s25+$0xFFFFFEC0];
	v4 =	vshll.u32 v6, $0x10;
	v6 =	vand.u32 $0xFFFF0000, v6;
	v2 =	vmax.f32 v2, $0.0e+00  }
0x1c8: {  	v9 =	vld [tilespmem:s22+$0xFFFFFCC0];
	v4 =	vadd.f32 v4, v7;
	[tilespmem:s22+$0xFFFFFF40] =	vst v2;
	v1 =	vmax.f32 v1, $0.0e+00  }
0x1c9: {  	v2 =	vld [tilespmem:s22+$0xFFFFFD40];
	v5 =	vadd.f32 v6, v5;
	[tilespmem:s22+$0xFFFFFFC0] =	vst v1  }
0x1ca: {  	v1 =	vshll.u32 v10, $0x10;
	v6 =	vand.u32 $0xFFFF0000, v10;
	v4 =	vmax.f32 v4, $0.0e+00;
	v7 =	vld [tilespmem:s25+$0xFFFFFFD0]  }
0x1cb: {  	v1 =	vadd.f32 v1, v8;
	[tilespmem:s22+$0xFFFFFE30] =	vst v4;
	v4 =	vmax.f32 v5, $0.0e+00;
	v5 =	vld [tilespmem:s22+$0xFFFFFF50]  }
0x1cc: {  	v8 =	vshll.u32 v3, $0x10;
	v3 =	vand.u32 $0xFFFF0000, v3;
	[tilespmem:s22+$0xFFFFFEB0] =	vst v4;
	v4 =	vld [tilespmem:s22+$0xFFFFFFD0]  }
0x1cd: {  	v1 =	vmax.f32 v1, $0.0e+00;
	v6 =	vadd.f32 v6, v9;
	v9 =	vld [tilespmem:s25+$0xFFFFFF40]  }
0x1ce: {  	[tilespmem:s22+$0xFFFFFC40] =	vst v1;
	v1 =	vadd.f32 v8, v2;
	v2 =	vld [tilespmem:s22+$0xFFFFFDC0]  }
0x1cf: {  	v6 =	vmax.f32 v6, $0.0e+00;
	v8 =	vld [tilespmem:s22+$0xFFFFFE40];
	v10 =	vshll.u32 v7, $0x10  }
0x1d0: {  	v7 =	vand.u32 $0xFFFF0000, v7;
	[tilespmem:s22+$0xFFFFFCC0] =	vst v6;
	v1 =	vmax.f32 v1, $0.0e+00;
	v6 =	vld [tilespmem:s22+$0xFFFFFEC0];
	v5 =	vadd.f32 v10, v5  }
0x1d1: {  	v10 =	vld [tilespmem:s25+$0xFFFFFE50];
	[tilespmem:s22+$0xFFFFFD40] =	vst v1;
	v1 =	vadd.f32 v7, v4  }
0x1d2: {  	v4 =	vld [tilespmem:s22+$0xFFFFFC50];
	v7 =	vshll.u32 v9, $0x10;
	v9 =	vand.u32 $0xFFFF0000, v9;
	v5 =	vmax.f32 v5, $0.0e+00  }
0x1d3: {  	v11 =	vld [tilespmem:s22+$0xFFFFFCD0];
	v2 =	vadd.f32 v3, v2;
	[tilespmem:s22+$0xFFFFFF50] =	vst v5;
	v1 =	vmax.f32 v1, $0.0e+00  }
0x1d4: {  	v3 =	vld [tilespmem:s22+$0xFFFFFD50];
	v5 =	vadd.f32 v7, v8;
	[tilespmem:s22+$0xFFFFFFD0] =	vst v1  }
0x1d5: {  	v1 =	vmax.f32 v2, $0.0e+00;
	v2 =	vadd.f32 v9, v6;
	v6 =	vld [tilespmem:s25+$0xFFFFFFE0]  }
0x1d6: {  	v7 =	vshll.u32 v10, $0x10;
	v8 =	vand.u32 $0xFFFF0000, v10;
	[tilespmem:s22+$0xFFFFFDC0] =	vst v1;
	v1 =	vmax.f32 v5, $0.0e+00;
	v5 =	vld [tilespmem:s22+$0xFFFFFF60]  }
0x1d7: {  	v4 =	vadd.f32 v7, v4;
	[tilespmem:s22+$0xFFFFFE40] =	vst v1;
	v1 =	vmax.f32 v2, $0.0e+00;
	v2 =	vld [tilespmem:s22+$0xFFFFFFE0]  }
0x1d8: {  	v7 =	vadd.f32 v8, v11;
	v8 =	vld [tilespmem:s25+$0xFFFFFED0];
	[tilespmem:s22+$0xFFFFFEC0] =	vst v1  }
0x1d9: {  	v1 =	vmax.f32 v4, $0.0e+00;
	v4 =	vld [tilespmem:s25+$0xFFFFFF50]  }
0x1da: {  	[tilespmem:s22+$0xFFFFFC50] =	vst v1;
	v1 =	vmax.f32 v7, $0.0e+00;
	v7 =	vld [tilespmem:s22+$0xFFFFFDD0];
	v9 =	vshll.u32 v6, $0x10  }
0x1db: {  	v6 =	vand.u32 $0xFFFF0000, v6;
	[tilespmem:s22+$0xFFFFFCD0] =	vst v1;
	v1 =	vld [tilespmem:s22+$0xFFFFFE50];
	v5 =	vadd.f32 v9, v5  }
0x1dc: {  	v9 =	vld [tilespmem:s22+$0xFFFFFED0];
	v2 =	vadd.f32 v6, v2  }
0x1dd: {  	v6 =	vld [tilespmem:s25+$0xFFFFFE60];
	v10 =	vshll.u32 v8, $0x10;
	v8 =	vand.u32 $0xFFFF0000, v8;
	v5 =	vmax.f32 v5, $0.0e+00  }
0x1de: {  	v11 =	vld [tilespmem:s22+$0xFFFFFC60];
	v12 =	vshll.u32 v4, $0x10;
	v4 =	vand.u32 $0xFFFF0000, v4;
	[tilespmem:s22+$0xFFFFFF60] =	vst v5;
	v2 =	vmax.f32 v2, $0.0e+00  }
0x1df: {  	v3 =	vadd.f32 v10, v3;
	v5 =	vld [tilespmem:s22+$0xFFFFFCE0];
	v7 =	vadd.f32 v8, v7;
	[tilespmem:s22+$0xFFFFFFE0] =	vst v2  }
0x1e0: {  	v1 =	vadd.f32 v12, v1;
	v2 =	vld [tilespmem:s25+$0xFFFFFFF0]  }
0x1e1: {  	v3 =	vmax.f32 v3, $0.0e+00;
	v7 =	vmax.f32 v7, $0.0e+00;
	v4 =	vadd.f32 v4, v9;
	v8 =	vld [tilespmem:s22+$0xFFFFFF70]  }
0x1e2: {  	v9 =	vshll.u32 v6, $0x10;
	v6 =	vand.u32 $0xFFFF0000, v6;
	[tilespmem:s22+$0xFFFFFD50] =	vst v3;
	v1 =	vmax.f32 v1, $0.0e+00;
	v3 =	vld [tilespmem:s22+$0xFFFFFFF0]  }
0x1e3: {  	v9 =	vadd.f32 v9, v11;
	[tilespmem:s22+$0xFFFFFDD0] =	vst v7;
	v7 =	vld [tilespmem:s22+$0xFFFFFD60];
	v4 =	vmax.f32 v4, $0.0e+00  }
0x1e4: {  	v5 =	vadd.f32 v6, v5;
	v6 =	vld [tilespmem:s25+$0xFFFFFEE0];
	[tilespmem:s22+$0xFFFFFE50] =	vst v1  }
0x1e5: {  	v1 =	vmax.f32 v9, $0.0e+00;
	v9 =	vld [tilespmem:s22+$0xFFFFFDE0];
	[tilespmem:s22+$0xFFFFFED0] =	vst v4;
	v4 =	vshll.u32 v2, $0x10  }
0x1e6: {  	v2 =	vand.u32 $0xFFFF0000, v2;
	[tilespmem:s22+$0xFFFFFC60] =	vst v1;
	v1 =	vmax.f32 v5, $0.0e+00;
	v5 =	vld [tilespmem:s25+$0xFFFFFF60];
	v4 =	vadd.f32 v4, v8  }
0x1e7: {  	[tilespmem:s22+$0xFFFFFCE0] =	vst v1;
	v1 =	vld [tilespmem:s22+$0xFFFFFE60];
	v2 =	vadd.f32 v2, v3  }
0x1e8: {  	v3 =	vld [tilespmem:s22+$0xFFFFFEE0];
	v4 =	vmax.f32 v4, $0.0e+00  }
0x1e9: {  	v8 =	vld [tilespmem:s25+$0xFFFFFE70];
	v10 =	vshll.u32 v6, $0x10;
	v6 =	vand.u32 $0xFFFF0000, v6;
	[tilespmem:s22+$0xFFFFFF70] =	vst v4;
	v2 =	vmax.f32 v2, $0.0e+00  }
0x1ea: {  	v4 =	vld [tilespmem:s22+$0xFFFFFC70];
	v7 =	vadd.f32 v10, v7;
	v6 =	vadd.f32 v6, v9;
	[tilespmem:s22+$0xFFFFFFF0] =	vst v2  }
0x1eb: {  	v2 =	vshll.u32 v5, $0x10;
	v5 =	vand.u32 $0xFFFF0000, v5;
	v9 =	vld [tilespmem:s25+$0x0]  }
0x1ec: {  	v7 =	vmax.f32 v7, $0.0e+00;
	v6 =	vmax.f32 v6, $0.0e+00;
	v1 =	vadd.f32 v2, v1;
	v2 =	vld [tilespmem:s22+$0x0]  }
0x1ed: {  	v10 =	vld [tilespmem:s22+$0xFFFFFCF0];
	[tilespmem:s22+$0xFFFFFD60] =	vst v7;
	v3 =	vadd.f32 v5, v3  }
0x1ee: {  	v5 =	vshll.u32 v8, $0x10;
	v7 =	vand.u32 $0xFFFF0000, v8;
	[tilespmem:s22+$0xFFFFFDE0] =	vst v6;
	v6 =	vld [tilespmem:s22+$0xFFFFFD70];
	v1 =	vmax.f32 v1, $0.0e+00  }
0x1ef: {  	v4 =	vadd.f32 v5, v4;
	v5 =	vld [tilespmem:s25+$0xFFFFFEF0];
	[tilespmem:s22+$0xFFFFFE60] =	vst v1;
	v1 =	vmax.f32 v3, $0.0e+00  }
0x1f0: {  	v3 =	vld [tilespmem:s22+$0xFFFFFDF0];
	[tilespmem:s22+$0xFFFFFEE0] =	vst v1;
	v1 =	vshll.u32 v9, $0x10;
	v8 =	vand.u32 $0xFFFF0000, v9  }
0x1f1: {  	v4 =	vmax.f32 v4, $0.0e+00;
	v9 =	vld [tilespmem:s25+$0xFFFFFF70];
	v2 =	vadd.f32 v8, v2  }
0x1f2: {  	[tilespmem:s22+$0xFFFFFC70] =	vst v4;
	v4 =	vadd.f32 v7, v10;
	v7 =	vld [tilespmem:s22+$0xFFFFFE70]  }
0x1f3: {  	v8 =	vld [tilespmem:s22+$0xFFFFFEF0];
	v2 =	vmax.f32 v2, $0.0e+00  }
0x1f4: {  	v4 =	vmax.f32 v4, $0.0e+00;
	v10 =	vld [tilespmem:s22+$0xFFFFFC80];
	v11 =	vshll.u32 v5, $0x10;
	v5 =	vand.u32 $0xFFFF0000, v5;
	[tilespmem:s22+$0x0] =	vst v2  }
0x1f5: {  	[tilespmem:s22+$0xFFFFFCF0] =	vst v4;
	v12 =	vld [tilespmem:s22+$0xFFFFFD00];
	v2 =	vadd.f32 v11, v6;
	v3 =	vadd.f32 v5, v3  }
0x1f6: {  	v5 =	vld [tilespmem:s25+$0xFFFFFE80];
	v4 =	vshll.u32 v9, $0x10;
	v6 =	vand.u32 $0xFFFF0000, v9  }
0x1f7: {  	v9 =	vmax.f32 v2, $0.0e+00;
	v3 =	vmax.f32 v3, $0.0e+00;
	v2 =	vld [tilespmem:s22+$0xFFFFFD80];
	v7 =	vadd.f32 v4, v7  }
0x1f8: {  	[tilespmem:s22+$0xFFFFFD70] =	vst v9;
	v4 =	vld [tilespmem:s22+$0xFFFFFE00];
	v6 =	vadd.f32 v6, v8  }
.Ltmp2:
0x1f9: {  	[tilespmem:s22+$0xFFFFFDF0] =	vst v3;
	v8 =	vmax.f32 v7, $0.0e+00;
	v3 =	vld [tilespmem:s22+$0xFFFFFE80];
	(pc) =	sbr.rel @p0 .LBB2_7-.Ltmp2, $4  }
0x1fa: {  	v7 =	vld [tilespmem:s25+$0xFFFFFF00];
	[tilespmem:s22+$0xFFFFFE70] =	vst v8;
	v6 =	vmax.f32 v6, $0.0e+00  }
0x1fb: {  	v8 =	vshll.u32 v5, $0x10;
	v9 =	vand.u32 $0xFFFF0000, v5;
	[tilespmem:s22+$0xFFFFFEF0] =	vst v6;
	v5 =	vld [tilespmem:s22+$0xFFFFFF00]  }
0x1fc: {  	v10 =	vadd.f32 v8, v10;
	v9 =	vadd.f32 v9, v12;
	v8 =	vld [tilespmem:s25+$0xFFFFFF80]  }
0x1fd: {  	s25 =	sadd.s32 $0x200, s25;
	v6 =	vld [tilespmem:s22+$0xFFFFFF80]  }
0x1fe: {  	_ = 	snop  }
0x1ff: {  	v11 =	vshll.u32 v7, $0x10  }
0x200: {  	v10 =	vmax.f32 v10, $0.0e+00;
	v61 =	vand.u32 $0xFFFF0000, v7;
	v2 =	vadd.f32 v11, v2  }
0x201: {  	v9 =	vmax.f32 v9, $0.0e+00;
	[tilespmem:s23+$0xFFFFFC80] =	vst v10;
	v4 =	vadd.f32 v61, v4;
	v62 =	vshll.u32 v8, $0x10  }
0x202: {  	[tilespmem:s23+$0xFFFFFD00] =	vst v9;
	v2 =	vmax.f32 v2, $0.0e+00;
	v3 =	vadd.f32 v62, v3  }
0x203: {  	v63 =	vand.u32 $0xFFFF0000, v8;
	v1 =	vadd.f32 v1, v6;
	[tilespmem:s23+$0xFFFFFD80] =	vst v2;
	v2 =	vmax.f32 v4, $0.0e+00  }
0x204: {  	v5 =	vadd.f32 v63, v5;
	[tilespmem:s23+$0xFFFFFE00] =	vst v2;
	v2 =	vmax.f32 v3, $0.0e+00  }
0x205: {  	v1 =	vmax.f32 v1, $0.0e+00;
	[tilespmem:s23+$0xFFFFFE80] =	vst v2  }
0x206: {  	p0 =	seq.s32 s21, $0x3D;
	v2 =	vmax.f32 v5, $0.0e+00;
	[tilespmem:s23+$0xFFFFFF80] =	vst v1  }
.Ltmp3:
0x207: {  	[tilespmem:s23+$0xFFFFFF00] =	vst v2;
	(pc) =	sbr.rel @p0 .LBB2_10-.Ltmp3, $4  }
0x208: {  	[spmem:s3] =	stream.indirect.scatter.add.f32 [tilespmem:s15], [sflag:$0x4], $0x80, s12, s9, $0xb8;
	[tilespmem:$0x1BA00] =	vst v63  }
0x209: {  	_ =	swait.ge [sflag:s18], $0x2800  }
0x20a: {  	[sflag:s18] =	ssyncset.done $0x0  }
0x20b: {  	[sflag:s18] =	ssyncadd.s32 $0xFFFFD800  }
0x20c: {  	s22 =	sshll.u32 s21, $0x1  }
0x20d: {  	s22 =	sadd.s32 $0x2, s22  }
0x20e: {  	s23 =	smul.u32 $0x50, s22;
	_ =	sdelay $0x1  }
0x20f: {  	s23 =	sadd.s32 s10, s23  }
0x210: {  	s23 =	sshrl.u32 s23, $0x3  }
0x211: {  	s24 =	sadd.s32 s6, s23  }
0x212: {  	[tilespmem:s5], [sflag:$0x5] =	stream.linear.gather [hbm4b:s24+s5], $0x50, $0x38;
	[tilespmem:$0x1BA00] =	vst v63  }
0x213: {  	_ =	swait.ge [sflag:s31], $0x50  }
0x214: {  	[sflag:s31] =	ssyncset.done $0x0  }
0x215: {  	s22 =	smul.u32 $0x28, s22;
	s23 =	sadd.s32 s2, s23;
	[sflag:s31] =	ssyncadd.s32 $0xFFFFFFB0  }
0x216: {  	[tilespmem:s0], [sflag:$0x5] =	stream.linear.gather [hbm4b:s23+s5], $0x50, $0x38;
	[tilespmem:$0x1BA00] =	vst v63  }
0x217: {  	s22 =	sadd.s32 s14, s22;
	_ =	swait.ge [sflag:s31], $0x50  }
0x218: {  	s22 =	sshll.u32 s22, $0x4;
	[sflag:s31] =	ssyncset.done $0x0  }
0x219: {  	s22 =	sadd.s32 s7, s22;
	s24 =	smul.u32 $0xA0, s21;
	[sflag:s31] =	ssyncadd.s32 $0xFFFFFFB0  }
0x21a: {  	[tilespmem:s4], [sflag:$0x1] =	stream.linear.gather [hbm4b:s22+s5], $0x1400, $0x38;
	[tilespmem:$0x1BA00] =	vst v63  }
0x21b: {  	s22 =	sadd.s32 s10, s24  }
0x21c: {  	[tilespmem:s30], [sflag:$0x1] =	stream.indirect.gather [hbm4b:s1+s9], $0x80, s5, s9, $0xb8;
	[tilespmem:$0x1BA00] =	vst v63  }
0x21d: {  	s22 =	sadd.s32 $0xF0, s22;
	_ =	swait.ge [sflag:s19], $0x2800  }
0x21e: {  	s22 =	sshrl.u32 s22, $0x3;
	[sflag:s19] =	ssyncset.done $0x0  }
0x21f: {  	s25 =	sadd.s32 s6, s22;
	[sflag:s19] =	ssyncadd.s32 $0xFFFFD800  }
0x220: {  	[tilespmem:s11], [sflag:$0x5] =	stream.linear.gather [hbm4b:s25+s5], $0x50, $0x38;
	[tilespmem:$0x1BA00] =	vst v63  }
0x221: {  	s24 =	smul.u32 $0x50, s21;
	_ =	swait.ge [sflag:s31], $0x50  }
0x222: {  	[sflag:s31] =	ssyncset.done $0x0  }
0x223: {  	s23 =	sadd.s32 s14, s24;
	s22 =	sadd.s32 s2, s22;
	[sflag:s31] =	ssyncadd.s32 $0xFFFFFFB0  }
0x224: {  	[tilespmem:s12], [sflag:$0x5] =	stream.linear.gather [hbm4b:s22+s5], $0x50, $0x38;
	[tilespmem:$0x1BA00] =	vst v63  }
0x225: {  	s25 =	sshll.u32 s23, $0x4;
	_ =	swait.ge [sflag:s31], $0x50  }
.Ltmp4:
0x226: {  	s22 =	sadd.s32 s7, s25;
	[sflag:s31] =	ssyncset.done $0x0;
	(pc) =	sbr.rel .LBB2_4-.Ltmp4, $4  }
0x227: {  	s22 =	sadd.s32 $0x780, s22;
	[sflag:s31] =	ssyncadd.s32 $0xFFFFFFB0  }
0x228: {  	[tilespmem:s13], [sflag:$0x2] =	stream.linear.gather [hbm4b:s22+s5], $0x1400, $0x38;
	[tilespmem:$0x1BA00] =	vst v63  }
0x229: {  	s21 =	sadd.s32 $0x1, s21  }
0x22a: {  	[tilespmem:s15], [sflag:$0x2] =	stream.indirect.gather [hbm4b:s1+s9], $0x80, s11, s9, $0xb8;
	[tilespmem:$0x1BA00] =	vst v63  }
.LBB2_10:
0x22b: {  	s21 =	rddreg [dreg:$0xf]  }
0x22c: {  	[tilespmem:s5], [sflag:$0x5] =	stream.linear.gather [hbm4b:s21+s5], $0x50, $0x38;
	[tilespmem:$0x1BA00] =	vst v63  }
0x22d: {  	_ =	swait.ge [sflag:s31], $0x50  }
0x22e: {  	[sflag:s31] =	ssyncset.done $0x0  }
0x22f: {  	s24 =	rddreg [dreg:$0x10];
	[sflag:s31] =	ssyncadd.s32 $0xFFFFFFB0  }
0x230: {  	[tilespmem:s0], [sflag:$0x5] =	stream.linear.gather [hbm4b:s24+s5], $0x50, $0x38;
	[tilespmem:$0x1BA00] =	vst v63  }
0x231: {  	_ =	swait.ge [sflag:s31], $0x50  }
0x232: {  	[sflag:s31] =	ssyncset.done $0x0  }
0x233: {  	s25 =	rddreg [dreg:$0x11];
	[sflag:s31] =	ssyncadd.s32 $0xFFFFFFB0  }
0x234: {  	[tilespmem:s4], [sflag:$0x1] =	stream.linear.gather [hbm4b:s25+s5], $0x1400, $0x38;
	[tilespmem:$0x1BA00] =	vst v63  }
0x235: {  	_ = 	snop  }
0x236: {  	[tilespmem:s30], [sflag:$0x1] =	stream.indirect.gather [hbm4b:s1+s9], $0x80, s5, s9, $0xb8;
	[tilespmem:$0x1BA00] =	vst v63  }
0x237: {  	_ =	swait.ge [sflag:s16], $0x1400  }
0x238: {  	[sflag:s16] =	ssyncset.done $0x0  }
0x239: {  	[sflag:s16] =	ssyncadd.s32 $0xFFFFEC00  }
0x23a: {  	_ =	swait.ge [sflag:s16], $0x2800  }
0x23b: {  	[sflag:s16] =	ssyncset.done $0x0  }
0x23c: {  	s22 =	simm.s32 $0x5300;
	[sflag:s16] =	ssyncadd.s32 $0xFFFFD800  }
0x23d: {  	s21 =	simm.s32 $0x400;
	v1 =	vld [tilespmem:s22+$0x80]  }
0x23e: {  	v2 =	vld [tilespmem:s21+$0x100]  }
0x23f: {  	v3 =	vld [tilespmem:s21+$0x180]  }
0x240: {  	v4 =	vld [tilespmem:s22+$0xFFFFFF80]  }
0x241: {  	v5 =	vld [tilespmem:s22+$0xFFFFFF00]  }
0x242: {  	v7 =	vld [tilespmem:s21+$0xFFFFFE00];
	v6 =	vshll.u32 v1, $0x10  }
0x243: {  	v8 =	vld [tilespmem:s22+$0x0];
	v1 =	vand.u32 $0xFFFF0000, v1;
	v2 =	vadd.f32 v6, v2  }
0x244: {  	v6 =	vld [tilespmem:s21+$0xFFFFFE80];
	v1 =	vadd.f32 v1, v3  }
0x245: {  	v3 =	vld [tilespmem:s21+$0xFFFFFF00];
	v2 =	vmax.f32 v2, $0.0e+00  }
0x246: {  	v9 =	vld [tilespmem:s21+$0xFFFFFF80];
	v1 =	vmax.f32 v1, $0.0e+00;
	[tilespmem:s21+$0x100] =	vst v2  }
0x247: {  	v10 =	vld [tilespmem:s21+$0x0];
	v2 =	vshll.u32 v5, $0x10;
	[tilespmem:s21+$0x180] =	vst v1  }
0x248: {  	v5 =	vand.u32 $0xFFFF0000, v5;
	v1 =	vadd.f32 v2, v7;
	v2 =	vld [tilespmem:s22+$0x90]  }
0x249: {  	v7 =	vld [tilespmem:s21+$0x110];
	v5 =	vadd.f32 v5, v6;
	v6 =	vshll.u32 v4, $0x10  }
0x24a: {  	v4 =	vand.u32 $0xFFFF0000, v4;
	v1 =	vmax.f32 v1, $0.0e+00;
	v3 =	vadd.f32 v6, v3;
	v6 =	vld [tilespmem:s21+$0x190]  }
0x24b: {  	v11 =	vld [tilespmem:s21+$0xFFFFFE90];
	v4 =	vadd.f32 v4, v9;
	[tilespmem:s21+$0xFFFFFE00] =	vst v1;
	v1 =	vmax.f32 v5, $0.0e+00  }
0x24c: {  	v5 =	vld [tilespmem:s21+$0x80];
	[tilespmem:s21+$0xFFFFFE80] =	vst v1;
	v1 =	vshll.u32 v8, $0x10;
	v3 =	vmax.f32 v3, $0.0e+00  }
0x24d: {  	v1 =	vadd.f32 v1, v10;
	v10 =	vld [tilespmem:s22+$0xFFFFFF10];
	[tilespmem:s21+$0xFFFFFF00] =	vst v3;
	v3 =	vmax.f32 v4, $0.0e+00;
	v4 =	vshll.u32 v2, $0x10  }
0x24e: {  	v9 =	vld [tilespmem:s21+$0xFFFFFE10];
	v2 =	vand.u32 $0xFFFF0000, v2;
	[tilespmem:s21+$0xFFFFFF80] =	vst v3;
	v3 =	vadd.f32 v4, v7  }
0x24f: {  	v1 =	vmax.f32 v1, $0.0e+00;
	v4 =	vld [tilespmem:s22+$0xFFFFFF90];
	v2 =	vadd.f32 v2, v6  }
0x250: {  	[tilespmem:s21+$0x0] =	vst v1;
	v1 =	vld [tilespmem:s21+$0xFFFFFF10];
	v3 =	vmax.f32 v3, $0.0e+00  }
0x251: {  	v7 =	vld [tilespmem:s21+$0xFFFFFF90];
	v6 =	vand.u32 $0xFFFF0000, v8;
	[tilespmem:s21+$0x110] =	vst v3;
	v2 =	vmax.f32 v2, $0.0e+00  }
0x252: {  	v3 =	vadd.f32 v6, v5;
	v6 =	vld [tilespmem:s21+$0x10];
	v5 =	vshll.u32 v10, $0x10;
	[tilespmem:s21+$0x190] =	vst v2  }
0x253: {  	v2 =	vand.u32 $0xFFFF0000, v10;
	v5 =	vadd.f32 v5, v9;
	v8 =	vld [tilespmem:s22+$0xA0]  }
0x254: {  	v10 =	vld [tilespmem:s21+$0x120];
	v3 =	vmax.f32 v3, $0.0e+00;
	v2 =	vadd.f32 v2, v11;
	v9 =	vshll.u32 v4, $0x10  }
0x255: {  	[tilespmem:s21+$0x80] =	vst v3;
	v3 =	vand.u32 $0xFFFF0000, v4;
	v4 =	vmax.f32 v5, $0.0e+00;
	v1 =	vadd.f32 v9, v1;
	v5 =	vld [tilespmem:s21+$0x1A0]  }
0x256: {  	v2 =	vmax.f32 v2, $0.0e+00;
	v3 =	vadd.f32 v3, v7;
	[tilespmem:s21+$0xFFFFFE10] =	vst v4;
	v4 =	vld [tilespmem:s22+$0x10]  }
0x257: {  	v9 =	vld [tilespmem:s21+$0xFFFFFE20];
	[tilespmem:s21+$0xFFFFFE90] =	vst v2;
	v1 =	vmax.f32 v1, $0.0e+00  }
0x258: {  	v2 =	vld [tilespmem:s21+$0x90];
	[tilespmem:s21+$0xFFFFFF10] =	vst v1;
	v1 =	vmax.f32 v3, $0.0e+00;
	v3 =	vshll.u32 v8, $0x10  }
0x259: {  	v7 =	vld [tilespmem:s22+$0xFFFFFF20];
	[tilespmem:s21+$0xFFFFFF90] =	vst v1;
	v1 =	vand.u32 $0xFFFF0000, v8;
	v3 =	vadd.f32 v3, v10  }
0x25a: {  	v8 =	vld [tilespmem:s22+$0xFFFFFFA0];
	v1 =	vadd.f32 v1, v5  }
0x25b: {  	v5 =	vld [tilespmem:s21+$0xFFFFFEA0];
	v10 =	vshll.u32 v4, $0x10;
	v3 =	vmax.f32 v3, $0.0e+00  }
0x25c: {  	v11 =	vld [tilespmem:s21+$0xFFFFFF20];
	v4 =	vand.u32 $0xFFFF0000, v4;
	v6 =	vadd.f32 v10, v6;
	[tilespmem:s21+$0x120] =	vst v3;
	v1 =	vmax.f32 v1, $0.0e+00  }
0x25d: {  	v2 =	vadd.f32 v4, v2;
	v3 =	vld [tilespmem:s21+$0xFFFFFFA0];
	[tilespmem:s21+$0x1A0] =	vst v1  }
0x25e: {  	v1 =	vshll.u32 v7, $0x10;
	v4 =	vmax.f32 v6, $0.0e+00;
	v6 =	vld [tilespmem:s22+$0xB0]  }
0x25f: {  	v7 =	vand.u32 $0xFFFF0000, v7;
	v1 =	vadd.f32 v1, v9;
	v2 =	vmax.f32 v2, $0.0e+00;
	[tilespmem:s21+$0x10] =	vst v4;
	v4 =	vld [tilespmem:s21+$0x130]  }
0x260: {  	v9 =	vshll.u32 v8, $0x10;
	v5 =	vadd.f32 v7, v5;
	[tilespmem:s21+$0x90] =	vst v2;
	v2 =	vld [tilespmem:s21+$0x1B0]  }
0x261: {  	v7 =	vand.u32 $0xFFFF0000, v8;
	v1 =	vmax.f32 v1, $0.0e+00;
	v8 =	vadd.f32 v9, v11;
	v9 =	vld [tilespmem:s22+$0x20]  }
0x262: {  	[tilespmem:s21+$0xFFFFFE20] =	vst v1;
	v1 =	vmax.f32 v5, $0.0e+00;
	v3 =	vadd.f32 v7, v3;
	v5 =	vld [tilespmem:s21+$0x20]  }
0x263: {  	v7 =	vld [tilespmem:s21+$0xA0];
	[tilespmem:s21+$0xFFFFFEA0] =	vst v1;
	v1 =	vmax.f32 v8, $0.0e+00;
	v8 =	vshll.u32 v6, $0x10  }
0x264: {  	v10 =	vld [tilespmem:s22+$0xFFFFFF30];
	[tilespmem:s21+$0xFFFFFF20] =	vst v1;
	v1 =	vmax.f32 v3, $0.0e+00;
	v3 =	vand.u32 $0xFFFF0000, v6;
	v4 =	vadd.f32 v8, v4  }
0x265: {  	v6 =	vld [tilespmem:s21+$0xFFFFFE30];
	[tilespmem:s21+$0xFFFFFFA0] =	vst v1;
	v1 =	vadd.f32 v3, v2  }
0x266: {  	v2 =	vld [tilespmem:s22+$0xFFFFFFB0];
	v3 =	vshll.u32 v9, $0x10;
	v4 =	vmax.f32 v4, $0.0e+00  }
0x267: {  	v8 =	vand.u32 $0xFFFF0000, v9;
	v9 =	vld [tilespmem:s21+$0xFFFFFEB0];
	v3 =	vadd.f32 v3, v5;
	v1 =	vmax.f32 v1, $0.0e+00;
	[tilespmem:s21+$0x130] =	vst v4  }
0x268: {  	v5 =	vadd.f32 v8, v7;
	v4 =	vld [tilespmem:s21+$0xFFFFFF30];
	[tilespmem:s21+$0x1B0] =	vst v1  }
0x269: {  	v1 =	vmax.f32 v3, $0.0e+00;
	v3 =	vld [tilespmem:s22+$0xC0]  }
0x26a: {  	v7 =	vshll.u32 v10, $0x10;
	[tilespmem:s21+$0x20] =	vst v1;
	v1 =	vmax.f32 v5, $0.0e+00;
	v5 =	vld [tilespmem:s21+$0x140]  }
0x26b: {  	v8 =	vand.u32 $0xFFFF0000, v10;
	v6 =	vadd.f32 v7, v6;
	[tilespmem:s21+$0xA0] =	vst v1;
	v1 =	vld [tilespmem:s21+$0x1C0]  }
0x26c: {  	v10 =	vld [tilespmem:s21+$0xFFFFFFB0];
	v7 =	vadd.f32 v8, v9  }
0x26d: {  	v9 =	vshll.u32 v2, $0x10;
	v8 =	vld [tilespmem:s22+$0x30];
	v6 =	vmax.f32 v6, $0.0e+00  }
0x26e: {  	[tilespmem:s21+$0xFFFFFE30] =	vst v6;
	v4 =	vadd.f32 v9, v4;
	v6 =	vmax.f32 v7, $0.0e+00;
	v7 =	vld [tilespmem:s21+$0x30];
	v9 =	vshll.u32 v3, $0x10  }
0x26f: {  	[tilespmem:s21+$0xFFFFFEB0] =	vst v6;
	v6 =	vld [tilespmem:s21+$0xB0];
	v3 =	vand.u32 $0xFFFF0000, v3;
	v5 =	vadd.f32 v9, v5  }
0x270: {  	v11 =	vld [tilespmem:s21+$0xFFFFFEC0];
	v4 =	vmax.f32 v4, $0.0e+00;
	v1 =	vadd.f32 v3, v1  }
0x271: {  	v2 =	vand.u32 $0xFFFF0000, v2;
	v9 =	vld [tilespmem:s22+$0xFFFFFF40];
	[tilespmem:s21+$0xFFFFFF30] =	vst v4;
	v4 =	vmax.f32 v5, $0.0e+00  }
0x272: {  	v2 =	vadd.f32 v2, v10;
	v3 =	vld [tilespmem:s21+$0xFFFFFE40];
	v5 =	vshll.u32 v8, $0x10;
	[tilespmem:s21+$0x140] =	vst v4;
	v1 =	vmax.f32 v1, $0.0e+00  }
0x273: {  	v4 =	vand.u32 $0xFFFF0000, v8;
	v8 =	vld [tilespmem:s21+$0xFFFFFF40];
	v5 =	vadd.f32 v5, v7;
	[tilespmem:s21+$0x1C0] =	vst v1  }
0x274: {  	v1 =	vmax.f32 v2, $0.0e+00;
	v2 =	vadd.f32 v4, v6;
	v4 =	vld [tilespmem:s22+$0xD0]  }
0x275: {  	[tilespmem:s21+$0xFFFFFFB0] =	vst v1;
	v1 =	vmax.f32 v5, $0.0e+00;
	v5 =	vld [tilespmem:s21+$0x150]  }
0x276: {  	v6 =	vshll.u32 v9, $0x10;
	v7 =	vand.u32 $0xFFFF0000, v9;
	v9 =	vld [tilespmem:s21+$0xFFFFFFC0]  }
0x277: {  	[tilespmem:s21+$0x30] =	vst v1;
	v1 =	vmax.f32 v2, $0.0e+00;
	v2 =	vld [tilespmem:s21+$0x1D0]  }
0x278: {  	v3 =	vadd.f32 v6, v3;
	v6 =	vld [tilespmem:s22+$0xFFFFFFC0]  }
0x279: {  	[tilespmem:s21+$0xB0] =	vst v1;
	v1 =	vadd.f32 v7, v11;
	v11 =	vld [tilespmem:s21+$0xFFFFFE50]  }
0x27a: {  	v7 =	vld [tilespmem:s22+$0x40];
	v3 =	vmax.f32 v3, $0.0e+00;
	v10 =	vshll.u32 v4, $0x10  }
0x27b: {  	[tilespmem:s21+$0xFFFFFE40] =	vst v3;
	v1 =	vmax.f32 v1, $0.0e+00;
	v3 =	vld [tilespmem:s21+$0x40];
	v4 =	vand.u32 $0xFFFF0000, v4;
	v5 =	vadd.f32 v10, v5  }
0x27c: {  	[tilespmem:s21+$0xFFFFFEC0] =	vst v1;
	v1 =	vld [tilespmem:s21+$0xC0];
	v2 =	vadd.f32 v4, v2  }
0x27d: {  	v4 =	vld [tilespmem:s22+$0xFFFFFF50];
	v10 =	vshll.u32 v6, $0x10;
	v6 =	vand.u32 $0xFFFF0000, v6;
	v5 =	vmax.f32 v5, $0.0e+00  }
0x27e: {  	v6 =	vadd.f32 v6, v9;
	v2 =	vmax.f32 v2, $0.0e+00;
	[tilespmem:s21+$0x150] =	vst v5;
	v5 =	vadd.f32 v10, v8;
	v8 =	vld [tilespmem:s21+$0xFFFFFED0]  }
0x27f: {  	[tilespmem:s21+$0x1D0] =	vst v2;
	v2 =	vshll.u32 v7, $0x10;
	v10 =	vld [tilespmem:s21+$0xFFFFFF50]  }
0x280: {  	v7 =	vand.u32 $0xFFFF0000, v7;
	v9 =	vld [tilespmem:s22+$0xE0];
	v2 =	vadd.f32 v2, v3;
	v3 =	vmax.f32 v6, $0.0e+00  }
0x281: {  	v6 =	vld [tilespmem:s21+$0x160];
	v1 =	vadd.f32 v7, v1;
	v5 =	vmax.f32 v5, $0.0e+00;
	[tilespmem:s21+$0xFFFFFFC0] =	vst v3  }
0x282: {  	[tilespmem:s21+$0xFFFFFF40] =	vst v5;
	v5 =	vld [tilespmem:s21+$0x1E0];
	v2 =	vmax.f32 v2, $0.0e+00  }
0x283: {  	v7 =	vshll.u32 v4, $0x10;
	v1 =	vmax.f32 v1, $0.0e+00;
	v3 =	vld [tilespmem:s22+$0xFFFFFFD0];
	[tilespmem:s21+$0x40] =	vst v2  }
0x284: {  	v2 =	vand.u32 $0xFFFF0000, v4;
	v4 =	vadd.f32 v7, v11;
	v7 =	vld [tilespmem:s21+$0xFFFFFFD0];
	[tilespmem:s21+$0xC0] =	vst v1  }
0x285: {  	v1 =	vadd.f32 v2, v8;
	v8 =	vld [tilespmem:s22+$0x50];
	v2 =	vshll.u32 v9, $0x10  }
0x286: {  	v4 =	vmax.f32 v4, $0.0e+00;
	v9 =	vand.u32 $0xFFFF0000, v9;
	v2 =	vadd.f32 v2, v6;
	v6 =	vld [tilespmem:s21+$0x50]  }
0x287: {  	[tilespmem:s21+$0xFFFFFE50] =	vst v4;
	v1 =	vmax.f32 v1, $0.0e+00;
	v4 =	vadd.f32 v9, v5;
	v5 =	vld [tilespmem:s21+$0xD0]  }
0x288: {  	v12 =	vld [tilespmem:s21+$0xFFFFFEF0];
	[tilespmem:s21+$0xFFFFFED0] =	vst v1;
	v9 =	vshll.u32 v3, $0x10;
	v1 =	vmax.f32 v2, $0.0e+00  }
0x289: {  	v2 =	vand.u32 $0xFFFF0000, v3;
	v3 =	vadd.f32 v9, v10;
	v9 =	vld [tilespmem:s22+$0xFFFFFF60];
	[tilespmem:s21+$0x160] =	vst v1;
	v1 =	vmax.f32 v4, $0.0e+00  }
0x28a: {  	v2 =	vadd.f32 v2, v7;
	v4 =	vld [tilespmem:s21+$0xFFFFFE60];
	[tilespmem:s21+$0x1E0] =	vst v1;
	v1 =	vshll.u32 v8, $0x10  }
0x28b: {  	v7 =	vand.u32 $0xFFFF0000, v8;
	v8 =	vld [tilespmem:s21+$0xE0];
	v3 =	vmax.f32 v3, $0.0e+00;
	v1 =	vadd.f32 v1, v6  }
0x28c: {  	v2 =	vmax.f32 v2, $0.0e+00;
	[tilespmem:s21+$0xFFFFFF50] =	vst v3;
	v3 =	vld [tilespmem:s21+$0xFFFFFEE0];
	v5 =	vadd.f32 v7, v5  }
0x28d: {  	[tilespmem:s21+$0xFFFFFFD0] =	vst v2;
	v2 =	vld [tilespmem:s21+$0xFFFFFF60];
	v1 =	vmax.f32 v1, $0.0e+00  }
0x28e: {  	v7 =	vld [tilespmem:s22+$0xFFFFFFE0];
	[tilespmem:s21+$0x50] =	vst v1;
	v1 =	vmax.f32 v5, $0.0e+00  }
0x28f: {  	v6 =	vshll.u32 v9, $0x10;
	v5 =	vld [tilespmem:s21+$0xFFFFFFE0];
	[tilespmem:s21+$0xD0] =	vst v1  }
0x290: {  	v4 =	vadd.f32 v6, v4;
	v1 =	vand.u32 $0xFFFF0000, v9;
	v6 =	vld [tilespmem:s22+$0x60]  }
0x291: {  	v1 =	vadd.f32 v1, v3;
	v3 =	vld [tilespmem:s21+$0x60]  }
0x292: {  	v10 =	vld [tilespmem:s22+$0xF0];
	v4 =	vmax.f32 v4, $0.0e+00  }
0x293: {  	v11 =	vld [tilespmem:s21+$0x1F0];
	[tilespmem:s21+$0xFFFFFE60] =	vst v4;
	v4 =	vshll.u32 v7, $0x10;
	v1 =	vmax.f32 v1, $0.0e+00  }
0x294: {  	v9 =	vld [tilespmem:s21+$0xFFFFFE70];
	[tilespmem:s21+$0xFFFFFEE0] =	vst v1;
	v1 =	vadd.f32 v4, v2;
	v2 =	vand.u32 $0xFFFF0000, v7  }
0x295: {  	v4 =	vadd.f32 v2, v5;
	v5 =	vshll.u32 v6, $0x10;
	v13 =	vld [tilespmem:s22+$0xFFFFFF70]  }
0x296: {  	v2 =	vld [tilespmem:s21+$0xFFFFFF70];
	v6 =	vand.u32 $0xFFFF0000, v6;
	v1 =	vmax.f32 v1, $0.0e+00;
	v3 =	vadd.f32 v5, v3  }
0x297: {  	v5 =	vadd.f32 v6, v8;
	v6 =	vand.u32 $0xFFFF0000, v10;
	[tilespmem:s21+$0xFFFFFF60] =	vst v1;
	v1 =	vmax.f32 v4, $0.0e+00;
	v4 =	vld [tilespmem:s21+$0xFFFFFFF0]  }
0x298: {  	v6 =	vadd.f32 v6, v11;
	[tilespmem:s21+$0xFFFFFFE0] =	vst v1;
	v1 =	vmax.f32 v3, $0.0e+00;
	v3 =	vld [tilespmem:s21+$0x70]  }
0x299: {  	[tilespmem:s21+$0x60] =	vst v1;
	v1 =	vmax.f32 v5, $0.0e+00;
	v7 =	vld [tilespmem:s22+$0xFFFFFFF0]  }
0x29a: {  	v5 =	vld [tilespmem:s21+$0xF0];
	[tilespmem:s21+$0xE0] =	vst v1;
	v1 =	vmax.f32 v6, $0.0e+00;
	v6 =	vshll.u32 v13, $0x10;
	v11 =	vand.u32 $0xFFFF0000, v13  }
0x29b: {  	[tilespmem:s21+$0x1F0] =	vst v1;
	v8 =	vld [tilespmem:s22+$0x70];
	v1 =	vshll.u32 v10, $0x10;
	v10 =	vadd.f32 v6, v9;
	v9 =	vadd.f32 v11, v12  }
0x29c: {  	s23 =	simm.s32 $0x0;
	s24 =	simm.s32 $0x5500;
	v6 =	vld [tilespmem:s21+$0x170];
	s22 =	simm.s32 $0x400  }
.LBB2_11:
0x29d: {  	v11 =	vld [tilespmem:s24+$0x80];
	v10 =	vmax.f32 v10, $0.0e+00;
	v9 =	vmax.f32 v9, $0.0e+00;
	s21 =	sadd.s32 $0x400, s21  }
0x29e: {  	v12 =	vld [tilespmem:s21+$0x100];
	[tilespmem:s22+$0xFFFFFE70] =	vst v10;
	v10 =	vshll.u32 v7, $0x10;
	v7 =	vand.u32 $0xFFFF0000, v7  }
0x29f: {  	v13 =	vld [tilespmem:s21+$0x180];
	[tilespmem:s22+$0xFFFFFEF0] =	vst v9;
	v2 =	vadd.f32 v10, v2;
	v4 =	vadd.f32 v7, v4  }
0x2a0: {  	v7 =	vld [tilespmem:s24+$0xFFFFFF80];
	v9 =	vshll.u32 v8, $0x10;
	v8 =	vand.u32 $0xFFFF0000, v8  }
0x2a1: {  	v10 =	vld [tilespmem:s24+$0x0];
	v2 =	vmax.f32 v2, $0.0e+00;
	v3 =	vadd.f32 v9, v3;
	v5 =	vadd.f32 v8, v5  }
0x2a2: {  	v1 =	vadd.f32 v1, v6;
	v8 =	vld [tilespmem:s24+$0xFFFFFF00];
	v9 =	vshll.u32 v11, $0x10;
	[tilespmem:s22+$0xFFFFFF70] =	vst v2;
	v2 =	vmax.f32 v4, $0.0e+00  }
0x2a3: {  	v6 =	vand.u32 $0xFFFF0000, v11;
	v4 =	vld [tilespmem:s21+$0xFFFFFE00];
	v9 =	vadd.f32 v9, v12;
	[tilespmem:s22+$0xFFFFFFF0] =	vst v2;
	v2 =	vmax.f32 v3, $0.0e+00  }
0x2a4: {  	s23 =	sadd.s32 $0x4, s23;
	v1 =	vmax.f32 v1, $0.0e+00;
	v3 =	vld [tilespmem:s21+$0xFFFFFE80];
	v6 =	vadd.f32 v6, v13;
	[tilespmem:s22+$0x70] =	vst v2;
	v2 =	vmax.f32 v5, $0.0e+00  }
0x2a5: {  	p0 =	slt.u32 s23, $0x24;
	v5 =	vshll.u32 v7, $0x10;
	v7 =	vand.u32 $0xFFFF0000, v7;
	v11 =	vld [tilespmem:s21+$0xFFFFFF00];
	v9 =	vmax.f32 v9, $0.0e+00;
	[tilespmem:s22+$0xF0] =	vst v2  }
0x2a6: {  	v2 =	vld [tilespmem:s21+$0xFFFFFF80];
	v12 =	vshll.u32 v10, $0x10;
	v10 =	vand.u32 $0xFFFF0000, v10;
	[tilespmem:s21+$0x100] =	vst v9;
	v6 =	vmax.f32 v6, $0.0e+00  }
0x2a7: {  	v9 =	vshll.u32 v8, $0x10;
	v8 =	vand.u32 $0xFFFF0000, v8;
	v13 =	vld [tilespmem:s21+$0x0];
	[tilespmem:s21+$0x180] =	vst v6  }
0x2a8: {  	v4 =	vadd.f32 v9, v4;
	v6 =	vld [tilespmem:s24+$0x90];
	[tilespmem:s22+$0x170] =	vst v1;
	s22 =	smov.u32 s21  }
0x2a9: {  	v1 =	vadd.f32 v8, v3;
	v3 =	vld [tilespmem:s21+$0x110]  }
0x2aa: {  	v4 =	vmax.f32 v4, $0.0e+00;
	v5 =	vadd.f32 v5, v11;
	v8 =	vld [tilespmem:s21+$0x190]  }
0x2ab: {  	[tilespmem:s21+$0xFFFFFE00] =	vst v4;
	v1 =	vmax.f32 v1, $0.0e+00;
	v2 =	vadd.f32 v7, v2;
	v4 =	vld [tilespmem:s21+$0x80]  }
0x2ac: {  	[tilespmem:s21+$0xFFFFFE80] =	vst v1;
	v1 =	vld [tilespmem:s21+$0xFFFFFE10];
	v5 =	vmax.f32 v5, $0.0e+00;
	v7 =	vadd.f32 v12, v13  }
0x2ad: {  	v9 =	vld [tilespmem:s24+$0xFFFFFF10];
	[tilespmem:s21+$0xFFFFFF00] =	vst v5;
	v2 =	vmax.f32 v2, $0.0e+00;
	v5 =	vshll.u32 v6, $0x10  }
0x2ae: {  	v6 =	vand.u32 $0xFFFF0000, v6;
	v11 =	vld [tilespmem:s21+$0xFFFFFE90];
	[tilespmem:s21+$0xFFFFFF80] =	vst v2;
	v2 =	vmax.f32 v7, $0.0e+00;
	v3 =	vadd.f32 v5, v3  }
0x2af: {  	v5 =	vld [tilespmem:s24+$0xFFFFFF90];
	[tilespmem:s21+$0x0] =	vst v2;
	v2 =	vadd.f32 v6, v8  }
0x2b0: {  	v6 =	vld [tilespmem:s21+$0xFFFFFF10];
	v4 =	vadd.f32 v10, v4;
	v3 =	vmax.f32 v3, $0.0e+00  }
0x2b1: {  	v7 =	vld [tilespmem:s21+$0xFFFFFF90];
	[tilespmem:s21+$0x110] =	vst v3;
	v2 =	vmax.f32 v2, $0.0e+00  }
0x2b2: {  	v3 =	vshll.u32 v9, $0x10;
	v8 =	vand.u32 $0xFFFF0000, v9;
	v4 =	vmax.f32 v4, $0.0e+00;
	v9 =	vld [tilespmem:s21+$0x10];
	[tilespmem:s21+$0x190] =	vst v2  }
0x2b3: {  	v1 =	vadd.f32 v3, v1;
	v2 =	vadd.f32 v8, v11;
	[tilespmem:s21+$0x80] =	vst v4;
	v3 =	vld [tilespmem:s24+$0xA0]  }
0x2b4: {  	v4 =	vshll.u32 v5, $0x10;
	v5 =	vand.u32 $0xFFFF0000, v5;
	v8 =	vld [tilespmem:s21+$0x120]  }
0x2b5: {  	v1 =	vmax.f32 v1, $0.0e+00;
	v2 =	vmax.f32 v2, $0.0e+00;
	v4 =	vadd.f32 v4, v6;
	v6 =	vld [tilespmem:s21+$0x1A0]  }
0x2b6: {  	[tilespmem:s21+$0xFFFFFE10] =	vst v1;
	v1 =	vadd.f32 v5, v7;
	v5 =	vld [tilespmem:s24+$0x10]  }
0x2b7: {  	[tilespmem:s21+$0xFFFFFE90] =	vst v2;
	v2 =	vmax.f32 v4, $0.0e+00;
	v4 =	vld [tilespmem:s21+$0x90]  }
0x2b8: {  	v7 =	vld [tilespmem:s24+$0xFFFFFF20];
	[tilespmem:s21+$0xFFFFFF10] =	vst v2;
	v1 =	vmax.f32 v1, $0.0e+00;
	v2 =	vshll.u32 v3, $0x10  }
0x2b9: {  	v10 =	vld [tilespmem:s21+$0xFFFFFE20];
	[tilespmem:s21+$0xFFFFFF90] =	vst v1;
	v1 =	vand.u32 $0xFFFF0000, v3;
	v2 =	vadd.f32 v2, v8  }
0x2ba: {  	v3 =	vld [tilespmem:s24+$0xFFFFFFA0];
	v1 =	vadd.f32 v1, v6  }
0x2bb: {  	v6 =	vld [tilespmem:s21+$0xFFFFFEA0];
	v8 =	vshll.u32 v5, $0x10;
	v5 =	vand.u32 $0xFFFF0000, v5;
	v2 =	vmax.f32 v2, $0.0e+00  }
0x2bc: {  	v11 =	vld [tilespmem:s21+$0xFFFFFF20];
	v8 =	vadd.f32 v8, v9;
	v4 =	vadd.f32 v5, v4;
	[tilespmem:s21+$0x120] =	vst v2;
	v1 =	vmax.f32 v1, $0.0e+00  }
0x2bd: {  	v2 =	vshll.u32 v7, $0x10;
	v5 =	vand.u32 $0xFFFF0000, v7;
	v7 =	vld [tilespmem:s21+$0xFFFFFFA0];
	[tilespmem:s21+$0x1A0] =	vst v1  }
0x2be: {  	v1 =	vadd.f32 v2, v10;
	v2 =	vmax.f32 v8, $0.0e+00;
	v4 =	vmax.f32 v4, $0.0e+00;
	v8 =	vld [tilespmem:s24+$0xB0]  }
0x2bf: {  	v9 =	vshll.u32 v3, $0x10;
	v3 =	vand.u32 $0xFFFF0000, v3;
	[tilespmem:s21+$0x10] =	vst v2;
	v2 =	vld [tilespmem:s21+$0x130]  }
0x2c0: {  	v1 =	vmax.f32 v1, $0.0e+00;
	v5 =	vadd.f32 v5, v6;
	[tilespmem:s21+$0x90] =	vst v4;
	v4 =	vld [tilespmem:s21+$0x1B0]  }
0x2c1: {  	[tilespmem:s21+$0xFFFFFE20] =	vst v1;
	v1 =	vadd.f32 v9, v11;
	v6 =	vld [tilespmem:s24+$0x20]  }
0x2c2: {  	v5 =	vmax.f32 v5, $0.0e+00;
	v3 =	vadd.f32 v3, v7;
	v7 =	vld [tilespmem:s21+$0x20]  }
0x2c3: {  	[tilespmem:s21+$0xFFFFFEA0] =	vst v5;
	v1 =	vmax.f32 v1, $0.0e+00;
	v5 =	vld [tilespmem:s21+$0xA0];
	v9 =	vshll.u32 v8, $0x10  }
0x2c4: {  	v10 =	vld [tilespmem:s24+$0xFFFFFF30];
	[tilespmem:s21+$0xFFFFFF20] =	vst v1;
	v1 =	vmax.f32 v3, $0.0e+00;
	v3 =	vand.u32 $0xFFFF0000, v8;
	v2 =	vadd.f32 v9, v2  }
0x2c5: {  	v8 =	vld [tilespmem:s21+$0xFFFFFE30];
	[tilespmem:s21+$0xFFFFFFA0] =	vst v1;
	v1 =	vadd.f32 v3, v4  }
0x2c6: {  	v3 =	vld [tilespmem:s24+$0xFFFFFFB0];
	v4 =	vshll.u32 v6, $0x10;
	v6 =	vand.u32 $0xFFFF0000, v6;
	v2 =	vmax.f32 v2, $0.0e+00  }
0x2c7: {  	v9 =	vld [tilespmem:s21+$0xFFFFFEB0];
	v4 =	vadd.f32 v4, v7;
	[tilespmem:s21+$0x130] =	vst v2;
	v1 =	vmax.f32 v1, $0.0e+00  }
0x2c8: {  	v2 =	vld [tilespmem:s21+$0xFFFFFF30];
	v5 =	vadd.f32 v6, v5;
	[tilespmem:s21+$0x1B0] =	vst v1  }
0x2c9: {  	v1 =	vshll.u32 v10, $0x10;
	v6 =	vand.u32 $0xFFFF0000, v10;
	v4 =	vmax.f32 v4, $0.0e+00;
	v7 =	vld [tilespmem:s24+$0xC0]  }
0x2ca: {  	v1 =	vadd.f32 v1, v8;
	[tilespmem:s21+$0x20] =	vst v4;
	v4 =	vmax.f32 v5, $0.0e+00;
	v5 =	vld [tilespmem:s21+$0x140]  }
0x2cb: {  	v8 =	vshll.u32 v3, $0x10;
	v3 =	vand.u32 $0xFFFF0000, v3;
	[tilespmem:s21+$0xA0] =	vst v4;
	v4 =	vld [tilespmem:s21+$0x1C0]  }
0x2cc: {  	v1 =	vmax.f32 v1, $0.0e+00;
	v6 =	vadd.f32 v6, v9;
	v9 =	vld [tilespmem:s24+$0x30]  }
0x2cd: {  	[tilespmem:s21+$0xFFFFFE30] =	vst v1;
	v1 =	vadd.f32 v8, v2;
	v2 =	vld [tilespmem:s21+$0xFFFFFFB0]  }
0x2ce: {  	v6 =	vmax.f32 v6, $0.0e+00;
	v8 =	vld [tilespmem:s21+$0x30];
	v10 =	vshll.u32 v7, $0x10  }
0x2cf: {  	v7 =	vand.u32 $0xFFFF0000, v7;
	[tilespmem:s21+$0xFFFFFEB0] =	vst v6;
	v1 =	vmax.f32 v1, $0.0e+00;
	v6 =	vld [tilespmem:s21+$0xB0];
	v5 =	vadd.f32 v10, v5  }
0x2d0: {  	v10 =	vld [tilespmem:s24+$0xFFFFFF40];
	[tilespmem:s21+$0xFFFFFF30] =	vst v1;
	v1 =	vadd.f32 v7, v4  }
0x2d1: {  	v4 =	vld [tilespmem:s21+$0xFFFFFE40];
	v7 =	vshll.u32 v9, $0x10;
	v9 =	vand.u32 $0xFFFF0000, v9;
	v5 =	vmax.f32 v5, $0.0e+00  }
0x2d2: {  	v11 =	vld [tilespmem:s21+$0xFFFFFEC0];
	v2 =	vadd.f32 v3, v2;
	[tilespmem:s21+$0x140] =	vst v5;
	v1 =	vmax.f32 v1, $0.0e+00  }
0x2d3: {  	v3 =	vld [tilespmem:s21+$0xFFFFFF40];
	v5 =	vadd.f32 v7, v8;
	[tilespmem:s21+$0x1C0] =	vst v1  }
0x2d4: {  	v1 =	vmax.f32 v2, $0.0e+00;
	v2 =	vadd.f32 v9, v6;
	v6 =	vld [tilespmem:s24+$0xD0]  }
0x2d5: {  	v7 =	vshll.u32 v10, $0x10;
	v8 =	vand.u32 $0xFFFF0000, v10;
	[tilespmem:s21+$0xFFFFFFB0] =	vst v1;
	v1 =	vmax.f32 v5, $0.0e+00;
	v5 =	vld [tilespmem:s21+$0x150]  }
0x2d6: {  	v4 =	vadd.f32 v7, v4;
	[tilespmem:s21+$0x30] =	vst v1;
	v1 =	vmax.f32 v2, $0.0e+00;
	v2 =	vld [tilespmem:s21+$0x1D0]  }
0x2d7: {  	v7 =	vadd.f32 v8, v11;
	v8 =	vld [tilespmem:s24+$0xFFFFFFC0];
	[tilespmem:s21+$0xB0] =	vst v1  }
0x2d8: {  	v1 =	vmax.f32 v4, $0.0e+00;
	v4 =	vld [tilespmem:s24+$0x40]  }
0x2d9: {  	[tilespmem:s21+$0xFFFFFE40] =	vst v1;
	v1 =	vmax.f32 v7, $0.0e+00;
	v7 =	vld [tilespmem:s21+$0xFFFFFFC0];
	v9 =	vshll.u32 v6, $0x10  }
0x2da: {  	v6 =	vand.u32 $0xFFFF0000, v6;
	[tilespmem:s21+$0xFFFFFEC0] =	vst v1;
	v1 =	vld [tilespmem:s21+$0x40];
	v5 =	vadd.f32 v9, v5  }
0x2db: {  	v9 =	vld [tilespmem:s21+$0xC0];
	v2 =	vadd.f32 v6, v2  }
0x2dc: {  	v6 =	vld [tilespmem:s24+$0xFFFFFF50];
	v10 =	vshll.u32 v8, $0x10;
	v8 =	vand.u32 $0xFFFF0000, v8;
	v5 =	vmax.f32 v5, $0.0e+00  }
0x2dd: {  	v11 =	vld [tilespmem:s21+$0xFFFFFE50];
	v12 =	vshll.u32 v4, $0x10;
	v4 =	vand.u32 $0xFFFF0000, v4;
	[tilespmem:s21+$0x150] =	vst v5;
	v2 =	vmax.f32 v2, $0.0e+00  }
0x2de: {  	v3 =	vadd.f32 v10, v3;
	v5 =	vld [tilespmem:s21+$0xFFFFFED0];
	v7 =	vadd.f32 v8, v7;
	[tilespmem:s21+$0x1D0] =	vst v2  }
0x2df: {  	v1 =	vadd.f32 v12, v1;
	v2 =	vld [tilespmem:s24+$0xE0]  }
0x2e0: {  	v3 =	vmax.f32 v3, $0.0e+00;
	v7 =	vmax.f32 v7, $0.0e+00;
	v4 =	vadd.f32 v4, v9;
	v8 =	vld [tilespmem:s21+$0x160]  }
0x2e1: {  	v9 =	vshll.u32 v6, $0x10;
	v6 =	vand.u32 $0xFFFF0000, v6;
	[tilespmem:s21+$0xFFFFFF40] =	vst v3;
	v1 =	vmax.f32 v1, $0.0e+00;
	v3 =	vld [tilespmem:s21+$0x1E0]  }
0x2e2: {  	v9 =	vadd.f32 v9, v11;
	[tilespmem:s21+$0xFFFFFFC0] =	vst v7;
	v7 =	vld [tilespmem:s21+$0xFFFFFF50];
	v4 =	vmax.f32 v4, $0.0e+00  }
0x2e3: {  	v5 =	vadd.f32 v6, v5;
	v6 =	vld [tilespmem:s24+$0xFFFFFFD0];
	[tilespmem:s21+$0x40] =	vst v1  }
0x2e4: {  	v1 =	vmax.f32 v9, $0.0e+00;
	v9 =	vld [tilespmem:s21+$0xFFFFFFD0];
	[tilespmem:s21+$0xC0] =	vst v4;
	v4 =	vshll.u32 v2, $0x10  }
0x2e5: {  	v2 =	vand.u32 $0xFFFF0000, v2;
	[tilespmem:s21+$0xFFFFFE50] =	vst v1;
	v1 =	vmax.f32 v5, $0.0e+00;
	v5 =	vld [tilespmem:s24+$0x50];
	v4 =	vadd.f32 v4, v8  }
0x2e6: {  	[tilespmem:s21+$0xFFFFFED0] =	vst v1;
	v1 =	vld [tilespmem:s21+$0x50];
	v2 =	vadd.f32 v2, v3  }
0x2e7: {  	v3 =	vld [tilespmem:s21+$0xD0];
	v4 =	vmax.f32 v4, $0.0e+00  }
0x2e8: {  	v8 =	vld [tilespmem:s24+$0xFFFFFF60];
	v10 =	vshll.u32 v6, $0x10;
	v6 =	vand.u32 $0xFFFF0000, v6;
	[tilespmem:s21+$0x160] =	vst v4;
	v2 =	vmax.f32 v2, $0.0e+00  }
0x2e9: {  	v4 =	vld [tilespmem:s21+$0xFFFFFE60];
	v7 =	vadd.f32 v10, v7;
	v6 =	vadd.f32 v6, v9;
	[tilespmem:s21+$0x1E0] =	vst v2  }
0x2ea: {  	v2 =	vshll.u32 v5, $0x10;
	v5 =	vand.u32 $0xFFFF0000, v5;
	v9 =	vld [tilespmem:s24+$0xF0]  }
0x2eb: {  	v7 =	vmax.f32 v7, $0.0e+00;
	v6 =	vmax.f32 v6, $0.0e+00;
	v1 =	vadd.f32 v2, v1;
	v2 =	vld [tilespmem:s21+$0x1F0]  }
0x2ec: {  	v10 =	vld [tilespmem:s21+$0xFFFFFEE0];
	[tilespmem:s21+$0xFFFFFF50] =	vst v7;
	v3 =	vadd.f32 v5, v3  }
0x2ed: {  	v5 =	vshll.u32 v8, $0x10;
	v7 =	vand.u32 $0xFFFF0000, v8;
	[tilespmem:s21+$0xFFFFFFD0] =	vst v6;
	v6 =	vld [tilespmem:s21+$0xFFFFFF60];
	v1 =	vmax.f32 v1, $0.0e+00  }
0x2ee: {  	v4 =	vadd.f32 v5, v4;
	v5 =	vld [tilespmem:s24+$0xFFFFFFE0];
	[tilespmem:s21+$0x50] =	vst v1;
	v1 =	vmax.f32 v3, $0.0e+00  }
0x2ef: {  	v3 =	vld [tilespmem:s21+$0xFFFFFFE0];
	[tilespmem:s21+$0xD0] =	vst v1;
	v1 =	vshll.u32 v9, $0x10;
	v8 =	vand.u32 $0xFFFF0000, v9  }
0x2f0: {  	v4 =	vmax.f32 v4, $0.0e+00;
	v9 =	vld [tilespmem:s24+$0x60];
	v2 =	vadd.f32 v8, v2  }
0x2f1: {  	[tilespmem:s21+$0xFFFFFE60] =	vst v4;
	v4 =	vadd.f32 v7, v10;
	v7 =	vld [tilespmem:s21+$0x60]  }
0x2f2: {  	v8 =	vld [tilespmem:s21+$0xE0];
	v2 =	vmax.f32 v2, $0.0e+00  }
0x2f3: {  	v4 =	vmax.f32 v4, $0.0e+00;
	v10 =	vld [tilespmem:s21+$0xFFFFFE70];
	v11 =	vshll.u32 v5, $0x10;
	v5 =	vand.u32 $0xFFFF0000, v5;
	[tilespmem:s21+$0x1F0] =	vst v2  }
0x2f4: {  	[tilespmem:s21+$0xFFFFFEE0] =	vst v4;
	v12 =	vld [tilespmem:s21+$0xFFFFFEF0];
	v2 =	vadd.f32 v11, v6;
	v3 =	vadd.f32 v5, v3  }
0x2f5: {  	v5 =	vld [tilespmem:s24+$0xFFFFFF70];
	v4 =	vshll.u32 v9, $0x10;
	v6 =	vand.u32 $0xFFFF0000, v9  }
0x2f6: {  	v9 =	vmax.f32 v2, $0.0e+00;
	v3 =	vmax.f32 v3, $0.0e+00;
	v2 =	vld [tilespmem:s21+$0xFFFFFF70];
	v7 =	vadd.f32 v4, v7  }
0x2f7: {  	[tilespmem:s21+$0xFFFFFF60] =	vst v9;
	v4 =	vld [tilespmem:s21+$0xFFFFFFF0];
	v6 =	vadd.f32 v6, v8  }
.Ltmp5:
0x2f8: {  	[tilespmem:s21+$0xFFFFFFE0] =	vst v3;
	v8 =	vmax.f32 v7, $0.0e+00;
	v3 =	vld [tilespmem:s21+$0x70];
	(pc) =	sbr.rel @p0 .LBB2_11-.Ltmp5, $4  }
0x2f9: {  	v7 =	vld [tilespmem:s24+$0xFFFFFFF0];
	[tilespmem:s21+$0x60] =	vst v8;
	v6 =	vmax.f32 v6, $0.0e+00  }
0x2fa: {  	v8 =	vshll.u32 v5, $0x10;
	v9 =	vand.u32 $0xFFFF0000, v5;
	[tilespmem:s21+$0xE0] =	vst v6;
	v5 =	vld [tilespmem:s21+$0xF0]  }
0x2fb: {  	v10 =	vadd.f32 v8, v10;
	v9 =	vadd.f32 v9, v12;
	v8 =	vld [tilespmem:s24+$0x70]  }
0x2fc: {  	s24 =	sadd.s32 $0x200, s24;
	v6 =	vld [tilespmem:s21+$0x170]  }
0x2fd: {  	_ = 	snop  }
0x2fe: {  	v11 =	vshll.u32 v7, $0x10  }
0x2ff: {  	v10 =	vmax.f32 v10, $0.0e+00;
	v61 =	vand.u32 $0xFFFF0000, v7;
	v2 =	vadd.f32 v11, v2  }
0x300: {  	v9 =	vmax.f32 v9, $0.0e+00;
	[tilespmem:s22+$0xFFFFFE70] =	vst v10;
	v4 =	vadd.f32 v61, v4;
	v62 =	vshll.u32 v8, $0x10  }
0x301: {  	[tilespmem:s22+$0xFFFFFEF0] =	vst v9;
	v2 =	vmax.f32 v2, $0.0e+00;
	v3 =	vadd.f32 v62, v3  }
0x302: {  	v63 =	vand.u32 $0xFFFF0000, v8;
	v1 =	vadd.f32 v1, v6;
	[tilespmem:s22+$0xFFFFFF70] =	vst v2;
	v2 =	vmax.f32 v4, $0.0e+00  }
0x303: {  	v5 =	vadd.f32 v63, v5;
	[tilespmem:s22+$0xFFFFFFF0] =	vst v2;
	v2 =	vmax.f32 v3, $0.0e+00  }
0x304: {  	v1 =	vmax.f32 v1, $0.0e+00;
	[tilespmem:s22+$0x70] =	vst v2  }
0x305: {  	v2 =	vmax.f32 v5, $0.0e+00;
	[tilespmem:s22+$0x170] =	vst v1  }
0x306: {  	[tilespmem:s22+$0xF0] =	vst v2  }
0x307: {  	[spmem:s3] =	stream.indirect.scatter.add.f32 [tilespmem:s30], [sflag:$0x3], $0x80, s0, s9, $0xb8;
	[tilespmem:$0x1BA00] =	vst v63  }
0x308: {  	_ =	swait.ge [sflag:s19], $0x2800  }
0x309: {  	[sflag:s19] =	ssyncset.done $0x0  }
0x30a: {  	[sflag:s19] =	ssyncadd.s32 $0xFFFFD800  }
0x30b: {  	_ =	swait.ge [sflag:s18], $0x2800  }
0x30c: {  	[sflag:s18] =	ssyncset.done $0x0  }
0x30d: {  	s21 =	stileid.u32;
	[sflag:s18] =	ssyncadd.s32 $0xFFFFD800  }
0x30e: {  	s21 =	sshll.u32 s21, $0x6;
	[bflag:$0x0] =	sbarrier.arrive $0xFFFF  }
0x30f: {  	s24 =	sshrl.u32 s8, $0x3;
	s21 =	sor.u32 $0x1C05, s21;
	s23 =	rddreg [dreg:$0x12]  }
0x310: {  	[hbm:s23], [sflag:s21] =	dma.local [spmem:s24], $0x2800  }
0x311: {  	_ =	swait.ge [sflag:s31], $0x2800  }
0x312: {  	s20 =	sadd.s32 $0x1, s20;
	s25 =	rddreg [dreg:$0x13]  }
0x313: {  	p0 =	sne.s32 s20, s25  }
.Ltmp6:
0x314: {  	_ = 	snop;
	(pc) =	sbr.rel @p0 .LBB2_1-.Ltmp6, $3  }
0x315: {  	_ =	sdelay $0x1  }
0x316: {  	[sflag:s31] =	ssyncset.done $0x0  }
0x317: {  	[sflag:s31] =	ssyncadd.s32 $0xFFFFD800  }
0x318: {  	_ =	sfence.sel $0x180000  }
0x319: {  	[bflag:$0x0] =	sbarrier.arrive $0xFFFF  }
0x31a: {  	_ =	strace $0x90000047  }
0x31b: {  	s0 =	stileid.u32;
	[bflag:$0x2] =	sbarrier.arrive $0xFFFF  }
0x31c: {  	p0 =	sne.s32 s0, $0x0;
	s0 =	rddreg [dreg:$0x4]  }
0x31d: {  	s0 =	sadd.s32 @!p0 $0x100000, s0  }
0x31e: {  	[sflag:s0] =	ssyncadd.tile.s32 @!p0 $0x1;
	_ =	shalt  }
.Lfunc_end2:
_tile_overlayer_lowered:
.L_overlay_start_2:
0x31f: {  	(tag) =	ssettag $0x2  }
0x320: {  	s0 =	rddreg [dreg:$0x0];
	s2 =	stileid.u32  }
0x321: {  	s1 =	rddreg [dreg:$0x1];
	p0 =	sne.s32 s2, $0x0  }
0x322: {  	s3 =	rddreg [dreg:$0x2];
	[bflag:$0x3] =	sbarrier.arrive $0xFFFF;
	s2 =	simm.s32 @!p0 $0x1C05  }
0x323: {  	[timem:s3], [sflag:s2] =	dma.local @!p0 [hbm:s0], s1  }
0x324: {  	s0 =	simm.s32 @!p0 $0x5  }
0x325: {  	_ =	swait.ge @!p0 [sflag:s0], s1  }
0x326: {  	s1 =	ssub.s32 @!p0 $0x0, s1;
	[sflag:s0] =	ssyncset.done @!p0 $0x0  }
0x327: {  	[sflag:s0] =	ssyncadd.s32 @!p0 s1  }
0x328: {  	[bflag:$0x3] =	sbarrier.arrive $0xFFFF  }
0x329: {  	_ =	shalt  }

</sc_bundles>
